<compile_context>
chip_gen: v7x
topology: tpu7x:2x2x1
jax: 0.10.2.dev20260603
libtpu: 0.0.44.dev20260713+nightly
codegen_flags: <defaults>
</compile_context>

<pallas_src>
import functools

import jax
import jax.numpy as jnp
from jax import lax
from jax.experimental import pallas as pl
from jax.experimental.pallas import tpu as pltpu, tpu_sc as plsc

VOCAB = 49408
HIDDEN = 512
MAX_POS = 77
NC = 2
NS = 16
NW = NC * NS
LANES = 16
NB = 32
NBUF = 4
PF = 2


def _sc_embed(ids3, table, pe):
    mesh = plsc.VectorSubcoreMesh(core_axis_name="c", subcore_axis_name="s")

    @functools.partial(
        pl.kernel,
        mesh=mesh,
        out_type=jax.ShapeDtypeStruct(
            (MAX_POS, NW * NB, HIDDEN), jnp.float32),
        scratch_types=(
            [pltpu.VMEM((MAX_POS, NB), jnp.int32),
             pltpu.VMEM((MAX_POS, HIDDEN), jnp.float32)]
            + [pltpu.VMEM((NB, HIDDEN), jnp.float32)] * NBUF
            + [pltpu.SemaphoreType.DMA] * (2 * NBUF)
        ),
    )
    def k(ids_hbm, table_hbm, pe_hbm, out_hbm, idx_v, pe_v, *bufs):
        rows = bufs[:NBUF]
        gsems = bufs[NBUF:2 * NBUF]
        ssems = bufs[2 * NBUF:]
        wid = lax.axis_index("s") * NC + lax.axis_index("c")
        base = wid * NB
        pltpu.sync_copy(ids_hbm.at[wid], idx_v)
        for s0 in range(PF):
            pltpu.async_copy(table_hbm.at[idx_v.at[s0]], rows[s0],
                             gsems[s0])
        pltpu.sync_copy(pe_hbm, pe_v)

        def quad_body(i, carry):
            for b in range(NBUF):
                s = NBUF * i + b

                @pl.when(s < MAX_POS)
                def _():
                    pltpu.make_async_copy(
                        table_hbm.at[idx_v.at[s]], rows[b], gsems[b]).wait()

                    b2 = (b + PF) % NBUF

                    @pl.when(s + PF < MAX_POS)
                    def _():
                        @pl.when(s >= NBUF - PF)
                        def _():
                            pltpu.make_async_copy(
                                rows[b2],
                                out_hbm.at[s - (NBUF - PF),
                                           pl.ds(base, NB)],
                                ssems[b2]).wait()

                        pltpu.async_copy(
                            table_hbm.at[idx_v.at[s + PF]], rows[b2],
                            gsems[b2])

                    pes = [pe_v[s, pl.ds(j * LANES, LANES)]
                           for j in range(HIDDEN // LANES)]

                    @plsc.parallel_loop(0, NB, step=1, unroll=4)
                    def _(r):
                        for j in range(HIDDEN // LANES):
                            plsc.addupdate(
                                rows[b].at[r, pl.ds(j * LANES, LANES)],
                                pes[j])

                    pltpu.async_copy(
                        rows[b], out_hbm.at[s, pl.ds(base, NB)], ssems[b])
            return carry

        lax.fori_loop(0, (MAX_POS + NBUF - 1) // NBUF, quad_body, 0,
                      unroll=1)

        for s in range(MAX_POS - NBUF, MAX_POS):
            pltpu.make_async_copy(
                rows[s % NBUF], out_hbm.at[s, pl.ds(base, NB)],
                ssems[s % NBUF]).wait()

    return k(ids3, table, pe)


def kernel(input_ids, token_table, pos_emb):
    batch, seq = input_ids.shape
    ids3 = (input_ids.astype(jnp.int32).T
            .reshape(seq, NW, NB).transpose(1, 0, 2))
    pe = pos_emb.astype(jnp.float32).reshape(MAX_POS, HIDDEN)
    out = _sc_embed(ids3, token_table.astype(jnp.float32), pe)
    return out.transpose(1, 0, 2)

# --- scband reference (transcript-rebuilt; emitter-appended) ---
"""Pipeline reference for scband-sam3-lite-text-text-embeddings-901943132536 (READ-ONLY COPY).

The authoritative reference and input builder live on the scoring server;
editing this copy changes nothing except your own understanding.
"""

import jax, jax.numpy as jnp
import numpy as np

VOCAB = 49408
HIDDEN = 512
MAX_POS = 77
BATCH = 1024
SEQ = 77

def setup_inputs(seed: int = 0) -> dict:
    key = jax.random.key(seed)
    k1, k2, k3 = jax.random.split(key, 3)
    input_ids = jax.random.randint(k1, (BATCH, SEQ), 0, VOCAB, dtype=jnp.int64 if jax.config.jax_enable_x64 else jnp.int32)
    token_table = jax.random.normal(k2, (VOCAB, HIDDEN), dtype=jnp.float32) * 0.02
    pos_emb = jax.random.normal(k3, (1, 1, MAX_POS, HIDDEN), dtype=jnp.float32) * 0.02
    return {"input_ids": input_ids, "token_table": token_table, "pos_emb": pos_emb}

def _position_embedding(pos_emb, seq_len):
    # Faithful to Sam3LiteTextTextPositionEmbedding: bilinear interpolation over
    # (seq, hidden) dims when seq_len differs from max_position_embeddings.
    if seq_len != pos_emb.shape[2]:
        pos_emb = jax.image.resize(pos_emb, (1, 1, seq_len, pos_emb.shape[-1]), method="bilinear")
    return pos_emb.reshape(1, seq_len, -1)

def reference(input_ids, token_table, pos_emb):
    # token embedding lookup (gather)
    hidden_states = jnp.take(token_table, input_ids, axis=0)
    seq_len = input_ids.shape[1]
    pe = _position_embedding(pos_emb, seq_len).astype(hidden_states.dtype)
    return hidden_states + pe

if __name__ == "__main__":
    import jax
    _d = setup_inputs()
    print(jax.jit(kernel)(*tuple(_d.values())))

</pallas_src>

<mosaic_0001>
#map = affine_map<(d0, d1) -> (0, 0, 0)>
#map1 = affine_map<(d0, d1) -> (0, 0)>
module attributes {stable_mosaic.version = 14 : i64} {
  func.func @k(%arg0: i32, %arg1: i32, %arg2: memref<32x77x32xi32, #tpu.memory_space<hbm>>, %arg3: memref<49408x512xf32, #tpu.memory_space<hbm>>, %arg4: memref<77x512xf32, #tpu.memory_space<hbm>>, %arg5: memref<77x1024x512xf32, #tpu.memory_space<hbm>>, %arg6: memref<77x32xi32, #tpu.memory_space<vmem>>, %arg7: memref<77x512xf32, #tpu.memory_space<vmem>>, %arg8: memref<32x512xf32, #tpu.memory_space<vmem>>, %arg9: memref<32x512xf32, #tpu.memory_space<vmem>>, %arg10: memref<32x512xf32, #tpu.memory_space<vmem>>, %arg11: memref<32x512xf32, #tpu.memory_space<vmem>>, %arg12: memref<!tpu.dma_semaphore, #tpu.memory_space<semaphore_mem>>, %arg13: memref<!tpu.dma_semaphore, #tpu.memory_space<semaphore_mem>>, %arg14: memref<!tpu.dma_semaphore, #tpu.memory_space<semaphore_mem>>, %arg15: memref<!tpu.dma_semaphore, #tpu.memory_space<semaphore_mem>>, %arg16: memref<!tpu.dma_semaphore, #tpu.memory_space<semaphore_mem>>, %arg17: memref<!tpu.dma_semaphore, #tpu.memory_space<semaphore_mem>>, %arg18: memref<!tpu.dma_semaphore, #tpu.memory_space<semaphore_mem>>, %arg19: memref<!tpu.dma_semaphore, #tpu.memory_space<semaphore_mem>>) attributes {dimension_semantics = [#tpu.dimension_semantics<core_parallel>, #tpu.dimension_semantics<subcore_parallel>], iteration_bounds = array<i64: 2, 16>, scalar_prefetch = 0 : i64, scratch_operands = 14 : i64, tpu.core_type = #tpu.core_type<sc_vector_subcore>, window_params = [{transform_indices = #map}, {transform_indices = #map1}, {transform_indices = #map1}, {transform_indices = #map}]} {
    %mul3A = arith.constant 2 : i32
    %mul3A_0 = arith.muli %arg1, %mul3A : i32
    %add3A = arith.addi %mul3A_0, %arg0 : i32
    %mul3A_1 = arith.constant 32 : i32
    %mul3A_2 = arith.muli %add3A, %mul3A_1 : i32
    "tpu.region"() ({
      %run_scoped3A = tpu.sem_alloc : memref<!tpu.dma_semaphore, #tpu.memory_space<semaphore_mem>>
      %dma_start3A_48 = arith.constant 0 : i32
      %dma_start3A_49 = arith.constant 0 : i32
      %dma_start3A_50 = tpu.memref_slice %arg2[%add3A, %dma_start3A_48, %dma_start3A_49] : memref<32x77x32xi32, #tpu.memory_space<hbm>> -> memref<1x77x32xi32, #tpu.memory_space<hbm>>
      %dma_start3A_51 = tpu.memref_squeeze %dma_start3A_50 : memref<1x77x32xi32, #tpu.memory_space<hbm>> -> memref<77x32xi32, #tpu.memory_space<hbm>>
      %dma_start3A_52 = arith.constant 0 : i32
      %dma_start3A_53 = arith.constant 0 : i32
      %dma_start3A_54 = tpu.memref_slice %arg2[%add3A, %dma_start3A_52, %dma_start3A_53] : memref<32x77x32xi32, #tpu.memory_space<hbm>> -> memref<1x77x32xi32, #tpu.memory_space<hbm>>
      %dma_start3A_55 = tpu.memref_squeeze %dma_start3A_54 : memref<1x77x32xi32, #tpu.memory_space<hbm>> -> memref<77x32xi32, #tpu.memory_space<hbm>>
      tpu.enqueue_dma source(%dma_start3A_55 : memref<77x32xi32, #tpu.memory_space<hbm>>) target(%arg6 : memref<77x32xi32, #tpu.memory_space<vmem>>) target_semaphore(%run_scoped3A : memref<!tpu.dma_semaphore, #tpu.memory_space<semaphore_mem>>)
      %dma_wait3A_56 = arith.constant 0 : i32
      %dma_wait3A_57 = arith.constant 0 : i32
      %dma_wait3A_58 = tpu.memref_slice %arg2[%add3A, %dma_wait3A_56, %dma_wait3A_57] : memref<32x77x32xi32, #tpu.memory_space<hbm>> -> memref<1x77x32xi32, #tpu.memory_space<hbm>>
      %dma_wait3A_59 = tpu.memref_squeeze %dma_wait3A_58 : memref<1x77x32xi32, #tpu.memory_space<hbm>> -> memref<77x32xi32, #tpu.memory_space<hbm>>
      %dma_wait3A_60 = arith.constant 0 : i32
      %dma_wait3A_61 = arith.constant 0 : i32
      %dma_wait3A_62 = tpu.memref_slice %arg2[%add3A, %dma_wait3A_60, %dma_wait3A_61] : memref<32x77x32xi32, #tpu.memory_space<hbm>> -> memref<1x77x32xi32, #tpu.memory_space<hbm>>
      %dma_wait3A_63 = tpu.memref_squeeze %dma_wait3A_62 : memref<1x77x32xi32, #tpu.memory_space<hbm>> -> memref<77x32xi32, #tpu.memory_space<hbm>>
      tpu.wait_dma2 semaphore(%run_scoped3A : memref<!tpu.dma_semaphore, #tpu.memory_space<semaphore_mem>>) src(%dma_wait3A_63 : memref<77x32xi32, #tpu.memory_space<hbm>>) dst(%arg6 : memref<77x32xi32, #tpu.memory_space<vmem>>)
      tpu.yield
    }) : () -> ()
    %dma_start3A = arith.constant 0 : i32
    %dma_start3A_3 = arith.constant 0 : i32
    %dma_start3A_4 = tpu.memref_slice %arg6[%dma_start3A, %dma_start3A_3] : memref<77x32xi32, #tpu.memory_space<vmem>> -> memref<1x32xi32, #tpu.memory_space<vmem>>
    %dma_start3A_5 = tpu.memref_squeeze %dma_start3A_4 : memref<1x32xi32, #tpu.memory_space<vmem>> -> memref<32xi32, #tpu.memory_space<vmem>>
    %dma_start3A_6 = arith.constant 0 : i32
    %dma_start3A_7 = arith.constant 0 : i32
    %dma_start3A_8 = tpu.memref_slice %arg3[%dma_start3A_6, %dma_start3A_7] : memref<49408x512xf32, #tpu.memory_space<hbm>> -> memref<49408x512xf32, #tpu.memory_space<hbm>>
    tpu.enqueue_indirect_dma source(%dma_start3A_8 : memref<49408x512xf32, #tpu.memory_space<hbm>>) target(%arg8 : memref<32x512xf32, #tpu.memory_space<vmem>>) offsets(%dma_start3A_5 : memref<32xi32, #tpu.memory_space<vmem>>) semaphore(%arg12 : memref<!tpu.dma_semaphore, #tpu.memory_space<semaphore_mem>>)
    %dma_start3A_9 = arith.constant 1 : i32
    %dma_start3A_10 = arith.constant 0 : i32
    %dma_start3A_11 = tpu.memref_slice %arg6[%dma_start3A_9, %dma_start3A_10] : memref<77x32xi32, #tpu.memory_space<vmem>> -> memref<1x32xi32, #tpu.memory_space<vmem>>
    %dma_start3A_12 = tpu.memref_squeeze %dma_start3A_11 : memref<1x32xi32, #tpu.memory_space<vmem>> -> memref<32xi32, #tpu.memory_space<vmem>>
    %dma_start3A_13 = arith.constant 0 : i32
    %dma_start3A_14 = arith.constant 0 : i32
    %dma_start3A_15 = tpu.memref_slice %arg3[%dma_start3A_13, %dma_start3A_14] : memref<49408x512xf32, #tpu.memory_space<hbm>> -> memref<49408x512xf32, #tpu.memory_space<hbm>>
    tpu.enqueue_indirect_dma source(%dma_start3A_15 : memref<49408x512xf32, #tpu.memory_space<hbm>>) target(%arg9 : memref<32x512xf32, #tpu.memory_space<vmem>>) offsets(%dma_start3A_12 : memref<32xi32, #tpu.memory_space<vmem>>) semaphore(%arg13 : memref<!tpu.dma_semaphore, #tpu.memory_space<semaphore_mem>>)
    "tpu.region"() ({
      %run_scoped3A = tpu.sem_alloc : memref<!tpu.dma_semaphore, #tpu.memory_space<semaphore_mem>>
      tpu.enqueue_dma source(%arg4 : memref<77x512xf32, #tpu.memory_space<hbm>>) target(%arg7 : memref<77x512xf32, #tpu.memory_space<vmem>>) target_semaphore(%run_scoped3A : memref<!tpu.dma_semaphore, #tpu.memory_space<semaphore_mem>>)
      tpu.wait_dma2 semaphore(%run_scoped3A : memref<!tpu.dma_semaphore, #tpu.memory_space<semaphore_mem>>) src(%arg4 : memref<77x512xf32, #tpu.memory_space<hbm>>) dst(%arg7 : memref<77x512xf32, #tpu.memory_space<vmem>>)
      tpu.yield
    }) : () -> ()
    %scan3A = arith.constant 0 : i32
    %scan3A_16 = arith.constant 0 : i32
    %scan3A_17 = arith.constant 20 : i32
    %scan3A_18 = arith.addi %scan3A_16, %scan3A_17 : i32
    %scan3A_19 = arith.constant 1 : i32
    scf.for %scan3A_48 = %scan3A_16 to %scan3A_18 step %scan3A_19  : i32 {
      %mul3A_49 = arith.constant 4 : i32
      %mul3A_50 = arith.muli %mul3A_49, %scan3A_48 : i32
      %add3A_51 = arith.constant 0 : i32
      %add3A_52 = arith.addi %mul3A_50, %add3A_51 : i32
      %lt3A = arith.constant 77 : i32
      %lt3A_53 = arith.cmpi slt, %add3A_52, %lt3A : i32
      %convert_element_type3A = arith.extui %lt3A_53 : i1 to i32
      %cond3A = arith.constant 0 : i32
      %cond3A_54 = arith.cmpi ne, %convert_element_type3A, %cond3A : i32
      scf.if %cond3A_54 {
        %dma_wait3A_82 = arith.constant 0 : i32
        %dma_wait3A_83 = tpu.memref_slice %arg6[%add3A_52, %dma_wait3A_82] : memref<77x32xi32, #tpu.memory_space<vmem>> -> memref<1x32xi32, #tpu.memory_space<vmem>>
        %dma_wait3A_84 = tpu.memref_squeeze %dma_wait3A_83 : memref<1x32xi32, #tpu.memory_space<vmem>> -> memref<32xi32, #tpu.memory_space<vmem>>
        %dma_wait3A_85 = arith.constant 0 : i32
        %dma_wait3A_86 = arith.constant 0 : i32
        %dma_wait3A_87 = tpu.memref_slice %arg3[%dma_wait3A_85, %dma_wait3A_86] : memref<49408x512xf32, #tpu.memory_space<hbm>> -> memref<49408x512xf32, #tpu.memory_space<hbm>>
        tpu.wait_indirect_dma semaphore(%arg12 : memref<!tpu.dma_semaphore, #tpu.memory_space<semaphore_mem>>) src(%dma_wait3A_87 : memref<49408x512xf32, #tpu.memory_space<hbm>>) dst(%arg8 : memref<32x512xf32, #tpu.memory_space<vmem>>)
        %add3A_88 = arith.constant 2 : i32
        %add3A_89 = arith.addi %add3A_52, %add3A_88 : i32
        %lt3A_90 = arith.constant 77 : i32
        %lt3A_91 = arith.cmpi slt, %add3A_89, %lt3A_90 : i32
        %convert_element_type3A_92 = arith.extui %lt3A_91 : i1 to i32
        %cond3A_93 = arith.constant 0 : i32
        %cond3A_94 = arith.cmpi ne, %convert_element_type3A_92, %cond3A_93 : i32
        scf.if %cond3A_94 {
          %ge3A = arith.constant 2 : i32
          %ge3A_230 = arith.cmpi sge, %add3A_52, %ge3A : i32
          %convert_element_type3A_231 = arith.extui %ge3A_230 : i1 to i32
          %cond3A_232 = arith.constant 0 : i32
          %cond3A_233 = arith.cmpi ne, %convert_element_type3A_231, %cond3A_232 : i32
          scf.if %cond3A_233 {
            %sub3A = arith.constant 2 : i32
            %sub3A_242 = arith.subi %add3A_52, %sub3A : i32
            %dma_wait3A_243 = arith.constant 0 : i32
            %dma_wait3A_244 = tpu.memref_slice %arg5[%sub3A_242, %mul3A_2, %dma_wait3A_243] : memref<77x1024x512xf32, #tpu.memory_space<hbm>> -> memref<1x32x512xf32, #tpu.memory_space<hbm>>
            %dma_wait3A_245 = tpu.memref_squeeze %dma_wait3A_244 : memref<1x32x512xf32, #tpu.memory_space<hbm>> -> memref<32x512xf32, #tpu.memory_space<hbm>>
            %dma_wait3A_246 = arith.constant 0 : i32
            %dma_wait3A_247 = tpu.memref_slice %arg5[%sub3A_242, %mul3A_2, %dma_wait3A_246] : memref<77x1024x512xf32, #tpu.memory_space<hbm>> -> memref<1x32x512xf32, #tpu.memory_space<hbm>>
            %dma_wait3A_248 = tpu.memref_squeeze %dma_wait3A_247 : memref<1x32x512xf32, #tpu.memory_space<hbm>> -> memref<32x512xf32, #tpu.memory_space<hbm>>
            tpu.wait_dma2 semaphore(%arg18 : memref<!tpu.dma_semaphore, #tpu.memory_space<semaphore_mem>>) src(%arg10 : memref<32x512xf32, #tpu.memory_space<vmem>>) dst(%dma_wait3A_248 : memref<32x512xf32, #tpu.memory_space<hbm>>)
          } else {
          }
          %add3A_234 = arith.constant 2 : i32
          %add3A_235 = arith.addi %add3A_52, %add3A_234 : i32
          %dma_start3A_236 = arith.constant 0 : i32
          %dma_start3A_237 = tpu.memref_slice %arg6[%add3A_235, %dma_start3A_236] : memref<77x32xi32, #tpu.memory_space<vmem>> -> memref<1x32xi32, #tpu.memory_space<vmem>>
          %dma_start3A_238 = tpu.memref_squeeze %dma_start3A_237 : memref<1x32xi32, #tpu.memory_space<vmem>> -> memref<32xi32, #tpu.memory_space<vmem>>
          %dma_start3A_239 = arith.constant 0 : i32
          %dma_start3A_240 = arith.constant 0 : i32
          %dma_start3A_241 = tpu.memref_slice %arg3[%dma_start3A_239, %dma_start3A_240] : memref<49408x512xf32, #tpu.memory_space<hbm>> -> memref<49408x512xf32, #tpu.memory_space<hbm>>
          tpu.enqueue_indirect_dma source(%dma_start3A_241 : memref<49408x512xf32, #tpu.memory_space<hbm>>) target(%arg10 : memref<32x512xf32, #tpu.memory_space<vmem>>) offsets(%dma_start3A_238 : memref<32xi32, #tpu.memory_space<vmem>>) semaphore(%arg14 : memref<!tpu.dma_semaphore, #tpu.memory_space<semaphore_mem>>)
        } else {
        }
        %get3A = arith.index_cast %add3A_52 : i32 to index
        %get3A_95 = arith.constant 0 : index
        %get3A_96 = tpu.vector_load %arg7[%get3A, %get3A_95] {strides = array<i32>} : memref<77x512xf32, #tpu.memory_space<vmem>>, vector<1x16xf32>,
        %get3A_97 = vector.shape_cast %get3A_96 : vector<1x16xf32> to vector<16xf32>
        %get3A_98 = arith.index_cast %add3A_52 : i32 to index
        %get3A_99 = arith.constant 16 : index
        %get3A_100 = tpu.vector_load %arg7[%get3A_98, %get3A_99] {strides = array<i32>} : memref<77x512xf32, #tpu.memory_space<vmem>>, vector<1x16xf32>,
        %get3A_101 = vector.shape_cast %get3A_100 : vector<1x16xf32> to vector<16xf32>
        %get3A_102 = arith.index_cast %add3A_52 : i32 to index
        %get3A_103 = arith.constant 32 : index
        %get3A_104 = tpu.vector_load %arg7[%get3A_102, %get3A_103] {strides = array<i32>} : memref<77x512xf32, #tpu.memory_space<vmem>>, vector<1x16xf32>,
        %get3A_105 = vector.shape_cast %get3A_104 : vector<1x16xf32> to vector<16xf32>
        %get3A_106 = arith.index_cast %add3A_52 : i32 to index
        %get3A_107 = arith.constant 48 : index
        %get3A_108 = tpu.vector_load %arg7[%get3A_106, %get3A_107] {strides = array<i32>} : memref<77x512xf32, #tpu.memory_space<vmem>>, vector<1x16xf32>,
        %get3A_109 = vector.shape_cast %get3A_108 : vector<1x16xf32> to vector<16xf32>
        %get3A_110 = arith.index_cast %add3A_52 : i32 to index
        %get3A_111 = arith.constant 64 : index
        %get3A_112 = tpu.vector_load %arg7[%get3A_110, %get3A_111] {strides = array<i32>} : memref<77x512xf32, #tpu.memory_space<vmem>>, vector<1x16xf32>,
        %get3A_113 = vector.shape_cast %get3A_112 : vector<1x16xf32> to vector<16xf32>
        %get3A_114 = arith.index_cast %add3A_52 : i32 to index
        %get3A_115 = arith.constant 80 : index
        %get3A_116 = tpu.vector_load %arg7[%get3A_114, %get3A_115] {strides = array<i32>} : memref<77x512xf32, #tpu.memory_space<vmem>>, vector<1x16xf32>,
        %get3A_117 = vector.shape_cast %get3A_116 : vector<1x16xf32> to vector<16xf32>
        %get3A_118 = arith.index_cast %add3A_52 : i32 to index
        %get3A_119 = arith.constant 96 : index
        %get3A_120 = tpu.vector_load %arg7[%get3A_118, %get3A_119] {strides = array<i32>} : memref<77x512xf32, #tpu.memory_space<vmem>>, vector<1x16xf32>,
        %get3A_121 = vector.shape_cast %get3A_120 : vector<1x16xf32> to vector<16xf32>
        %get3A_122 = arith.index_cast %add3A_52 : i32 to index
        %get3A_123 = arith.constant 112 : index
        %get3A_124 = tpu.vector_load %arg7[%get3A_122, %get3A_123] {strides = array<i32>} : memref<77x512xf32, #tpu.memory_space<vmem>>, vector<1x16xf32>,
        %get3A_125 = vector.shape_cast %get3A_124 : vector<1x16xf32> to vector<16xf32>
        %get3A_126 = arith.index_cast %add3A_52 : i32 to index
        %get3A_127 = arith.constant 128 : index
        %get3A_128 = tpu.vector_load %arg7[%get3A_126, %get3A_127] {strides = array<i32>} : memref<77x512xf32, #tpu.memory_space<vmem>>, vector<1x16xf32>,
        %get3A_129 = vector.shape_cast %get3A_128 : vector<1x16xf32> to vector<16xf32>
        %get3A_130 = arith.index_cast %add3A_52 : i32 to index
        %get3A_131 = arith.constant 144 : index
        %get3A_132 = tpu.vector_load %arg7[%get3A_130, %get3A_131] {strides = array<i32>} : memref<77x512xf32, #tpu.memory_space<vmem>>, vector<1x16xf32>,
        %get3A_133 = vector.shape_cast %get3A_132 : vector<1x16xf32> to vector<16xf32>
        %get3A_134 = arith.index_cast %add3A_52 : i32 to index
        %get3A_135 = arith.constant 160 : index
        %get3A_136 = tpu.vector_load %arg7[%get3A_134, %get3A_135] {strides = array<i32>} : memref<77x512xf32, #tpu.memory_space<vmem>>, vector<1x16xf32>,
        %get3A_137 = vector.shape_cast %get3A_136 : vector<1x16xf32> to vector<16xf32>
        %get3A_138 = arith.index_cast %add3A_52 : i32 to index
        %get3A_139 = arith.constant 176 : index
        %get3A_140 = tpu.vector_load %arg7[%get3A_138, %get3A_139] {strides = array<i32>} : memref<77x512xf32, #tpu.memory_space<vmem>>, vector<1x16xf32>,
        %get3A_141 = vector.shape_cast %get3A_140 : vector<1x16xf32> to vector<16xf32>
        %get3A_142 = arith.index_cast %add3A_52 : i32 to index
        %get3A_143 = arith.constant 192 : index
        %get3A_144 = tpu.vector_load %arg7[%get3A_142, %get3A_143] {strides = array<i32>} : memref<77x512xf32, #tpu.memory_space<vmem>>, vector<1x16xf32>,
        %get3A_145 = vector.shape_cast %get3A_144 : vector<1x16xf32> to vector<16xf32>
        %get3A_146 = arith.index_cast %add3A_52 : i32 to index
        %get3A_147 = arith.constant 208 : index
        %get3A_148 = tpu.vector_load %arg7[%get3A_146, %get3A_147] {strides = array<i32>} : memref<77x512xf32, #tpu.memory_space<vmem>>, vector<1x16xf32>,
        %get3A_149 = vector.shape_cast %get3A_148 : vector<1x16xf32> to vector<16xf32>
        %get3A_150 = arith.index_cast %add3A_52 : i32 to index
        %get3A_151 = arith.constant 224 : index
        %get3A_152 = tpu.vector_load %arg7[%get3A_150, %get3A_151] {strides = array<i32>} : memref<77x512xf32, #tpu.memory_space<vmem>>, vector<1x16xf32>,
        %get3A_153 = vector.shape_cast %get3A_152 : vector<1x16xf32> to vector<16xf32>
        %get3A_154 = arith.index_cast %add3A_52 : i32 to index
        %get3A_155 = arith.constant 240 : index
        %get3A_156 = tpu.vector_load %arg7[%get3A_154, %get3A_155] {strides = array<i32>} : memref<77x512xf32, #tpu.memory_space<vmem>>, vector<1x16xf32>,
        %get3A_157 = vector.shape_cast %get3A_156 : vector<1x16xf32> to vector<16xf32>
        %get3A_158 = arith.index_cast %add3A_52 : i32 to index
        %get3A_159 = arith.constant 256 : index
        %get3A_160 = tpu.vector_load %arg7[%get3A_158, %get3A_159] {strides = array<i32>} : memref<77x512xf32, #tpu.memory_space<vmem>>, vector<1x16xf32>,
        %get3A_161 = vector.shape_cast %get3A_160 : vector<1x16xf32> to vector<16xf32>
        %get3A_162 = arith.index_cast %add3A_52 : i32 to index
        %get3A_163 = arith.constant 272 : index
        %get3A_164 = tpu.vector_load %arg7[%get3A_162, %get3A_163] {strides = array<i32>} : memref<77x512xf32, #tpu.memory_space<vmem>>, vector<1x16xf32>,
        %get3A_165 = vector.shape_cast %get3A_164 : vector<1x16xf32> to vector<16xf32>
        %get3A_166 = arith.index_cast %add3A_52 : i32 to index
        %get3A_167 = arith.constant 288 : index
        %get3A_168 = tpu.vector_load %arg7[%get3A_166, %get3A_167] {strides = array<i32>} : memref<77x512xf32, #tpu.memory_space<vmem>>, vector<1x16xf32>,
        %get3A_169 = vector.shape_cast %get3A_168 : vector<1x16xf32> to vector<16xf32>
        %get3A_170 = arith.index_cast %add3A_52 : i32 to index
        %get3A_171 = arith.constant 304 : index
        %get3A_172 = tpu.vector_load %arg7[%get3A_170, %get3A_171] {strides = array<i32>} : memref<77x512xf32, #tpu.memory_space<vmem>>, vector<1x16xf32>,
        %get3A_173 = vector.shape_cast %get3A_172 : vector<1x16xf32> to vector<16xf32>
        %get3A_174 = arith.index_cast %add3A_52 : i32 to index
        %get3A_175 = arith.constant 320 : index
        %get3A_176 = tpu.vector_load %arg7[%get3A_174, %get3A_175] {strides = array<i32>} : memref<77x512xf32, #tpu.memory_space<vmem>>, vector<1x16xf32>,
        %get3A_177 = vector.shape_cast %get3A_176 : vector<1x16xf32> to vector<16xf32>
        %get3A_178 = arith.index_cast %add3A_52 : i32 to index
        %get3A_179 = arith.constant 336 : index
        %get3A_180 = tpu.vector_load %arg7[%get3A_178, %get3A_179] {strides = array<i32>} : memref<77x512xf32, #tpu.memory_space<vmem>>, vector<1x16xf32>,
        %get3A_181 = vector.shape_cast %get3A_180 : vector<1x16xf32> to vector<16xf32>
        %get3A_182 = arith.index_cast %add3A_52 : i32 to index
        %get3A_183 = arith.constant 352 : index
        %get3A_184 = tpu.vector_load %arg7[%get3A_182, %get3A_183] {strides = array<i32>} : memref<77x512xf32, #tpu.memory_space<vmem>>, vector<1x16xf32>,
        %get3A_185 = vector.shape_cast %get3A_184 : vector<1x16xf32> to vector<16xf32>
        %get3A_186 = arith.index_cast %add3A_52 : i32 to index
        %get3A_187 = arith.constant 368 : index
        %get3A_188 = tpu.vector_load %arg7[%get3A_186, %get3A_187] {strides = array<i32>} : memref<77x512xf32, #tpu.memory_space<vmem>>, vector<1x16xf32>,
        %get3A_189 = vector.shape_cast %get3A_188 : vector<1x16xf32> to vector<16xf32>
        %get3A_190 = arith.index_cast %add3A_52 : i32 to index
        %get3A_191 = arith.constant 384 : index
        %get3A_192 = tpu.vector_load %arg7[%get3A_190, %get3A_191] {strides = array<i32>} : memref<77x512xf32, #tpu.memory_space<vmem>>, vector<1x16xf32>,
        %get3A_193 = vector.shape_cast %get3A_192 : vector<1x16xf32> to vector<16xf32>
        %get3A_194 = arith.index_cast %add3A_52 : i32 to index
        %get3A_195 = arith.constant 400 : index
        %get3A_196 = tpu.vector_load %arg7[%get3A_194, %get3A_195] {strides = array<i32>} : memref<77x512xf32, #tpu.memory_space<vmem>>, vector<1x16xf32>,
        %get3A_197 = vector.shape_cast %get3A_196 : vector<1x16xf32> to vector<16xf32>
        %get3A_198 = arith.index_cast %add3A_52 : i32 to index
        %get3A_199 = arith.constant 416 : index
        %get3A_200 = tpu.vector_load %arg7[%get3A_198, %get3A_199] {strides = array<i32>} : memref<77x512xf32, #tpu.memory_space<vmem>>, vector<1x16xf32>,
        %get3A_201 = vector.shape_cast %get3A_200 : vector<1x16xf32> to vector<16xf32>
        %get3A_202 = arith.index_cast %add3A_52 : i32 to index
        %get3A_203 = arith.constant 432 : index
        %get3A_204 = tpu.vector_load %arg7[%get3A_202, %get3A_203] {strides = array<i32>} : memref<77x512xf32, #tpu.memory_space<vmem>>, vector<1x16xf32>,
        %get3A_205 = vector.shape_cast %get3A_204 : vector<1x16xf32> to vector<16xf32>
        %get3A_206 = arith.index_cast %add3A_52 : i32 to index
        %get3A_207 = arith.constant 448 : index
        %get3A_208 = tpu.vector_load %arg7[%get3A_206, %get3A_207] {strides = array<i32>} : memref<77x512xf32, #tpu.memory_space<vmem>>, vector<1x16xf32>,
        %get3A_209 = vector.shape_cast %get3A_208 : vector<1x16xf32> to vector<16xf32>
        %get3A_210 = arith.index_cast %add3A_52 : i32 to index
        %get3A_211 = arith.constant 464 : index
        %get3A_212 = tpu.vector_load %arg7[%get3A_210, %get3A_211] {strides = array<i32>} : memref<77x512xf32, #tpu.memory_space<vmem>>, vector<1x16xf32>,
        %get3A_213 = vector.shape_cast %get3A_212 : vector<1x16xf32> to vector<16xf32>
        %get3A_214 = arith.index_cast %add3A_52 : i32 to index
        %get3A_215 = arith.constant 480 : index
        %get3A_216 = tpu.vector_load %arg7[%get3A_214, %get3A_215] {strides = array<i32>} : memref<77x512xf32, #tpu.memory_space<vmem>>, vector<1x16xf32>,
        %get3A_217 = vector.shape_cast %get3A_216 : vector<1x16xf32> to vector<16xf32>
        %get3A_218 = arith.index_cast %add3A_52 : i32 to index
        %get3A_219 = arith.constant 496 : index
        %get3A_220 = tpu.vector_load %arg7[%get3A_218, %get3A_219] {strides = array<i32>} : memref<77x512xf32, #tpu.memory_space<vmem>>, vector<1x16xf32>,
        %get3A_221 = vector.shape_cast %get3A_220 : vector<1x16xf32> to vector<16xf32>
        %parallel_loop3A = arith.constant 0 : i32
        %parallel_loop3A_222 = arith.constant 32 : i32
        %parallel_loop3A_223 = arith.constant 1 : i32
        scf.for %parallel_loop3A_230 = %parallel_loop3A to %parallel_loop3A_222 step %parallel_loop3A_223  : i32 {
          %parallel_loop3A_231 = arith.index_cast %parallel_loop3A_230 : i32 to index
          %parallel_loop3A_232 = arith.constant 0 : index
          %parallel_loop3A_233 = tpu.vector_load %arg8[%parallel_loop3A_231, %parallel_loop3A_232] {strides = array<i32>} : memref<32x512xf32, #tpu.memory_space<vmem>>, vector<1x16xf32>,
          %parallel_loop3A_234 = vector.shape_cast %parallel_loop3A_233 : vector<1x16xf32> to vector<16xf32>
          %parallel_loop3A_235 = vector.shape_cast %get3A_97 : vector<16xf32> to vector<1x16xf32>
          tpu.vector_store %arg8[%parallel_loop3A_231, %parallel_loop3A_232], %parallel_loop3A_235 {add = true, strides = array<i32>} : memref<32x512xf32, #tpu.memory_space<vmem>>, vector<1x16xf32>,
          %parallel_loop3A_236 = arith.index_cast %parallel_loop3A_230 : i32 to index
          %parallel_loop3A_237 = arith.constant 16 : index
          %parallel_loop3A_238 = tpu.vector_load %arg8[%parallel_loop3A_236, %parallel_loop3A_237] {strides = array<i32>} : memref<32x512xf32, #tpu.memory_space<vmem>>, vector<1x16xf32>,
          %parallel_loop3A_239 = vector.shape_cast %parallel_loop3A_238 : vector<1x16xf32> to vector<16xf32>
          %parallel_loop3A_240 = vector.shape_cast %get3A_101 : vector<16xf32> to vector<1x16xf32>
          tpu.vector_store %arg8[%parallel_loop3A_236, %parallel_loop3A_237], %parallel_loop3A_240 {add = true, strides = array<i32>} : memref<32x512xf32, #tpu.memory_space<vmem>>, vector<1x16xf32>,
          %parallel_loop3A_241 = arith.index_cast %parallel_loop3A_230 : i32 to index
          %parallel_loop3A_242 = arith.constant 32 : index
          %parallel_loop3A_243 = tpu.vector_load %arg8[%parallel_loop3A_241, %parallel_loop3A_242] {strides = array<i32>} : memref<32x512xf32, #tpu.memory_space<vmem>>, vector<1x16xf32>,
          %parallel_loop3A_244 = vector.shape_cast %parallel_loop3A_243 : vector<1x16xf32> to vector<16xf32>
          %parallel_loop3A_245 = vector.shape_cast %get3A_105 : vector<16xf32> to vector<1x16xf32>
          tpu.vector_store %arg8[%parallel_loop3A_241, %parallel_loop3A_242], %parallel_loop3A_245 {add = true, strides = array<i32>} : memref<32x512xf32, #tpu.memory_space<vmem>>, vector<1x16xf32>,
          %parallel_loop3A_246 = arith.index_cast %parallel_loop3A_230 : i32 to index
          %parallel_loop3A_247 = arith.constant 48 : index
          %parallel_loop3A_248 = tpu.vector_load %arg8[%parallel_loop3A_246, %parallel_loop3A_247] {strides = array<i32>} : memref<32x512xf32, #tpu.memory_space<vmem>>, vector<1x16xf32>,
          %parallel_loop3A_249 = vector.shape_cast %parallel_loop3A_248 : vector<1x16xf32> to vector<16xf32>
          %parallel_loop3A_250 = vector.shape_cast %get3A_109 : vector<16xf32> to vector<1x16xf32>
          tpu.vector_store %arg8[%parallel_loop3A_246, %parallel_loop3A_247], %parallel_loop3A_250 {add = true, strides = array<i32>} : memref<32x512xf32, #tpu.memory_space<vmem>>, vector<1x16xf32>,
          %parallel_loop3A_251 = arith.index_cast %parallel_loop3A_230 : i32 to index
          %parallel_loop3A_252 = arith.constant 64 : index
          %parallel_loop3A_253 = tpu.vector_load %arg8[%parallel_loop3A_251, %parallel_loop3A_252] {strides = array<i32>} : memref<32x512xf32, #tpu.memory_space<vmem>>, vector<1x16xf32>,
          %parallel_loop3A_254 = vector.shape_cast %parallel_loop3A_253 : vector<1x16xf32> to vector<16xf32>
          %parallel_loop3A_255 = vector.shape_cast %get3A_113 : vector<16xf32> to vector<1x16xf32>
          tpu.vector_store %arg8[%parallel_loop3A_251, %parallel_loop3A_252], %parallel_loop3A_255 {add = true, strides = array<i32>} : memref<32x512xf32, #tpu.memory_space<vmem>>, vector<1x16xf32>,
          %parallel_loop3A_256 = arith.index_cast %parallel_loop3A_230 : i32 to index
          %parallel_loop3A_257 = arith.constant 80 : index
          %parallel_loop3A_258 = tpu.vector_load %arg8[%parallel_loop3A_256, %parallel_loop3A_257] {strides = array<i32>} : memref<32x512xf32, #tpu.memory_space<vmem>>, vector<1x16xf32>,
          %parallel_loop3A_259 = vector.shape_cast %parallel_loop3A_258 : vector<1x16xf32> to vector<16xf32>
          %parallel_loop3A_260 = vector.shape_cast %get3A_117 : vector<16xf32> to vector<1x16xf32>
          tpu.vector_store %arg8[%parallel_loop3A_256, %parallel_loop3A_257], %parallel_loop3A_260 {add = true, strides = array<i32>} : memref<32x512xf32, #tpu.memory_space<vmem>>, vector<1x16xf32>,
          %parallel_loop3A_261 = arith.index_cast %parallel_loop3A_230 : i32 to index
          %parallel_loop3A_262 = arith.constant 96 : index
          %parallel_loop3A_263 = tpu.vector_load %arg8[%parallel_loop3A_261, %parallel_loop3A_262] {strides = array<i32>} : memref<32x512xf32, #tpu.memory_space<vmem>>, vector<1x16xf32>,
          %parallel_loop3A_264 = vector.shape_cast %parallel_loop3A_263 : vector<1x16xf32> to vector<16xf32>
          %parallel_loop3A_265 = vector.shape_cast %get3A_121 : vector<16xf32> to vector<1x16xf32>
          tpu.vector_store %arg8[%parallel_loop3A_261, %parallel_loop3A_262], %parallel_loop3A_265 {add = true, strides = array<i32>} : memref<32x512xf32, #tpu.memory_space<vmem>>, vector<1x16xf32>,
          %parallel_loop3A_266 = arith.index_cast %parallel_loop3A_230 : i32 to index
          %parallel_loop3A_267 = arith.constant 112 : index
          %parallel_loop3A_268 = tpu.vector_load %arg8[%parallel_loop3A_266, %parallel_loop3A_267] {strides = array<i32>} : memref<32x512xf32, #tpu.memory_space<vmem>>, vector<1x16xf32>,
          %parallel_loop3A_269 = vector.shape_cast %parallel_loop3A_268 : vector<1x16xf32> to vector<16xf32>
          %parallel_loop3A_270 = vector.shape_cast %get3A_125 : vector<16xf32> to vector<1x16xf32>
          tpu.vector_store %arg8[%parallel_loop3A_266, %parallel_loop3A_267], %parallel_loop3A_270 {add = true, strides = array<i32>} : memref<32x512xf32, #tpu.memory_space<vmem>>, vector<1x16xf32>,
          %parallel_loop3A_271 = arith.index_cast %parallel_loop3A_230 : i32 to index
          %parallel_loop3A_272 = arith.constant 128 : index
          %parallel_loop3A_273 = tpu.vector_load %arg8[%parallel_loop3A_271, %parallel_loop3A_272] {strides = array<i32>} : memref<32x512xf32, #tpu.memory_space<vmem>>, vector<1x16xf32>,
          %parallel_loop3A_274 = vector.shape_cast %parallel_loop3A_273 : vector<1x16xf32> to vector<16xf32>
          %parallel_loop3A_275 = vector.shape_cast %get3A_129 : vector<16xf32> to vector<1x16xf32>
          tpu.vector_store %arg8[%parallel_loop3A_271, %parallel_loop3A_272], %parallel_loop3A_275 {add = true, strides = array<i32>} : memref<32x512xf32, #tpu.memory_space<vmem>>, vector<1x16xf32>,
          %parallel_loop3A_276 = arith.index_cast %parallel_loop3A_230 : i32 to index
          %parallel_loop3A_277 = arith.constant 144 : index
          %parallel_loop3A_278 = tpu.vector_load %arg8[%parallel_loop3A_276, %parallel_loop3A_277] {strides = array<i32>} : memref<32x512xf32, #tpu.memory_space<vmem>>, vector<1x16xf32>,
          %parallel_loop3A_279 = vector.shape_cast %parallel_loop3A_278 : vector<1x16xf32> to vector<16xf32>
          %parallel_loop3A_280 = vector.shape_cast %get3A_133 : vector<16xf32> to vector<1x16xf32>
          tpu.vector_store %arg8[%parallel_loop3A_276, %parallel_loop3A_277], %parallel_loop3A_280 {add = true, strides = array<i32>} : memref<32x512xf32, #tpu.memory_space<vmem>>, vector<1x16xf32>,
          %parallel_loop3A_281 = arith.index_cast %parallel_loop3A_230 : i32 to index
          %parallel_loop3A_282 = arith.constant 160 : index
          %parallel_loop3A_283 = tpu.vector_load %arg8[%parallel_loop3A_281, %parallel_loop3A_282] {strides = array<i32>} : memref<32x512xf32, #tpu.memory_space<vmem>>, vector<1x16xf32>,
          %parallel_loop3A_284 = vector.shape_cast %parallel_loop3A_283 : vector<1x16xf32> to vector<16xf32>
          %parallel_loop3A_285 = vector.shape_cast %get3A_137 : vector<16xf32> to vector<1x16xf32>
          tpu.vector_store %arg8[%parallel_loop3A_281, %parallel_loop3A_282], %parallel_loop3A_285 {add = true, strides = array<i32>} : memref<32x512xf32, #tpu.memory_space<vmem>>, vector<1x16xf32>,
          %parallel_loop3A_286 = arith.index_cast %parallel_loop3A_230 : i32 to index
          %parallel_loop3A_287 = arith.constant 176 : index
          %parallel_loop3A_288 = tpu.vector_load %arg8[%parallel_loop3A_286, %parallel_loop3A_287] {strides = array<i32>} : memref<32x512xf32, #tpu.memory_space<vmem>>, vector<1x16xf32>,
          %parallel_loop3A_289 = vector.shape_cast %parallel_loop3A_288 : vector<1x16xf32> to vector<16xf32>
          %parallel_loop3A_290 = vector.shape_cast %get3A_141 : vector<16xf32> to vector<1x16xf32>
          tpu.vector_store %arg8[%parallel_loop3A_286, %parallel_loop3A_287], %parallel_loop3A_290 {add = true, strides = array<i32>} : memref<32x512xf32, #tpu.memory_space<vmem>>, vector<1x16xf32>,
          %parallel_loop3A_291 = arith.index_cast %parallel_loop3A_230 : i32 to index
          %parallel_loop3A_292 = arith.constant 192 : index
          %parallel_loop3A_293 = tpu.vector_load %arg8[%parallel_loop3A_291, %parallel_loop3A_292] {strides = array<i32>} : memref<32x512xf32, #tpu.memory_space<vmem>>, vector<1x16xf32>,
          %parallel_loop3A_294 = vector.shape_cast %parallel_loop3A_293 : vector<1x16xf32> to vector<16xf32>
          %parallel_loop3A_295 = vector.shape_cast %get3A_145 : vector<16xf32> to vector<1x16xf32>
          tpu.vector_store %arg8[%parallel_loop3A_291, %parallel_loop3A_292], %parallel_loop3A_295 {add = true, strides = array<i32>} : memref<32x512xf32, #tpu.memory_space<vmem>>, vector<1x16xf32>,
          %parallel_loop3A_296 = arith.index_cast %parallel_loop3A_230 : i32 to index
          %parallel_loop3A_297 = arith.constant 208 : index
          %parallel_loop3A_298 = tpu.vector_load %arg8[%parallel_loop3A_296, %parallel_loop3A_297] {strides = array<i32>} : memref<32x512xf32, #tpu.memory_space<vmem>>, vector<1x16xf32>,
          %parallel_loop3A_299 = vector.shape_cast %parallel_loop3A_298 : vector<1x16xf32> to vector<16xf32>
          %parallel_loop3A_300 = vector.shape_cast %get3A_149 : vector<16xf32> to vector<1x16xf32>
          tpu.vector_store %arg8[%parallel_loop3A_296, %parallel_loop3A_297], %parallel_loop3A_300 {add = true, strides = array<i32>} : memref<32x512xf32, #tpu.memory_space<vmem>>, vector<1x16xf32>,
          %parallel_loop3A_301 = arith.index_cast %parallel_loop3A_230 : i32 to index
          %parallel_loop3A_302 = arith.constant 224 : index
          %parallel_loop3A_303 = tpu.vector_load %arg8[%parallel_loop3A_301, %parallel_loop3A_302] {strides = array<i32>} : memref<32x512xf32, #tpu.memory_space<vmem>>, vector<1x16xf32>,
          %parallel_loop3A_304 = vector.shape_cast %parallel_loop3A_303 : vector<1x16xf32> to vector<16xf32>
          %parallel_loop3A_305 = vector.shape_cast %get3A_153 : vector<16xf32> to vector<1x16xf32>
          tpu.vector_store %arg8[%parallel_loop3A_301, %parallel_loop3A_302], %parallel_loop3A_305 {add = true, strides = array<i32>} : memref<32x512xf32, #tpu.memory_space<vmem>>, vector<1x16xf32>,
          %parallel_loop3A_306 = arith.index_cast %parallel_loop3A_230 : i32 to index
          %parallel_loop3A_307 = arith.constant 240 : index
          %parallel_loop3A_308 = tpu.vector_load %arg8[%parallel_loop3A_306, %parallel_loop3A_307] {strides = array<i32>} : memref<32x512xf32, #tpu.memory_space<vmem>>, vector<1x16xf32>,
          %parallel_loop3A_309 = vector.shape_cast %parallel_loop3A_308 : vector<1x16xf32> to vector<16xf32>
          %parallel_loop3A_310 = vector.shape_cast %get3A_157 : vector<16xf32> to vector<1x16xf32>
          tpu.vector_store %arg8[%parallel_loop3A_306, %parallel_loop3A_307], %parallel_loop3A_310 {add = true, strides = array<i32>} : memref<32x512xf32, #tpu.memory_space<vmem>>, vector<1x16xf32>,
          %parallel_loop3A_311 = arith.index_cast %parallel_loop3A_230 : i32 to index
          %parallel_loop3A_312 = arith.constant 256 : index
          %parallel_loop3A_313 = tpu.vector_load %arg8[%parallel_loop3A_311, %parallel_loop3A_312] {strides = array<i32>} : memref<32x512xf32, #tpu.memory_space<vmem>>, vector<1x16xf32>,
          %parallel_loop3A_314 = vector.shape_cast %parallel_loop3A_313 : vector<1x16xf32> to vector<16xf32>
          %parallel_loop3A_315 = vector.shape_cast %get3A_161 : vector<16xf32> to vector<1x16xf32>
          tpu.vector_store %arg8[%parallel_loop3A_311, %parallel_loop3A_312], %parallel_loop3A_315 {add = true, strides = array<i32>} : memref<32x512xf32, #tpu.memory_space<vmem>>, vector<1x16xf32>,
          %parallel_loop3A_316 = arith.index_cast %parallel_loop3A_230 : i32 to index
          %parallel_loop3A_317 = arith.constant 272 : index
          %parallel_loop3A_318 = tpu.vector_load %arg8[%parallel_loop3A_316, %parallel_loop3A_317] {strides = array<i32>} : memref<32x512xf32, #tpu.memory_space<vmem>>, vector<1x16xf32>,
          %parallel_loop3A_319 = vector.shape_cast %parallel_loop3A_318 : vector<1x16xf32> to vector<16xf32>
          %parallel_loop3A_320 = vector.shape_cast %get3A_165 : vector<16xf32> to vector<1x16xf32>
          tpu.vector_store %arg8[%parallel_loop3A_316, %parallel_loop3A_317], %parallel_loop3A_320 {add = true, strides = array<i32>} : memref<32x512xf32, #tpu.memory_space<vmem>>, vector<1x16xf32>,
          %parallel_loop3A_321 = arith.index_cast %parallel_loop3A_230 : i32 to index
          %parallel_loop3A_322 = arith.constant 288 : index
          %parallel_loop3A_323 = tpu.vector_load %arg8[%parallel_loop3A_321, %parallel_loop3A_322] {strides = array<i32>} : memref<32x512xf32, #tpu.memory_space<vmem>>, vector<1x16xf32>,
          %parallel_loop3A_324 = vector.shape_cast %parallel_loop3A_323 : vector<1x16xf32> to vector<16xf32>
          %parallel_loop3A_325 = vector.shape_cast %get3A_169 : vector<16xf32> to vector<1x16xf32>
          tpu.vector_store %arg8[%parallel_loop3A_321, %parallel_loop3A_322], %parallel_loop3A_325 {add = true, strides = array<i32>} : memref<32x512xf32, #tpu.memory_space<vmem>>, vector<1x16xf32>,
          %parallel_loop3A_326 = arith.index_cast %parallel_loop3A_230 : i32 to index
          %parallel_loop3A_327 = arith.constant 304 : index
          %parallel_loop3A_328 = tpu.vector_load %arg8[%parallel_loop3A_326, %parallel_loop3A_327] {strides = array<i32>} : memref<32x512xf32, #tpu.memory_space<vmem>>, vector<1x16xf32>,
          %parallel_loop3A_329 = vector.shape_cast %parallel_loop3A_328 : vector<1x16xf32> to vector<16xf32>
          %parallel_loop3A_330 = vector.shape_cast %get3A_173 : vector<16xf32> to vector<1x16xf32>
          tpu.vector_store %arg8[%parallel_loop3A_326, %parallel_loop3A_327], %parallel_loop3A_330 {add = true, strides = array<i32>} : memref<32x512xf32, #tpu.memory_space<vmem>>, vector<1x16xf32>,
          %parallel_loop3A_331 = arith.index_cast %parallel_loop3A_230 : i32 to index
          %parallel_loop3A_332 = arith.constant 320 : index
          %parallel_loop3A_333 = tpu.vector_load %arg8[%parallel_loop3A_331, %parallel_loop3A_332] {strides = array<i32>} : memref<32x512xf32, #tpu.memory_space<vmem>>, vector<1x16xf32>,
          %parallel_loop3A_334 = vector.shape_cast %parallel_loop3A_333 : vector<1x16xf32> to vector<16xf32>
          %parallel_loop3A_335 = vector.shape_cast %get3A_177 : vector<16xf32> to vector<1x16xf32>
          tpu.vector_store %arg8[%parallel_loop3A_331, %parallel_loop3A_332], %parallel_loop3A_335 {add = true, strides = array<i32>} : memref<32x512xf32, #tpu.memory_space<vmem>>, vector<1x16xf32>,
          %parallel_loop3A_336 = arith.index_cast %parallel_loop3A_230 : i32 to index
          %parallel_loop3A_337 = arith.constant 336 : index
          %parallel_loop3A_338 = tpu.vector_load %arg8[%parallel_loop3A_336, %parallel_loop3A_337] {strides = array<i32>} : memref<32x512xf32, #tpu.memory_space<vmem>>, vector<1x16xf32>,
          %parallel_loop3A_339 = vector.shape_cast %parallel_loop3A_338 : vector<1x16xf32> to vector<16xf32>
          %parallel_loop3A_340 = vector.shape_cast %get3A_181 : vector<16xf32> to vector<1x16xf32>
          tpu.vector_store %arg8[%parallel_loop3A_336, %parallel_loop3A_337], %parallel_loop3A_340 {add = true, strides = array<i32>} : memref<32x512xf32, #tpu.memory_space<vmem>>, vector<1x16xf32>,
          %parallel_loop3A_341 = arith.index_cast %parallel_loop3A_230 : i32 to index
          %parallel_loop3A_342 = arith.constant 352 : index
          %parallel_loop3A_343 = tpu.vector_load %arg8[%parallel_loop3A_341, %parallel_loop3A_342] {strides = array<i32>} : memref<32x512xf32, #tpu.memory_space<vmem>>, vector<1x16xf32>,
          %parallel_loop3A_344 = vector.shape_cast %parallel_loop3A_343 : vector<1x16xf32> to vector<16xf32>
          %parallel_loop3A_345 = vector.shape_cast %get3A_185 : vector<16xf32> to vector<1x16xf32>
          tpu.vector_store %arg8[%parallel_loop3A_341, %parallel_loop3A_342], %parallel_loop3A_345 {add = true, strides = array<i32>} : memref<32x512xf32, #tpu.memory_space<vmem>>, vector<1x16xf32>,
          %parallel_loop3A_346 = arith.index_cast %parallel_loop3A_230 : i32 to index
          %parallel_loop3A_347 = arith.constant 368 : index
          %parallel_loop3A_348 = tpu.vector_load %arg8[%parallel_loop3A_346, %parallel_loop3A_347] {strides = array<i32>} : memref<32x512xf32, #tpu.memory_space<vmem>>, vector<1x16xf32>,
          %parallel_loop3A_349 = vector.shape_cast %parallel_loop3A_348 : vector<1x16xf32> to vector<16xf32>
          %parallel_loop3A_350 = vector.shape_cast %get3A_189 : vector<16xf32> to vector<1x16xf32>
          tpu.vector_store %arg8[%parallel_loop3A_346, %parallel_loop3A_347], %parallel_loop3A_350 {add = true, strides = array<i32>} : memref<32x512xf32, #tpu.memory_space<vmem>>, vector<1x16xf32>,
          %parallel_loop3A_351 = arith.index_cast %parallel_loop3A_230 : i32 to index
          %parallel_loop3A_352 = arith.constant 384 : index
          %parallel_loop3A_353 = tpu.vector_load %arg8[%parallel_loop3A_351, %parallel_loop3A_352] {strides = array<i32>} : memref<32x512xf32, #tpu.memory_space<vmem>>, vector<1x16xf32>,
          %parallel_loop3A_354 = vector.shape_cast %parallel_loop3A_353 : vector<1x16xf32> to vector<16xf32>
          %parallel_loop3A_355 = vector.shape_cast %get3A_193 : vector<16xf32> to vector<1x16xf32>
          tpu.vector_store %arg8[%parallel_loop3A_351, %parallel_loop3A_352], %parallel_loop3A_355 {add = true, strides = array<i32>} : memref<32x512xf32, #tpu.memory_space<vmem>>, vector<1x16xf32>,
          %parallel_loop3A_356 = arith.index_cast %parallel_loop3A_230 : i32 to index
          %parallel_loop3A_357 = arith.constant 400 : index
          %parallel_loop3A_358 = tpu.vector_load %arg8[%parallel_loop3A_356, %parallel_loop3A_357] {strides = array<i32>} : memref<32x512xf32, #tpu.memory_space<vmem>>, vector<1x16xf32>,
          %parallel_loop3A_359 = vector.shape_cast %parallel_loop3A_358 : vector<1x16xf32> to vector<16xf32>
          %parallel_loop3A_360 = vector.shape_cast %get3A_197 : vector<16xf32> to vector<1x16xf32>
          tpu.vector_store %arg8[%parallel_loop3A_356, %parallel_loop3A_357], %parallel_loop3A_360 {add = true, strides = array<i32>} : memref<32x512xf32, #tpu.memory_space<vmem>>, vector<1x16xf32>,
          %parallel_loop3A_361 = arith.index_cast %parallel_loop3A_230 : i32 to index
          %parallel_loop3A_362 = arith.constant 416 : index
          %parallel_loop3A_363 = tpu.vector_load %arg8[%parallel_loop3A_361, %parallel_loop3A_362] {strides = array<i32>} : memref<32x512xf32, #tpu.memory_space<vmem>>, vector<1x16xf32>,
          %parallel_loop3A_364 = vector.shape_cast %parallel_loop3A_363 : vector<1x16xf32> to vector<16xf32>
          %parallel_loop3A_365 = vector.shape_cast %get3A_201 : vector<16xf32> to vector<1x16xf32>
          tpu.vector_store %arg8[%parallel_loop3A_361, %parallel_loop3A_362], %parallel_loop3A_365 {add = true, strides = array<i32>} : memref<32x512xf32, #tpu.memory_space<vmem>>, vector<1x16xf32>,
          %parallel_loop3A_366 = arith.index_cast %parallel_loop3A_230 : i32 to index
          %parallel_loop3A_367 = arith.constant 432 : index
          %parallel_loop3A_368 = tpu.vector_load %arg8[%parallel_loop3A_366, %parallel_loop3A_367] {strides = array<i32>} : memref<32x512xf32, #tpu.memory_space<vmem>>, vector<1x16xf32>,
          %parallel_loop3A_369 = vector.shape_cast %parallel_loop3A_368 : vector<1x16xf32> to vector<16xf32>
          %parallel_loop3A_370 = vector.shape_cast %get3A_205 : vector<16xf32> to vector<1x16xf32>
          tpu.vector_store %arg8[%parallel_loop3A_366, %parallel_loop3A_367], %parallel_loop3A_370 {add = true, strides = array<i32>} : memref<32x512xf32, #tpu.memory_space<vmem>>, vector<1x16xf32>,
          %parallel_loop3A_371 = arith.index_cast %parallel_loop3A_230 : i32 to index
          %parallel_loop3A_372 = arith.constant 448 : index
          %parallel_loop3A_373 = tpu.vector_load %arg8[%parallel_loop3A_371, %parallel_loop3A_372] {strides = array<i32>} : memref<32x512xf32, #tpu.memory_space<vmem>>, vector<1x16xf32>,
          %parallel_loop3A_374 = vector.shape_cast %parallel_loop3A_373 : vector<1x16xf32> to vector<16xf32>
          %parallel_loop3A_375 = vector.shape_cast %get3A_209 : vector<16xf32> to vector<1x16xf32>
          tpu.vector_store %arg8[%parallel_loop3A_371, %parallel_loop3A_372], %parallel_loop3A_375 {add = true, strides = array<i32>} : memref<32x512xf32, #tpu.memory_space<vmem>>, vector<1x16xf32>,
          %parallel_loop3A_376 = arith.index_cast %parallel_loop3A_230 : i32 to index
          %parallel_loop3A_377 = arith.constant 464 : index
          %parallel_loop3A_378 = tpu.vector_load %arg8[%parallel_loop3A_376, %parallel_loop3A_377] {strides = array<i32>} : memref<32x512xf32, #tpu.memory_space<vmem>>, vector<1x16xf32>,
          %parallel_loop3A_379 = vector.shape_cast %parallel_loop3A_378 : vector<1x16xf32> to vector<16xf32>
          %parallel_loop3A_380 = vector.shape_cast %get3A_213 : vector<16xf32> to vector<1x16xf32>
          tpu.vector_store %arg8[%parallel_loop3A_376, %parallel_loop3A_377], %parallel_loop3A_380 {add = true, strides = array<i32>} : memref<32x512xf32, #tpu.memory_space<vmem>>, vector<1x16xf32>,
          %parallel_loop3A_381 = arith.index_cast %parallel_loop3A_230 : i32 to index
          %parallel_loop3A_382 = arith.constant 480 : index
          %parallel_loop3A_383 = tpu.vector_load %arg8[%parallel_loop3A_381, %parallel_loop3A_382] {strides = array<i32>} : memref<32x512xf32, #tpu.memory_space<vmem>>, vector<1x16xf32>,
          %parallel_loop3A_384 = vector.shape_cast %parallel_loop3A_383 : vector<1x16xf32> to vector<16xf32>
          %parallel_loop3A_385 = vector.shape_cast %get3A_217 : vector<16xf32> to vector<1x16xf32>
          tpu.vector_store %arg8[%parallel_loop3A_381, %parallel_loop3A_382], %parallel_loop3A_385 {add = true, strides = array<i32>} : memref<32x512xf32, #tpu.memory_space<vmem>>, vector<1x16xf32>,
          %parallel_loop3A_386 = arith.index_cast %parallel_loop3A_230 : i32 to index
          %parallel_loop3A_387 = arith.constant 496 : index
          %parallel_loop3A_388 = tpu.vector_load %arg8[%parallel_loop3A_386, %parallel_loop3A_387] {strides = array<i32>} : memref<32x512xf32, #tpu.memory_space<vmem>>, vector<1x16xf32>,
          %parallel_loop3A_389 = vector.shape_cast %parallel_loop3A_388 : vector<1x16xf32> to vector<16xf32>
          %parallel_loop3A_390 = vector.shape_cast %get3A_221 : vector<16xf32> to vector<1x16xf32>
          tpu.vector_store %arg8[%parallel_loop3A_386, %parallel_loop3A_387], %parallel_loop3A_390 {add = true, strides = array<i32>} : memref<32x512xf32, #tpu.memory_space<vmem>>, vector<1x16xf32>,
        } {sc.loop_unroll_factor = 4 : i64, sc.parallel_access}
        %dma_start3A_224 = arith.constant 0 : i32
        %dma_start3A_225 = tpu.memref_slice %arg5[%add3A_52, %mul3A_2, %dma_start3A_224] : memref<77x1024x512xf32, #tpu.memory_space<hbm>> -> memref<1x32x512xf32, #tpu.memory_space<hbm>>
        %dma_start3A_226 = tpu.memref_squeeze %dma_start3A_225 : memref<1x32x512xf32, #tpu.memory_space<hbm>> -> memref<32x512xf32, #tpu.memory_space<hbm>>
        %dma_start3A_227 = arith.constant 0 : i32
        %dma_start3A_228 = tpu.memref_slice %arg5[%add3A_52, %mul3A_2, %dma_start3A_227] : memref<77x1024x512xf32, #tpu.memory_space<hbm>> -> memref<1x32x512xf32, #tpu.memory_space<hbm>>
        %dma_start3A_229 = tpu.memref_squeeze %dma_start3A_228 : memref<1x32x512xf32, #tpu.memory_space<hbm>> -> memref<32x512xf32, #tpu.memory_space<hbm>>
        tpu.enqueue_dma source(%arg8 : memref<32x512xf32, #tpu.memory_space<vmem>>) target(%dma_start3A_229 : memref<32x512xf32, #tpu.memory_space<hbm>>) target_semaphore(%arg16 : memref<!tpu.dma_semaphore, #tpu.memory_space<semaphore_mem>>)
      } else {
      }
      %mul3A_55 = arith.constant 4 : i32
      %mul3A_56 = arith.muli %mul3A_55, %scan3A_48 : i32
      %add3A_57 = arith.constant 1 : i32
      %add3A_58 = arith.addi %mul3A_56, %add3A_57 : i32
      %lt3A_59 = arith.constant 77 : i32
      %lt3A_60 = arith.cmpi slt, %add3A_58, %lt3A_59 : i32
      %convert_element_type3A_61 = arith.extui %lt3A_60 : i1 to i32
      %cond3A_62 = arith.constant 0 : i32
      %cond3A_63 = arith.cmpi ne, %convert_element_type3A_61, %cond3A_62 : i32
      scf.if %cond3A_63 {
        %dma_wait3A_82 = arith.constant 0 : i32
        %dma_wait3A_83 = tpu.memref_slice %arg6[%add3A_58, %dma_wait3A_82] : memref<77x32xi32, #tpu.memory_space<vmem>> -> memref<1x32xi32, #tpu.memory_space<vmem>>
        %dma_wait3A_84 = tpu.memref_squeeze %dma_wait3A_83 : memref<1x32xi32, #tpu.memory_space<vmem>> -> memref<32xi32, #tpu.memory_space<vmem>>
        %dma_wait3A_85 = arith.constant 0 : i32
        %dma_wait3A_86 = arith.constant 0 : i32
        %dma_wait3A_87 = tpu.memref_slice %arg3[%dma_wait3A_85, %dma_wait3A_86] : memref<49408x512xf32, #tpu.memory_space<hbm>> -> memref<49408x512xf32, #tpu.memory_space<hbm>>
        tpu.wait_indirect_dma semaphore(%arg13 : memref<!tpu.dma_semaphore, #tpu.memory_space<semaphore_mem>>) src(%dma_wait3A_87 : memref<49408x512xf32, #tpu.memory_space<hbm>>) dst(%arg9 : memref<32x512xf32, #tpu.memory_space<vmem>>)
        %add3A_88 = arith.constant 2 : i32
        %add3A_89 = arith.addi %add3A_58, %add3A_88 : i32
        %lt3A_90 = arith.constant 77 : i32
        %lt3A_91 = arith.cmpi slt, %add3A_89, %lt3A_90 : i32
        %convert_element_type3A_92 = arith.extui %lt3A_91 : i1 to i32
        %cond3A_93 = arith.constant 0 : i32
        %cond3A_94 = arith.cmpi ne, %convert_element_type3A_92, %cond3A_93 : i32
        scf.if %cond3A_94 {
          %ge3A = arith.constant 2 : i32
          %ge3A_230 = arith.cmpi sge, %add3A_58, %ge3A : i32
          %convert_element_type3A_231 = arith.extui %ge3A_230 : i1 to i32
          %cond3A_232 = arith.constant 0 : i32
          %cond3A_233 = arith.cmpi ne, %convert_element_type3A_231, %cond3A_232 : i32
          scf.if %cond3A_233 {
            %sub3A = arith.constant 2 : i32
            %sub3A_242 = arith.subi %add3A_58, %sub3A : i32
            %dma_wait3A_243 = arith.constant 0 : i32
            %dma_wait3A_244 = tpu.memref_slice %arg5[%sub3A_242, %mul3A_2, %dma_wait3A_243] : memref<77x1024x512xf32, #tpu.memory_space<hbm>> -> memref<1x32x512xf32, #tpu.memory_space<hbm>>
            %dma_wait3A_245 = tpu.memref_squeeze %dma_wait3A_244 : memref<1x32x512xf32, #tpu.memory_space<hbm>> -> memref<32x512xf32, #tpu.memory_space<hbm>>
            %dma_wait3A_246 = arith.constant 0 : i32
            %dma_wait3A_247 = tpu.memref_slice %arg5[%sub3A_242, %mul3A_2, %dma_wait3A_246] : memref<77x1024x512xf32, #tpu.memory_space<hbm>> -> memref<1x32x512xf32, #tpu.memory_space<hbm>>
            %dma_wait3A_248 = tpu.memref_squeeze %dma_wait3A_247 : memref<1x32x512xf32, #tpu.memory_space<hbm>> -> memref<32x512xf32, #tpu.memory_space<hbm>>
            tpu.wait_dma2 semaphore(%arg19 : memref<!tpu.dma_semaphore, #tpu.memory_space<semaphore_mem>>) src(%arg11 : memref<32x512xf32, #tpu.memory_space<vmem>>) dst(%dma_wait3A_248 : memref<32x512xf32, #tpu.memory_space<hbm>>)
          } else {
          }
          %add3A_234 = arith.constant 2 : i32
          %add3A_235 = arith.addi %add3A_58, %add3A_234 : i32
          %dma_start3A_236 = arith.constant 0 : i32
          %dma_start3A_237 = tpu.memref_slice %arg6[%add3A_235, %dma_start3A_236] : memref<77x32xi32, #tpu.memory_space<vmem>> -> memref<1x32xi32, #tpu.memory_space<vmem>>
          %dma_start3A_238 = tpu.memref_squeeze %dma_start3A_237 : memref<1x32xi32, #tpu.memory_space<vmem>> -> memref<32xi32, #tpu.memory_space<vmem>>
          %dma_start3A_239 = arith.constant 0 : i32
          %dma_start3A_240 = arith.constant 0 : i32
          %dma_start3A_241 = tpu.memref_slice %arg3[%dma_start3A_239, %dma_start3A_240] : memref<49408x512xf32, #tpu.memory_space<hbm>> -> memref<49408x512xf32, #tpu.memory_space<hbm>>
          tpu.enqueue_indirect_dma source(%dma_start3A_241 : memref<49408x512xf32, #tpu.memory_space<hbm>>) target(%arg11 : memref<32x512xf32, #tpu.memory_space<vmem>>) offsets(%dma_start3A_238 : memref<32xi32, #tpu.memory_space<vmem>>) semaphore(%arg15 : memref<!tpu.dma_semaphore, #tpu.memory_space<semaphore_mem>>)
        } else {
        }
        %get3A = arith.index_cast %add3A_58 : i32 to index
        %get3A_95 = arith.constant 0 : index
        %get3A_96 = tpu.vector_load %arg7[%get3A, %get3A_95] {strides = array<i32>} : memref<77x512xf32, #tpu.memory_space<vmem>>, vector<1x16xf32>,
        %get3A_97 = vector.shape_cast %get3A_96 : vector<1x16xf32> to vector<16xf32>
        %get3A_98 = arith.index_cast %add3A_58 : i32 to index
        %get3A_99 = arith.constant 16 : index
        %get3A_100 = tpu.vector_load %arg7[%get3A_98, %get3A_99] {strides = array<i32>} : memref<77x512xf32, #tpu.memory_space<vmem>>, vector<1x16xf32>,
        %get3A_101 = vector.shape_cast %get3A_100 : vector<1x16xf32> to vector<16xf32>
        %get3A_102 = arith.index_cast %add3A_58 : i32 to index
        %get3A_103 = arith.constant 32 : index
        %get3A_104 = tpu.vector_load %arg7[%get3A_102, %get3A_103] {strides = array<i32>} : memref<77x512xf32, #tpu.memory_space<vmem>>, vector<1x16xf32>,
        %get3A_105 = vector.shape_cast %get3A_104 : vector<1x16xf32> to vector<16xf32>
        %get3A_106 = arith.index_cast %add3A_58 : i32 to index
        %get3A_107 = arith.constant 48 : index
        %get3A_108 = tpu.vector_load %arg7[%get3A_106, %get3A_107] {strides = array<i32>} : memref<77x512xf32, #tpu.memory_space<vmem>>, vector<1x16xf32>,
        %get3A_109 = vector.shape_cast %get3A_108 : vector<1x16xf32> to vector<16xf32>
        %get3A_110 = arith.index_cast %add3A_58 : i32 to index
        %get3A_111 = arith.constant 64 : index
        %get3A_112 = tpu.vector_load %arg7[%get3A_110, %get3A_111] {strides = array<i32>} : memref<77x512xf32, #tpu.memory_space<vmem>>, vector<1x16xf32>,
        %get3A_113 = vector.shape_cast %get3A_112 : vector<1x16xf32> to vector<16xf32>
        %get3A_114 = arith.index_cast %add3A_58 : i32 to index
        %get3A_115 = arith.constant 80 : index
        %get3A_116 = tpu.vector_load %arg7[%get3A_114, %get3A_115] {strides = array<i32>} : memref<77x512xf32, #tpu.memory_space<vmem>>, vector<1x16xf32>,
        %get3A_117 = vector.shape_cast %get3A_116 : vector<1x16xf32> to vector<16xf32>
        %get3A_118 = arith.index_cast %add3A_58 : i32 to index
        %get3A_119 = arith.constant 96 : index
        %get3A_120 = tpu.vector_load %arg7[%get3A_118, %get3A_119] {strides = array<i32>} : memref<77x512xf32, #tpu.memory_space<vmem>>, vector<1x16xf32>,
        %get3A_121 = vector.shape_cast %get3A_120 : vector<1x16xf32> to vector<16xf32>
        %get3A_122 = arith.index_cast %add3A_58 : i32 to index
        %get3A_123 = arith.constant 112 : index
        %get3A_124 = tpu.vector_load %arg7[%get3A_122, %get3A_123] {strides = array<i32>} : memref<77x512xf32, #tpu.memory_space<vmem>>, vector<1x16xf32>,
        %get3A_125 = vector.shape_cast %get3A_124 : vector<1x16xf32> to vector<16xf32>
        %get3A_126 = arith.index_cast %add3A_58 : i32 to index
        %get3A_127 = arith.constant 128 : index
        %get3A_128 = tpu.vector_load %arg7[%get3A_126, %get3A_127] {strides = array<i32>} : memref<77x512xf32, #tpu.memory_space<vmem>>, vector<1x16xf32>,
        %get3A_129 = vector.shape_cast %get3A_128 : vector<1x16xf32> to vector<16xf32>
        %get3A_130 = arith.index_cast %add3A_58 : i32 to index
        %get3A_131 = arith.constant 144 : index
        %get3A_132 = tpu.vector_load %arg7[%get3A_130, %get3A_131] {strides = array<i32>} : memref<77x512xf32, #tpu.memory_space<vmem>>, vector<1x16xf32>,
        %get3A_133 = vector.shape_cast %get3A_132 : vector<1x16xf32> to vector<16xf32>
        %get3A_134 = arith.index_cast %add3A_58 : i32 to index
        %get3A_135 = arith.constant 160 : index
        %get3A_136 = tpu.vector_load %arg7[%get3A_134, %get3A_135] {strides = array<i32>} : memref<77x512xf32, #tpu.memory_space<vmem>>, vector<1x16xf32>,
        %get3A_137 = vector.shape_cast %get3A_136 : vector<1x16xf32> to vector<16xf32>
        %get3A_138 = arith.index_cast %add3A_58 : i32 to index
        %get3A_139 = arith.constant 176 : index
        %get3A_140 = tpu.vector_load %arg7[%get3A_138, %get3A_139] {strides = array<i32>} : memref<77x512xf32, #tpu.memory_space<vmem>>, vector<1x16xf32>,
        %get3A_141 = vector.shape_cast %get3A_140 : vector<1x16xf32> to vector<16xf32>
        %get3A_142 = arith.index_cast %add3A_58 : i32 to index
        %get3A_143 = arith.constant 192 : index
        %get3A_144 = tpu.vector_load %arg7[%get3A_142, %get3A_143] {strides = array<i32>} : memref<77x512xf32, #tpu.memory_space<vmem>>, vector<1x16xf32>,
        %get3A_145 = vector.shape_cast %get3A_144 : vector<1x16xf32> to vector<16xf32>
        %get3A_146 = arith.index_cast %add3A_58 : i32 to index
        %get3A_147 = arith.constant 208 : index
        %get3A_148 = tpu.vector_load %arg7[%get3A_146, %get3A_147] {strides = array<i32>} : memref<77x512xf32, #tpu.memory_space<vmem>>, vector<1x16xf32>,
        %get3A_149 = vector.shape_cast %get3A_148 : vector<1x16xf32> to vector<16xf32>
        %get3A_150 = arith.index_cast %add3A_58 : i32 to index
        %get3A_151 = arith.constant 224 : index
        %get3A_152 = tpu.vector_load %arg7[%get3A_150, %get3A_151] {strides = array<i32>} : memref<77x512xf32, #tpu.memory_space<vmem>>, vector<1x16xf32>,
        %get3A_153 = vector.shape_cast %get3A_152 : vector<1x16xf32> to vector<16xf32>
        %get3A_154 = arith.index_cast %add3A_58 : i32 to index
        %get3A_155 = arith.constant 240 : index
        %get3A_156 = tpu.vector_load %arg7[%get3A_154, %get3A_155] {strides = array<i32>} : memref<77x512xf32, #tpu.memory_space<vmem>>, vector<1x16xf32>,
        %get3A_157 = vector.shape_cast %get3A_156 : vector<1x16xf32> to vector<16xf32>
        %get3A_158 = arith.index_cast %add3A_58 : i32 to index
        %get3A_159 = arith.constant 256 : index
        %get3A_160 = tpu.vector_load %arg7[%get3A_158, %get3A_159] {strides = array<i32>} : memref<77x512xf32, #tpu.memory_space<vmem>>, vector<1x16xf32>,
        %get3A_161 = vector.shape_cast %get3A_160 : vector<1x16xf32> to vector<16xf32>
        %get3A_162 = arith.index_cast %add3A_58 : i32 to index
        %get3A_163 = arith.constant 272 : index
        %get3A_164 = tpu.vector_load %arg7[%get3A_162, %get3A_163] {strides = array<i32>} : memref<77x512xf32, #tpu.memory_space<vmem>>, vector<1x16xf32>,
        %get3A_165 = vector.shape_cast %get3A_164 : vector<1x16xf32> to vector<16xf32>
        %get3A_166 = arith.index_cast %add3A_58 : i32 to index
        %get3A_167 = arith.constant 288 : index
        %get3A_168 = tpu.vector_load %arg7[%get3A_166, %get3A_167] {strides = array<i32>} : memref<77x512xf32, #tpu.memory_space<vmem>>, vector<1x16xf32>,
        %get3A_169 = vector.shape_cast %get3A_168 : vector<1x16xf32> to vector<16xf32>
        %get3A_170 = arith.index_cast %add3A_58 : i32 to index
        %get3A_171 = arith.constant 304 : index
        %get3A_172 = tpu.vector_load %arg7[%get3A_170, %get3A_171] {strides = array<i32>} : memref<77x512xf32, #tpu.memory_space<vmem>>, vector<1x16xf32>,
        %get3A_173 = vector.shape_cast %get3A_172 : vector<1x16xf32> to vector<16xf32>
        %get3A_174 = arith.index_cast %add3A_58 : i32 to index
        %get3A_175 = arith.constant 320 : index
        %get3A_176 = tpu.vector_load %arg7[%get3A_174, %get3A_175] {strides = array<i32>} : memref<77x512xf32, #tpu.memory_space<vmem>>, vector<1x16xf32>,
        %get3A_177 = vector.shape_cast %get3A_176 : vector<1x16xf32> to vector<16xf32>
        %get3A_178 = arith.index_cast %add3A_58 : i32 to index
        %get3A_179 = arith.constant 336 : index
        %get3A_180 = tpu.vector_load %arg7[%get3A_178, %get3A_179] {strides = array<i32>} : memref<77x512xf32, #tpu.memory_space<vmem>>, vector<1x16xf32>,
        %get3A_181 = vector.shape_cast %get3A_180 : vector<1x16xf32> to vector<16xf32>
        %get3A_182 = arith.index_cast %add3A_58 : i32 to index
        %get3A_183 = arith.constant 352 : index
        %get3A_184 = tpu.vector_load %arg7[%get3A_182, %get3A_183] {strides = array<i32>} : memref<77x512xf32, #tpu.memory_space<vmem>>, vector<1x16xf32>,
        %get3A_185 = vector.shape_cast %get3A_184 : vector<1x16xf32> to vector<16xf32>
        %get3A_186 = arith.index_cast %add3A_58 : i32 to index
        %get3A_187 = arith.constant 368 : index
        %get3A_188 = tpu.vector_load %arg7[%get3A_186, %get3A_187] {strides = array<i32>} : memref<77x512xf32, #tpu.memory_space<vmem>>, vector<1x16xf32>,
        %get3A_189 = vector.shape_cast %get3A_188 : vector<1x16xf32> to vector<16xf32>
        %get3A_190 = arith.index_cast %add3A_58 : i32 to index
        %get3A_191 = arith.constant 384 : index
        %get3A_192 = tpu.vector_load %arg7[%get3A_190, %get3A_191] {strides = array<i32>} : memref<77x512xf32, #tpu.memory_space<vmem>>, vector<1x16xf32>,
        %get3A_193 = vector.shape_cast %get3A_192 : vector<1x16xf32> to vector<16xf32>
        %get3A_194 = arith.index_cast %add3A_58 : i32 to index
        %get3A_195 = arith.constant 400 : index
        %get3A_196 = tpu.vector_load %arg7[%get3A_194, %get3A_195] {strides = array<i32>} : memref<77x512xf32, #tpu.memory_space<vmem>>, vector<1x16xf32>,
        %get3A_197 = vector.shape_cast %get3A_196 : vector<1x16xf32> to vector<16xf32>
        %get3A_198 = arith.index_cast %add3A_58 : i32 to index
        %get3A_199 = arith.constant 416 : index
        %get3A_200 = tpu.vector_load %arg7[%get3A_198, %get3A_199] {strides = array<i32>} : memref<77x512xf32, #tpu.memory_space<vmem>>, vector<1x16xf32>,
        %get3A_201 = vector.shape_cast %get3A_200 : vector<1x16xf32> to vector<16xf32>
        %get3A_202 = arith.index_cast %add3A_58 : i32 to index
        %get3A_203 = arith.constant 432 : index
        %get3A_204 = tpu.vector_load %arg7[%get3A_202, %get3A_203] {strides = array<i32>} : memref<77x512xf32, #tpu.memory_space<vmem>>, vector<1x16xf32>,
        %get3A_205 = vector.shape_cast %get3A_204 : vector<1x16xf32> to vector<16xf32>
        %get3A_206 = arith.index_cast %add3A_58 : i32 to index
        %get3A_207 = arith.constant 448 : index
        %get3A_208 = tpu.vector_load %arg7[%get3A_206, %get3A_207] {strides = array<i32>} : memref<77x512xf32, #tpu.memory_space<vmem>>, vector<1x16xf32>,
        %get3A_209 = vector.shape_cast %get3A_208 : vector<1x16xf32> to vector<16xf32>
        %get3A_210 = arith.index_cast %add3A_58 : i32 to index
        %get3A_211 = arith.constant 464 : index
        %get3A_212 = tpu.vector_load %arg7[%get3A_210, %get3A_211] {strides = array<i32>} : memref<77x512xf32, #tpu.memory_space<vmem>>, vector<1x16xf32>,
        %get3A_213 = vector.shape_cast %get3A_212 : vector<1x16xf32> to vector<16xf32>
        %get3A_214 = arith.index_cast %add3A_58 : i32 to index
        %get3A_215 = arith.constant 480 : index
        %get3A_216 = tpu.vector_load %arg7[%get3A_214, %get3A_215] {strides = array<i32>} : memref<77x512xf32, #tpu.memory_space<vmem>>, vector<1x16xf32>,
        %get3A_217 = vector.shape_cast %get3A_216 : vector<1x16xf32> to vector<16xf32>
        %get3A_218 = arith.index_cast %add3A_58 : i32 to index
        %get3A_219 = arith.constant 496 : index
        %get3A_220 = tpu.vector_load %arg7[%get3A_218, %get3A_219] {strides = array<i32>} : memref<77x512xf32, #tpu.memory_space<vmem>>, vector<1x16xf32>,
        %get3A_221 = vector.shape_cast %get3A_220 : vector<1x16xf32> to vector<16xf32>
        %parallel_loop3A = arith.constant 0 : i32
        %parallel_loop3A_222 = arith.constant 32 : i32
        %parallel_loop3A_223 = arith.constant 1 : i32
        scf.for %parallel_loop3A_230 = %parallel_loop3A to %parallel_loop3A_222 step %parallel_loop3A_223  : i32 {
          %parallel_loop3A_231 = arith.index_cast %parallel_loop3A_230 : i32 to index
          %parallel_loop3A_232 = arith.constant 0 : index
          %parallel_loop3A_233 = tpu.vector_load %arg9[%parallel_loop3A_231, %parallel_loop3A_232] {strides = array<i32>} : memref<32x512xf32, #tpu.memory_space<vmem>>, vector<1x16xf32>,
          %parallel_loop3A_234 = vector.shape_cast %parallel_loop3A_233 : vector<1x16xf32> to vector<16xf32>
          %parallel_loop3A_235 = vector.shape_cast %get3A_97 : vector<16xf32> to vector<1x16xf32>
          tpu.vector_store %arg9[%parallel_loop3A_231, %parallel_loop3A_232], %parallel_loop3A_235 {add = true, strides = array<i32>} : memref<32x512xf32, #tpu.memory_space<vmem>>, vector<1x16xf32>,
          %parallel_loop3A_236 = arith.index_cast %parallel_loop3A_230 : i32 to index
          %parallel_loop3A_237 = arith.constant 16 : index
          %parallel_loop3A_238 = tpu.vector_load %arg9[%parallel_loop3A_236, %parallel_loop3A_237] {strides = array<i32>} : memref<32x512xf32, #tpu.memory_space<vmem>>, vector<1x16xf32>,
          %parallel_loop3A_239 = vector.shape_cast %parallel_loop3A_238 : vector<1x16xf32> to vector<16xf32>
          %parallel_loop3A_240 = vector.shape_cast %get3A_101 : vector<16xf32> to vector<1x16xf32>
          tpu.vector_store %arg9[%parallel_loop3A_236, %parallel_loop3A_237], %parallel_loop3A_240 {add = true, strides = array<i32>} : memref<32x512xf32, #tpu.memory_space<vmem>>, vector<1x16xf32>,
          %parallel_loop3A_241 = arith.index_cast %parallel_loop3A_230 : i32 to index
          %parallel_loop3A_242 = arith.constant 32 : index
          %parallel_loop3A_243 = tpu.vector_load %arg9[%parallel_loop3A_241, %parallel_loop3A_242] {strides = array<i32>} : memref<32x512xf32, #tpu.memory_space<vmem>>, vector<1x16xf32>,
          %parallel_loop3A_244 = vector.shape_cast %parallel_loop3A_243 : vector<1x16xf32> to vector<16xf32>
          %parallel_loop3A_245 = vector.shape_cast %get3A_105 : vector<16xf32> to vector<1x16xf32>
          tpu.vector_store %arg9[%parallel_loop3A_241, %parallel_loop3A_242], %parallel_loop3A_245 {add = true, strides = array<i32>} : memref<32x512xf32, #tpu.memory_space<vmem>>, vector<1x16xf32>,
          %parallel_loop3A_246 = arith.index_cast %parallel_loop3A_230 : i32 to index
          %parallel_loop3A_247 = arith.constant 48 : index
          %parallel_loop3A_248 = tpu.vector_load %arg9[%parallel_loop3A_246, %parallel_loop3A_247] {strides = array<i32>} : memref<32x512xf32, #tpu.memory_space<vmem>>, vector<1x16xf32>,
          %parallel_loop3A_249 = vector.shape_cast %parallel_loop3A_248 : vector<1x16xf32> to vector<16xf32>
          %parallel_loop3A_250 = vector.shape_cast %get3A_109 : vector<16xf32> to vector<1x16xf32>
          tpu.vector_store %arg9[%parallel_loop3A_246, %parallel_loop3A_247], %parallel_loop3A_250 {add = true, strides = array<i32>} : memref<32x512xf32, #tpu.memory_space<vmem>>, vector<1x16xf32>,
          %parallel_loop3A_251 = arith.index_cast %parallel_loop3A_230 : i32 to index
          %parallel_loop3A_252 = arith.constant 64 : index
          %parallel_loop3A_253 = tpu.vector_load %arg9[%parallel_loop3A_251, %parallel_loop3A_252] {strides = array<i32>} : memref<32x512xf32, #tpu.memory_space<vmem>>, vector<1x16xf32>,
          %parallel_loop3A_254 = vector.shape_cast %parallel_loop3A_253 : vector<1x16xf32> to vector<16xf32>
          %parallel_loop3A_255 = vector.shape_cast %get3A_113 : vector<16xf32> to vector<1x16xf32>
          tpu.vector_store %arg9[%parallel_loop3A_251, %parallel_loop3A_252], %parallel_loop3A_255 {add = true, strides = array<i32>} : memref<32x512xf32, #tpu.memory_space<vmem>>, vector<1x16xf32>,
          %parallel_loop3A_256 = arith.index_cast %parallel_loop3A_230 : i32 to index
          %parallel_loop3A_257 = arith.constant 80 : index
          %parallel_loop3A_258 = tpu.vector_load %arg9[%parallel_loop3A_256, %parallel_loop3A_257] {strides = array<i32>} : memref<32x512xf32, #tpu.memory_space<vmem>>, vector<1x16xf32>,
          %parallel_loop3A_259 = vector.shape_cast %parallel_loop3A_258 : vector<1x16xf32> to vector<16xf32>
          %parallel_loop3A_260 = vector.shape_cast %get3A_117 : vector<16xf32> to vector<1x16xf32>
          tpu.vector_store %arg9[%parallel_loop3A_256, %parallel_loop3A_257], %parallel_loop3A_260 {add = true, strides = array<i32>} : memref<32x512xf32, #tpu.memory_space<vmem>>, vector<1x16xf32>,
          %parallel_loop3A_261 = arith.index_cast %parallel_loop3A_230 : i32 to index
          %parallel_loop3A_262 = arith.constant 96 : index
          %parallel_loop3A_263 = tpu.vector_load %arg9[%parallel_loop3A_261, %parallel_loop3A_262] {strides = array<i32>} : memref<32x512xf32, #tpu.memory_space<vmem>>, vector<1x16xf32>,
          %parallel_loop3A_264 = vector.shape_cast %parallel_loop3A_263 : vector<1x16xf32> to vector<16xf32>
          %parallel_loop3A_265 = vector.shape_cast %get3A_121 : vector<16xf32> to vector<1x16xf32>
          tpu.vector_store %arg9[%parallel_loop3A_261, %parallel_loop3A_262], %parallel_loop3A_265 {add = true, strides = array<i32>} : memref<32x512xf32, #tpu.memory_space<vmem>>, vector<1x16xf32>,
          %parallel_loop3A_266 = arith.index_cast %parallel_loop3A_230 : i32 to index
          %parallel_loop3A_267 = arith.constant 112 : index
          %parallel_loop3A_268 = tpu.vector_load %arg9[%parallel_loop3A_266, %parallel_loop3A_267] {strides = array<i32>} : memref<32x512xf32, #tpu.memory_space<vmem>>, vector<1x16xf32>,
          %parallel_loop3A_269 = vector.shape_cast %parallel_loop3A_268 : vector<1x16xf32> to vector<16xf32>
          %parallel_loop3A_270 = vector.shape_cast %get3A_125 : vector<16xf32> to vector<1x16xf32>
          tpu.vector_store %arg9[%parallel_loop3A_266, %parallel_loop3A_267], %parallel_loop3A_270 {add = true, strides = array<i32>} : memref<32x512xf32, #tpu.memory_space<vmem>>, vector<1x16xf32>,
          %parallel_loop3A_271 = arith.index_cast %parallel_loop3A_230 : i32 to index
          %parallel_loop3A_272 = arith.constant 128 : index
          %parallel_loop3A_273 = tpu.vector_load %arg9[%parallel_loop3A_271, %parallel_loop3A_272] {strides = array<i32>} : memref<32x512xf32, #tpu.memory_space<vmem>>, vector<1x16xf32>,
          %parallel_loop3A_274 = vector.shape_cast %parallel_loop3A_273 : vector<1x16xf32> to vector<16xf32>
          %parallel_loop3A_275 = vector.shape_cast %get3A_129 : vector<16xf32> to vector<1x16xf32>
          tpu.vector_store %arg9[%parallel_loop3A_271, %parallel_loop3A_272], %parallel_loop3A_275 {add = true, strides = array<i32>} : memref<32x512xf32, #tpu.memory_space<vmem>>, vector<1x16xf32>,
          %parallel_loop3A_276 = arith.index_cast %parallel_loop3A_230 : i32 to index
          %parallel_loop3A_277 = arith.constant 144 : index
          %parallel_loop3A_278 = tpu.vector_load %arg9[%parallel_loop3A_276, %parallel_loop3A_277] {strides = array<i32>} : memref<32x512xf32, #tpu.memory_space<vmem>>, vector<1x16xf32>,
          %parallel_loop3A_279 = vector.shape_cast %parallel_loop3A_278 : vector<1x16xf32> to vector<16xf32>
          %parallel_loop3A_280 = vector.shape_cast %get3A_133 : vector<16xf32> to vector<1x16xf32>
          tpu.vector_store %arg9[%parallel_loop3A_276, %parallel_loop3A_277], %parallel_loop3A_280 {add = true, strides = array<i32>} : memref<32x512xf32, #tpu.memory_space<vmem>>, vector<1x16xf32>,
          %parallel_loop3A_281 = arith.index_cast %parallel_loop3A_230 : i32 to index
          %parallel_loop3A_282 = arith.constant 160 : index
          %parallel_loop3A_283 = tpu.vector_load %arg9[%parallel_loop3A_281, %parallel_loop3A_282] {strides = array<i32>} : memref<32x512xf32, #tpu.memory_space<vmem>>, vector<1x16xf32>,
          %parallel_loop3A_284 = vector.shape_cast %parallel_loop3A_283 : vector<1x16xf32> to vector<16xf32>
          %parallel_loop3A_285 = vector.shape_cast %get3A_137 : vector<16xf32> to vector<1x16xf32>
          tpu.vector_store %arg9[%parallel_loop3A_281, %parallel_loop3A_282], %parallel_loop3A_285 {add = true, strides = array<i32>} : memref<32x512xf32, #tpu.memory_space<vmem>>, vector<1x16xf32>,
          %parallel_loop3A_286 = arith.index_cast %parallel_loop3A_230 : i32 to index
          %parallel_loop3A_287 = arith.constant 176 : index
          %parallel_loop3A_288 = tpu.vector_load %arg9[%parallel_loop3A_286, %parallel_loop3A_287] {strides = array<i32>} : memref<32x512xf32, #tpu.memory_space<vmem>>, vector<1x16xf32>,
          %parallel_loop3A_289 = vector.shape_cast %parallel_loop3A_288 : vector<1x16xf32> to vector<16xf32>
          %parallel_loop3A_290 = vector.shape_cast %get3A_141 : vector<16xf32> to vector<1x16xf32>
          tpu.vector_store %arg9[%parallel_loop3A_286, %parallel_loop3A_287], %parallel_loop3A_290 {add = true, strides = array<i32>} : memref<32x512xf32, #tpu.memory_space<vmem>>, vector<1x16xf32>,
          %parallel_loop3A_291 = arith.index_cast %parallel_loop3A_230 : i32 to index
          %parallel_loop3A_292 = arith.constant 192 : index
          %parallel_loop3A_293 = tpu.vector_load %arg9[%parallel_loop3A_291, %parallel_loop3A_292] {strides = array<i32>} : memref<32x512xf32, #tpu.memory_space<vmem>>, vector<1x16xf32>,
          %parallel_loop3A_294 = vector.shape_cast %parallel_loop3A_293 : vector<1x16xf32> to vector<16xf32>
          %parallel_loop3A_295 = vector.shape_cast %get3A_145 : vector<16xf32> to vector<1x16xf32>
          tpu.vector_store %arg9[%parallel_loop3A_291, %parallel_loop3A_292], %parallel_loop3A_295 {add = true, strides = array<i32>} : memref<32x512xf32, #tpu.memory_space<vmem>>, vector<1x16xf32>,
          %parallel_loop3A_296 = arith.index_cast %parallel_loop3A_230 : i32 to index
          %parallel_loop3A_297 = arith.constant 208 : index
          %parallel_loop3A_298 = tpu.vector_load %arg9[%parallel_loop3A_296, %parallel_loop3A_297] {strides = array<i32>} : memref<32x512xf32, #tpu.memory_space<vmem>>, vector<1x16xf32>,
          %parallel_loop3A_299 = vector.shape_cast %parallel_loop3A_298 : vector<1x16xf32> to vector<16xf32>
          %parallel_loop3A_300 = vector.shape_cast %get3A_149 : vector<16xf32> to vector<1x16xf32>
          tpu.vector_store %arg9[%parallel_loop3A_296, %parallel_loop3A_297], %parallel_loop3A_300 {add = true, strides = array<i32>} : memref<32x512xf32, #tpu.memory_space<vmem>>, vector<1x16xf32>,
          %parallel_loop3A_301 = arith.index_cast %parallel_loop3A_230 : i32 to index
          %parallel_loop3A_302 = arith.constant 224 : index
          %parallel_loop3A_303 = tpu.vector_load %arg9[%parallel_loop3A_301, %parallel_loop3A_302] {strides = array<i32>} : memref<32x512xf32, #tpu.memory_space<vmem>>, vector<1x16xf32>,
          %parallel_loop3A_304 = vector.shape_cast %parallel_loop3A_303 : vector<1x16xf32> to vector<16xf32>
          %parallel_loop3A_305 = vector.shape_cast %get3A_153 : vector<16xf32> to vector<1x16xf32>
          tpu.vector_store %arg9[%parallel_loop3A_301, %parallel_loop3A_302], %parallel_loop3A_305 {add = true, strides = array<i32>} : memref<32x512xf32, #tpu.memory_space<vmem>>, vector<1x16xf32>,
          %parallel_loop3A_306 = arith.index_cast %parallel_loop3A_230 : i32 to index
          %parallel_loop3A_307 = arith.constant 240 : index
          %parallel_loop3A_308 = tpu.vector_load %arg9[%parallel_loop3A_306, %parallel_loop3A_307] {strides = array<i32>} : memref<32x512xf32, #tpu.memory_space<vmem>>, vector<1x16xf32>,
          %parallel_loop3A_309 = vector.shape_cast %parallel_loop3A_308 : vector<1x16xf32> to vector<16xf32>
          %parallel_loop3A_310 = vector.shape_cast %get3A_157 : vector<16xf32> to vector<1x16xf32>
          tpu.vector_store %arg9[%parallel_loop3A_306, %parallel_loop3A_307], %parallel_loop3A_310 {add = true, strides = array<i32>} : memref<32x512xf32, #tpu.memory_space<vmem>>, vector<1x16xf32>,
          %parallel_loop3A_311 = arith.index_cast %parallel_loop3A_230 : i32 to index
          %parallel_loop3A_312 = arith.constant 256 : index
          %parallel_loop3A_313 = tpu.vector_load %arg9[%parallel_loop3A_311, %parallel_loop3A_312] {strides = array<i32>} : memref<32x512xf32, #tpu.memory_space<vmem>>, vector<1x16xf32>,
          %parallel_loop3A_314 = vector.shape_cast %parallel_loop3A_313 : vector<1x16xf32> to vector<16xf32>
          %parallel_loop3A_315 = vector.shape_cast %get3A_161 : vector<16xf32> to vector<1x16xf32>
          tpu.vector_store %arg9[%parallel_loop3A_311, %parallel_loop3A_312], %parallel_loop3A_315 {add = true, strides = array<i32>} : memref<32x512xf32, #tpu.memory_space<vmem>>, vector<1x16xf32>,
          %parallel_loop3A_316 = arith.index_cast %parallel_loop3A_230 : i32 to index
          %parallel_loop3A_317 = arith.constant 272 : index
          %parallel_loop3A_318 = tpu.vector_load %arg9[%parallel_loop3A_316, %parallel_loop3A_317] {strides = array<i32>} : memref<32x512xf32, #tpu.memory_space<vmem>>, vector<1x16xf32>,
          %parallel_loop3A_319 = vector.shape_cast %parallel_loop3A_318 : vector<1x16xf32> to vector<16xf32>
          %parallel_loop3A_320 = vector.shape_cast %get3A_165 : vector<16xf32> to vector<1x16xf32>
          tpu.vector_store %arg9[%parallel_loop3A_316, %parallel_loop3A_317], %parallel_loop3A_320 {add = true, strides = array<i32>} : memref<32x512xf32, #tpu.memory_space<vmem>>, vector<1x16xf32>,
          %parallel_loop3A_321 = arith.index_cast %parallel_loop3A_230 : i32 to index
          %parallel_loop3A_322 = arith.constant 288 : index
          %parallel_loop3A_323 = tpu.vector_load %arg9[%parallel_loop3A_321, %parallel_loop3A_322] {strides = array<i32>} : memref<32x512xf32, #tpu.memory_space<vmem>>, vector<1x16xf32>,
          %parallel_loop3A_324 = vector.shape_cast %parallel_loop3A_323 : vector<1x16xf32> to vector<16xf32>
          %parallel_loop3A_325 = vector.shape_cast %get3A_169 : vector<16xf32> to vector<1x16xf32>
          tpu.vector_store %arg9[%parallel_loop3A_321, %parallel_loop3A_322], %parallel_loop3A_325 {add = true, strides = array<i32>} : memref<32x512xf32, #tpu.memory_space<vmem>>, vector<1x16xf32>,
          %parallel_loop3A_326 = arith.index_cast %parallel_loop3A_230 : i32 to index
          %parallel_loop3A_327 = arith.constant 304 : index
          %parallel_loop3A_328 = tpu.vector_load %arg9[%parallel_loop3A_326, %parallel_loop3A_327] {strides = array<i32>} : memref<32x512xf32, #tpu.memory_space<vmem>>, vector<1x16xf32>,
          %parallel_loop3A_329 = vector.shape_cast %parallel_loop3A_328 : vector<1x16xf32> to vector<16xf32>
          %parallel_loop3A_330 = vector.shape_cast %get3A_173 : vector<16xf32> to vector<1x16xf32>
          tpu.vector_store %arg9[%parallel_loop3A_326, %parallel_loop3A_327], %parallel_loop3A_330 {add = true, strides = array<i32>} : memref<32x512xf32, #tpu.memory_space<vmem>>, vector<1x16xf32>,
          %parallel_loop3A_331 = arith.index_cast %parallel_loop3A_230 : i32 to index
          %parallel_loop3A_332 = arith.constant 320 : index
          %parallel_loop3A_333 = tpu.vector_load %arg9[%parallel_loop3A_331, %parallel_loop3A_332] {strides = array<i32>} : memref<32x512xf32, #tpu.memory_space<vmem>>, vector<1x16xf32>,
          %parallel_loop3A_334 = vector.shape_cast %parallel_loop3A_333 : vector<1x16xf32> to vector<16xf32>
          %parallel_loop3A_335 = vector.shape_cast %get3A_177 : vector<16xf32> to vector<1x16xf32>
          tpu.vector_store %arg9[%parallel_loop3A_331, %parallel_loop3A_332], %parallel_loop3A_335 {add = true, strides = array<i32>} : memref<32x512xf32, #tpu.memory_space<vmem>>, vector<1x16xf32>,
          %parallel_loop3A_336 = arith.index_cast %parallel_loop3A_230 : i32 to index
          %parallel_loop3A_337 = arith.constant 336 : index
          %parallel_loop3A_338 = tpu.vector_load %arg9[%parallel_loop3A_336, %parallel_loop3A_337] {strides = array<i32>} : memref<32x512xf32, #tpu.memory_space<vmem>>, vector<1x16xf32>,
          %parallel_loop3A_339 = vector.shape_cast %parallel_loop3A_338 : vector<1x16xf32> to vector<16xf32>
          %parallel_loop3A_340 = vector.shape_cast %get3A_181 : vector<16xf32> to vector<1x16xf32>
          tpu.vector_store %arg9[%parallel_loop3A_336, %parallel_loop3A_337], %parallel_loop3A_340 {add = true, strides = array<i32>} : memref<32x512xf32, #tpu.memory_space<vmem>>, vector<1x16xf32>,
          %parallel_loop3A_341 = arith.index_cast %parallel_loop3A_230 : i32 to index
          %parallel_loop3A_342 = arith.constant 352 : index
          %parallel_loop3A_343 = tpu.vector_load %arg9[%parallel_loop3A_341, %parallel_loop3A_342] {strides = array<i32>} : memref<32x512xf32, #tpu.memory_space<vmem>>, vector<1x16xf32>,
          %parallel_loop3A_344 = vector.shape_cast %parallel_loop3A_343 : vector<1x16xf32> to vector<16xf32>
          %parallel_loop3A_345 = vector.shape_cast %get3A_185 : vector<16xf32> to vector<1x16xf32>
          tpu.vector_store %arg9[%parallel_loop3A_341, %parallel_loop3A_342], %parallel_loop3A_345 {add = true, strides = array<i32>} : memref<32x512xf32, #tpu.memory_space<vmem>>, vector<1x16xf32>,
          %parallel_loop3A_346 = arith.index_cast %parallel_loop3A_230 : i32 to index
          %parallel_loop3A_347 = arith.constant 368 : index
          %parallel_loop3A_348 = tpu.vector_load %arg9[%parallel_loop3A_346, %parallel_loop3A_347] {strides = array<i32>} : memref<32x512xf32, #tpu.memory_space<vmem>>, vector<1x16xf32>,
          %parallel_loop3A_349 = vector.shape_cast %parallel_loop3A_348 : vector<1x16xf32> to vector<16xf32>
          %parallel_loop3A_350 = vector.shape_cast %get3A_189 : vector<16xf32> to vector<1x16xf32>
          tpu.vector_store %arg9[%parallel_loop3A_346, %parallel_loop3A_347], %parallel_loop3A_350 {add = true, strides = array<i32>} : memref<32x512xf32, #tpu.memory_space<vmem>>, vector<1x16xf32>,
          %parallel_loop3A_351 = arith.index_cast %parallel_loop3A_230 : i32 to index
          %parallel_loop3A_352 = arith.constant 384 : index
          %parallel_loop3A_353 = tpu.vector_load %arg9[%parallel_loop3A_351, %parallel_loop3A_352] {strides = array<i32>} : memref<32x512xf32, #tpu.memory_space<vmem>>, vector<1x16xf32>,
          %parallel_loop3A_354 = vector.shape_cast %parallel_loop3A_353 : vector<1x16xf32> to vector<16xf32>
          %parallel_loop3A_355 = vector.shape_cast %get3A_193 : vector<16xf32> to vector<1x16xf32>
          tpu.vector_store %arg9[%parallel_loop3A_351, %parallel_loop3A_352], %parallel_loop3A_355 {add = true, strides = array<i32>} : memref<32x512xf32, #tpu.memory_space<vmem>>, vector<1x16xf32>,
          %parallel_loop3A_356 = arith.index_cast %parallel_loop3A_230 : i32 to index
          %parallel_loop3A_357 = arith.constant 400 : index
          %parallel_loop3A_358 = tpu.vector_load %arg9[%parallel_loop3A_356, %parallel_loop3A_357] {strides = array<i32>} : memref<32x512xf32, #tpu.memory_space<vmem>>, vector<1x16xf32>,
          %parallel_loop3A_359 = vector.shape_cast %parallel_loop3A_358 : vector<1x16xf32> to vector<16xf32>
          %parallel_loop3A_360 = vector.shape_cast %get3A_197 : vector<16xf32> to vector<1x16xf32>
          tpu.vector_store %arg9[%parallel_loop3A_356, %parallel_loop3A_357], %parallel_loop3A_360 {add = true, strides = array<i32>} : memref<32x512xf32, #tpu.memory_space<vmem>>, vector<1x16xf32>,
          %parallel_loop3A_361 = arith.index_cast %parallel_loop3A_230 : i32 to index
          %parallel_loop3A_362 = arith.constant 416 : index
          %parallel_loop3A_363 = tpu.vector_load %arg9[%parallel_loop3A_361, %parallel_loop3A_362] {strides = array<i32>} : memref<32x512xf32, #tpu.memory_space<vmem>>, vector<1x16xf32>,
          %parallel_loop3A_364 = vector.shape_cast %parallel_loop3A_363 : vector<1x16xf32> to vector<16xf32>
          %parallel_loop3A_365 = vector.shape_cast %get3A_201 : vector<16xf32> to vector<1x16xf32>
          tpu.vector_store %arg9[%parallel_loop3A_361, %parallel_loop3A_362], %parallel_loop3A_365 {add = true, strides = array<i32>} : memref<32x512xf32, #tpu.memory_space<vmem>>, vector<1x16xf32>,
          %parallel_loop3A_366 = arith.index_cast %parallel_loop3A_230 : i32 to index
          %parallel_loop3A_367 = arith.constant 432 : index
          %parallel_loop3A_368 = tpu.vector_load %arg9[%parallel_loop3A_366, %parallel_loop3A_367] {strides = array<i32>} : memref<32x512xf32, #tpu.memory_space<vmem>>, vector<1x16xf32>,
          %parallel_loop3A_369 = vector.shape_cast %parallel_loop3A_368 : vector<1x16xf32> to vector<16xf32>
          %parallel_loop3A_370 = vector.shape_cast %get3A_205 : vector<16xf32> to vector<1x16xf32>
          tpu.vector_store %arg9[%parallel_loop3A_366, %parallel_loop3A_367], %parallel_loop3A_370 {add = true, strides = array<i32>} : memref<32x512xf32, #tpu.memory_space<vmem>>, vector<1x16xf32>,
          %parallel_loop3A_371 = arith.index_cast %parallel_loop3A_230 : i32 to index
          %parallel_loop3A_372 = arith.constant 448 : index
          %parallel_loop3A_373 = tpu.vector_load %arg9[%parallel_loop3A_371, %parallel_loop3A_372] {strides = array<i32>} : memref<32x512xf32, #tpu.memory_space<vmem>>, vector<1x16xf32>,
          %parallel_loop3A_374 = vector.shape_cast %parallel_loop3A_373 : vector<1x16xf32> to vector<16xf32>
          %parallel_loop3A_375 = vector.shape_cast %get3A_209 : vector<16xf32> to vector<1x16xf32>
          tpu.vector_store %arg9[%parallel_loop3A_371, %parallel_loop3A_372], %parallel_loop3A_375 {add = true, strides = array<i32>} : memref<32x512xf32, #tpu.memory_space<vmem>>, vector<1x16xf32>,
          %parallel_loop3A_376 = arith.index_cast %parallel_loop3A_230 : i32 to index
          %parallel_loop3A_377 = arith.constant 464 : index
          %parallel_loop3A_378 = tpu.vector_load %arg9[%parallel_loop3A_376, %parallel_loop3A_377] {strides = array<i32>} : memref<32x512xf32, #tpu.memory_space<vmem>>, vector<1x16xf32>,
          %parallel_loop3A_379 = vector.shape_cast %parallel_loop3A_378 : vector<1x16xf32> to vector<16xf32>
          %parallel_loop3A_380 = vector.shape_cast %get3A_213 : vector<16xf32> to vector<1x16xf32>
          tpu.vector_store %arg9[%parallel_loop3A_376, %parallel_loop3A_377], %parallel_loop3A_380 {add = true, strides = array<i32>} : memref<32x512xf32, #tpu.memory_space<vmem>>, vector<1x16xf32>,
          %parallel_loop3A_381 = arith.index_cast %parallel_loop3A_230 : i32 to index
          %parallel_loop3A_382 = arith.constant 480 : index
          %parallel_loop3A_383 = tpu.vector_load %arg9[%parallel_loop3A_381, %parallel_loop3A_382] {strides = array<i32>} : memref<32x512xf32, #tpu.memory_space<vmem>>, vector<1x16xf32>,
          %parallel_loop3A_384 = vector.shape_cast %parallel_loop3A_383 : vector<1x16xf32> to vector<16xf32>
          %parallel_loop3A_385 = vector.shape_cast %get3A_217 : vector<16xf32> to vector<1x16xf32>
          tpu.vector_store %arg9[%parallel_loop3A_381, %parallel_loop3A_382], %parallel_loop3A_385 {add = true, strides = array<i32>} : memref<32x512xf32, #tpu.memory_space<vmem>>, vector<1x16xf32>,
          %parallel_loop3A_386 = arith.index_cast %parallel_loop3A_230 : i32 to index
          %parallel_loop3A_387 = arith.constant 496 : index
          %parallel_loop3A_388 = tpu.vector_load %arg9[%parallel_loop3A_386, %parallel_loop3A_387] {strides = array<i32>} : memref<32x512xf32, #tpu.memory_space<vmem>>, vector<1x16xf32>,
          %parallel_loop3A_389 = vector.shape_cast %parallel_loop3A_388 : vector<1x16xf32> to vector<16xf32>
          %parallel_loop3A_390 = vector.shape_cast %get3A_221 : vector<16xf32> to vector<1x16xf32>
          tpu.vector_store %arg9[%parallel_loop3A_386, %parallel_loop3A_387], %parallel_loop3A_390 {add = true, strides = array<i32>} : memref<32x512xf32, #tpu.memory_space<vmem>>, vector<1x16xf32>,
        } {sc.loop_unroll_factor = 4 : i64, sc.parallel_access}
        %dma_start3A_224 = arith.constant 0 : i32
        %dma_start3A_225 = tpu.memref_slice %arg5[%add3A_58, %mul3A_2, %dma_start3A_224] : memref<77x1024x512xf32, #tpu.memory_space<hbm>> -> memref<1x32x512xf32, #tpu.memory_space<hbm>>
        %dma_start3A_226 = tpu.memref_squeeze %dma_start3A_225 : memref<1x32x512xf32, #tpu.memory_space<hbm>> -> memref<32x512xf32, #tpu.memory_space<hbm>>
        %dma_start3A_227 = arith.constant 0 : i32
        %dma_start3A_228 = tpu.memref_slice %arg5[%add3A_58, %mul3A_2, %dma_start3A_227] : memref<77x1024x512xf32, #tpu.memory_space<hbm>> -> memref<1x32x512xf32, #tpu.memory_space<hbm>>
        %dma_start3A_229 = tpu.memref_squeeze %dma_start3A_228 : memref<1x32x512xf32, #tpu.memory_space<hbm>> -> memref<32x512xf32, #tpu.memory_space<hbm>>
        tpu.enqueue_dma source(%arg9 : memref<32x512xf32, #tpu.memory_space<vmem>>) target(%dma_start3A_229 : memref<32x512xf32, #tpu.memory_space<hbm>>) target_semaphore(%arg17 : memref<!tpu.dma_semaphore, #tpu.memory_space<semaphore_mem>>)
      } else {
      }
      %mul3A_64 = arith.constant 4 : i32
      %mul3A_65 = arith.muli %mul3A_64, %scan3A_48 : i32
      %add3A_66 = arith.constant 2 : i32
      %add3A_67 = arith.addi %mul3A_65, %add3A_66 : i32
      %lt3A_68 = arith.constant 77 : i32
      %lt3A_69 = arith.cmpi slt, %add3A_67, %lt3A_68 : i32
      %convert_element_type3A_70 = arith.extui %lt3A_69 : i1 to i32
      %cond3A_71 = arith.constant 0 : i32
      %cond3A_72 = arith.cmpi ne, %convert_element_type3A_70, %cond3A_71 : i32
      scf.if %cond3A_72 {
        %dma_wait3A_82 = arith.constant 0 : i32
        %dma_wait3A_83 = tpu.memref_slice %arg6[%add3A_67, %dma_wait3A_82] : memref<77x32xi32, #tpu.memory_space<vmem>> -> memref<1x32xi32, #tpu.memory_space<vmem>>
        %dma_wait3A_84 = tpu.memref_squeeze %dma_wait3A_83 : memref<1x32xi32, #tpu.memory_space<vmem>> -> memref<32xi32, #tpu.memory_space<vmem>>
        %dma_wait3A_85 = arith.constant 0 : i32
        %dma_wait3A_86 = arith.constant 0 : i32
        %dma_wait3A_87 = tpu.memref_slice %arg3[%dma_wait3A_85, %dma_wait3A_86] : memref<49408x512xf32, #tpu.memory_space<hbm>> -> memref<49408x512xf32, #tpu.memory_space<hbm>>
        tpu.wait_indirect_dma semaphore(%arg14 : memref<!tpu.dma_semaphore, #tpu.memory_space<semaphore_mem>>) src(%dma_wait3A_87 : memref<49408x512xf32, #tpu.memory_space<hbm>>) dst(%arg10 : memref<32x512xf32, #tpu.memory_space<vmem>>)
        %add3A_88 = arith.constant 2 : i32
        %add3A_89 = arith.addi %add3A_67, %add3A_88 : i32
        %lt3A_90 = arith.constant 77 : i32
        %lt3A_91 = arith.cmpi slt, %add3A_89, %lt3A_90 : i32
        %convert_element_type3A_92 = arith.extui %lt3A_91 : i1 to i32
        %cond3A_93 = arith.constant 0 : i32
        %cond3A_94 = arith.cmpi ne, %convert_element_type3A_92, %cond3A_93 : i32
        scf.if %cond3A_94 {
          %ge3A = arith.constant 2 : i32
          %ge3A_230 = arith.cmpi sge, %add3A_67, %ge3A : i32
          %convert_element_type3A_231 = arith.extui %ge3A_230 : i1 to i32
          %cond3A_232 = arith.constant 0 : i32
          %cond3A_233 = arith.cmpi ne, %convert_element_type3A_231, %cond3A_232 : i32
          scf.if %cond3A_233 {
            %sub3A = arith.constant 2 : i32
            %sub3A_242 = arith.subi %add3A_67, %sub3A : i32
            %dma_wait3A_243 = arith.constant 0 : i32
            %dma_wait3A_244 = tpu.memref_slice %arg5[%sub3A_242, %mul3A_2, %dma_wait3A_243] : memref<77x1024x512xf32, #tpu.memory_space<hbm>> -> memref<1x32x512xf32, #tpu.memory_space<hbm>>
            %dma_wait3A_245 = tpu.memref_squeeze %dma_wait3A_244 : memref<1x32x512xf32, #tpu.memory_space<hbm>> -> memref<32x512xf32, #tpu.memory_space<hbm>>
            %dma_wait3A_246 = arith.constant 0 : i32
            %dma_wait3A_247 = tpu.memref_slice %arg5[%sub3A_242, %mul3A_2, %dma_wait3A_246] : memref<77x1024x512xf32, #tpu.memory_space<hbm>> -> memref<1x32x512xf32, #tpu.memory_space<hbm>>
            %dma_wait3A_248 = tpu.memref_squeeze %dma_wait3A_247 : memref<1x32x512xf32, #tpu.memory_space<hbm>> -> memref<32x512xf32, #tpu.memory_space<hbm>>
            tpu.wait_dma2 semaphore(%arg16 : memref<!tpu.dma_semaphore, #tpu.memory_space<semaphore_mem>>) src(%arg8 : memref<32x512xf32, #tpu.memory_space<vmem>>) dst(%dma_wait3A_248 : memref<32x512xf32, #tpu.memory_space<hbm>>)
          } else {
          }
          %add3A_234 = arith.constant 2 : i32
          %add3A_235 = arith.addi %add3A_67, %add3A_234 : i32
          %dma_start3A_236 = arith.constant 0 : i32
          %dma_start3A_237 = tpu.memref_slice %arg6[%add3A_235, %dma_start3A_236] : memref<77x32xi32, #tpu.memory_space<vmem>> -> memref<1x32xi32, #tpu.memory_space<vmem>>
          %dma_start3A_238 = tpu.memref_squeeze %dma_start3A_237 : memref<1x32xi32, #tpu.memory_space<vmem>> -> memref<32xi32, #tpu.memory_space<vmem>>
          %dma_start3A_239 = arith.constant 0 : i32
          %dma_start3A_240 = arith.constant 0 : i32
          %dma_start3A_241 = tpu.memref_slice %arg3[%dma_start3A_239, %dma_start3A_240] : memref<49408x512xf32, #tpu.memory_space<hbm>> -> memref<49408x512xf32, #tpu.memory_space<hbm>>
          tpu.enqueue_indirect_dma source(%dma_start3A_241 : memref<49408x512xf32, #tpu.memory_space<hbm>>) target(%arg8 : memref<32x512xf32, #tpu.memory_space<vmem>>) offsets(%dma_start3A_238 : memref<32xi32, #tpu.memory_space<vmem>>) semaphore(%arg12 : memref<!tpu.dma_semaphore, #tpu.memory_space<semaphore_mem>>)
        } else {
        }
        %get3A = arith.index_cast %add3A_67 : i32 to index
        %get3A_95 = arith.constant 0 : index
        %get3A_96 = tpu.vector_load %arg7[%get3A, %get3A_95] {strides = array<i32>} : memref<77x512xf32, #tpu.memory_space<vmem>>, vector<1x16xf32>,
        %get3A_97 = vector.shape_cast %get3A_96 : vector<1x16xf32> to vector<16xf32>
        %get3A_98 = arith.index_cast %add3A_67 : i32 to index
        %get3A_99 = arith.constant 16 : index
        %get3A_100 = tpu.vector_load %arg7[%get3A_98, %get3A_99] {strides = array<i32>} : memref<77x512xf32, #tpu.memory_space<vmem>>, vector<1x16xf32>,
        %get3A_101 = vector.shape_cast %get3A_100 : vector<1x16xf32> to vector<16xf32>
        %get3A_102 = arith.index_cast %add3A_67 : i32 to index
        %get3A_103 = arith.constant 32 : index
        %get3A_104 = tpu.vector_load %arg7[%get3A_102, %get3A_103] {strides = array<i32>} : memref<77x512xf32, #tpu.memory_space<vmem>>, vector<1x16xf32>,
        %get3A_105 = vector.shape_cast %get3A_104 : vector<1x16xf32> to vector<16xf32>
        %get3A_106 = arith.index_cast %add3A_67 : i32 to index
        %get3A_107 = arith.constant 48 : index
        %get3A_108 = tpu.vector_load %arg7[%get3A_106, %get3A_107] {strides = array<i32>} : memref<77x512xf32, #tpu.memory_space<vmem>>, vector<1x16xf32>,
        %get3A_109 = vector.shape_cast %get3A_108 : vector<1x16xf32> to vector<16xf32>
        %get3A_110 = arith.index_cast %add3A_67 : i32 to index
        %get3A_111 = arith.constant 64 : index
        %get3A_112 = tpu.vector_load %arg7[%get3A_110, %get3A_111] {strides = array<i32>} : memref<77x512xf32, #tpu.memory_space<vmem>>, vector<1x16xf32>,
        %get3A_113 = vector.shape_cast %get3A_112 : vector<1x16xf32> to vector<16xf32>
        %get3A_114 = arith.index_cast %add3A_67 : i32 to index
        %get3A_115 = arith.constant 80 : index
        %get3A_116 = tpu.vector_load %arg7[%get3A_114, %get3A_115] {strides = array<i32>} : memref<77x512xf32, #tpu.memory_space<vmem>>, vector<1x16xf32>,
        %get3A_117 = vector.shape_cast %get3A_116 : vector<1x16xf32> to vector<16xf32>
        %get3A_118 = arith.index_cast %add3A_67 : i32 to index
        %get3A_119 = arith.constant 96 : index
        %get3A_120 = tpu.vector_load %arg7[%get3A_118, %get3A_119] {strides = array<i32>} : memref<77x512xf32, #tpu.memory_space<vmem>>, vector<1x16xf32>,
        %get3A_121 = vector.shape_cast %get3A_120 : vector<1x16xf32> to vector<16xf32>
        %get3A_122 = arith.index_cast %add3A_67 : i32 to index
        %get3A_123 = arith.constant 112 : index
        %get3A_124 = tpu.vector_load %arg7[%get3A_122, %get3A_123] {strides = array<i32>} : memref<77x512xf32, #tpu.memory_space<vmem>>, vector<1x16xf32>,
        %get3A_125 = vector.shape_cast %get3A_124 : vector<1x16xf32> to vector<16xf32>
        %get3A_126 = arith.index_cast %add3A_67 : i32 to index
        %get3A_127 = arith.constant 128 : index
        %get3A_128 = tpu.vector_load %arg7[%get3A_126, %get3A_127] {strides = array<i32>} : memref<77x512xf32, #tpu.memory_space<vmem>>, vector<1x16xf32>,
        %get3A_129 = vector.shape_cast %get3A_128 : vector<1x16xf32> to vector<16xf32>
        %get3A_130 = arith.index_cast %add3A_67 : i32 to index
        %get3A_131 = arith.constant 144 : index
        %get3A_132 = tpu.vector_load %arg7[%get3A_130, %get3A_131] {strides = array<i32>} : memref<77x512xf32, #tpu.memory_space<vmem>>, vector<1x16xf32>,
        %get3A_133 = vector.shape_cast %get3A_132 : vector<1x16xf32> to vector<16xf32>
        %get3A_134 = arith.index_cast %add3A_67 : i32 to index
        %get3A_135 = arith.constant 160 : index
        %get3A_136 = tpu.vector_load %arg7[%get3A_134, %get3A_135] {strides = array<i32>} : memref<77x512xf32, #tpu.memory_space<vmem>>, vector<1x16xf32>,
        %get3A_137 = vector.shape_cast %get3A_136 : vector<1x16xf32> to vector<16xf32>
        %get3A_138 = arith.index_cast %add3A_67 : i32 to index
        %get3A_139 = arith.constant 176 : index
        %get3A_140 = tpu.vector_load %arg7[%get3A_138, %get3A_139] {strides = array<i32>} : memref<77x512xf32, #tpu.memory_space<vmem>>, vector<1x16xf32>,
        %get3A_141 = vector.shape_cast %get3A_140 : vector<1x16xf32> to vector<16xf32>
        %get3A_142 = arith.index_cast %add3A_67 : i32 to index
        %get3A_143 = arith.constant 192 : index
        %get3A_144 = tpu.vector_load %arg7[%get3A_142, %get3A_143] {strides = array<i32>} : memref<77x512xf32, #tpu.memory_space<vmem>>, vector<1x16xf32>,
        %get3A_145 = vector.shape_cast %get3A_144 : vector<1x16xf32> to vector<16xf32>
        %get3A_146 = arith.index_cast %add3A_67 : i32 to index
        %get3A_147 = arith.constant 208 : index
        %get3A_148 = tpu.vector_load %arg7[%get3A_146, %get3A_147] {strides = array<i32>} : memref<77x512xf32, #tpu.memory_space<vmem>>, vector<1x16xf32>,
        %get3A_149 = vector.shape_cast %get3A_148 : vector<1x16xf32> to vector<16xf32>
        %get3A_150 = arith.index_cast %add3A_67 : i32 to index
        %get3A_151 = arith.constant 224 : index
        %get3A_152 = tpu.vector_load %arg7[%get3A_150, %get3A_151] {strides = array<i32>} : memref<77x512xf32, #tpu.memory_space<vmem>>, vector<1x16xf32>,
        %get3A_153 = vector.shape_cast %get3A_152 : vector<1x16xf32> to vector<16xf32>
        %get3A_154 = arith.index_cast %add3A_67 : i32 to index
        %get3A_155 = arith.constant 240 : index
        %get3A_156 = tpu.vector_load %arg7[%get3A_154, %get3A_155] {strides = array<i32>} : memref<77x512xf32, #tpu.memory_space<vmem>>, vector<1x16xf32>,
        %get3A_157 = vector.shape_cast %get3A_156 : vector<1x16xf32> to vector<16xf32>
        %get3A_158 = arith.index_cast %add3A_67 : i32 to index
        %get3A_159 = arith.constant 256 : index
        %get3A_160 = tpu.vector_load %arg7[%get3A_158, %get3A_159] {strides = array<i32>} : memref<77x512xf32, #tpu.memory_space<vmem>>, vector<1x16xf32>,
        %get3A_161 = vector.shape_cast %get3A_160 : vector<1x16xf32> to vector<16xf32>
        %get3A_162 = arith.index_cast %add3A_67 : i32 to index
        %get3A_163 = arith.constant 272 : index
        %get3A_164 = tpu.vector_load %arg7[%get3A_162, %get3A_163] {strides = array<i32>} : memref<77x512xf32, #tpu.memory_space<vmem>>, vector<1x16xf32>,
        %get3A_165 = vector.shape_cast %get3A_164 : vector<1x16xf32> to vector<16xf32>
        %get3A_166 = arith.index_cast %add3A_67 : i32 to index
        %get3A_167 = arith.constant 288 : index
        %get3A_168 = tpu.vector_load %arg7[%get3A_166, %get3A_167] {strides = array<i32>} : memref<77x512xf32, #tpu.memory_space<vmem>>, vector<1x16xf32>,
        %get3A_169 = vector.shape_cast %get3A_168 : vector<1x16xf32> to vector<16xf32>
        %get3A_170 = arith.index_cast %add3A_67 : i32 to index
        %get3A_171 = arith.constant 304 : index
        %get3A_172 = tpu.vector_load %arg7[%get3A_170, %get3A_171] {strides = array<i32>} : memref<77x512xf32, #tpu.memory_space<vmem>>, vector<1x16xf32>,
        %get3A_173 = vector.shape_cast %get3A_172 : vector<1x16xf32> to vector<16xf32>
        %get3A_174 = arith.index_cast %add3A_67 : i32 to index
        %get3A_175 = arith.constant 320 : index
        %get3A_176 = tpu.vector_load %arg7[%get3A_174, %get3A_175] {strides = array<i32>} : memref<77x512xf32, #tpu.memory_space<vmem>>, vector<1x16xf32>,
        %get3A_177 = vector.shape_cast %get3A_176 : vector<1x16xf32> to vector<16xf32>
        %get3A_178 = arith.index_cast %add3A_67 : i32 to index
        %get3A_179 = arith.constant 336 : index
        %get3A_180 = tpu.vector_load %arg7[%get3A_178, %get3A_179] {strides = array<i32>} : memref<77x512xf32, #tpu.memory_space<vmem>>, vector<1x16xf32>,
        %get3A_181 = vector.shape_cast %get3A_180 : vector<1x16xf32> to vector<16xf32>
        %get3A_182 = arith.index_cast %add3A_67 : i32 to index
        %get3A_183 = arith.constant 352 : index
        %get3A_184 = tpu.vector_load %arg7[%get3A_182, %get3A_183] {strides = array<i32>} : memref<77x512xf32, #tpu.memory_space<vmem>>, vector<1x16xf32>,
        %get3A_185 = vector.shape_cast %get3A_184 : vector<1x16xf32> to vector<16xf32>
        %get3A_186 = arith.index_cast %add3A_67 : i32 to index
        %get3A_187 = arith.constant 368 : index
        %get3A_188 = tpu.vector_load %arg7[%get3A_186, %get3A_187] {strides = array<i32>} : memref<77x512xf32, #tpu.memory_space<vmem>>, vector<1x16xf32>,
        %get3A_189 = vector.shape_cast %get3A_188 : vector<1x16xf32> to vector<16xf32>
        %get3A_190 = arith.index_cast %add3A_67 : i32 to index
        %get3A_191 = arith.constant 384 : index
        %get3A_192 = tpu.vector_load %arg7[%get3A_190, %get3A_191] {strides = array<i32>} : memref<77x512xf32, #tpu.memory_space<vmem>>, vector<1x16xf32>,
        %get3A_193 = vector.shape_cast %get3A_192 : vector<1x16xf32> to vector<16xf32>
        %get3A_194 = arith.index_cast %add3A_67 : i32 to index
        %get3A_195 = arith.constant 400 : index
        %get3A_196 = tpu.vector_load %arg7[%get3A_194, %get3A_195] {strides = array<i32>} : memref<77x512xf32, #tpu.memory_space<vmem>>, vector<1x16xf32>,
        %get3A_197 = vector.shape_cast %get3A_196 : vector<1x16xf32> to vector<16xf32>
        %get3A_198 = arith.index_cast %add3A_67 : i32 to index
        %get3A_199 = arith.constant 416 : index
        %get3A_200 = tpu.vector_load %arg7[%get3A_198, %get3A_199] {strides = array<i32>} : memref<77x512xf32, #tpu.memory_space<vmem>>, vector<1x16xf32>,
        %get3A_201 = vector.shape_cast %get3A_200 : vector<1x16xf32> to vector<16xf32>
        %get3A_202 = arith.index_cast %add3A_67 : i32 to index
        %get3A_203 = arith.constant 432 : index
        %get3A_204 = tpu.vector_load %arg7[%get3A_202, %get3A_203] {strides = array<i32>} : memref<77x512xf32, #tpu.memory_space<vmem>>, vector<1x16xf32>,
        %get3A_205 = vector.shape_cast %get3A_204 : vector<1x16xf32> to vector<16xf32>
        %get3A_206 = arith.index_cast %add3A_67 : i32 to index
        %get3A_207 = arith.constant 448 : index
        %get3A_208 = tpu.vector_load %arg7[%get3A_206, %get3A_207] {strides = array<i32>} : memref<77x512xf32, #tpu.memory_space<vmem>>, vector<1x16xf32>,
        %get3A_209 = vector.shape_cast %get3A_208 : vector<1x16xf32> to vector<16xf32>
        %get3A_210 = arith.index_cast %add3A_67 : i32 to index
        %get3A_211 = arith.constant 464 : index
        %get3A_212 = tpu.vector_load %arg7[%get3A_210, %get3A_211] {strides = array<i32>} : memref<77x512xf32, #tpu.memory_space<vmem>>, vector<1x16xf32>,
        %get3A_213 = vector.shape_cast %get3A_212 : vector<1x16xf32> to vector<16xf32>
        %get3A_214 = arith.index_cast %add3A_67 : i32 to index
        %get3A_215 = arith.constant 480 : index
        %get3A_216 = tpu.vector_load %arg7[%get3A_214, %get3A_215] {strides = array<i32>} : memref<77x512xf32, #tpu.memory_space<vmem>>, vector<1x16xf32>,
        %get3A_217 = vector.shape_cast %get3A_216 : vector<1x16xf32> to vector<16xf32>
        %get3A_218 = arith.index_cast %add3A_67 : i32 to index
        %get3A_219 = arith.constant 496 : index
        %get3A_220 = tpu.vector_load %arg7[%get3A_218, %get3A_219] {strides = array<i32>} : memref<77x512xf32, #tpu.memory_space<vmem>>, vector<1x16xf32>,
        %get3A_221 = vector.shape_cast %get3A_220 : vector<1x16xf32> to vector<16xf32>
        %parallel_loop3A = arith.constant 0 : i32
        %parallel_loop3A_222 = arith.constant 32 : i32
        %parallel_loop3A_223 = arith.constant 1 : i32
        scf.for %parallel_loop3A_230 = %parallel_loop3A to %parallel_loop3A_222 step %parallel_loop3A_223  : i32 {
          %parallel_loop3A_231 = arith.index_cast %parallel_loop3A_230 : i32 to index
          %parallel_loop3A_232 = arith.constant 0 : index
          %parallel_loop3A_233 = tpu.vector_load %arg10[%parallel_loop3A_231, %parallel_loop3A_232] {strides = array<i32>} : memref<32x512xf32, #tpu.memory_space<vmem>>, vector<1x16xf32>,
          %parallel_loop3A_234 = vector.shape_cast %parallel_loop3A_233 : vector<1x16xf32> to vector<16xf32>
          %parallel_loop3A_235 = vector.shape_cast %get3A_97 : vector<16xf32> to vector<1x16xf32>
          tpu.vector_store %arg10[%parallel_loop3A_231, %parallel_loop3A_232], %parallel_loop3A_235 {add = true, strides = array<i32>} : memref<32x512xf32, #tpu.memory_space<vmem>>, vector<1x16xf32>,
          %parallel_loop3A_236 = arith.index_cast %parallel_loop3A_230 : i32 to index
          %parallel_loop3A_237 = arith.constant 16 : index
          %parallel_loop3A_238 = tpu.vector_load %arg10[%parallel_loop3A_236, %parallel_loop3A_237] {strides = array<i32>} : memref<32x512xf32, #tpu.memory_space<vmem>>, vector<1x16xf32>,
          %parallel_loop3A_239 = vector.shape_cast %parallel_loop3A_238 : vector<1x16xf32> to vector<16xf32>
          %parallel_loop3A_240 = vector.shape_cast %get3A_101 : vector<16xf32> to vector<1x16xf32>
          tpu.vector_store %arg10[%parallel_loop3A_236, %parallel_loop3A_237], %parallel_loop3A_240 {add = true, strides = array<i32>} : memref<32x512xf32, #tpu.memory_space<vmem>>, vector<1x16xf32>,
          %parallel_loop3A_241 = arith.index_cast %parallel_loop3A_230 : i32 to index
          %parallel_loop3A_242 = arith.constant 32 : index
          %parallel_loop3A_243 = tpu.vector_load %arg10[%parallel_loop3A_241, %parallel_loop3A_242] {strides = array<i32>} : memref<32x512xf32, #tpu.memory_space<vmem>>, vector<1x16xf32>,
          %parallel_loop3A_244 = vector.shape_cast %parallel_loop3A_243 : vector<1x16xf32> to vector<16xf32>
          %parallel_loop3A_245 = vector.shape_cast %get3A_105 : vector<16xf32> to vector<1x16xf32>
          tpu.vector_store %arg10[%parallel_loop3A_241, %parallel_loop3A_242], %parallel_loop3A_245 {add = true, strides = array<i32>} : memref<32x512xf32, #tpu.memory_space<vmem>>, vector<1x16xf32>,
          %parallel_loop3A_246 = arith.index_cast %parallel_loop3A_230 : i32 to index
          %parallel_loop3A_247 = arith.constant 48 : index
          %parallel_loop3A_248 = tpu.vector_load %arg10[%parallel_loop3A_246, %parallel_loop3A_247] {strides = array<i32>} : memref<32x512xf32, #tpu.memory_space<vmem>>, vector<1x16xf32>,
          %parallel_loop3A_249 = vector.shape_cast %parallel_loop3A_248 : vector<1x16xf32> to vector<16xf32>
          %parallel_loop3A_250 = vector.shape_cast %get3A_109 : vector<16xf32> to vector<1x16xf32>
          tpu.vector_store %arg10[%parallel_loop3A_246, %parallel_loop3A_247], %parallel_loop3A_250 {add = true, strides = array<i32>} : memref<32x512xf32, #tpu.memory_space<vmem>>, vector<1x16xf32>,
          %parallel_loop3A_251 = arith.index_cast %parallel_loop3A_230 : i32 to index
          %parallel_loop3A_252 = arith.constant 64 : index
          %parallel_loop3A_253 = tpu.vector_load %arg10[%parallel_loop3A_251, %parallel_loop3A_252] {strides = array<i32>} : memref<32x512xf32, #tpu.memory_space<vmem>>, vector<1x16xf32>,
          %parallel_loop3A_254 = vector.shape_cast %parallel_loop3A_253 : vector<1x16xf32> to vector<16xf32>
          %parallel_loop3A_255 = vector.shape_cast %get3A_113 : vector<16xf32> to vector<1x16xf32>
          tpu.vector_store %arg10[%parallel_loop3A_251, %parallel_loop3A_252], %parallel_loop3A_255 {add = true, strides = array<i32>} : memref<32x512xf32, #tpu.memory_space<vmem>>, vector<1x16xf32>,
          %parallel_loop3A_256 = arith.index_cast %parallel_loop3A_230 : i32 to index
          %parallel_loop3A_257 = arith.constant 80 : index
          %parallel_loop3A_258 = tpu.vector_load %arg10[%parallel_loop3A_256, %parallel_loop3A_257] {strides = array<i32>} : memref<32x512xf32, #tpu.memory_space<vmem>>, vector<1x16xf32>,
          %parallel_loop3A_259 = vector.shape_cast %parallel_loop3A_258 : vector<1x16xf32> to vector<16xf32>
          %parallel_loop3A_260 = vector.shape_cast %get3A_117 : vector<16xf32> to vector<1x16xf32>
          tpu.vector_store %arg10[%parallel_loop3A_256, %parallel_loop3A_257], %parallel_loop3A_260 {add = true, strides = array<i32>} : memref<32x512xf32, #tpu.memory_space<vmem>>, vector<1x16xf32>,
          %parallel_loop3A_261 = arith.index_cast %parallel_loop3A_230 : i32 to index
          %parallel_loop3A_262 = arith.constant 96 : index
          %parallel_loop3A_263 = tpu.vector_load %arg10[%parallel_loop3A_261, %parallel_loop3A_262] {strides = array<i32>} : memref<32x512xf32, #tpu.memory_space<vmem>>, vector<1x16xf32>,
          %parallel_loop3A_264 = vector.shape_cast %parallel_loop3A_263 : vector<1x16xf32> to vector<16xf32>
          %parallel_loop3A_265 = vector.shape_cast %get3A_121 : vector<16xf32> to vector<1x16xf32>
          tpu.vector_store %arg10[%parallel_loop3A_261, %parallel_loop3A_262], %parallel_loop3A_265 {add = true, strides = array<i32>} : memref<32x512xf32, #tpu.memory_space<vmem>>, vector<1x16xf32>,
          %parallel_loop3A_266 = arith.index_cast %parallel_loop3A_230 : i32 to index
          %parallel_loop3A_267 = arith.constant 112 : index
          %parallel_loop3A_268 = tpu.vector_load %arg10[%parallel_loop3A_266, %parallel_loop3A_267] {strides = array<i32>} : memref<32x512xf32, #tpu.memory_space<vmem>>, vector<1x16xf32>,
          %parallel_loop3A_269 = vector.shape_cast %parallel_loop3A_268 : vector<1x16xf32> to vector<16xf32>
          %parallel_loop3A_270 = vector.shape_cast %get3A_125 : vector<16xf32> to vector<1x16xf32>
          tpu.vector_store %arg10[%parallel_loop3A_266, %parallel_loop3A_267], %parallel_loop3A_270 {add = true, strides = array<i32>} : memref<32x512xf32, #tpu.memory_space<vmem>>, vector<1x16xf32>,
          %parallel_loop3A_271 = arith.index_cast %parallel_loop3A_230 : i32 to index
          %parallel_loop3A_272 = arith.constant 128 : index
          %parallel_loop3A_273 = tpu.vector_load %arg10[%parallel_loop3A_271, %parallel_loop3A_272] {strides = array<i32>} : memref<32x512xf32, #tpu.memory_space<vmem>>, vector<1x16xf32>,
          %parallel_loop3A_274 = vector.shape_cast %parallel_loop3A_273 : vector<1x16xf32> to vector<16xf32>
          %parallel_loop3A_275 = vector.shape_cast %get3A_129 : vector<16xf32> to vector<1x16xf32>
          tpu.vector_store %arg10[%parallel_loop3A_271, %parallel_loop3A_272], %parallel_loop3A_275 {add = true, strides = array<i32>} : memref<32x512xf32, #tpu.memory_space<vmem>>, vector<1x16xf32>,
          %parallel_loop3A_276 = arith.index_cast %parallel_loop3A_230 : i32 to index
          %parallel_loop3A_277 = arith.constant 144 : index
          %parallel_loop3A_278 = tpu.vector_load %arg10[%parallel_loop3A_276, %parallel_loop3A_277] {strides = array<i32>} : memref<32x512xf32, #tpu.memory_space<vmem>>, vector<1x16xf32>,
          %parallel_loop3A_279 = vector.shape_cast %parallel_loop3A_278 : vector<1x16xf32> to vector<16xf32>
          %parallel_loop3A_280 = vector.shape_cast %get3A_133 : vector<16xf32> to vector<1x16xf32>
          tpu.vector_store %arg10[%parallel_loop3A_276, %parallel_loop3A_277], %parallel_loop3A_280 {add = true, strides = array<i32>} : memref<32x512xf32, #tpu.memory_space<vmem>>, vector<1x16xf32>,
          %parallel_loop3A_281 = arith.index_cast %parallel_loop3A_230 : i32 to index
          %parallel_loop3A_282 = arith.constant 160 : index
          %parallel_loop3A_283 = tpu.vector_load %arg10[%parallel_loop3A_281, %parallel_loop3A_282] {strides = array<i32>} : memref<32x512xf32, #tpu.memory_space<vmem>>, vector<1x16xf32>,
          %parallel_loop3A_284 = vector.shape_cast %parallel_loop3A_283 : vector<1x16xf32> to vector<16xf32>
          %parallel_loop3A_285 = vector.shape_cast %get3A_137 : vector<16xf32> to vector<1x16xf32>
          tpu.vector_store %arg10[%parallel_loop3A_281, %parallel_loop3A_282], %parallel_loop3A_285 {add = true, strides = array<i32>} : memref<32x512xf32, #tpu.memory_space<vmem>>, vector<1x16xf32>,
          %parallel_loop3A_286 = arith.index_cast %parallel_loop3A_230 : i32 to index
          %parallel_loop3A_287 = arith.constant 176 : index
          %parallel_loop3A_288 = tpu.vector_load %arg10[%parallel_loop3A_286, %parallel_loop3A_287] {strides = array<i32>} : memref<32x512xf32, #tpu.memory_space<vmem>>, vector<1x16xf32>,
          %parallel_loop3A_289 = vector.shape_cast %parallel_loop3A_288 : vector<1x16xf32> to vector<16xf32>
          %parallel_loop3A_290 = vector.shape_cast %get3A_141 : vector<16xf32> to vector<1x16xf32>
          tpu.vector_store %arg10[%parallel_loop3A_286, %parallel_loop3A_287], %parallel_loop3A_290 {add = true, strides = array<i32>} : memref<32x512xf32, #tpu.memory_space<vmem>>, vector<1x16xf32>,
          %parallel_loop3A_291 = arith.index_cast %parallel_loop3A_230 : i32 to index
          %parallel_loop3A_292 = arith.constant 192 : index
          %parallel_loop3A_293 = tpu.vector_load %arg10[%parallel_loop3A_291, %parallel_loop3A_292] {strides = array<i32>} : memref<32x512xf32, #tpu.memory_space<vmem>>, vector<1x16xf32>,
          %parallel_loop3A_294 = vector.shape_cast %parallel_loop3A_293 : vector<1x16xf32> to vector<16xf32>
          %parallel_loop3A_295 = vector.shape_cast %get3A_145 : vector<16xf32> to vector<1x16xf32>
          tpu.vector_store %arg10[%parallel_loop3A_291, %parallel_loop3A_292], %parallel_loop3A_295 {add = true, strides = array<i32>} : memref<32x512xf32, #tpu.memory_space<vmem>>, vector<1x16xf32>,
          %parallel_loop3A_296 = arith.index_cast %parallel_loop3A_230 : i32 to index
          %parallel_loop3A_297 = arith.constant 208 : index
          %parallel_loop3A_298 = tpu.vector_load %arg10[%parallel_loop3A_296, %parallel_loop3A_297] {strides = array<i32>} : memref<32x512xf32, #tpu.memory_space<vmem>>, vector<1x16xf32>,
          %parallel_loop3A_299 = vector.shape_cast %parallel_loop3A_298 : vector<1x16xf32> to vector<16xf32>
          %parallel_loop3A_300 = vector.shape_cast %get3A_149 : vector<16xf32> to vector<1x16xf32>
          tpu.vector_store %arg10[%parallel_loop3A_296, %parallel_loop3A_297], %parallel_loop3A_300 {add = true, strides = array<i32>} : memref<32x512xf32, #tpu.memory_space<vmem>>, vector<1x16xf32>,
          %parallel_loop3A_301 = arith.index_cast %parallel_loop3A_230 : i32 to index
          %parallel_loop3A_302 = arith.constant 224 : index
          %parallel_loop3A_303 = tpu.vector_load %arg10[%parallel_loop3A_301, %parallel_loop3A_302] {strides = array<i32>} : memref<32x512xf32, #tpu.memory_space<vmem>>, vector<1x16xf32>,
          %parallel_loop3A_304 = vector.shape_cast %parallel_loop3A_303 : vector<1x16xf32> to vector<16xf32>
          %parallel_loop3A_305 = vector.shape_cast %get3A_153 : vector<16xf32> to vector<1x16xf32>
          tpu.vector_store %arg10[%parallel_loop3A_301, %parallel_loop3A_302], %parallel_loop3A_305 {add = true, strides = array<i32>} : memref<32x512xf32, #tpu.memory_space<vmem>>, vector<1x16xf32>,
          %parallel_loop3A_306 = arith.index_cast %parallel_loop3A_230 : i32 to index
          %parallel_loop3A_307 = arith.constant 240 : index
          %parallel_loop3A_308 = tpu.vector_load %arg10[%parallel_loop3A_306, %parallel_loop3A_307] {strides = array<i32>} : memref<32x512xf32, #tpu.memory_space<vmem>>, vector<1x16xf32>,
          %parallel_loop3A_309 = vector.shape_cast %parallel_loop3A_308 : vector<1x16xf32> to vector<16xf32>
          %parallel_loop3A_310 = vector.shape_cast %get3A_157 : vector<16xf32> to vector<1x16xf32>
          tpu.vector_store %arg10[%parallel_loop3A_306, %parallel_loop3A_307], %parallel_loop3A_310 {add = true, strides = array<i32>} : memref<32x512xf32, #tpu.memory_space<vmem>>, vector<1x16xf32>,
          %parallel_loop3A_311 = arith.index_cast %parallel_loop3A_230 : i32 to index
          %parallel_loop3A_312 = arith.constant 256 : index
          %parallel_loop3A_313 = tpu.vector_load %arg10[%parallel_loop3A_311, %parallel_loop3A_312] {strides = array<i32>} : memref<32x512xf32, #tpu.memory_space<vmem>>, vector<1x16xf32>,
          %parallel_loop3A_314 = vector.shape_cast %parallel_loop3A_313 : vector<1x16xf32> to vector<16xf32>
          %parallel_loop3A_315 = vector.shape_cast %get3A_161 : vector<16xf32> to vector<1x16xf32>
          tpu.vector_store %arg10[%parallel_loop3A_311, %parallel_loop3A_312], %parallel_loop3A_315 {add = true, strides = array<i32>} : memref<32x512xf32, #tpu.memory_space<vmem>>, vector<1x16xf32>,
          %parallel_loop3A_316 = arith.index_cast %parallel_loop3A_230 : i32 to index
          %parallel_loop3A_317 = arith.constant 272 : index
          %parallel_loop3A_318 = tpu.vector_load %arg10[%parallel_loop3A_316, %parallel_loop3A_317] {strides = array<i32>} : memref<32x512xf32, #tpu.memory_space<vmem>>, vector<1x16xf32>,
          %parallel_loop3A_319 = vector.shape_cast %parallel_loop3A_318 : vector<1x16xf32> to vector<16xf32>
          %parallel_loop3A_320 = vector.shape_cast %get3A_165 : vector<16xf32> to vector<1x16xf32>
          tpu.vector_store %arg10[%parallel_loop3A_316, %parallel_loop3A_317], %parallel_loop3A_320 {add = true, strides = array<i32>} : memref<32x512xf32, #tpu.memory_space<vmem>>, vector<1x16xf32>,
          %parallel_loop3A_321 = arith.index_cast %parallel_loop3A_230 : i32 to index
          %parallel_loop3A_322 = arith.constant 288 : index
          %parallel_loop3A_323 = tpu.vector_load %arg10[%parallel_loop3A_321, %parallel_loop3A_322] {strides = array<i32>} : memref<32x512xf32, #tpu.memory_space<vmem>>, vector<1x16xf32>,
          %parallel_loop3A_324 = vector.shape_cast %parallel_loop3A_323 : vector<1x16xf32> to vector<16xf32>
          %parallel_loop3A_325 = vector.shape_cast %get3A_169 : vector<16xf32> to vector<1x16xf32>
          tpu.vector_store %arg10[%parallel_loop3A_321, %parallel_loop3A_322], %parallel_loop3A_325 {add = true, strides = array<i32>} : memref<32x512xf32, #tpu.memory_space<vmem>>, vector<1x16xf32>,
          %parallel_loop3A_326 = arith.index_cast %parallel_loop3A_230 : i32 to index
          %parallel_loop3A_327 = arith.constant 304 : index
          %parallel_loop3A_328 = tpu.vector_load %arg10[%parallel_loop3A_326, %parallel_loop3A_327] {strides = array<i32>} : memref<32x512xf32, #tpu.memory_space<vmem>>, vector<1x16xf32>,
          %parallel_loop3A_329 = vector.shape_cast %parallel_loop3A_328 : vector<1x16xf32> to vector<16xf32>
          %parallel_loop3A_330 = vector.shape_cast %get3A_173 : vector<16xf32> to vector<1x16xf32>
          tpu.vector_store %arg10[%parallel_loop3A_326, %parallel_loop3A_327], %parallel_loop3A_330 {add = true, strides = array<i32>} : memref<32x512xf32, #tpu.memory_space<vmem>>, vector<1x16xf32>,
          %parallel_loop3A_331 = arith.index_cast %parallel_loop3A_230 : i32 to index
          %parallel_loop3A_332 = arith.constant 320 : index
          %parallel_loop3A_333 = tpu.vector_load %arg10[%parallel_loop3A_331, %parallel_loop3A_332] {strides = array<i32>} : memref<32x512xf32, #tpu.memory_space<vmem>>, vector<1x16xf32>,
          %parallel_loop3A_334 = vector.shape_cast %parallel_loop3A_333 : vector<1x16xf32> to vector<16xf32>
          %parallel_loop3A_335 = vector.shape_cast %get3A_177 : vector<16xf32> to vector<1x16xf32>
          tpu.vector_store %arg10[%parallel_loop3A_331, %parallel_loop3A_332], %parallel_loop3A_335 {add = true, strides = array<i32>} : memref<32x512xf32, #tpu.memory_space<vmem>>, vector<1x16xf32>,
          %parallel_loop3A_336 = arith.index_cast %parallel_loop3A_230 : i32 to index
          %parallel_loop3A_337 = arith.constant 336 : index
          %parallel_loop3A_338 = tpu.vector_load %arg10[%parallel_loop3A_336, %parallel_loop3A_337] {strides = array<i32>} : memref<32x512xf32, #tpu.memory_space<vmem>>, vector<1x16xf32>,
          %parallel_loop3A_339 = vector.shape_cast %parallel_loop3A_338 : vector<1x16xf32> to vector<16xf32>
          %parallel_loop3A_340 = vector.shape_cast %get3A_181 : vector<16xf32> to vector<1x16xf32>
          tpu.vector_store %arg10[%parallel_loop3A_336, %parallel_loop3A_337], %parallel_loop3A_340 {add = true, strides = array<i32>} : memref<32x512xf32, #tpu.memory_space<vmem>>, vector<1x16xf32>,
          %parallel_loop3A_341 = arith.index_cast %parallel_loop3A_230 : i32 to index
          %parallel_loop3A_342 = arith.constant 352 : index
          %parallel_loop3A_343 = tpu.vector_load %arg10[%parallel_loop3A_341, %parallel_loop3A_342] {strides = array<i32>} : memref<32x512xf32, #tpu.memory_space<vmem>>, vector<1x16xf32>,
          %parallel_loop3A_344 = vector.shape_cast %parallel_loop3A_343 : vector<1x16xf32> to vector<16xf32>
          %parallel_loop3A_345 = vector.shape_cast %get3A_185 : vector<16xf32> to vector<1x16xf32>
          tpu.vector_store %arg10[%parallel_loop3A_341, %parallel_loop3A_342], %parallel_loop3A_345 {add = true, strides = array<i32>} : memref<32x512xf32, #tpu.memory_space<vmem>>, vector<1x16xf32>,
          %parallel_loop3A_346 = arith.index_cast %parallel_loop3A_230 : i32 to index
          %parallel_loop3A_347 = arith.constant 368 : index
          %parallel_loop3A_348 = tpu.vector_load %arg10[%parallel_loop3A_346, %parallel_loop3A_347] {strides = array<i32>} : memref<32x512xf32, #tpu.memory_space<vmem>>, vector<1x16xf32>,
          %parallel_loop3A_349 = vector.shape_cast %parallel_loop3A_348 : vector<1x16xf32> to vector<16xf32>
          %parallel_loop3A_350 = vector.shape_cast %get3A_189 : vector<16xf32> to vector<1x16xf32>
          tpu.vector_store %arg10[%parallel_loop3A_346, %parallel_loop3A_347], %parallel_loop3A_350 {add = true, strides = array<i32>} : memref<32x512xf32, #tpu.memory_space<vmem>>, vector<1x16xf32>,
          %parallel_loop3A_351 = arith.index_cast %parallel_loop3A_230 : i32 to index
          %parallel_loop3A_352 = arith.constant 384 : index
          %parallel_loop3A_353 = tpu.vector_load %arg10[%parallel_loop3A_351, %parallel_loop3A_352] {strides = array<i32>} : memref<32x512xf32, #tpu.memory_space<vmem>>, vector<1x16xf32>,
          %parallel_loop3A_354 = vector.shape_cast %parallel_loop3A_353 : vector<1x16xf32> to vector<16xf32>
          %parallel_loop3A_355 = vector.shape_cast %get3A_193 : vector<16xf32> to vector<1x16xf32>
          tpu.vector_store %arg10[%parallel_loop3A_351, %parallel_loop3A_352], %parallel_loop3A_355 {add = true, strides = array<i32>} : memref<32x512xf32, #tpu.memory_space<vmem>>, vector<1x16xf32>,
          %parallel_loop3A_356 = arith.index_cast %parallel_loop3A_230 : i32 to index
          %parallel_loop3A_357 = arith.constant 400 : index
          %parallel_loop3A_358 = tpu.vector_load %arg10[%parallel_loop3A_356, %parallel_loop3A_357] {strides = array<i32>} : memref<32x512xf32, #tpu.memory_space<vmem>>, vector<1x16xf32>,
          %parallel_loop3A_359 = vector.shape_cast %parallel_loop3A_358 : vector<1x16xf32> to vector<16xf32>
          %parallel_loop3A_360 = vector.shape_cast %get3A_197 : vector<16xf32> to vector<1x16xf32>
          tpu.vector_store %arg10[%parallel_loop3A_356, %parallel_loop3A_357], %parallel_loop3A_360 {add = true, strides = array<i32>} : memref<32x512xf32, #tpu.memory_space<vmem>>, vector<1x16xf32>,
          %parallel_loop3A_361 = arith.index_cast %parallel_loop3A_230 : i32 to index
          %parallel_loop3A_362 = arith.constant 416 : index
          %parallel_loop3A_363 = tpu.vector_load %arg10[%parallel_loop3A_361, %parallel_loop3A_362] {strides = array<i32>} : memref<32x512xf32, #tpu.memory_space<vmem>>, vector<1x16xf32>,
          %parallel_loop3A_364 = vector.shape_cast %parallel_loop3A_363 : vector<1x16xf32> to vector<16xf32>
          %parallel_loop3A_365 = vector.shape_cast %get3A_201 : vector<16xf32> to vector<1x16xf32>
          tpu.vector_store %arg10[%parallel_loop3A_361, %parallel_loop3A_362], %parallel_loop3A_365 {add = true, strides = array<i32>} : memref<32x512xf32, #tpu.memory_space<vmem>>, vector<1x16xf32>,
          %parallel_loop3A_366 = arith.index_cast %parallel_loop3A_230 : i32 to index
          %parallel_loop3A_367 = arith.constant 432 : index
          %parallel_loop3A_368 = tpu.vector_load %arg10[%parallel_loop3A_366, %parallel_loop3A_367] {strides = array<i32>} : memref<32x512xf32, #tpu.memory_space<vmem>>, vector<1x16xf32>,
          %parallel_loop3A_369 = vector.shape_cast %parallel_loop3A_368 : vector<1x16xf32> to vector<16xf32>
          %parallel_loop3A_370 = vector.shape_cast %get3A_205 : vector<16xf32> to vector<1x16xf32>
          tpu.vector_store %arg10[%parallel_loop3A_366, %parallel_loop3A_367], %parallel_loop3A_370 {add = true, strides = array<i32>} : memref<32x512xf32, #tpu.memory_space<vmem>>, vector<1x16xf32>,
          %parallel_loop3A_371 = arith.index_cast %parallel_loop3A_230 : i32 to index
          %parallel_loop3A_372 = arith.constant 448 : index
          %parallel_loop3A_373 = tpu.vector_load %arg10[%parallel_loop3A_371, %parallel_loop3A_372] {strides = array<i32>} : memref<32x512xf32, #tpu.memory_space<vmem>>, vector<1x16xf32>,
          %parallel_loop3A_374 = vector.shape_cast %parallel_loop3A_373 : vector<1x16xf32> to vector<16xf32>
          %parallel_loop3A_375 = vector.shape_cast %get3A_209 : vector<16xf32> to vector<1x16xf32>
          tpu.vector_store %arg10[%parallel_loop3A_371, %parallel_loop3A_372], %parallel_loop3A_375 {add = true, strides = array<i32>} : memref<32x512xf32, #tpu.memory_space<vmem>>, vector<1x16xf32>,
          %parallel_loop3A_376 = arith.index_cast %parallel_loop3A_230 : i32 to index
          %parallel_loop3A_377 = arith.constant 464 : index
          %parallel_loop3A_378 = tpu.vector_load %arg10[%parallel_loop3A_376, %parallel_loop3A_377] {strides = array<i32>} : memref<32x512xf32, #tpu.memory_space<vmem>>, vector<1x16xf32>,
          %parallel_loop3A_379 = vector.shape_cast %parallel_loop3A_378 : vector<1x16xf32> to vector<16xf32>
          %parallel_loop3A_380 = vector.shape_cast %get3A_213 : vector<16xf32> to vector<1x16xf32>
          tpu.vector_store %arg10[%parallel_loop3A_376, %parallel_loop3A_377], %parallel_loop3A_380 {add = true, strides = array<i32>} : memref<32x512xf32, #tpu.memory_space<vmem>>, vector<1x16xf32>,
          %parallel_loop3A_381 = arith.index_cast %parallel_loop3A_230 : i32 to index
          %parallel_loop3A_382 = arith.constant 480 : index
          %parallel_loop3A_383 = tpu.vector_load %arg10[%parallel_loop3A_381, %parallel_loop3A_382] {strides = array<i32>} : memref<32x512xf32, #tpu.memory_space<vmem>>, vector<1x16xf32>,
          %parallel_loop3A_384 = vector.shape_cast %parallel_loop3A_383 : vector<1x16xf32> to vector<16xf32>
          %parallel_loop3A_385 = vector.shape_cast %get3A_217 : vector<16xf32> to vector<1x16xf32>
          tpu.vector_store %arg10[%parallel_loop3A_381, %parallel_loop3A_382], %parallel_loop3A_385 {add = true, strides = array<i32>} : memref<32x512xf32, #tpu.memory_space<vmem>>, vector<1x16xf32>,
          %parallel_loop3A_386 = arith.index_cast %parallel_loop3A_230 : i32 to index
          %parallel_loop3A_387 = arith.constant 496 : index
          %parallel_loop3A_388 = tpu.vector_load %arg10[%parallel_loop3A_386, %parallel_loop3A_387] {strides = array<i32>} : memref<32x512xf32, #tpu.memory_space<vmem>>, vector<1x16xf32>,
          %parallel_loop3A_389 = vector.shape_cast %parallel_loop3A_388 : vector<1x16xf32> to vector<16xf32>
          %parallel_loop3A_390 = vector.shape_cast %get3A_221 : vector<16xf32> to vector<1x16xf32>
          tpu.vector_store %arg10[%parallel_loop3A_386, %parallel_loop3A_387], %parallel_loop3A_390 {add = true, strides = array<i32>} : memref<32x512xf32, #tpu.memory_space<vmem>>, vector<1x16xf32>,
        } {sc.loop_unroll_factor = 4 : i64, sc.parallel_access}
        %dma_start3A_224 = arith.constant 0 : i32
        %dma_start3A_225 = tpu.memref_slice %arg5[%add3A_67, %mul3A_2, %dma_start3A_224] : memref<77x1024x512xf32, #tpu.memory_space<hbm>> -> memref<1x32x512xf32, #tpu.memory_space<hbm>>
        %dma_start3A_226 = tpu.memref_squeeze %dma_start3A_225 : memref<1x32x512xf32, #tpu.memory_space<hbm>> -> memref<32x512xf32, #tpu.memory_space<hbm>>
        %dma_start3A_227 = arith.constant 0 : i32
        %dma_start3A_228 = tpu.memref_slice %arg5[%add3A_67, %mul3A_2, %dma_start3A_227] : memref<77x1024x512xf32, #tpu.memory_space<hbm>> -> memref<1x32x512xf32, #tpu.memory_space<hbm>>
        %dma_start3A_229 = tpu.memref_squeeze %dma_start3A_228 : memref<1x32x512xf32, #tpu.memory_space<hbm>> -> memref<32x512xf32, #tpu.memory_space<hbm>>
        tpu.enqueue_dma source(%arg10 : memref<32x512xf32, #tpu.memory_space<vmem>>) target(%dma_start3A_229 : memref<32x512xf32, #tpu.memory_space<hbm>>) target_semaphore(%arg18 : memref<!tpu.dma_semaphore, #tpu.memory_space<semaphore_mem>>)
      } else {
      }
      %mul3A_73 = arith.constant 4 : i32
      %mul3A_74 = arith.muli %mul3A_73, %scan3A_48 : i32
      %add3A_75 = arith.constant 3 : i32
      %add3A_76 = arith.addi %mul3A_74, %add3A_75 : i32
      %lt3A_77 = arith.constant 77 : i32
      %lt3A_78 = arith.cmpi slt, %add3A_76, %lt3A_77 : i32
      %convert_element_type3A_79 = arith.extui %lt3A_78 : i1 to i32
      %cond3A_80 = arith.constant 0 : i32
      %cond3A_81 = arith.cmpi ne, %convert_element_type3A_79, %cond3A_80 : i32
      scf.if %cond3A_81 {
        %dma_wait3A_82 = arith.constant 0 : i32
        %dma_wait3A_83 = tpu.memref_slice %arg6[%add3A_76, %dma_wait3A_82] : memref<77x32xi32, #tpu.memory_space<vmem>> -> memref<1x32xi32, #tpu.memory_space<vmem>>
        %dma_wait3A_84 = tpu.memref_squeeze %dma_wait3A_83 : memref<1x32xi32, #tpu.memory_space<vmem>> -> memref<32xi32, #tpu.memory_space<vmem>>
        %dma_wait3A_85 = arith.constant 0 : i32
        %dma_wait3A_86 = arith.constant 0 : i32
        %dma_wait3A_87 = tpu.memref_slice %arg3[%dma_wait3A_85, %dma_wait3A_86] : memref<49408x512xf32, #tpu.memory_space<hbm>> -> memref<49408x512xf32, #tpu.memory_space<hbm>>
        tpu.wait_indirect_dma semaphore(%arg15 : memref<!tpu.dma_semaphore, #tpu.memory_space<semaphore_mem>>) src(%dma_wait3A_87 : memref<49408x512xf32, #tpu.memory_space<hbm>>) dst(%arg11 : memref<32x512xf32, #tpu.memory_space<vmem>>)
        %add3A_88 = arith.constant 2 : i32
        %add3A_89 = arith.addi %add3A_76, %add3A_88 : i32
        %lt3A_90 = arith.constant 77 : i32
        %lt3A_91 = arith.cmpi slt, %add3A_89, %lt3A_90 : i32
        %convert_element_type3A_92 = arith.extui %lt3A_91 : i1 to i32
        %cond3A_93 = arith.constant 0 : i32
        %cond3A_94 = arith.cmpi ne, %convert_element_type3A_92, %cond3A_93 : i32
        scf.if %cond3A_94 {
          %ge3A = arith.constant 2 : i32
          %ge3A_230 = arith.cmpi sge, %add3A_76, %ge3A : i32
          %convert_element_type3A_231 = arith.extui %ge3A_230 : i1 to i32
          %cond3A_232 = arith.constant 0 : i32
          %cond3A_233 = arith.cmpi ne, %convert_element_type3A_231, %cond3A_232 : i32
          scf.if %cond3A_233 {
            %sub3A = arith.constant 2 : i32
            %sub3A_242 = arith.subi %add3A_76, %sub3A : i32
            %dma_wait3A_243 = arith.constant 0 : i32
            %dma_wait3A_244 = tpu.memref_slice %arg5[%sub3A_242, %mul3A_2, %dma_wait3A_243] : memref<77x1024x512xf32, #tpu.memory_space<hbm>> -> memref<1x32x512xf32, #tpu.memory_space<hbm>>
            %dma_wait3A_245 = tpu.memref_squeeze %dma_wait3A_244 : memref<1x32x512xf32, #tpu.memory_space<hbm>> -> memref<32x512xf32, #tpu.memory_space<hbm>>
            %dma_wait3A_246 = arith.constant 0 : i32
            %dma_wait3A_247 = tpu.memref_slice %arg5[%sub3A_242, %mul3A_2, %dma_wait3A_246] : memref<77x1024x512xf32, #tpu.memory_space<hbm>> -> memref<1x32x512xf32, #tpu.memory_space<hbm>>
            %dma_wait3A_248 = tpu.memref_squeeze %dma_wait3A_247 : memref<1x32x512xf32, #tpu.memory_space<hbm>> -> memref<32x512xf32, #tpu.memory_space<hbm>>
            tpu.wait_dma2 semaphore(%arg17 : memref<!tpu.dma_semaphore, #tpu.memory_space<semaphore_mem>>) src(%arg9 : memref<32x512xf32, #tpu.memory_space<vmem>>) dst(%dma_wait3A_248 : memref<32x512xf32, #tpu.memory_space<hbm>>)
          } else {
          }
          %add3A_234 = arith.constant 2 : i32
          %add3A_235 = arith.addi %add3A_76, %add3A_234 : i32
          %dma_start3A_236 = arith.constant 0 : i32
          %dma_start3A_237 = tpu.memref_slice %arg6[%add3A_235, %dma_start3A_236] : memref<77x32xi32, #tpu.memory_space<vmem>> -> memref<1x32xi32, #tpu.memory_space<vmem>>
          %dma_start3A_238 = tpu.memref_squeeze %dma_start3A_237 : memref<1x32xi32, #tpu.memory_space<vmem>> -> memref<32xi32, #tpu.memory_space<vmem>>
          %dma_start3A_239 = arith.constant 0 : i32
          %dma_start3A_240 = arith.constant 0 : i32
          %dma_start3A_241 = tpu.memref_slice %arg3[%dma_start3A_239, %dma_start3A_240] : memref<49408x512xf32, #tpu.memory_space<hbm>> -> memref<49408x512xf32, #tpu.memory_space<hbm>>
          tpu.enqueue_indirect_dma source(%dma_start3A_241 : memref<49408x512xf32, #tpu.memory_space<hbm>>) target(%arg9 : memref<32x512xf32, #tpu.memory_space<vmem>>) offsets(%dma_start3A_238 : memref<32xi32, #tpu.memory_space<vmem>>) semaphore(%arg13 : memref<!tpu.dma_semaphore, #tpu.memory_space<semaphore_mem>>)
        } else {
        }
        %get3A = arith.index_cast %add3A_76 : i32 to index
        %get3A_95 = arith.constant 0 : index
        %get3A_96 = tpu.vector_load %arg7[%get3A, %get3A_95] {strides = array<i32>} : memref<77x512xf32, #tpu.memory_space<vmem>>, vector<1x16xf32>,
        %get3A_97 = vector.shape_cast %get3A_96 : vector<1x16xf32> to vector<16xf32>
        %get3A_98 = arith.index_cast %add3A_76 : i32 to index
        %get3A_99 = arith.constant 16 : index
        %get3A_100 = tpu.vector_load %arg7[%get3A_98, %get3A_99] {strides = array<i32>} : memref<77x512xf32, #tpu.memory_space<vmem>>, vector<1x16xf32>,
        %get3A_101 = vector.shape_cast %get3A_100 : vector<1x16xf32> to vector<16xf32>
        %get3A_102 = arith.index_cast %add3A_76 : i32 to index
        %get3A_103 = arith.constant 32 : index
        %get3A_104 = tpu.vector_load %arg7[%get3A_102, %get3A_103] {strides = array<i32>} : memref<77x512xf32, #tpu.memory_space<vmem>>, vector<1x16xf32>,
        %get3A_105 = vector.shape_cast %get3A_104 : vector<1x16xf32> to vector<16xf32>
        %get3A_106 = arith.index_cast %add3A_76 : i32 to index
        %get3A_107 = arith.constant 48 : index
        %get3A_108 = tpu.vector_load %arg7[%get3A_106, %get3A_107] {strides = array<i32>} : memref<77x512xf32, #tpu.memory_space<vmem>>, vector<1x16xf32>,
        %get3A_109 = vector.shape_cast %get3A_108 : vector<1x16xf32> to vector<16xf32>
        %get3A_110 = arith.index_cast %add3A_76 : i32 to index
        %get3A_111 = arith.constant 64 : index
        %get3A_112 = tpu.vector_load %arg7[%get3A_110, %get3A_111] {strides = array<i32>} : memref<77x512xf32, #tpu.memory_space<vmem>>, vector<1x16xf32>,
        %get3A_113 = vector.shape_cast %get3A_112 : vector<1x16xf32> to vector<16xf32>
        %get3A_114 = arith.index_cast %add3A_76 : i32 to index
        %get3A_115 = arith.constant 80 : index
        %get3A_116 = tpu.vector_load %arg7[%get3A_114, %get3A_115] {strides = array<i32>} : memref<77x512xf32, #tpu.memory_space<vmem>>, vector<1x16xf32>,
        %get3A_117 = vector.shape_cast %get3A_116 : vector<1x16xf32> to vector<16xf32>
        %get3A_118 = arith.index_cast %add3A_76 : i32 to index
        %get3A_119 = arith.constant 96 : index
        %get3A_120 = tpu.vector_load %arg7[%get3A_118, %get3A_119] {strides = array<i32>} : memref<77x512xf32, #tpu.memory_space<vmem>>, vector<1x16xf32>,
        %get3A_121 = vector.shape_cast %get3A_120 : vector<1x16xf32> to vector<16xf32>
        %get3A_122 = arith.index_cast %add3A_76 : i32 to index
        %get3A_123 = arith.constant 112 : index
        %get3A_124 = tpu.vector_load %arg7[%get3A_122, %get3A_123] {strides = array<i32>} : memref<77x512xf32, #tpu.memory_space<vmem>>, vector<1x16xf32>,
        %get3A_125 = vector.shape_cast %get3A_124 : vector<1x16xf32> to vector<16xf32>
        %get3A_126 = arith.index_cast %add3A_76 : i32 to index
        %get3A_127 = arith.constant 128 : index
        %get3A_128 = tpu.vector_load %arg7[%get3A_126, %get3A_127] {strides = array<i32>} : memref<77x512xf32, #tpu.memory_space<vmem>>, vector<1x16xf32>,
        %get3A_129 = vector.shape_cast %get3A_128 : vector<1x16xf32> to vector<16xf32>
        %get3A_130 = arith.index_cast %add3A_76 : i32 to index
        %get3A_131 = arith.constant 144 : index
        %get3A_132 = tpu.vector_load %arg7[%get3A_130, %get3A_131] {strides = array<i32>} : memref<77x512xf32, #tpu.memory_space<vmem>>, vector<1x16xf32>,
        %get3A_133 = vector.shape_cast %get3A_132 : vector<1x16xf32> to vector<16xf32>
        %get3A_134 = arith.index_cast %add3A_76 : i32 to index
        %get3A_135 = arith.constant 160 : index
        %get3A_136 = tpu.vector_load %arg7[%get3A_134, %get3A_135] {strides = array<i32>} : memref<77x512xf32, #tpu.memory_space<vmem>>, vector<1x16xf32>,
        %get3A_137 = vector.shape_cast %get3A_136 : vector<1x16xf32> to vector<16xf32>
        %get3A_138 = arith.index_cast %add3A_76 : i32 to index
        %get3A_139 = arith.constant 176 : index
        %get3A_140 = tpu.vector_load %arg7[%get3A_138, %get3A_139] {strides = array<i32>} : memref<77x512xf32, #tpu.memory_space<vmem>>, vector<1x16xf32>,
        %get3A_141 = vector.shape_cast %get3A_140 : vector<1x16xf32> to vector<16xf32>
        %get3A_142 = arith.index_cast %add3A_76 : i32 to index
        %get3A_143 = arith.constant 192 : index
        %get3A_144 = tpu.vector_load %arg7[%get3A_142, %get3A_143] {strides = array<i32>} : memref<77x512xf32, #tpu.memory_space<vmem>>, vector<1x16xf32>,
        %get3A_145 = vector.shape_cast %get3A_144 : vector<1x16xf32> to vector<16xf32>
        %get3A_146 = arith.index_cast %add3A_76 : i32 to index
        %get3A_147 = arith.constant 208 : index
        %get3A_148 = tpu.vector_load %arg7[%get3A_146, %get3A_147] {strides = array<i32>} : memref<77x512xf32, #tpu.memory_space<vmem>>, vector<1x16xf32>,
        %get3A_149 = vector.shape_cast %get3A_148 : vector<1x16xf32> to vector<16xf32>
        %get3A_150 = arith.index_cast %add3A_76 : i32 to index
        %get3A_151 = arith.constant 224 : index
        %get3A_152 = tpu.vector_load %arg7[%get3A_150, %get3A_151] {strides = array<i32>} : memref<77x512xf32, #tpu.memory_space<vmem>>, vector<1x16xf32>,
        %get3A_153 = vector.shape_cast %get3A_152 : vector<1x16xf32> to vector<16xf32>
        %get3A_154 = arith.index_cast %add3A_76 : i32 to index
        %get3A_155 = arith.constant 240 : index
        %get3A_156 = tpu.vector_load %arg7[%get3A_154, %get3A_155] {strides = array<i32>} : memref<77x512xf32, #tpu.memory_space<vmem>>, vector<1x16xf32>,
        %get3A_157 = vector.shape_cast %get3A_156 : vector<1x16xf32> to vector<16xf32>
        %get3A_158 = arith.index_cast %add3A_76 : i32 to index
        %get3A_159 = arith.constant 256 : index
        %get3A_160 = tpu.vector_load %arg7[%get3A_158, %get3A_159] {strides = array<i32>} : memref<77x512xf32, #tpu.memory_space<vmem>>, vector<1x16xf32>,
        %get3A_161 = vector.shape_cast %get3A_160 : vector<1x16xf32> to vector<16xf32>
        %get3A_162 = arith.index_cast %add3A_76 : i32 to index
        %get3A_163 = arith.constant 272 : index
        %get3A_164 = tpu.vector_load %arg7[%get3A_162, %get3A_163] {strides = array<i32>} : memref<77x512xf32, #tpu.memory_space<vmem>>, vector<1x16xf32>,
        %get3A_165 = vector.shape_cast %get3A_164 : vector<1x16xf32> to vector<16xf32>
        %get3A_166 = arith.index_cast %add3A_76 : i32 to index
        %get3A_167 = arith.constant 288 : index
        %get3A_168 = tpu.vector_load %arg7[%get3A_166, %get3A_167] {strides = array<i32>} : memref<77x512xf32, #tpu.memory_space<vmem>>, vector<1x16xf32>,
        %get3A_169 = vector.shape_cast %get3A_168 : vector<1x16xf32> to vector<16xf32>
        %get3A_170 = arith.index_cast %add3A_76 : i32 to index
        %get3A_171 = arith.constant 304 : index
        %get3A_172 = tpu.vector_load %arg7[%get3A_170, %get3A_171] {strides = array<i32>} : memref<77x512xf32, #tpu.memory_space<vmem>>, vector<1x16xf32>,
        %get3A_173 = vector.shape_cast %get3A_172 : vector<1x16xf32> to vector<16xf32>
        %get3A_174 = arith.index_cast %add3A_76 : i32 to index
        %get3A_175 = arith.constant 320 : index
        %get3A_176 = tpu.vector_load %arg7[%get3A_174, %get3A_175] {strides = array<i32>} : memref<77x512xf32, #tpu.memory_space<vmem>>, vector<1x16xf32>,
        %get3A_177 = vector.shape_cast %get3A_176 : vector<1x16xf32> to vector<16xf32>
        %get3A_178 = arith.index_cast %add3A_76 : i32 to index
        %get3A_179 = arith.constant 336 : index
        %get3A_180 = tpu.vector_load %arg7[%get3A_178, %get3A_179] {strides = array<i32>} : memref<77x512xf32, #tpu.memory_space<vmem>>, vector<1x16xf32>,
        %get3A_181 = vector.shape_cast %get3A_180 : vector<1x16xf32> to vector<16xf32>
        %get3A_182 = arith.index_cast %add3A_76 : i32 to index
        %get3A_183 = arith.constant 352 : index
        %get3A_184 = tpu.vector_load %arg7[%get3A_182, %get3A_183] {strides = array<i32>} : memref<77x512xf32, #tpu.memory_space<vmem>>, vector<1x16xf32>,
        %get3A_185 = vector.shape_cast %get3A_184 : vector<1x16xf32> to vector<16xf32>
        %get3A_186 = arith.index_cast %add3A_76 : i32 to index
        %get3A_187 = arith.constant 368 : index
        %get3A_188 = tpu.vector_load %arg7[%get3A_186, %get3A_187] {strides = array<i32>} : memref<77x512xf32, #tpu.memory_space<vmem>>, vector<1x16xf32>,
        %get3A_189 = vector.shape_cast %get3A_188 : vector<1x16xf32> to vector<16xf32>
        %get3A_190 = arith.index_cast %add3A_76 : i32 to index
        %get3A_191 = arith.constant 384 : index
        %get3A_192 = tpu.vector_load %arg7[%get3A_190, %get3A_191] {strides = array<i32>} : memref<77x512xf32, #tpu.memory_space<vmem>>, vector<1x16xf32>,
        %get3A_193 = vector.shape_cast %get3A_192 : vector<1x16xf32> to vector<16xf32>
        %get3A_194 = arith.index_cast %add3A_76 : i32 to index
        %get3A_195 = arith.constant 400 : index
        %get3A_196 = tpu.vector_load %arg7[%get3A_194, %get3A_195] {strides = array<i32>} : memref<77x512xf32, #tpu.memory_space<vmem>>, vector<1x16xf32>,
        %get3A_197 = vector.shape_cast %get3A_196 : vector<1x16xf32> to vector<16xf32>
        %get3A_198 = arith.index_cast %add3A_76 : i32 to index
        %get3A_199 = arith.constant 416 : index
        %get3A_200 = tpu.vector_load %arg7[%get3A_198, %get3A_199] {strides = array<i32>} : memref<77x512xf32, #tpu.memory_space<vmem>>, vector<1x16xf32>,
        %get3A_201 = vector.shape_cast %get3A_200 : vector<1x16xf32> to vector<16xf32>
        %get3A_202 = arith.index_cast %add3A_76 : i32 to index
        %get3A_203 = arith.constant 432 : index
        %get3A_204 = tpu.vector_load %arg7[%get3A_202, %get3A_203] {strides = array<i32>} : memref<77x512xf32, #tpu.memory_space<vmem>>, vector<1x16xf32>,
        %get3A_205 = vector.shape_cast %get3A_204 : vector<1x16xf32> to vector<16xf32>
        %get3A_206 = arith.index_cast %add3A_76 : i32 to index
        %get3A_207 = arith.constant 448 : index
        %get3A_208 = tpu.vector_load %arg7[%get3A_206, %get3A_207] {strides = array<i32>} : memref<77x512xf32, #tpu.memory_space<vmem>>, vector<1x16xf32>,
        %get3A_209 = vector.shape_cast %get3A_208 : vector<1x16xf32> to vector<16xf32>
        %get3A_210 = arith.index_cast %add3A_76 : i32 to index
        %get3A_211 = arith.constant 464 : index
        %get3A_212 = tpu.vector_load %arg7[%get3A_210, %get3A_211] {strides = array<i32>} : memref<77x512xf32, #tpu.memory_space<vmem>>, vector<1x16xf32>,
        %get3A_213 = vector.shape_cast %get3A_212 : vector<1x16xf32> to vector<16xf32>
        %get3A_214 = arith.index_cast %add3A_76 : i32 to index
        %get3A_215 = arith.constant 480 : index
        %get3A_216 = tpu.vector_load %arg7[%get3A_214, %get3A_215] {strides = array<i32>} : memref<77x512xf32, #tpu.memory_space<vmem>>, vector<1x16xf32>,
        %get3A_217 = vector.shape_cast %get3A_216 : vector<1x16xf32> to vector<16xf32>
        %get3A_218 = arith.index_cast %add3A_76 : i32 to index
        %get3A_219 = arith.constant 496 : index
        %get3A_220 = tpu.vector_load %arg7[%get3A_218, %get3A_219] {strides = array<i32>} : memref<77x512xf32, #tpu.memory_space<vmem>>, vector<1x16xf32>,
        %get3A_221 = vector.shape_cast %get3A_220 : vector<1x16xf32> to vector<16xf32>
        %parallel_loop3A = arith.constant 0 : i32
        %parallel_loop3A_222 = arith.constant 32 : i32
        %parallel_loop3A_223 = arith.constant 1 : i32
        scf.for %parallel_loop3A_230 = %parallel_loop3A to %parallel_loop3A_222 step %parallel_loop3A_223  : i32 {
          %parallel_loop3A_231 = arith.index_cast %parallel_loop3A_230 : i32 to index
          %parallel_loop3A_232 = arith.constant 0 : index
          %parallel_loop3A_233 = tpu.vector_load %arg11[%parallel_loop3A_231, %parallel_loop3A_232] {strides = array<i32>} : memref<32x512xf32, #tpu.memory_space<vmem>>, vector<1x16xf32>,
          %parallel_loop3A_234 = vector.shape_cast %parallel_loop3A_233 : vector<1x16xf32> to vector<16xf32>
          %parallel_loop3A_235 = vector.shape_cast %get3A_97 : vector<16xf32> to vector<1x16xf32>
          tpu.vector_store %arg11[%parallel_loop3A_231, %parallel_loop3A_232], %parallel_loop3A_235 {add = true, strides = array<i32>} : memref<32x512xf32, #tpu.memory_space<vmem>>, vector<1x16xf32>,
          %parallel_loop3A_236 = arith.index_cast %parallel_loop3A_230 : i32 to index
          %parallel_loop3A_237 = arith.constant 16 : index
          %parallel_loop3A_238 = tpu.vector_load %arg11[%parallel_loop3A_236, %parallel_loop3A_237] {strides = array<i32>} : memref<32x512xf32, #tpu.memory_space<vmem>>, vector<1x16xf32>,
          %parallel_loop3A_239 = vector.shape_cast %parallel_loop3A_238 : vector<1x16xf32> to vector<16xf32>
          %parallel_loop3A_240 = vector.shape_cast %get3A_101 : vector<16xf32> to vector<1x16xf32>
          tpu.vector_store %arg11[%parallel_loop3A_236, %parallel_loop3A_237], %parallel_loop3A_240 {add = true, strides = array<i32>} : memref<32x512xf32, #tpu.memory_space<vmem>>, vector<1x16xf32>,
          %parallel_loop3A_241 = arith.index_cast %parallel_loop3A_230 : i32 to index
          %parallel_loop3A_242 = arith.constant 32 : index
          %parallel_loop3A_243 = tpu.vector_load %arg11[%parallel_loop3A_241, %parallel_loop3A_242] {strides = array<i32>} : memref<32x512xf32, #tpu.memory_space<vmem>>, vector<1x16xf32>,
          %parallel_loop3A_244 = vector.shape_cast %parallel_loop3A_243 : vector<1x16xf32> to vector<16xf32>
          %parallel_loop3A_245 = vector.shape_cast %get3A_105 : vector<16xf32> to vector<1x16xf32>
          tpu.vector_store %arg11[%parallel_loop3A_241, %parallel_loop3A_242], %parallel_loop3A_245 {add = true, strides = array<i32>} : memref<32x512xf32, #tpu.memory_space<vmem>>, vector<1x16xf32>,
          %parallel_loop3A_246 = arith.index_cast %parallel_loop3A_230 : i32 to index
          %parallel_loop3A_247 = arith.constant 48 : index
          %parallel_loop3A_248 = tpu.vector_load %arg11[%parallel_loop3A_246, %parallel_loop3A_247] {strides = array<i32>} : memref<32x512xf32, #tpu.memory_space<vmem>>, vector<1x16xf32>,
          %parallel_loop3A_249 = vector.shape_cast %parallel_loop3A_248 : vector<1x16xf32> to vector<16xf32>
          %parallel_loop3A_250 = vector.shape_cast %get3A_109 : vector<16xf32> to vector<1x16xf32>
          tpu.vector_store %arg11[%parallel_loop3A_246, %parallel_loop3A_247], %parallel_loop3A_250 {add = true, strides = array<i32>} : memref<32x512xf32, #tpu.memory_space<vmem>>, vector<1x16xf32>,
          %parallel_loop3A_251 = arith.index_cast %parallel_loop3A_230 : i32 to index
          %parallel_loop3A_252 = arith.constant 64 : index
          %parallel_loop3A_253 = tpu.vector_load %arg11[%parallel_loop3A_251, %parallel_loop3A_252] {strides = array<i32>} : memref<32x512xf32, #tpu.memory_space<vmem>>, vector<1x16xf32>,
          %parallel_loop3A_254 = vector.shape_cast %parallel_loop3A_253 : vector<1x16xf32> to vector<16xf32>
          %parallel_loop3A_255 = vector.shape_cast %get3A_113 : vector<16xf32> to vector<1x16xf32>
          tpu.vector_store %arg11[%parallel_loop3A_251, %parallel_loop3A_252], %parallel_loop3A_255 {add = true, strides = array<i32>} : memref<32x512xf32, #tpu.memory_space<vmem>>, vector<1x16xf32>,
          %parallel_loop3A_256 = arith.index_cast %parallel_loop3A_230 : i32 to index
          %parallel_loop3A_257 = arith.constant 80 : index
          %parallel_loop3A_258 = tpu.vector_load %arg11[%parallel_loop3A_256, %parallel_loop3A_257] {strides = array<i32>} : memref<32x512xf32, #tpu.memory_space<vmem>>, vector<1x16xf32>,
          %parallel_loop3A_259 = vector.shape_cast %parallel_loop3A_258 : vector<1x16xf32> to vector<16xf32>
          %parallel_loop3A_260 = vector.shape_cast %get3A_117 : vector<16xf32> to vector<1x16xf32>
          tpu.vector_store %arg11[%parallel_loop3A_256, %parallel_loop3A_257], %parallel_loop3A_260 {add = true, strides = array<i32>} : memref<32x512xf32, #tpu.memory_space<vmem>>, vector<1x16xf32>,
          %parallel_loop3A_261 = arith.index_cast %parallel_loop3A_230 : i32 to index
          %parallel_loop3A_262 = arith.constant 96 : index
          %parallel_loop3A_263 = tpu.vector_load %arg11[%parallel_loop3A_261, %parallel_loop3A_262] {strides = array<i32>} : memref<32x512xf32, #tpu.memory_space<vmem>>, vector<1x16xf32>,
          %parallel_loop3A_264 = vector.shape_cast %parallel_loop3A_263 : vector<1x16xf32> to vector<16xf32>
          %parallel_loop3A_265 = vector.shape_cast %get3A_121 : vector<16xf32> to vector<1x16xf32>
          tpu.vector_store %arg11[%parallel_loop3A_261, %parallel_loop3A_262], %parallel_loop3A_265 {add = true, strides = array<i32>} : memref<32x512xf32, #tpu.memory_space<vmem>>, vector<1x16xf32>,
          %parallel_loop3A_266 = arith.index_cast %parallel_loop3A_230 : i32 to index
          %parallel_loop3A_267 = arith.constant 112 : index
          %parallel_loop3A_268 = tpu.vector_load %arg11[%parallel_loop3A_266, %parallel_loop3A_267] {strides = array<i32>} : memref<32x512xf32, #tpu.memory_space<vmem>>, vector<1x16xf32>,
          %parallel_loop3A_269 = vector.shape_cast %parallel_loop3A_268 : vector<1x16xf32> to vector<16xf32>
          %parallel_loop3A_270 = vector.shape_cast %get3A_125 : vector<16xf32> to vector<1x16xf32>
          tpu.vector_store %arg11[%parallel_loop3A_266, %parallel_loop3A_267], %parallel_loop3A_270 {add = true, strides = array<i32>} : memref<32x512xf32, #tpu.memory_space<vmem>>, vector<1x16xf32>,
          %parallel_loop3A_271 = arith.index_cast %parallel_loop3A_230 : i32 to index
          %parallel_loop3A_272 = arith.constant 128 : index
          %parallel_loop3A_273 = tpu.vector_load %arg11[%parallel_loop3A_271, %parallel_loop3A_272] {strides = array<i32>} : memref<32x512xf32, #tpu.memory_space<vmem>>, vector<1x16xf32>,
          %parallel_loop3A_274 = vector.shape_cast %parallel_loop3A_273 : vector<1x16xf32> to vector<16xf32>
          %parallel_loop3A_275 = vector.shape_cast %get3A_129 : vector<16xf32> to vector<1x16xf32>
          tpu.vector_store %arg11[%parallel_loop3A_271, %parallel_loop3A_272], %parallel_loop3A_275 {add = true, strides = array<i32>} : memref<32x512xf32, #tpu.memory_space<vmem>>, vector<1x16xf32>,
          %parallel_loop3A_276 = arith.index_cast %parallel_loop3A_230 : i32 to index
          %parallel_loop3A_277 = arith.constant 144 : index
          %parallel_loop3A_278 = tpu.vector_load %arg11[%parallel_loop3A_276, %parallel_loop3A_277] {strides = array<i32>} : memref<32x512xf32, #tpu.memory_space<vmem>>, vector<1x16xf32>,
          %parallel_loop3A_279 = vector.shape_cast %parallel_loop3A_278 : vector<1x16xf32> to vector<16xf32>
          %parallel_loop3A_280 = vector.shape_cast %get3A_133 : vector<16xf32> to vector<1x16xf32>
          tpu.vector_store %arg11[%parallel_loop3A_276, %parallel_loop3A_277], %parallel_loop3A_280 {add = true, strides = array<i32>} : memref<32x512xf32, #tpu.memory_space<vmem>>, vector<1x16xf32>,
          %parallel_loop3A_281 = arith.index_cast %parallel_loop3A_230 : i32 to index
          %parallel_loop3A_282 = arith.constant 160 : index
          %parallel_loop3A_283 = tpu.vector_load %arg11[%parallel_loop3A_281, %parallel_loop3A_282] {strides = array<i32>} : memref<32x512xf32, #tpu.memory_space<vmem>>, vector<1x16xf32>,
          %parallel_loop3A_284 = vector.shape_cast %parallel_loop3A_283 : vector<1x16xf32> to vector<16xf32>
          %parallel_loop3A_285 = vector.shape_cast %get3A_137 : vector<16xf32> to vector<1x16xf32>
          tpu.vector_store %arg11[%parallel_loop3A_281, %parallel_loop3A_282], %parallel_loop3A_285 {add = true, strides = array<i32>} : memref<32x512xf32, #tpu.memory_space<vmem>>, vector<1x16xf32>,
          %parallel_loop3A_286 = arith.index_cast %parallel_loop3A_230 : i32 to index
          %parallel_loop3A_287 = arith.constant 176 : index
          %parallel_loop3A_288 = tpu.vector_load %arg11[%parallel_loop3A_286, %parallel_loop3A_287] {strides = array<i32>} : memref<32x512xf32, #tpu.memory_space<vmem>>, vector<1x16xf32>,
          %parallel_loop3A_289 = vector.shape_cast %parallel_loop3A_288 : vector<1x16xf32> to vector<16xf32>
          %parallel_loop3A_290 = vector.shape_cast %get3A_141 : vector<16xf32> to vector<1x16xf32>
          tpu.vector_store %arg11[%parallel_loop3A_286, %parallel_loop3A_287], %parallel_loop3A_290 {add = true, strides = array<i32>} : memref<32x512xf32, #tpu.memory_space<vmem>>, vector<1x16xf32>,
          %parallel_loop3A_291 = arith.index_cast %parallel_loop3A_230 : i32 to index
          %parallel_loop3A_292 = arith.constant 192 : index
          %parallel_loop3A_293 = tpu.vector_load %arg11[%parallel_loop3A_291, %parallel_loop3A_292] {strides = array<i32>} : memref<32x512xf32, #tpu.memory_space<vmem>>, vector<1x16xf32>,
          %parallel_loop3A_294 = vector.shape_cast %parallel_loop3A_293 : vector<1x16xf32> to vector<16xf32>
          %parallel_loop3A_295 = vector.shape_cast %get3A_145 : vector<16xf32> to vector<1x16xf32>
          tpu.vector_store %arg11[%parallel_loop3A_291, %parallel_loop3A_292], %parallel_loop3A_295 {add = true, strides = array<i32>} : memref<32x512xf32, #tpu.memory_space<vmem>>, vector<1x16xf32>,
          %parallel_loop3A_296 = arith.index_cast %parallel_loop3A_230 : i32 to index
          %parallel_loop3A_297 = arith.constant 208 : index
          %parallel_loop3A_298 = tpu.vector_load %arg11[%parallel_loop3A_296, %parallel_loop3A_297] {strides = array<i32>} : memref<32x512xf32, #tpu.memory_space<vmem>>, vector<1x16xf32>,
          %parallel_loop3A_299 = vector.shape_cast %parallel_loop3A_298 : vector<1x16xf32> to vector<16xf32>
          %parallel_loop3A_300 = vector.shape_cast %get3A_149 : vector<16xf32> to vector<1x16xf32>
          tpu.vector_store %arg11[%parallel_loop3A_296, %parallel_loop3A_297], %parallel_loop3A_300 {add = true, strides = array<i32>} : memref<32x512xf32, #tpu.memory_space<vmem>>, vector<1x16xf32>,
          %parallel_loop3A_301 = arith.index_cast %parallel_loop3A_230 : i32 to index
          %parallel_loop3A_302 = arith.constant 224 : index
          %parallel_loop3A_303 = tpu.vector_load %arg11[%parallel_loop3A_301, %parallel_loop3A_302] {strides = array<i32>} : memref<32x512xf32, #tpu.memory_space<vmem>>, vector<1x16xf32>,
          %parallel_loop3A_304 = vector.shape_cast %parallel_loop3A_303 : vector<1x16xf32> to vector<16xf32>
          %parallel_loop3A_305 = vector.shape_cast %get3A_153 : vector<16xf32> to vector<1x16xf32>
          tpu.vector_store %arg11[%parallel_loop3A_301, %parallel_loop3A_302], %parallel_loop3A_305 {add = true, strides = array<i32>} : memref<32x512xf32, #tpu.memory_space<vmem>>, vector<1x16xf32>,
          %parallel_loop3A_306 = arith.index_cast %parallel_loop3A_230 : i32 to index
          %parallel_loop3A_307 = arith.constant 240 : index
          %parallel_loop3A_308 = tpu.vector_load %arg11[%parallel_loop3A_306, %parallel_loop3A_307] {strides = array<i32>} : memref<32x512xf32, #tpu.memory_space<vmem>>, vector<1x16xf32>,
          %parallel_loop3A_309 = vector.shape_cast %parallel_loop3A_308 : vector<1x16xf32> to vector<16xf32>
          %parallel_loop3A_310 = vector.shape_cast %get3A_157 : vector<16xf32> to vector<1x16xf32>
          tpu.vector_store %arg11[%parallel_loop3A_306, %parallel_loop3A_307], %parallel_loop3A_310 {add = true, strides = array<i32>} : memref<32x512xf32, #tpu.memory_space<vmem>>, vector<1x16xf32>,
          %parallel_loop3A_311 = arith.index_cast %parallel_loop3A_230 : i32 to index
          %parallel_loop3A_312 = arith.constant 256 : index
          %parallel_loop3A_313 = tpu.vector_load %arg11[%parallel_loop3A_311, %parallel_loop3A_312] {strides = array<i32>} : memref<32x512xf32, #tpu.memory_space<vmem>>, vector<1x16xf32>,
          %parallel_loop3A_314 = vector.shape_cast %parallel_loop3A_313 : vector<1x16xf32> to vector<16xf32>
          %parallel_loop3A_315 = vector.shape_cast %get3A_161 : vector<16xf32> to vector<1x16xf32>
          tpu.vector_store %arg11[%parallel_loop3A_311, %parallel_loop3A_312], %parallel_loop3A_315 {add = true, strides = array<i32>} : memref<32x512xf32, #tpu.memory_space<vmem>>, vector<1x16xf32>,
          %parallel_loop3A_316 = arith.index_cast %parallel_loop3A_230 : i32 to index
          %parallel_loop3A_317 = arith.constant 272 : index
          %parallel_loop3A_318 = tpu.vector_load %arg11[%parallel_loop3A_316, %parallel_loop3A_317] {strides = array<i32>} : memref<32x512xf32, #tpu.memory_space<vmem>>, vector<1x16xf32>,
          %parallel_loop3A_319 = vector.shape_cast %parallel_loop3A_318 : vector<1x16xf32> to vector<16xf32>
          %parallel_loop3A_320 = vector.shape_cast %get3A_165 : vector<16xf32> to vector<1x16xf32>
          tpu.vector_store %arg11[%parallel_loop3A_316, %parallel_loop3A_317], %parallel_loop3A_320 {add = true, strides = array<i32>} : memref<32x512xf32, #tpu.memory_space<vmem>>, vector<1x16xf32>,
          %parallel_loop3A_321 = arith.index_cast %parallel_loop3A_230 : i32 to index
          %parallel_loop3A_322 = arith.constant 288 : index
          %parallel_loop3A_323 = tpu.vector_load %arg11[%parallel_loop3A_321, %parallel_loop3A_322] {strides = array<i32>} : memref<32x512xf32, #tpu.memory_space<vmem>>, vector<1x16xf32>,
          %parallel_loop3A_324 = vector.shape_cast %parallel_loop3A_323 : vector<1x16xf32> to vector<16xf32>
          %parallel_loop3A_325 = vector.shape_cast %get3A_169 : vector<16xf32> to vector<1x16xf32>
          tpu.vector_store %arg11[%parallel_loop3A_321, %parallel_loop3A_322], %parallel_loop3A_325 {add = true, strides = array<i32>} : memref<32x512xf32, #tpu.memory_space<vmem>>, vector<1x16xf32>,
          %parallel_loop3A_326 = arith.index_cast %parallel_loop3A_230 : i32 to index
          %parallel_loop3A_327 = arith.constant 304 : index
          %parallel_loop3A_328 = tpu.vector_load %arg11[%parallel_loop3A_326, %parallel_loop3A_327] {strides = array<i32>} : memref<32x512xf32, #tpu.memory_space<vmem>>, vector<1x16xf32>,
          %parallel_loop3A_329 = vector.shape_cast %parallel_loop3A_328 : vector<1x16xf32> to vector<16xf32>
          %parallel_loop3A_330 = vector.shape_cast %get3A_173 : vector<16xf32> to vector<1x16xf32>
          tpu.vector_store %arg11[%parallel_loop3A_326, %parallel_loop3A_327], %parallel_loop3A_330 {add = true, strides = array<i32>} : memref<32x512xf32, #tpu.memory_space<vmem>>, vector<1x16xf32>,
          %parallel_loop3A_331 = arith.index_cast %parallel_loop3A_230 : i32 to index
          %parallel_loop3A_332 = arith.constant 320 : index
          %parallel_loop3A_333 = tpu.vector_load %arg11[%parallel_loop3A_331, %parallel_loop3A_332] {strides = array<i32>} : memref<32x512xf32, #tpu.memory_space<vmem>>, vector<1x16xf32>,
          %parallel_loop3A_334 = vector.shape_cast %parallel_loop3A_333 : vector<1x16xf32> to vector<16xf32>
          %parallel_loop3A_335 = vector.shape_cast %get3A_177 : vector<16xf32> to vector<1x16xf32>
          tpu.vector_store %arg11[%parallel_loop3A_331, %parallel_loop3A_332], %parallel_loop3A_335 {add = true, strides = array<i32>} : memref<32x512xf32, #tpu.memory_space<vmem>>, vector<1x16xf32>,
          %parallel_loop3A_336 = arith.index_cast %parallel_loop3A_230 : i32 to index
          %parallel_loop3A_337 = arith.constant 336 : index
          %parallel_loop3A_338 = tpu.vector_load %arg11[%parallel_loop3A_336, %parallel_loop3A_337] {strides = array<i32>} : memref<32x512xf32, #tpu.memory_space<vmem>>, vector<1x16xf32>,
          %parallel_loop3A_339 = vector.shape_cast %parallel_loop3A_338 : vector<1x16xf32> to vector<16xf32>
          %parallel_loop3A_340 = vector.shape_cast %get3A_181 : vector<16xf32> to vector<1x16xf32>
          tpu.vector_store %arg11[%parallel_loop3A_336, %parallel_loop3A_337], %parallel_loop3A_340 {add = true, strides = array<i32>} : memref<32x512xf32, #tpu.memory_space<vmem>>, vector<1x16xf32>,
          %parallel_loop3A_341 = arith.index_cast %parallel_loop3A_230 : i32 to index
          %parallel_loop3A_342 = arith.constant 352 : index
          %parallel_loop3A_343 = tpu.vector_load %arg11[%parallel_loop3A_341, %parallel_loop3A_342] {strides = array<i32>} : memref<32x512xf32, #tpu.memory_space<vmem>>, vector<1x16xf32>,
          %parallel_loop3A_344 = vector.shape_cast %parallel_loop3A_343 : vector<1x16xf32> to vector<16xf32>
          %parallel_loop3A_345 = vector.shape_cast %get3A_185 : vector<16xf32> to vector<1x16xf32>
          tpu.vector_store %arg11[%parallel_loop3A_341, %parallel_loop3A_342], %parallel_loop3A_345 {add = true, strides = array<i32>} : memref<32x512xf32, #tpu.memory_space<vmem>>, vector<1x16xf32>,
          %parallel_loop3A_346 = arith.index_cast %parallel_loop3A_230 : i32 to index
          %parallel_loop3A_347 = arith.constant 368 : index
          %parallel_loop3A_348 = tpu.vector_load %arg11[%parallel_loop3A_346, %parallel_loop3A_347] {strides = array<i32>} : memref<32x512xf32, #tpu.memory_space<vmem>>, vector<1x16xf32>,
          %parallel_loop3A_349 = vector.shape_cast %parallel_loop3A_348 : vector<1x16xf32> to vector<16xf32>
          %parallel_loop3A_350 = vector.shape_cast %get3A_189 : vector<16xf32> to vector<1x16xf32>
          tpu.vector_store %arg11[%parallel_loop3A_346, %parallel_loop3A_347], %parallel_loop3A_350 {add = true, strides = array<i32>} : memref<32x512xf32, #tpu.memory_space<vmem>>, vector<1x16xf32>,
          %parallel_loop3A_351 = arith.index_cast %parallel_loop3A_230 : i32 to index
          %parallel_loop3A_352 = arith.constant 384 : index
          %parallel_loop3A_353 = tpu.vector_load %arg11[%parallel_loop3A_351, %parallel_loop3A_352] {strides = array<i32>} : memref<32x512xf32, #tpu.memory_space<vmem>>, vector<1x16xf32>,
          %parallel_loop3A_354 = vector.shape_cast %parallel_loop3A_353 : vector<1x16xf32> to vector<16xf32>
          %parallel_loop3A_355 = vector.shape_cast %get3A_193 : vector<16xf32> to vector<1x16xf32>
          tpu.vector_store %arg11[%parallel_loop3A_351, %parallel_loop3A_352], %parallel_loop3A_355 {add = true, strides = array<i32>} : memref<32x512xf32, #tpu.memory_space<vmem>>, vector<1x16xf32>,
          %parallel_loop3A_356 = arith.index_cast %parallel_loop3A_230 : i32 to index
          %parallel_loop3A_357 = arith.constant 400 : index
          %parallel_loop3A_358 = tpu.vector_load %arg11[%parallel_loop3A_356, %parallel_loop3A_357] {strides = array<i32>} : memref<32x512xf32, #tpu.memory_space<vmem>>, vector<1x16xf32>,
          %parallel_loop3A_359 = vector.shape_cast %parallel_loop3A_358 : vector<1x16xf32> to vector<16xf32>
          %parallel_loop3A_360 = vector.shape_cast %get3A_197 : vector<16xf32> to vector<1x16xf32>
          tpu.vector_store %arg11[%parallel_loop3A_356, %parallel_loop3A_357], %parallel_loop3A_360 {add = true, strides = array<i32>} : memref<32x512xf32, #tpu.memory_space<vmem>>, vector<1x16xf32>,
          %parallel_loop3A_361 = arith.index_cast %parallel_loop3A_230 : i32 to index
          %parallel_loop3A_362 = arith.constant 416 : index
          %parallel_loop3A_363 = tpu.vector_load %arg11[%parallel_loop3A_361, %parallel_loop3A_362] {strides = array<i32>} : memref<32x512xf32, #tpu.memory_space<vmem>>, vector<1x16xf32>,
          %parallel_loop3A_364 = vector.shape_cast %parallel_loop3A_363 : vector<1x16xf32> to vector<16xf32>
          %parallel_loop3A_365 = vector.shape_cast %get3A_201 : vector<16xf32> to vector<1x16xf32>
          tpu.vector_store %arg11[%parallel_loop3A_361, %parallel_loop3A_362], %parallel_loop3A_365 {add = true, strides = array<i32>} : memref<32x512xf32, #tpu.memory_space<vmem>>, vector<1x16xf32>,
          %parallel_loop3A_366 = arith.index_cast %parallel_loop3A_230 : i32 to index
          %parallel_loop3A_367 = arith.constant 432 : index
          %parallel_loop3A_368 = tpu.vector_load %arg11[%parallel_loop3A_366, %parallel_loop3A_367] {strides = array<i32>} : memref<32x512xf32, #tpu.memory_space<vmem>>, vector<1x16xf32>,
          %parallel_loop3A_369 = vector.shape_cast %parallel_loop3A_368 : vector<1x16xf32> to vector<16xf32>
          %parallel_loop3A_370 = vector.shape_cast %get3A_205 : vector<16xf32> to vector<1x16xf32>
          tpu.vector_store %arg11[%parallel_loop3A_366, %parallel_loop3A_367], %parallel_loop3A_370 {add = true, strides = array<i32>} : memref<32x512xf32, #tpu.memory_space<vmem>>, vector<1x16xf32>,
          %parallel_loop3A_371 = arith.index_cast %parallel_loop3A_230 : i32 to index
          %parallel_loop3A_372 = arith.constant 448 : index
          %parallel_loop3A_373 = tpu.vector_load %arg11[%parallel_loop3A_371, %parallel_loop3A_372] {strides = array<i32>} : memref<32x512xf32, #tpu.memory_space<vmem>>, vector<1x16xf32>,
          %parallel_loop3A_374 = vector.shape_cast %parallel_loop3A_373 : vector<1x16xf32> to vector<16xf32>
          %parallel_loop3A_375 = vector.shape_cast %get3A_209 : vector<16xf32> to vector<1x16xf32>
          tpu.vector_store %arg11[%parallel_loop3A_371, %parallel_loop3A_372], %parallel_loop3A_375 {add = true, strides = array<i32>} : memref<32x512xf32, #tpu.memory_space<vmem>>, vector<1x16xf32>,
          %parallel_loop3A_376 = arith.index_cast %parallel_loop3A_230 : i32 to index
          %parallel_loop3A_377 = arith.constant 464 : index
          %parallel_loop3A_378 = tpu.vector_load %arg11[%parallel_loop3A_376, %parallel_loop3A_377] {strides = array<i32>} : memref<32x512xf32, #tpu.memory_space<vmem>>, vector<1x16xf32>,
          %parallel_loop3A_379 = vector.shape_cast %parallel_loop3A_378 : vector<1x16xf32> to vector<16xf32>
          %parallel_loop3A_380 = vector.shape_cast %get3A_213 : vector<16xf32> to vector<1x16xf32>
          tpu.vector_store %arg11[%parallel_loop3A_376, %parallel_loop3A_377], %parallel_loop3A_380 {add = true, strides = array<i32>} : memref<32x512xf32, #tpu.memory_space<vmem>>, vector<1x16xf32>,
          %parallel_loop3A_381 = arith.index_cast %parallel_loop3A_230 : i32 to index
          %parallel_loop3A_382 = arith.constant 480 : index
          %parallel_loop3A_383 = tpu.vector_load %arg11[%parallel_loop3A_381, %parallel_loop3A_382] {strides = array<i32>} : memref<32x512xf32, #tpu.memory_space<vmem>>, vector<1x16xf32>,
          %parallel_loop3A_384 = vector.shape_cast %parallel_loop3A_383 : vector<1x16xf32> to vector<16xf32>
          %parallel_loop3A_385 = vector.shape_cast %get3A_217 : vector<16xf32> to vector<1x16xf32>
          tpu.vector_store %arg11[%parallel_loop3A_381, %parallel_loop3A_382], %parallel_loop3A_385 {add = true, strides = array<i32>} : memref<32x512xf32, #tpu.memory_space<vmem>>, vector<1x16xf32>,
          %parallel_loop3A_386 = arith.index_cast %parallel_loop3A_230 : i32 to index
          %parallel_loop3A_387 = arith.constant 496 : index
          %parallel_loop3A_388 = tpu.vector_load %arg11[%parallel_loop3A_386, %parallel_loop3A_387] {strides = array<i32>} : memref<32x512xf32, #tpu.memory_space<vmem>>, vector<1x16xf32>,
          %parallel_loop3A_389 = vector.shape_cast %parallel_loop3A_388 : vector<1x16xf32> to vector<16xf32>
          %parallel_loop3A_390 = vector.shape_cast %get3A_221 : vector<16xf32> to vector<1x16xf32>
          tpu.vector_store %arg11[%parallel_loop3A_386, %parallel_loop3A_387], %parallel_loop3A_390 {add = true, strides = array<i32>} : memref<32x512xf32, #tpu.memory_space<vmem>>, vector<1x16xf32>,
        } {sc.loop_unroll_factor = 4 : i64, sc.parallel_access}
        %dma_start3A_224 = arith.constant 0 : i32
        %dma_start3A_225 = tpu.memref_slice %arg5[%add3A_76, %mul3A_2, %dma_start3A_224] : memref<77x1024x512xf32, #tpu.memory_space<hbm>> -> memref<1x32x512xf32, #tpu.memory_space<hbm>>
        %dma_start3A_226 = tpu.memref_squeeze %dma_start3A_225 : memref<1x32x512xf32, #tpu.memory_space<hbm>> -> memref<32x512xf32, #tpu.memory_space<hbm>>
        %dma_start3A_227 = arith.constant 0 : i32
        %dma_start3A_228 = tpu.memref_slice %arg5[%add3A_76, %mul3A_2, %dma_start3A_227] : memref<77x1024x512xf32, #tpu.memory_space<hbm>> -> memref<1x32x512xf32, #tpu.memory_space<hbm>>
        %dma_start3A_229 = tpu.memref_squeeze %dma_start3A_228 : memref<1x32x512xf32, #tpu.memory_space<hbm>> -> memref<32x512xf32, #tpu.memory_space<hbm>>
        tpu.enqueue_dma source(%arg11 : memref<32x512xf32, #tpu.memory_space<vmem>>) target(%dma_start3A_229 : memref<32x512xf32, #tpu.memory_space<hbm>>) target_semaphore(%arg19 : memref<!tpu.dma_semaphore, #tpu.memory_space<semaphore_mem>>)
      } else {
      }
    }
    %scan3A_20 = arith.constant 20 : i32
    %dma_wait3A = arith.constant 73 : i32
    %dma_wait3A_21 = arith.constant 0 : i32
    %dma_wait3A_22 = tpu.memref_slice %arg5[%dma_wait3A, %mul3A_2, %dma_wait3A_21] : memref<77x1024x512xf32, #tpu.memory_space<hbm>> -> memref<1x32x512xf32, #tpu.memory_space<hbm>>
    %dma_wait3A_23 = tpu.memref_squeeze %dma_wait3A_22 : memref<1x32x512xf32, #tpu.memory_space<hbm>> -> memref<32x512xf32, #tpu.memory_space<hbm>>
    %dma_wait3A_24 = arith.constant 0 : i32
    %dma_wait3A_25 = tpu.memref_slice %arg5[%dma_wait3A, %mul3A_2, %dma_wait3A_24] : memref<77x1024x512xf32, #tpu.memory_space<hbm>> -> memref<1x32x512xf32, #tpu.memory_space<hbm>>
    %dma_wait3A_26 = tpu.memref_squeeze %dma_wait3A_25 : memref<1x32x512xf32, #tpu.memory_space<hbm>> -> memref<32x512xf32, #tpu.memory_space<hbm>>
    tpu.wait_dma2 semaphore(%arg17 : memref<!tpu.dma_semaphore, #tpu.memory_space<semaphore_mem>>) src(%arg9 : memref<32x512xf32, #tpu.memory_space<vmem>>) dst(%dma_wait3A_26 : memref<32x512xf32, #tpu.memory_space<hbm>>)
    %dma_wait3A_27 = arith.constant 74 : i32
    %dma_wait3A_28 = arith.constant 0 : i32
    %dma_wait3A_29 = tpu.memref_slice %arg5[%dma_wait3A_27, %mul3A_2, %dma_wait3A_28] : memref<77x1024x512xf32, #tpu.memory_space<hbm>> -> memref<1x32x512xf32, #tpu.memory_space<hbm>>
    %dma_wait3A_30 = tpu.memref_squeeze %dma_wait3A_29 : memref<1x32x512xf32, #tpu.memory_space<hbm>> -> memref<32x512xf32, #tpu.memory_space<hbm>>
    %dma_wait3A_31 = arith.constant 0 : i32
    %dma_wait3A_32 = tpu.memref_slice %arg5[%dma_wait3A_27, %mul3A_2, %dma_wait3A_31] : memref<77x1024x512xf32, #tpu.memory_space<hbm>> -> memref<1x32x512xf32, #tpu.memory_space<hbm>>
    %dma_wait3A_33 = tpu.memref_squeeze %dma_wait3A_32 : memref<1x32x512xf32, #tpu.memory_space<hbm>> -> memref<32x512xf32, #tpu.memory_space<hbm>>
    tpu.wait_dma2 semaphore(%arg18 : memref<!tpu.dma_semaphore, #tpu.memory_space<semaphore_mem>>) src(%arg10 : memref<32x512xf32, #tpu.memory_space<vmem>>) dst(%dma_wait3A_33 : memref<32x512xf32, #tpu.memory_space<hbm>>)
    %dma_wait3A_34 = arith.constant 75 : i32
    %dma_wait3A_35 = arith.constant 0 : i32
    %dma_wait3A_36 = tpu.memref_slice %arg5[%dma_wait3A_34, %mul3A_2, %dma_wait3A_35] : memref<77x1024x512xf32, #tpu.memory_space<hbm>> -> memref<1x32x512xf32, #tpu.memory_space<hbm>>
    %dma_wait3A_37 = tpu.memref_squeeze %dma_wait3A_36 : memref<1x32x512xf32, #tpu.memory_space<hbm>> -> memref<32x512xf32, #tpu.memory_space<hbm>>
    %dma_wait3A_38 = arith.constant 0 : i32
    %dma_wait3A_39 = tpu.memref_slice %arg5[%dma_wait3A_34, %mul3A_2, %dma_wait3A_38] : memref<77x1024x512xf32, #tpu.memory_space<hbm>> -> memref<1x32x512xf32, #tpu.memory_space<hbm>>
    %dma_wait3A_40 = tpu.memref_squeeze %dma_wait3A_39 : memref<1x32x512xf32, #tpu.memory_space<hbm>> -> memref<32x512xf32, #tpu.memory_space<hbm>>
    tpu.wait_dma2 semaphore(%arg19 : memref<!tpu.dma_semaphore, #tpu.memory_space<semaphore_mem>>) src(%arg11 : memref<32x512xf32, #tpu.memory_space<vmem>>) dst(%dma_wait3A_40 : memref<32x512xf32, #tpu.memory_space<hbm>>)
    %dma_wait3A_41 = arith.constant 76 : i32
    %dma_wait3A_42 = arith.constant 0 : i32
    %dma_wait3A_43 = tpu.memref_slice %arg5[%dma_wait3A_41, %mul3A_2, %dma_wait3A_42] : memref<77x1024x512xf32, #tpu.memory_space<hbm>> -> memref<1x32x512xf32, #tpu.memory_space<hbm>>
    %dma_wait3A_44 = tpu.memref_squeeze %dma_wait3A_43 : memref<1x32x512xf32, #tpu.memory_space<hbm>> -> memref<32x512xf32, #tpu.memory_space<hbm>>
    %dma_wait3A_45 = arith.constant 0 : i32
    %dma_wait3A_46 = tpu.memref_slice %arg5[%dma_wait3A_41, %mul3A_2, %dma_wait3A_45] : memref<77x1024x512xf32, #tpu.memory_space<hbm>> -> memref<1x32x512xf32, #tpu.memory_space<hbm>>
    %dma_wait3A_47 = tpu.memref_squeeze %dma_wait3A_46 : memref<1x32x512xf32, #tpu.memory_space<hbm>> -> memref<32x512xf32, #tpu.memory_space<hbm>>
    tpu.wait_dma2 semaphore(%arg16 : memref<!tpu.dma_semaphore, #tpu.memory_space<semaphore_mem>>) src(%arg8 : memref<32x512xf32, #tpu.memory_space<vmem>>) dst(%dma_wait3A_47 : memref<32x512xf32, #tpu.memory_space<hbm>>)
    return
  }
}

</mosaic_0001>

<sc_bundles>
// kernel: kernel.3.cloned.1.call-start
scs
__scs_entry_jumppad:
0x0: {  	(pc) =	sbr.rel $0x88, $3  }
0x1: {  	(tag) =	ssettag $0x0;
	lr =	simm.s32 $0x1  }
0x2: {  	[smem:$0x3F9E] =	sst lr;
	_ =	strace $0xD0000000  }
0x3: {  	_ = 	snop  }
0x4: {  	_ = 	snop  }
0x5: {  	_ = 	snop  }
0x6: {  	_ = 	snop  }
0x7: {  	_ = 	snop  }
__scs_overlays_trampoline_lowered:
0x8: {  	[smem:$0x3FAD] =	sst s0  }
0x9: {  	[smem:$0x3FAE] =	sst s1  }
0xa: {  	[smem:$0x3FAF] =	sst s2  }
0xb: {  	[smem:$0x3FB0] =	sst s3  }
0xc: {  	[smem:$0x3FB1] =	sst s4  }
0xd: {  	[smem:$0x3FB2] =	sst s5  }
0xe: {  	[smem:$0x3FB3] =	sst s6  }
0xf: {  	[smem:$0x3FB4] =	sst s7  }
0x10: {  	[smem:$0x3FB5] =	sst s8  }
0x11: {  	[smem:$0x3FB6] =	sst s9;
	s0 =	simm.s32 @!p0 $0x0  }
0x12: {  	s1 =	sld [smem:$0x3F9C];
	s0 =	simm.s32 @p0 $0x1  }
0x13: {  	[smem:$0x3FB7] =	sst s0;
	s0 =	simm.s32 @!p1 $0x0  }
0x14: {  	s2 =	sld [smem:$0x3F9B];
	s0 =	simm.s32 @p1 $0x1  }
0x15: {  	[smem:$0x3FB8] =	sst s0;
	s0 =	simm.s32 @!p2 $0x0  }
0x16: {  	s3 =	sld [smem:$0x3FDB];
	s0 =	simm.s32 @p2 $0x1  }
0x17: {  	s4 =	simm.s32 $0x1BF5;
	[smem:$0x3FBA] =	sst s0  }
0x18: {  	s0 =	sld [smem:$0x3F9D];
	_ =	swait.ge [sflag:s4], $0x0  }
0x19: {  	s7 =	sld [smem:$0x3F9E]  }
0x1a: {  	s8 =	sadd.s32 $0xFFFFE003, lr  }
0x1b: {  	s9 =	sadd.s32 $0xFFFFFEF7, lr;
	s5 =	simm.s32 $0xFFFFFFFF;
	p2 =	slt.u32 s8, $0xFFFFF086  }
0x1c: {  	p1 =	slt.u32 s9, $0xF7A;
	s5 =	simm.s32 @!p2 $0x0  }
0x1d: {  	s5 =	simm.s32 @p1 $0x1;
	p0 =	seq.s32 s7, s2  }
0x1e: {  	s7 =	smul.u32 @!p0 $0xF7A, s2;
	p2 =	seq.s32 @!p0 s5, $0x0  }
0x1f: {  	s9 =	smul.u32 $0xF7A, s1;
	s8 =	simm.s32 @!p0 $0x1BF5;
	p2 =	por !p2, p0  }
0x20: {  	[sflag:s8] =	ssyncset.s32 @!p0 $0xFFFFF086;
	s6 =	sadd.s32 @!p0 s3, s7;
	s7 =	simm.s32 @!p0 $0x108  }
0x21: {  	s3 =	sadd.s32 s3, s9;
	s6 =	sadd.s32 @!p0 $0x88, s6;
	s7 =	simm.s32 @p2 $0x1082  }
0x22: {  	[simem:s7], [sflag:s8] =	dma.local @!p0 [hbm:s6], $0xF7A  }
0x23: {  	s9 =	sor.u32 $0xD0000000, s2;
	s6 =	simm.s32 $0x108;
	_ =	swait.ge @!p0 [sflag:s8], $0x0  }
0x24: {  	s3 =	sadd.s32 $0x88, s3;
	s6 =	simm.s32 @!p1 $0x1082;
	[sflag:s4] =	ssyncset.s32 $0xFFFFF086  }
0x25: {  	[simem:s6], [sflag:s4] =	dma.local [hbm:s3], $0xF7A  }
0x26: {  	[smem:$0x3F9E] =	sst s1;
	(tag) =	ssettag s2;
	_ =	strace s9  }
0x27: {  	s1 =	sld [smem:$0x3FAE]  }
0x28: {  	s2 =	sld [smem:$0x3FAF]  }
0x29: {  	s4 =	sld [smem:$0x3FB1]  }
0x2a: {  	p0 =	seq.s32 s5, $0x0;
	s5 =	sld [smem:$0x3FB2]  }
0x2b: {  	s6 =	sld [smem:$0x3FB3]  }
0x2c: {  	s7 =	sld [smem:$0x3FB4]  }
0x2d: {  	s3 =	simm.s32 $0x108;
	s8 =	sld [smem:$0x3FB5]  }
0x2e: {  	s3 =	simm.s32 @!p0 $0x1082;
	s9 =	sld [smem:$0x3FB6]  }
0x2f: {  	lr =	sadd.s32 s0, s3;
	s0 =	sld [smem:$0x3FAD]  }
0x30: {  	s3 =	sld [smem:$0x3FB0]  }
0x31: {  	[smem:$0x3FB9] =	sst s10  }
0x32: {  	s10 =	sld [smem:$0x3FB7];
	_ =	sdelay $0x3  }
0x33: {  	p0 =	seq.s32 s10, $0x1;
	s10 =	sld [smem:$0x3FB9];
	_ =	sdelay $0x3  }
0x34: {  	[smem:$0x3FB9] =	sst s10  }
0x35: {  	s10 =	sld [smem:$0x3FB8];
	_ =	sdelay $0x3  }
0x36: {  	p1 =	seq.s32 s10, $0x1;
	s10 =	sld [smem:$0x3FB9];
	_ =	sdelay $0x3  }
0x37: {  	[smem:$0x3FB9] =	sst s10  }
0x38: {  	s10 =	sld [smem:$0x3FBA]  }
0x39: {  	_ = 	snop;
	(pc) =	sbr.ind lr, $3  }
0x3a: {  	_ = 	snop  }
0x3b: {  	_ = 	snop  }
0x3c: {  	p2 =	seq.s32 s10, $0x1;
	s10 =	sld [smem:$0x3FB9]  }
0x3d: {  	_ =	shalt  }
0x3e: {  	_ =	shalt  }
0x3f: {  	_ =	shalt  }
0x40: {  	_ =	shalt  }
0x41: {  	_ =	shalt  }
0x42: {  	_ =	shalt  }
0x43: {  	_ =	shalt  }
0x44: {  	_ =	shalt  }
0x45: {  	_ =	shalt  }
0x46: {  	_ =	shalt  }
0x47: {  	_ =	shalt  }
0x48: {  	_ =	shalt  }
0x49: {  	_ =	shalt  }
0x4a: {  	_ =	shalt  }
0x4b: {  	_ =	shalt  }
0x4c: {  	_ =	shalt  }
0x4d: {  	_ =	shalt  }
0x4e: {  	_ =	shalt  }
0x4f: {  	_ =	shalt  }
0x50: {  	_ =	shalt  }
0x51: {  	_ =	shalt  }
0x52: {  	_ =	shalt  }
0x53: {  	_ =	shalt  }
0x54: {  	_ =	shalt  }
0x55: {  	_ =	shalt  }
0x56: {  	_ =	shalt  }
0x57: {  	_ =	shalt  }
0x58: {  	_ =	shalt  }
0x59: {  	_ =	shalt  }
0x5a: {  	_ =	shalt  }
0x5b: {  	_ =	shalt  }
0x5c: {  	_ =	shalt  }
0x5d: {  	_ =	shalt  }
0x5e: {  	_ =	shalt  }
0x5f: {  	_ =	shalt  }
0x60: {  	_ =	shalt  }
0x61: {  	_ =	shalt  }
0x62: {  	_ =	shalt  }
0x63: {  	_ =	shalt  }
0x64: {  	_ =	shalt  }
0x65: {  	_ =	shalt  }
0x66: {  	_ =	shalt  }
0x67: {  	_ =	shalt  }
0x68: {  	_ =	shalt  }
0x69: {  	_ =	shalt  }
0x6a: {  	_ =	shalt  }
0x6b: {  	_ =	shalt  }
0x6c: {  	_ =	shalt  }
0x6d: {  	_ =	shalt  }
0x6e: {  	_ =	shalt  }
0x6f: {  	_ =	shalt  }
0x70: {  	_ =	shalt  }
0x71: {  	_ =	shalt  }
0x72: {  	_ =	shalt  }
0x73: {  	_ =	shalt  }
0x74: {  	_ =	shalt  }
0x75: {  	_ =	shalt  }
0x76: {  	_ =	shalt  }
0x77: {  	_ =	shalt  }
0x78: {  	_ =	shalt  }
0x79: {  	_ =	shalt  }
0x7a: {  	_ =	shalt  }
0x7b: {  	_ =	shalt  }
0x7c: {  	_ =	shalt  }
0x7d: {  	_ =	shalt  }
0x7e: {  	_ =	shalt  }
0x7f: {  	_ =	shalt  }
0x80: {  	_ =	shalt  }
0x81: {  	_ =	shalt  }
0x82: {  	_ =	shalt  }
0x83: {  	_ =	shalt  }
0x84: {  	_ =	shalt  }
0x85: {  	_ =	shalt  }
0x86: {  	_ =	shalt  }
0x87: {  	_ =	shalt  }
.Lfunc_end0:
.L_simem_size_0:
called_computation_lowered:
.L_overlay_start_0:
0x88: {  	s2 =	sld [smem:$0x3FD9]  }
0x89: {  	s3 =	sld [smem:$0x3FFE];
	_ =	sdelay $0x1  }
0x8a: {  	s1 =	srdreg.scid  }
0x8b: {  	s0 =	sand.u32 $0x1, s1  }
0x8c: {  	s17 =	sshll.u32 s0, $0xA;
	s2 =	sadd.s32 s3, s2  }
0x8d: {  	s2 =	sadd.s32 s2, s17  }
0x8e: {  	[smem:$0x3FC5] =	sst s2  }
0x8f: {  	_ = 	snop  }
0x90: {  	s2 =	sld [smem:$0x3FC8]  }
0x91: {  	s18 =	sld [smem:$0x3FD0];
	(tm) =	ssettm $0x1  }
0x92: {  	s4 =	sld [smem:$0x3FFB];
	_ =	sdelay $0x3  }
0x93: {  	_ =	strace s4  }
0x94: {  	s4 =	sld [smem:$0x3FFC];
	_ =	sdelay $0x3  }
0x95: {  	_ =	strace s4  }
0x96: {  	s4 =	sld [smem:$0x3FFD];
	_ =	sdelay $0x3  }
0x97: {  	_ =	strace s4  }
0x98: {  	_ =	strace $0x8FFFFFFF  }
0x99: {  	s19 =	sld [smem:$0x3FDB];
	_ =	sdelay $0x1  }
0x9a: {  	s5 =	simm.s32 $_scs_section_size  }
0x9b: {  	s6 =	simm.s32 $_size__tile_overlayer_lowered;
	s7 =	simm.s32 $_tile_overlayer_lowered  }
0x9c: {  	s22 =	simm.s32 $0x1BFF;
	s21 =	sshll.u32 s7, $0x1;
	s4 =	sadd.s32 s5, s19  }
0x9d: {  	s8 =	simm.s32 $0x0;
	s20 =	sshll.u32 s6, $0x1;
	s6 =	sadd.s32 s21, s4  }
0x9e: {  	[timem:s8], [sflag:s22] =	dma.local [hbm:s6], s20  }
0x9f: {  	_ =	swait.ge [sflag:s22], s20  }
0xa0: {  	s5 =	ssub.s32 $0x0, s20;
	[sflag:s22] =	ssyncset.done $0x0  }
0xa1: {  	[sflag:s22] =	ssyncadd.s32 s5;
	_ =	sdelay $0x1  }
0xa2: {  	s23 =	simm.s32 $0x1B8B  }
0xa3: {  	_ =	swait.ge [sflag:s23], $0x1  }
0xa4: {  	[sflag:s23] =	ssyncset.done $0x0  }
0xa5: {  	s25 =	simm.s32 $0x1B8E;
	s24 =	sld [smem:$0x3FFE];
	[sflag:s23] =	ssyncadd.s32 $0xFFFFFFFF  }
0xa6: {  	s26 =	simm.s32 $execute0_lowered;
	[smem:$0x3FD2] =	sst s25  }
0xa7: {  	s6 =	sshll.u32 s26, $0x1;
	_ =	strace $0x80000046;
	[dreg:$0x1] =	wrdreg $0xFFFFFFFF  }
0xa8: {  	s28 =	simm.s32 $_size_execute0_lowered;
	s4 =	sadd.s32 s4, s6;
	[dreg:$0x0] =	wrdreg $0x0  }
0xa9: {  	s6 =	sshll.u32 s28, $0x1;
	[dreg:$0x2] =	wrdreg s4  }
0xaa: {  	[dreg:$0x3] =	wrdreg s6  }
0xab: {  	[dreg:$0x4] =	wrdreg $0xC0  }
0xac: {  	_ =	task [dreg:s8], $0x5FFFF  }
0xad: {  	[dreg:$0x1] =	wrdreg $0xFFFFFFFF  }
0xae: {  	[dreg:$0x0] =	wrdreg $0x60  }
0xaf: {  	[dreg:$0x2] =	wrdreg s24  }
0xb0: {  	[dreg:$0x3] =	wrdreg s2  }
0xb1: {  	[dreg:$0x4] =	wrdreg s18  }
0xb2: {  	[dreg:$0x5] =	wrdreg $0x9  }
0xb3: {  	_ =	task.clear_ibuf [dreg:s8], $0x6FFFF;
	_ =	strace $0x90000046  }
0xb4: {  	s29 =	simm.s32 $0x9;
	_ =	strace $0x80000048  }
0xb5: {  	_ =	swait.ge [sflag:s29], $0x1  }
0xb6: {  	[sflag:s29] =	ssyncadd.s32 $0xFFFFFFFF  }
0xb7: {  	_ =	strace $0x90000048  }
0xb8: {  	_ =	sfence  }
0xb9: {  	s30 =	sld [smem:$0x0];
	_ =	sdelay $0x2  }
0xba: {  	s31 =	sshll.u32 s1, $0xD;
	s1 =	sshrl.u32 s1, $0x2  }
0xbb: {  	s3 =	sand.u32 $0x4000, s31;
	s1 =	sadd.s32 s1, s30  }
0xbc: {  	s0 =	sor.u32 s3, s0;
	s1 =	sshll.u32 s1, $0x11  }
0xbd: {  	s0 =	sor.u32 s1, s0  }
0xbe: {  	s0 =	sadd.s32 $0x8F2B, s0  }
0xbf: {  	[sflag:s0] =	ssyncadd.remote.s32 $0x1  }
0xc0: {  	_ =	sfence.sel $0xFFFF  }
0xc1: {  	[dreg:$0x0] =	wrdreg $0xFFFFFFFF;
	(pc) =	sbr.abs _section_cstart, $3  }
0xc2: {  	[dreg:$0x1] =	wrdreg $0xFFFFFFFF  }
0xc3: {  	_ =	task.clear_ibuf [dreg:s8], $0x2FFFF;
	_ =	strace $0x9FFFFFFF  }
0xc4: {  	(tm) =	ssettm $0x7FFFFFFF  }
0xc5: {  	_ =	shalt  }
tec
execute0_lowered:
.L_overlay_start_1:
0x0: {  	(tag) =	ssettag $0x1  }
0x1: {  	s0 =	rddreg [dreg:$0x0]  }
0x2: {  	s5 =	rddreg [dreg:$0x1];
	s1 =	srdreg.scid  }
0x3: {  	s3 =	stileid.u32;
	s2 =	rddreg [dreg:$0x2]  }
0x4: {  	s4 =	simm.s32 $0x0;
	s1 =	sand.u32 $0x1, s1;
	s3 =	sshll.u32 s3, $0x1  }
0x5: {  	[smem:$0x7FF] =	sst s4;
	s3 =	sor.u32 s1, s3  }
0x6: {  	s31 =	sadd.s32 $0x100, s5;
	s1 =	ssub.s32 $0x2, s1;
	s26 =	smul.u32 $0x500, s3  }
0x7: {  	_ =	strace $0x80000047;
	[dreg:$0x1a] =	wrdreg s31;
	s28 =	sshrl.u32 s1, $0x1  }
.Ltmp0:
0x8: {  	s4 =	sadd.s32 s26, s0;
	s0 =	sadd.s32 $0x400, s0;
	(pc) =	sbr.rel .LBB2_1-.Ltmp0, $4  }
0x9: {  	s30 =	sshll.u32 s3, $0xB;
	[dreg:$0x18] =	wrdreg s0;
	s29 =	sadd.s32 $0x1800, s4  }
0xa: {  	v2 =	vlaneseq.u32;
	s0 =	ssub.s32 s1, s28;
	s1 =	sadd.s32 s2, s30;
	[dreg:$0x19] =	wrdreg s29  }
0xb: {  	vm0 =	vmmov $0xffff;
	v1 =	vshrl.u32 v2, $0x3;
	[dreg:$0x1b] =	wrdreg s1;
	s0 =	smax.u32 s0, $0x1  }
0xc: {  	v0 =	vand.u32 $0x7, v2;
	v2 =	vor.u32 $0x8, v2;
	v1 =	vmul.u32 $0x8, v1;
	s2 =	simm.s32 $0x0;
	[dreg:$0x1c] =	wrdreg s0  }
.LBB2_17:
0xd: {  	s0 =	simm.s32 $0x6  }
0xe: {  	_ =	swait.ge [sflag:s0], $0x4000  }
0xf: {  	[sflag:s0] =	ssyncset.done $0x0  }
0x10: {  	s29 =	simm.s32 $0x7;
	[sflag:s0] =	ssyncadd.s32 $0xFFFFC000  }
0x11: {  	_ =	swait.ge [sflag:s29], $0x4000  }
0x12: {  	[sflag:s29] =	ssyncset.done $0x0  }
0x13: {  	s30 =	simm.s32 $0x8;
	[sflag:s29] =	ssyncadd.s32 $0xFFFFC000  }
0x14: {  	_ =	swait.ge [sflag:s30], $0x4000  }
0x15: {  	[sflag:s30] =	ssyncset.done $0x0  }
0x16: {  	s1 =	simm.s32 $0x5;
	[sflag:s30] =	ssyncadd.s32 $0xFFFFC000  }
0x17: {  	_ =	swait.ge [sflag:s1], $0x4000  }
0x18: {  	s2 =	rddreg [dreg:$0x1d]  }
0x19: {  	s31 =	rddreg [dreg:$0x1c];
	s2 =	sadd.s32 $0x1, s2  }
0x1a: {  	p0 =	sne.s32 s2, s31  }
.Ltmp1:
0x1b: {  	_ = 	snop;
	(pc) =	sbr.rel @!p0 .LBB2_18-.Ltmp1, $3  }
0x1c: {  	_ =	sdelay $0x1  }
0x1d: {  	[sflag:s1] =	ssyncset.done $0x0  }
0x1e: {  	[sflag:s1] =	ssyncadd.s32 $0xFFFFC000  }
.LBB2_1:
0x1f: {  	[dreg:$0x1d] =	wrdreg s2  }
0x20: {  	s1 =	simm.s32 $0x0;
	s0 =	rddreg [dreg:$0x19];
	s3 =	simm.s32 $0x9  }
0x21: {  	[tilespmem:s1], [sflag:$0x9] =	stream.linear.gather [hbm4b:s0+s1], $0x2680, $0x38;
	[tilespmem:$0x1C800] =	vst v63  }
0x22: {  	_ =	swait.ge [sflag:s3], $0x2680  }
0x23: {  	[sflag:s3] =	ssyncset.done $0x0  }
0x24: {  	[sflag:s3] =	ssyncadd.s32 $0xFFFFD980  }
0x25: {  	v3 =	vld [tilespmem:$0x0];
	_ =	sdelay $0x4  }
0x26: {  	v4 =	vshll.u32 v3, $0x2  }
0x27: {  	v3 =	vand.u32 $0x7, v3;
	v4 =	vand.u32 $0xFFFFFFE0, v4  }
0x28: {  	v3 =	vor.u32 v3, v4  }
0x29: {  	v4 =	vperm.xlane v3, v0;
	_ =	sdelay $0x1  }
0x2a: {  	v4 =	vadd.s32 v1, v4;
	_ =	sdelay $0x1  }
0x2b: {  	v3 =	vperm.xlane v3, v2;
	_ =	sdelay $0x1  }
0x2c: {  	s13 =	simm.s32 $0xC800;
	s12 =	rddreg [dreg:$0x1];
	v3 =	vadd.s32 v1, v3  }
0x2d: {  	[tilespmem:s13], [sflag:$0x1] =	stream.indirect_vreg.gather [hbm4b:s12+s1], $0x80, v4, vm0, $0xb8;
	[tilespmem:$0x1C800] =	vst v63  }
0x2e: {  	s4 =	simm.s32 $0xD000;
	s14 =	rddreg [dreg:$0x1a]  }
0x2f: {  	[tilespmem:s4], [sflag:$0x1] =	stream.indirect_vreg.gather [hbm4b:s14+s1], $0x80, v4, vm0, $0xb8;
	[tilespmem:$0x1C800] =	vst v63  }
0x30: {  	s15 =	simm.s32 $0xD800  }
0x31: {  	[tilespmem:s15], [sflag:$0x1] =	stream.indirect_vreg.gather [hbm4b:s12+s1], $0x80, v3, vm0, $0xb8;
	[tilespmem:$0x1C800] =	vst v63  }
0x32: {  	s16 =	simm.s32 $0xE000  }
0x33: {  	[tilespmem:s16], [sflag:$0x1] =	stream.indirect_vreg.gather [hbm4b:s14+s1], $0x80, v3, vm0, $0xb8;
	[tilespmem:$0x1C800] =	vst v63  }
0x34: {  	v3 =	vld [tilespmem:$0x10];
	_ =	sdelay $0x4  }
0x35: {  	v61 =	vshll.u32 v3, $0x2  }
0x36: {  	v3 =	vand.u32 $0x7, v3;
	v4 =	vand.u32 $0xFFFFFFE0, v61  }
0x37: {  	v3 =	vor.u32 v3, v4  }
0x38: {  	v4 =	vperm.xlane v3, v0;
	_ =	sdelay $0x1  }
0x39: {  	v4 =	vadd.s32 v1, v4;
	_ =	sdelay $0x1  }
0x3a: {  	v3 =	vperm.xlane v3, v2;
	_ =	sdelay $0x1  }
0x3b: {  	s17 =	simm.s32 $0xE800;
	v3 =	vadd.s32 v1, v3  }
0x3c: {  	[tilespmem:s17], [sflag:$0x1] =	stream.indirect_vreg.gather [hbm4b:s12+s1], $0x80, v4, vm0, $0xb8;
	[tilespmem:$0x1C800] =	vst v63  }
0x3d: {  	s18 =	simm.s32 $0xF000  }
0x3e: {  	[tilespmem:s18], [sflag:$0x1] =	stream.indirect_vreg.gather [hbm4b:s14+s1], $0x80, v4, vm0, $0xb8;
	[tilespmem:$0x1C800] =	vst v63  }
0x3f: {  	s19 =	simm.s32 $0xF800  }
0x40: {  	[tilespmem:s19], [sflag:$0x1] =	stream.indirect_vreg.gather [hbm4b:s12+s1], $0x80, v3, vm0, $0xb8;
	[tilespmem:$0x1C800] =	vst v63  }
0x41: {  	s20 =	simm.s32 $0x10000  }
0x42: {  	[tilespmem:s20], [sflag:$0x1] =	stream.indirect_vreg.gather [hbm4b:s14+s1], $0x80, v3, vm0, $0xb8;
	[tilespmem:$0x1C800] =	vst v63  }
0x43: {  	v3 =	vld [tilespmem:$0x80];
	_ =	sdelay $0x4  }
0x44: {  	v62 =	vshll.u32 v3, $0x2  }
0x45: {  	v3 =	vand.u32 $0x7, v3;
	v4 =	vand.u32 $0xFFFFFFE0, v62  }
0x46: {  	v3 =	vor.u32 v3, v4  }
0x47: {  	v4 =	vperm.xlane v3, v0;
	_ =	sdelay $0x1  }
0x48: {  	v4 =	vadd.s32 v1, v4;
	_ =	sdelay $0x1  }
0x49: {  	v3 =	vperm.xlane v3, v2;
	_ =	sdelay $0x1  }
0x4a: {  	s21 =	simm.s32 $0x10800;
	v3 =	vadd.s32 v1, v3  }
0x4b: {  	[tilespmem:s21], [sflag:$0x2] =	stream.indirect_vreg.gather [hbm4b:s12+s1], $0x80, v4, vm0, $0xb8;
	[tilespmem:$0x1C800] =	vst v63  }
0x4c: {  	s22 =	simm.s32 $0x11000  }
0x4d: {  	[tilespmem:s22], [sflag:$0x2] =	stream.indirect_vreg.gather [hbm4b:s14+s1], $0x80, v4, vm0, $0xb8;
	[tilespmem:$0x1C800] =	vst v63  }
0x4e: {  	s23 =	simm.s32 $0x11800  }
0x4f: {  	[tilespmem:s23], [sflag:$0x2] =	stream.indirect_vreg.gather [hbm4b:s12+s1], $0x80, v3, vm0, $0xb8;
	[tilespmem:$0x1C800] =	vst v63  }
0x50: {  	s24 =	simm.s32 $0x12000  }
0x51: {  	[tilespmem:s24], [sflag:$0x2] =	stream.indirect_vreg.gather [hbm4b:s14+s1], $0x80, v3, vm0, $0xb8;
	[tilespmem:$0x1C800] =	vst v63  }
0x52: {  	v3 =	vld [tilespmem:$0x90];
	_ =	sdelay $0x4  }
0x53: {  	v63 =	vshll.u32 v3, $0x2  }
0x54: {  	v3 =	vand.u32 $0x7, v3;
	v4 =	vand.u32 $0xFFFFFFE0, v63  }
0x55: {  	v3 =	vor.u32 v3, v4  }
0x56: {  	v4 =	vperm.xlane v3, v0;
	_ =	sdelay $0x1  }
0x57: {  	v4 =	vadd.s32 v1, v4;
	_ =	sdelay $0x1  }
0x58: {  	v3 =	vperm.xlane v3, v2;
	_ =	sdelay $0x1  }
0x59: {  	s25 =	simm.s32 $0x12800;
	v3 =	vadd.s32 v1, v3  }
0x5a: {  	[tilespmem:s25], [sflag:$0x2] =	stream.indirect_vreg.gather [hbm4b:s12+s1], $0x80, v4, vm0, $0xb8;
	[tilespmem:$0x1C800] =	vst v63  }
0x5b: {  	s26 =	simm.s32 $0x13000  }
0x5c: {  	[tilespmem:s26], [sflag:$0x2] =	stream.indirect_vreg.gather [hbm4b:s14+s1], $0x80, v4, vm0, $0xb8;
	[tilespmem:$0x1C800] =	vst v63  }
0x5d: {  	s28 =	simm.s32 $0x13800  }
0x5e: {  	[tilespmem:s28], [sflag:$0x2] =	stream.indirect_vreg.gather [hbm4b:s12+s1], $0x80, v3, vm0, $0xb8;
	[tilespmem:$0x1C800] =	vst v63  }
0x5f: {  	s29 =	simm.s32 $0x14000  }
0x60: {  	[tilespmem:s29], [sflag:$0x2] =	stream.indirect_vreg.gather [hbm4b:s14+s1], $0x80, v3, vm0, $0xb8;
	[tilespmem:$0x1C800] =	vst v63  }
.Ltmp2:
0x61: {  	s31 =	simm.s32 $0x2800;
	s30 =	rddreg [dreg:$0x18];
	(pc) =	sbr.rel .LBB2_2-.Ltmp2, $4  }
0x62: {  	[tilespmem:s31], [sflag:$0x9] =	stream.linear.gather [hbm4b:s30+s1], $0xA000, $0x38;
	[tilespmem:$0x1C800] =	vst v63  }
0x63: {  	_ =	swait.ge [sflag:s3], $0xA000  }
0x64: {  	[sflag:s3] =	ssyncset.done $0x0  }
0x65: {  	s5 =	simm.s32 $0x0;
	[sflag:s3] =	ssyncadd.s32 $0xFFFF6000  }
.LBB2_16:
0x66: {  	s5 =	sadd.s32 $0x1, s5  }
0x67: {  	p0 =	sne.s32 s5, $0x14  }
.Ltmp3:
0x68: {  	_ = 	snop;
	(pc) =	sbr.rel @!p0 .LBB2_17-.Ltmp3, $1  }
0x69: {  	_ =	sdelay $0x3  }
.LBB2_2:
0x6a: {  	s0 =	sshll.u32 s5, $0x2  }
0x6b: {  	s1 =	sor.u32 $0x2, s0  }
0x6c: {  	s22 =	simm.s32 $0x1;
	[smem:$0x7FB] =	sst s0;
	p0 =	sgt.u32 s1, $0x4C  }
0x6d: {  	_ =	swait.ge [sflag:s22], $0x4000;
	p1 =	seq.s32 @!p0 s5, $0x0  }
0x6e: {  	[sflag:s22] =	ssyncset.done $0x0;
	p1 =	por p1, p0  }
0x6f: {  	[sflag:s22] =	ssyncadd.s32 $0xFFFFC000;
	s0 =	simm.s32 @!p1 $0x7  }
0x70: {  	_ =	swait.ge @!p1 [sflag:s0], $0x4000  }
0x71: {  	[sflag:s0] =	ssyncset.done @!p1 $0x0;
	[smem:$0x7FC] =	sst s1;
	s1 =	sshll.u32 @!p0 s1, $0x7  }
0x72: {  	[sflag:s0] =	ssyncadd.s32 @!p1 $0xFFFFC000;
	s0 =	sand.u32 @!p0 $0x3FFFFF80, s1  }
0x73: {  	v3 =	vld @!p0 [tilespmem:s0+$0x0];
	_ =	sdelay $0x4  }
0x74: {  	v4 =	vshll.u32 @!p0 v3, $0x2  }
0x75: {  	v5 =	vlaneseq.u32 @!p0;
	v3 =	vand.u32 @!p0 $0x7, v3;
	v4 =	vand.u32 @!p0 $0xFFFFFFE0, v4  }
0x76: {  	v6 =	vshrl.u32 @!p0 v5, $0x3;
	v3 =	vor.u32 @!p0 v3, v4;
	v4 =	vand.u32 @!p0 $0x7, v5  }
0x77: {  	v6 =	vmul.u32 @!p0 $0x8, v6;
	v7 =	vperm.xlane @!p0 v3, v4;
	_ =	sdelay $0x1  }
0x78: {  	v7 =	vadd.s32 @!p0 v6, v7  }
0x79: {  	v5 =	vor.u32 @!p0 $0x8, v5  }
0x7a: {  	v3 =	vperm.xlane @!p0 v3, v5;
	_ =	sdelay $0x1  }
0x7b: {  	vm1 =	vmmov @!p0 $0xffff;
	s2 =	simm.s32 @!p0 $0x14800;
	s1 =	simm.s32 @!p0 $0x0;
	s3 =	rddreg [dreg:$0x1];
	v3 =	vadd.s32 @!p0 v6, v3  }
0x7c: {  	[tilespmem:s2], [sflag:$0x3] =	stream.indirect_vreg.gather @!p0 [hbm4b:s3+s1], $0x80, v7, vm1, $0xb8;
	[tilespmem:$0x1C800] =	vst v63  }
0x7d: {  	s4 =	rddreg [dreg:$0x1a];
	s2 =	simm.s32 @!p0 $0x15000  }
0x7e: {  	[tilespmem:s2], [sflag:$0x3] =	stream.indirect_vreg.gather @!p0 [hbm4b:s4+s1], $0x80, v7, vm1, $0xb8;
	[tilespmem:$0x1C800] =	vst v63  }
0x7f: {  	s2 =	simm.s32 @!p0 $0x15800  }
0x80: {  	[tilespmem:s2], [sflag:$0x3] =	stream.indirect_vreg.gather @!p0 [hbm4b:s3+s1], $0x80, v3, vm1, $0xb8;
	[tilespmem:$0x1C800] =	vst v63  }
0x81: {  	s2 =	simm.s32 @!p0 $0x16000  }
0x82: {  	[tilespmem:s2], [sflag:$0x3] =	stream.indirect_vreg.gather @!p0 [hbm4b:s4+s1], $0x80, v3, vm1, $0xb8;
	[tilespmem:$0x1C800] =	vst v63  }
0x83: {  	v3 =	vld @!p0 [tilespmem:s0+$0x10];
	_ =	sdelay $0x4  }
0x84: {  	v7 =	vshll.u32 @!p0 v3, $0x2  }
0x85: {  	v3 =	vand.u32 @!p0 $0x7, v3;
	v7 =	vand.u32 @!p0 $0xFFFFFFE0, v7  }
0x86: {  	v3 =	vor.u32 @!p0 v3, v7  }
0x87: {  	v4 =	vperm.xlane @!p0 v3, v4;
	_ =	sdelay $0x1  }
0x88: {  	v4 =	vadd.s32 @!p0 v6, v4;
	_ =	sdelay $0x1  }
0x89: {  	v3 =	vperm.xlane @!p0 v3, v5;
	_ =	sdelay $0x1  }
0x8a: {  	s0 =	simm.s32 @!p0 $0x16800;
	v3 =	vadd.s32 @!p0 v6, v3  }
0x8b: {  	[tilespmem:s0], [sflag:$0x3] =	stream.indirect_vreg.gather @!p0 [hbm4b:s3+s1], $0x80, v4, vm1, $0xb8;
	[tilespmem:$0x1C800] =	vst v63  }
0x8c: {  	s0 =	simm.s32 @!p0 $0x17000  }
0x8d: {  	[tilespmem:s0], [sflag:$0x3] =	stream.indirect_vreg.gather @!p0 [hbm4b:s4+s1], $0x80, v4, vm1, $0xb8;
	[tilespmem:$0x1C800] =	vst v63  }
0x8e: {  	s23 =	sshll.u32 s5, $0xB;
	s0 =	simm.s32 @!p0 $0x17800  }
0x8f: {  	[tilespmem:s0], [sflag:$0x3] =	stream.indirect_vreg.gather @!p0 [hbm4b:s3+s1], $0x80, v3, vm1, $0xb8;
	[tilespmem:$0x1C800] =	vst v63  }
0x90: {  	s25 =	sshll.u32 s5, $0x9;
	s24 =	sand.u32 $0xF000, s23;
	s0 =	simm.s32 @!p0 $0x18000  }
0x91: {  	[tilespmem:s0], [sflag:$0x3] =	stream.indirect_vreg.gather @!p0 [hbm4b:s4+s1], $0x80, v3, vm1, $0xb8;
	[tilespmem:$0x1C800] =	vst v63  }
0x92: {  	s1 =	sand.u32 $0x200, s25;
	s0 =	sadd.s32 $0x2800, s24  }
0x93: {  	[smem:$0x7FD] =	sst s0;
	s0 =	sor.u32 s1, s0  }
0x94: {  	v3 =	vld [tilespmem:s0+$0x0]  }
0x95: {  	v4 =	vld [tilespmem:s0+$0x10]  }
0x96: {  	v5 =	vld [tilespmem:s0+$0x20]  }
0x97: {  	v6 =	vld [tilespmem:s0+$0x30]  }
0x98: {  	v7 =	vld [tilespmem:s0+$0x40]  }
0x99: {  	v8 =	vld [tilespmem:s0+$0x50]  }
0x9a: {  	v9 =	vld [tilespmem:s0+$0x60]  }
0x9b: {  	v10 =	vld [tilespmem:s0+$0x70]  }
0x9c: {  	v11 =	vld [tilespmem:s0+$0x400]  }
0x9d: {  	v12 =	vld [tilespmem:s0+$0x410]  }
0x9e: {  	v13 =	vld [tilespmem:s0+$0x420]  }
0x9f: {  	v14 =	vld [tilespmem:s0+$0x430]  }
0xa0: {  	v15 =	vld [tilespmem:s0+$0x440]  }
0xa1: {  	v16 =	vld [tilespmem:s0+$0x450]  }
0xa2: {  	s1 =	sor.u32 s23, s1;
	v17 =	vld [tilespmem:s0+$0x460]  }
0xa3: {  	v18 =	vld [tilespmem:s0+$0x470];
	s26 =	sor.u32 $0x800, s1  }
0xa4: {  	s28 =	sor.u32 $0x810, s1;
	v19 =	vld [tilespmem:s26+$0x2800]  }
0xa5: {  	s29 =	sor.u32 $0x820, s1;
	v20 =	vld [tilespmem:s28+$0x2800]  }
0xa6: {  	s30 =	sor.u32 $0x830, s1;
	v21 =	vld [tilespmem:s29+$0x2800]  }
0xa7: {  	s31 =	sor.u32 $0x840, s1;
	v22 =	vld [tilespmem:s30+$0x2800]  }
0xa8: {  	s2 =	sor.u32 $0x850, s1;
	v23 =	vld [tilespmem:s31+$0x2800]  }
0xa9: {  	s3 =	sor.u32 $0x860, s1;
	v24 =	vld [tilespmem:s2+$0x2800]  }
0xaa: {  	s4 =	sor.u32 $0x870, s1;
	v25 =	vld [tilespmem:s3+$0x2800]  }
0xab: {  	[dreg:$0x1e] =	wrdreg s5;
	s5 =	sor.u32 $0xC00, s1;
	v26 =	vld [tilespmem:s4+$0x2800]  }
0xac: {  	s6 =	sor.u32 $0xC10, s1;
	v27 =	vld [tilespmem:s5+$0x2800]  }
0xad: {  	s7 =	sor.u32 $0xC20, s1;
	v28 =	vld [tilespmem:s6+$0x2800]  }
0xae: {  	s8 =	sor.u32 $0xC30, s1;
	v29 =	vld [tilespmem:s7+$0x2800]  }
0xaf: {  	s9 =	sor.u32 $0xC40, s1;
	v30 =	vld [tilespmem:s8+$0x2800]  }
0xb0: {  	s11 =	simm.s32 $0x0;
	s10 =	sor.u32 $0xC50, s1;
	v31 =	vld [tilespmem:s9+$0x2800]  }
0xb1: {  	s13 =	sand.u32 $0x3000, s11;
	s12 =	sor.u32 $0xC60, s1;
	v32 =	vld [tilespmem:s10+$0x2800];
	s2 =	sand.u32 $0x200, s11  }
0xb2: {  	s1 =	sor.u32 $0xC70, s1;
	v34 =	vld [tilespmem:s12+$0x2800];
	s0 =	sor.u32 s2, s13  }
0xb3: {  	[dreg:$0x1f] =	wrdreg s23;
	v33 =	vld [tilespmem:s1+$0x2800];
	s14 =	sor.u32 $0xC800, s0  }
0xb4: {  	s2 =	sor.u32 $0xC900, s0;
	[tilespmem:s14+$0x0] =	vst.add.f32.msk $0xffff, v3  }
0xb5: {  	s15 =	sor.u32 $0xC880, s0;
	[tilespmem:s2+$0x0] =	vst.add.f32.msk $0xffff, v3  }
0xb6: {  	s16 =	sor.u32 $0xC910, s0;
	[tilespmem:s15+$0x0] =	vst.add.f32.msk $0xffff, v3  }
0xb7: {  	s22 =	sor.u32 $0xC890, s0;
	[tilespmem:s16+$0x0] =	vst.add.f32.msk $0xffff, v4  }
0xb8: {  	s3 =	sor.u32 $0xC810, s0;
	[tilespmem:s22+$0x0] =	vst.add.f32.msk $0xffff, v4  }
0xb9: {  	s17 =	sor.u32 $0xC920, s0;
	[tilespmem:s3+$0x0] =	vst.add.f32.msk $0xffff, v4  }
0xba: {  	s4 =	sor.u32 $0xC8A0, s0;
	[tilespmem:s17+$0x0] =	vst.add.f32.msk $0xffff, v5  }
0xbb: {  	s6 =	sor.u32 $0xC820, s0;
	[tilespmem:s4+$0x0] =	vst.add.f32.msk $0xffff, v5  }
0xbc: {  	s18 =	sor.u32 $0xC930, s0;
	[tilespmem:s6+$0x0] =	vst.add.f32.msk $0xffff, v5  }
0xbd: {  	s3 =	sor.u32 $0xC8B0, s0;
	[tilespmem:s18+$0x0] =	vst.add.f32.msk $0xffff, v6  }
0xbe: {  	s9 =	sor.u32 $0xC830, s0;
	[tilespmem:s3+$0x0] =	vst.add.f32.msk $0xffff, v6  }
0xbf: {  	s19 =	sor.u32 $0xC940, s0;
	[tilespmem:s9+$0x0] =	vst.add.f32.msk $0xffff, v6  }
0xc0: {  	s7 =	sor.u32 $0xC8C0, s0;
	[tilespmem:s19+$0x0] =	vst.add.f32.msk $0xffff, v7  }
0xc1: {  	s16 =	sor.u32 $0xC840, s0;
	[tilespmem:s7+$0x0] =	vst.add.f32.msk $0xffff, v7  }
0xc2: {  	s20 =	sor.u32 $0xC950, s0;
	[tilespmem:s16+$0x0] =	vst.add.f32.msk $0xffff, v7  }
0xc3: {  	s8 =	sor.u32 $0xC8D0, s0;
	[tilespmem:s20+$0x0] =	vst.add.f32.msk $0xffff, v8  }
0xc4: {  	s17 =	sor.u32 $0xC850, s0;
	[tilespmem:s8+$0x0] =	vst.add.f32.msk $0xffff, v8  }
0xc5: {  	s21 =	sor.u32 $0xC960, s0;
	[tilespmem:s17+$0x0] =	vst.add.f32.msk $0xffff, v8  }
0xc6: {  	s18 =	sor.u32 $0xC860, s0;
	[tilespmem:s21+$0x0] =	vst.add.f32.msk $0xffff, v9  }
0xc7: {  	s22 =	sor.u32 $0xC8E0, s0;
	[tilespmem:s18+$0x0] =	vst.add.f32.msk $0xffff, v9  }
0xc8: {  	s23 =	sor.u32 $0xC970, s0;
	[tilespmem:s22+$0x0] =	vst.add.f32.msk $0xffff, v9  }
0xc9: {  	s19 =	sor.u32 $0xC870, s0;
	[tilespmem:s23+$0x0] =	vst.add.f32.msk $0xffff, v10  }
0xca: {  	s24 =	sor.u32 $0xCD00, s0;
	[tilespmem:s19+$0x0] =	vst.add.f32.msk $0xffff, v10  }
0xcb: {  	s20 =	sor.u32 $0xCC00, s0;
	[tilespmem:s24+$0x0] =	vst.add.f32.msk $0xffff, v11  }
0xcc: {  	s25 =	sor.u32 $0xCD10, s0;
	[tilespmem:s20+$0x0] =	vst.add.f32.msk $0xffff, v11  }
0xcd: {  	s21 =	sor.u32 $0xCC10, s0;
	[tilespmem:s25+$0x0] =	vst.add.f32.msk $0xffff, v12  }
0xce: {  	s26 =	sor.u32 $0xCD20, s0;
	[tilespmem:s21+$0x0] =	vst.add.f32.msk $0xffff, v12  }
0xcf: {  	s23 =	sor.u32 $0xCC20, s0;
	[tilespmem:s26+$0x0] =	vst.add.f32.msk $0xffff, v13  }
0xd0: {  	s25 =	sor.u32 $0xC980, s0;
	[tilespmem:s23+$0x0] =	vst.add.f32.msk $0xffff, v13  }
0xd1: {  	s28 =	sor.u32 $0xCD30, s0;
	[tilespmem:s25+$0x0] =	vst.add.f32.msk $0xffff, v3  }
0xd2: {  	s24 =	sor.u32 $0xCC30, s0;
	[tilespmem:s28+$0x0] =	vst.add.f32.msk $0xffff, v14  }
0xd3: {  	s26 =	sor.u32 $0xC990, s0;
	[tilespmem:s24+$0x0] =	vst.add.f32.msk $0xffff, v14  }
0xd4: {  	s29 =	sor.u32 $0xCD40, s0;
	[tilespmem:s26+$0x0] =	vst.add.f32.msk $0xffff, v4  }
0xd5: {  	s28 =	sor.u32 $0xC9A0, s0;
	[tilespmem:s29+$0x0] =	vst.add.f32.msk $0xffff, v15  }
0xd6: {  	s30 =	sor.u32 $0xCD50, s0;
	[tilespmem:s28+$0x0] =	vst.add.f32.msk $0xffff, v5  }
0xd7: {  	p1 =	por $0x0, $0x0;
	s1 =	simm.s32 $0x1;
	s29 =	sor.u32 $0xC9B0, s0;
	[tilespmem:s30+$0x0] =	vst.add.f32.msk $0xffff, v16  }
0xd8: {  	s1 =	simm.s32 @!p1 $0x0;
	s31 =	sor.u32 $0xCD60, s0;
	[tilespmem:s29+$0x0] =	vst.add.f32.msk $0xffff, v6  }
0xd9: {  	s1 =	sshll.u32 s1, $0x9;
	s30 =	sor.u32 $0xC9C0, s0;
	[tilespmem:s31+$0x0] =	vst.add.f32.msk $0xffff, v17  }
0xda: {  	s5 =	sor.u32 $0xCD70, s0;
	s11 =	sadd.s32 $0x0, s1;
	[tilespmem:s30+$0x0] =	vst.add.f32.msk $0xffff, v7  }
0xdb: {  	s1 =	sadd.s32 $0x100, s11;
	s31 =	sor.u32 $0xC9D0, s0;
	[tilespmem:s5+$0x0] =	vst.add.f32.msk $0xffff, v18  }
0xdc: {  	s10 =	sor.u32 $0x800, s1;
	[tilespmem:s31+$0x0] =	vst.add.f32.msk $0xffff, v8  }
0xdd: {  	s5 =	sor.u32 $0xCC40, s0;
	[tilespmem:s10+$0xC800] =	vst.add.f32.msk $0xffff, v19  }
0xde: {  	s12 =	sor.u32 $0x810, s1;
	[tilespmem:s5+$0x0] =	vst.add.f32.msk $0xffff, v15  }
0xdf: {  	s6 =	sor.u32 $0xCC50, s0;
	[tilespmem:s12+$0xC800] =	vst.add.f32.msk $0xffff, v20  }
0xe0: {  	s10 =	sor.u32 $0xC9E0, s0;
	[tilespmem:s6+$0x0] =	vst.add.f32.msk $0xffff, v16  }
0xe1: {  	s13 =	sor.u32 $0x820, s1;
	[tilespmem:s10+$0x0] =	vst.add.f32.msk $0xffff, v9  }
0xe2: {  	s7 =	sor.u32 $0xCC60, s0;
	[tilespmem:s13+$0xC800] =	vst.add.f32.msk $0xffff, v21  }
0xe3: {  	s12 =	sor.u32 $0xC8F0, s0;
	[tilespmem:s7+$0x0] =	vst.add.f32.msk $0xffff, v17  }
0xe4: {  	s18 =	sor.u32 $0xC9F0, s0;
	[tilespmem:s12+$0x0] =	vst.add.f32.msk $0xffff, v10  }
0xe5: {  	s14 =	sor.u32 $0x830, s1;
	[tilespmem:s18+$0x0] =	vst.add.f32.msk $0xffff, v10  }
0xe6: {  	s13 =	sor.u32 $0xCC80, s0;
	[tilespmem:s14+$0xC800] =	vst.add.f32.msk $0xffff, v22  }
0xe7: {  	s19 =	sor.u32 $0xCD80, s0;
	[tilespmem:s13+$0x0] =	vst.add.f32.msk $0xffff, v11  }
0xe8: {  	s15 =	sor.u32 $0x840, s1;
	[tilespmem:s19+$0x0] =	vst.add.f32.msk $0xffff, v11  }
0xe9: {  	s20 =	sor.u32 $0xCD90, s0;
	[tilespmem:s15+$0xC800] =	vst.add.f32.msk $0xffff, v23  }
0xea: {  	s4 =	sor.u32 $0x850, s1;
	[tilespmem:s20+$0x0] =	vst.add.f32.msk $0xffff, v12  }
0xeb: {  	s21 =	sor.u32 $0xCDA0, s0;
	[tilespmem:s4+$0xC800] =	vst.add.f32.msk $0xffff, v24  }
0xec: {  	s20 =	sor.u32 $0xCC90, s0;
	[tilespmem:s21+$0x0] =	vst.add.f32.msk $0xffff, v13  }
0xed: {  	s8 =	sor.u32 $0x860, s1;
	[tilespmem:s20+$0x0] =	vst.add.f32.msk $0xffff, v12  }
0xee: {  	s22 =	sor.u32 $0xCDB0, s0;
	[tilespmem:s8+$0xC800] =	vst.add.f32.msk $0xffff, v25  }
0xef: {  	s21 =	sor.u32 $0xCC70, s0;
	[tilespmem:s22+$0x0] =	vst.add.f32.msk $0xffff, v14  }
0xf0: {  	s9 =	sor.u32 $0x870, s1;
	[tilespmem:s21+$0x0] =	vst.add.f32.msk $0xffff, v18  }
0xf1: {  	s23 =	sor.u32 $0xCDC0, s0;
	[tilespmem:s9+$0xC800] =	vst.add.f32.msk $0xffff, v26  }
0xf2: {  	s22 =	sor.u32 $0xCCA0, s0;
	[tilespmem:s23+$0x0] =	vst.add.f32.msk $0xffff, v15  }
0xf3: {  	s14 =	sor.u32 $0xC00, s1;
	[tilespmem:s22+$0x0] =	vst.add.f32.msk $0xffff, v13  }
0xf4: {  	s24 =	sor.u32 $0xCDD0, s0;
	[tilespmem:s14+$0xC800] =	vst.add.f32.msk $0xffff, v27  }
0xf5: {  	s23 =	sor.u32 $0xCCB0, s0;
	[tilespmem:s24+$0x0] =	vst.add.f32.msk $0xffff, v16  }
0xf6: {  	s15 =	sor.u32 $0xC10, s1;
	[tilespmem:s23+$0x0] =	vst.add.f32.msk $0xffff, v14  }
0xf7: {  	s25 =	sor.u32 $0xCDE0, s0;
	[tilespmem:s15+$0xC800] =	vst.add.f32.msk $0xffff, v28  }
0xf8: {  	s24 =	sor.u32 $0xCCC0, s0;
	[tilespmem:s25+$0x0] =	vst.add.f32.msk $0xffff, v17  }
0xf9: {  	s16 =	sor.u32 $0xC20, s1;
	[tilespmem:s24+$0x0] =	vst.add.f32.msk $0xffff, v15  }
0xfa: {  	s26 =	sor.u32 $0xCDF0, s0;
	[tilespmem:s16+$0xC800] =	vst.add.f32.msk $0xffff, v29  }
0xfb: {  	s25 =	sor.u32 $0xCCD0, s0;
	[tilespmem:s26+$0x0] =	vst.add.f32.msk $0xffff, v18  }
0xfc: {  	s2 =	sadd.s32 $0x180, s11;
	s17 =	sor.u32 $0xC30, s1;
	[tilespmem:s25+$0x0] =	vst.add.f32.msk $0xffff, v16  }
0xfd: {  	s28 =	sor.u32 $0x800, s2;
	[tilespmem:s17+$0xC800] =	vst.add.f32.msk $0xffff, v30  }
0xfe: {  	s26 =	sor.u32 $0xCCE0, s0;
	[tilespmem:s28+$0xC800] =	vst.add.f32.msk $0xffff, v19  }
0xff: {  	s29 =	sor.u32 $0x810, s2;
	[tilespmem:s26+$0x0] =	vst.add.f32.msk $0xffff, v17  }
0x100: {  	s17 =	sor.u32 $0xC40, s1;
	[tilespmem:s29+$0xC800] =	vst.add.f32.msk $0xffff, v20  }
0x101: {  	s0 =	sor.u32 $0xCCF0, s0;
	[tilespmem:s17+$0xC800] =	vst.add.f32.msk $0xffff, v31  }
0x102: {  	s30 =	sor.u32 $0x820, s2;
	[tilespmem:s0+$0x0] =	vst.add.f32.msk $0xffff, v18  }
0x103: {  	s3 =	sadd.s32 $0x80, s11;
	s18 =	sor.u32 $0xC50, s1;
	[tilespmem:s30+$0xC800] =	vst.add.f32.msk $0xffff, v21  }
0x104: {  	s28 =	sor.u32 $0x800, s3;
	[tilespmem:s18+$0xC800] =	vst.add.f32.msk $0xffff, v32  }
0x105: {  	s31 =	sor.u32 $0x830, s2;
	[tilespmem:s28+$0xC800] =	vst.add.f32.msk $0xffff, v19  }
0x106: {  	s19 =	sor.u32 $0xC60, s1;
	[tilespmem:s31+$0xC800] =	vst.add.f32.msk $0xffff, v22  }
0x107: {  	s29 =	sor.u32 $0x810, s3;
	[tilespmem:s19+$0xC800] =	vst.add.f32.msk $0xffff, v34  }
0x108: {  	s5 =	sor.u32 $0x840, s2;
	[tilespmem:s29+$0xC800] =	vst.add.f32.msk $0xffff, v20  }
0x109: {  	s1 =	sor.u32 $0xC70, s1;
	[tilespmem:s5+$0xC800] =	vst.add.f32.msk $0xffff, v23  }
0x10a: {  	s30 =	sor.u32 $0x820, s3;
	[tilespmem:s1+$0xC800] =	vst.add.f32.msk $0xffff, v33  }
0x10b: {  	s6 =	sor.u32 $0x850, s2;
	[tilespmem:s30+$0xC800] =	vst.add.f32.msk $0xffff, v21  }
0x10c: {  	s31 =	sor.u32 $0x830, s3;
	[tilespmem:s6+$0xC800] =	vst.add.f32.msk $0xffff, v24  }
0x10d: {  	s7 =	sor.u32 $0x860, s2;
	[tilespmem:s31+$0xC800] =	vst.add.f32.msk $0xffff, v22  }
0x10e: {  	s4 =	sor.u32 $0x840, s3;
	[tilespmem:s7+$0xC800] =	vst.add.f32.msk $0xffff, v25  }
0x10f: {  	s8 =	sor.u32 $0x870, s2;
	[tilespmem:s4+$0xC800] =	vst.add.f32.msk $0xffff, v23  }
0x110: {  	s5 =	sor.u32 $0x850, s3;
	[tilespmem:s8+$0xC800] =	vst.add.f32.msk $0xffff, v26  }
0x111: {  	s9 =	sor.u32 $0xC00, s2;
	[tilespmem:s5+$0xC800] =	vst.add.f32.msk $0xffff, v24  }
0x112: {  	s6 =	sor.u32 $0x860, s3;
	[tilespmem:s9+$0xC800] =	vst.add.f32.msk $0xffff, v27  }
0x113: {  	s10 =	sor.u32 $0xC10, s2;
	[tilespmem:s6+$0xC800] =	vst.add.f32.msk $0xffff, v25  }
0x114: {  	s7 =	sor.u32 $0x870, s3;
	[tilespmem:s10+$0xC800] =	vst.add.f32.msk $0xffff, v28  }
0x115: {  	s12 =	sor.u32 $0xC20, s2;
	[tilespmem:s7+$0xC800] =	vst.add.f32.msk $0xffff, v26  }
0x116: {  	s8 =	sor.u32 $0xC00, s3;
	[tilespmem:s12+$0xC800] =	vst.add.f32.msk $0xffff, v29  }
0x117: {  	s13 =	sor.u32 $0xC30, s2;
	[tilespmem:s8+$0xC800] =	vst.add.f32.msk $0xffff, v27  }
0x118: {  	s9 =	sor.u32 $0xC10, s3;
	[tilespmem:s13+$0xC800] =	vst.add.f32.msk $0xffff, v30  }
0x119: {  	s14 =	sor.u32 $0xC40, s2;
	[tilespmem:s9+$0xC800] =	vst.add.f32.msk $0xffff, v28  }
0x11a: {  	s10 =	sor.u32 $0xC20, s3;
	[tilespmem:s14+$0xC800] =	vst.add.f32.msk $0xffff, v31  }
0x11b: {  	s15 =	sor.u32 $0xC50, s2;
	[tilespmem:s10+$0xC800] =	vst.add.f32.msk $0xffff, v29  }
0x11c: {  	s12 =	sor.u32 $0xC30, s3;
	[tilespmem:s15+$0xC800] =	vst.add.f32.msk $0xffff, v32  }
0x11d: {  	s16 =	sor.u32 $0xC60, s2;
	[tilespmem:s12+$0xC800] =	vst.add.f32.msk $0xffff, v30  }
0x11e: {  	s13 =	sor.u32 $0xC40, s3;
	[tilespmem:s16+$0xC800] =	vst.add.f32.msk $0xffff, v34  }
0x11f: {  	s14 =	sor.u32 $0xC50, s3;
	[tilespmem:s13+$0xC800] =	vst.add.f32.msk $0xffff, v31  }
0x120: {  	s16 =	sor.u32 $0x800, s11;
	[tilespmem:s14+$0xC800] =	vst.add.f32.msk $0xffff, v32  }
0x121: {  	s15 =	sor.u32 $0xC60, s3;
	[tilespmem:s16+$0xC800] =	vst.add.f32.msk $0xffff, v19  }
0x122: {  	s17 =	sor.u32 $0x810, s11;
	[tilespmem:s15+$0xC800] =	vst.add.f32.msk $0xffff, v34  }
0x123: {  	s18 =	sor.u32 $0x820, s11;
	[tilespmem:s17+$0xC800] =	vst.add.f32.msk $0xffff, v20  }
0x124: {  	s19 =	sor.u32 $0x830, s11;
	[tilespmem:s18+$0xC800] =	vst.add.f32.msk $0xffff, v21  }
0x125: {  	s20 =	sor.u32 $0x840, s11;
	[tilespmem:s19+$0xC800] =	vst.add.f32.msk $0xffff, v22  }
0x126: {  	s21 =	sor.u32 $0x850, s11;
	[tilespmem:s20+$0xC800] =	vst.add.f32.msk $0xffff, v23  }
0x127: {  	s22 =	sor.u32 $0x860, s11;
	[tilespmem:s21+$0xC800] =	vst.add.f32.msk $0xffff, v24  }
0x128: {  	s23 =	sor.u32 $0x870, s11;
	[tilespmem:s22+$0xC800] =	vst.add.f32.msk $0xffff, v25  }
0x129: {  	s24 =	sor.u32 $0xC00, s11;
	[tilespmem:s23+$0xC800] =	vst.add.f32.msk $0xffff, v26  }
0x12a: {  	s25 =	sor.u32 $0xC10, s11;
	[tilespmem:s24+$0xC800] =	vst.add.f32.msk $0xffff, v27  }
0x12b: {  	s26 =	sor.u32 $0xC20, s11;
	[tilespmem:s25+$0xC800] =	vst.add.f32.msk $0xffff, v28  }
0x12c: {  	s28 =	sor.u32 $0xC30, s11;
	[tilespmem:s26+$0xC800] =	vst.add.f32.msk $0xffff, v29  }
0x12d: {  	s29 =	sor.u32 $0xC40, s11;
	[tilespmem:s28+$0xC800] =	vst.add.f32.msk $0xffff, v30  }
0x12e: {  	p1 =	por !p1, !p1;
	s2 =	sor.u32 $0xC70, s2;
	s30 =	sor.u32 $0xC50, s11;
	[tilespmem:s29+$0xC800] =	vst.add.f32.msk $0xffff, v31  }
0x12f: {  	s0 =	simm.s32 $0x800;
	s31 =	sor.u32 $0xC60, s11;
	s12 =	simm.s32 $0x0;
	[tilespmem:s30+$0xC800] =	vst.add.f32.msk $0xffff, v32  }
0x130: {  	s16 =	sor.u32 $0xC70, s3;
	s3 =	sor.u32 $0xC70, s11;
	s19 =	simm.s32 $0x200;
	[tilespmem:s31+$0xC800] =	vst.add.f32.msk $0xffff, v34  }
.LBB2_3:
0x131: {  	s4 =	sand.u32 $0x3000, s0;
	s6 =	sand.u32 $0x200, s19;
	[tilespmem:s3+$0xC800] =	vst.add.f32.msk $0xffff, v33  }
0x132: {  	[tilespmem:s2+$0xC800] =	vst.add.f32.msk $0xffff, v33;
	s22 =	sor.u32 s6, s4  }
0x133: {  	[tilespmem:s16+$0xC800] =	vst.add.f32.msk $0xffff, v33;
	s29 =	sor.u32 $0xC800, s22  }
0x134: {  	s30 =	sor.u32 $0xC900, s22;
	[tilespmem:s29+$0x0] =	vst.add.f32.msk $0xffff, v3  }
0x135: {  	s31 =	sor.u32 $0xC880, s22;
	[tilespmem:s30+$0x0] =	vst.add.f32.msk $0xffff, v3  }
0x136: {  	s1 =	sor.u32 $0xC910, s22;
	[tilespmem:s31+$0x0] =	vst.add.f32.msk $0xffff, v3  }
0x137: {  	s4 =	sor.u32 $0xC890, s22;
	[tilespmem:s1+$0x0] =	vst.add.f32.msk $0xffff, v4  }
0x138: {  	s24 =	sor.u32 $0xC810, s22;
	[tilespmem:s4+$0x0] =	vst.add.f32.msk $0xffff, v4  }
0x139: {  	s5 =	sor.u32 $0xC920, s22;
	[tilespmem:s24+$0x0] =	vst.add.f32.msk $0xffff, v4  }
0x13a: {  	s26 =	sor.u32 $0xC8A0, s22;
	[tilespmem:s5+$0x0] =	vst.add.f32.msk $0xffff, v5  }
0x13b: {  	s30 =	sor.u32 $0xC820, s22;
	[tilespmem:s26+$0x0] =	vst.add.f32.msk $0xffff, v5  }
0x13c: {  	s6 =	sor.u32 $0xC930, s22;
	[tilespmem:s30+$0x0] =	vst.add.f32.msk $0xffff, v5  }
0x13d: {  	s29 =	sor.u32 $0xC8B0, s22;
	[tilespmem:s6+$0x0] =	vst.add.f32.msk $0xffff, v6  }
0x13e: {  	s1 =	sor.u32 $0xC830, s22;
	[tilespmem:s29+$0x0] =	vst.add.f32.msk $0xffff, v6  }
0x13f: {  	s7 =	sor.u32 $0xC940, s22;
	[tilespmem:s1+$0x0] =	vst.add.f32.msk $0xffff, v6  }
0x140: {  	s5 =	sor.u32 $0xC840, s22;
	[tilespmem:s7+$0x0] =	vst.add.f32.msk $0xffff, v7  }
0x141: {  	s8 =	sor.u32 $0xC950, s22;
	[tilespmem:s5+$0x0] =	vst.add.f32.msk $0xffff, v7  }
0x142: {  	s9 =	sor.u32 $0xC960, s22;
	[tilespmem:s8+$0x0] =	vst.add.f32.msk $0xffff, v8  }
0x143: {  	s8 =	sor.u32 $0xC8C0, s22;
	[tilespmem:s9+$0x0] =	vst.add.f32.msk $0xffff, v9  }
0x144: {  	s10 =	sor.u32 $0xC970, s22;
	[tilespmem:s8+$0x0] =	vst.add.f32.msk $0xffff, v7  }
0x145: {  	s31 =	sor.u32 $0xC8D0, s22;
	[tilespmem:s10+$0x0] =	vst.add.f32.msk $0xffff, v10  }
0x146: {  	s11 =	sor.u32 $0xCD00, s22;
	[tilespmem:s31+$0x0] =	vst.add.f32.msk $0xffff, v8  }
0x147: {  	s31 =	sor.u32 $0xC980, s22;
	[tilespmem:s11+$0x0] =	vst.add.f32.msk $0xffff, v11  }
0x148: {  	s13 =	sor.u32 $0xCD10, s22;
	[tilespmem:s31+$0x0] =	vst.add.f32.msk $0xffff, v3  }
0x149: {  	s14 =	sor.u32 $0xCD20, s22;
	[tilespmem:s13+$0x0] =	vst.add.f32.msk $0xffff, v12  }
0x14a: {  	s13 =	sor.u32 $0xC850, s22;
	[tilespmem:s14+$0x0] =	vst.add.f32.msk $0xffff, v13  }
0x14b: {  	s15 =	sor.u32 $0xCD30, s22;
	[tilespmem:s13+$0x0] =	vst.add.f32.msk $0xffff, v8  }
0x14c: {  	s14 =	sor.u32 $0xC860, s22;
	[tilespmem:s15+$0x0] =	vst.add.f32.msk $0xffff, v14  }
0x14d: {  	s16 =	sor.u32 $0xCD40, s22;
	[tilespmem:s14+$0x0] =	vst.add.f32.msk $0xffff, v9  }
0x14e: {  	s15 =	sor.u32 $0xC870, s22;
	[tilespmem:s16+$0x0] =	vst.add.f32.msk $0xffff, v15  }
0x14f: {  	s17 =	sor.u32 $0xCD50, s22;
	[tilespmem:s15+$0x0] =	vst.add.f32.msk $0xffff, v10  }
0x150: {  	s16 =	sor.u32 $0xCC00, s22;
	[tilespmem:s17+$0x0] =	vst.add.f32.msk $0xffff, v16  }
0x151: {  	s18 =	sor.u32 $0xCD60, s22;
	s4 =	simm.s32 $0x1;
	[tilespmem:s16+$0x0] =	vst.add.f32.msk $0xffff, v11  }
0x152: {  	s4 =	simm.s32 @!p1 $0x0;
	s9 =	sor.u32 $0xCC10, s22;
	[tilespmem:s18+$0x0] =	vst.add.f32.msk $0xffff, v17  }
0x153: {  	s23 =	sor.u32 $0xCD70, s22;
	s4 =	sshll.u32 s4, $0x9;
	[tilespmem:s9+$0x0] =	vst.add.f32.msk $0xffff, v12  }
0x154: {  	s20 =	sadd.s32 s4, s0;
	s10 =	sor.u32 $0xCC20, s22;
	[tilespmem:s23+$0x0] =	vst.add.f32.msk $0xffff, v18  }
0x155: {  	s11 =	sadd.s32 $0x100, s20;
	s9 =	sor.u32 $0xC990, s22;
	[tilespmem:s10+$0x0] =	vst.add.f32.msk $0xffff, v13  }
0x156: {  	s25 =	sor.u32 $0x800, s11;
	[tilespmem:s9+$0x0] =	vst.add.f32.msk $0xffff, v4  }
0x157: {  	s23 =	sor.u32 $0xCC30, s22;
	[tilespmem:s25+$0xC800] =	vst.add.f32.msk $0xffff, v19  }
0x158: {  	s13 =	sor.u32 $0xC9A0, s22;
	[tilespmem:s23+$0x0] =	vst.add.f32.msk $0xffff, v14  }
0x159: {  	s28 =	sor.u32 $0x810, s11;
	[tilespmem:s13+$0x0] =	vst.add.f32.msk $0xffff, v5  }
0x15a: {  	s14 =	sor.u32 $0xC9B0, s22;
	[tilespmem:s28+$0xC800] =	vst.add.f32.msk $0xffff, v20  }
0x15b: {  	s8 =	sor.u32 $0xCC40, s22;
	[tilespmem:s14+$0x0] =	vst.add.f32.msk $0xffff, v6  }
0x15c: {  	s7 =	sor.u32 $0x820, s11;
	[tilespmem:s8+$0x0] =	vst.add.f32.msk $0xffff, v15  }
0x15d: {  	s28 =	sor.u32 $0xC8E0, s22;
	[tilespmem:s7+$0xC800] =	vst.add.f32.msk $0xffff, v21  }
0x15e: {  	s15 =	sor.u32 $0xC9C0, s22;
	[tilespmem:s28+$0x0] =	vst.add.f32.msk $0xffff, v9  }
0x15f: {  	s4 =	sor.u32 $0xCC50, s22;
	[tilespmem:s15+$0x0] =	vst.add.f32.msk $0xffff, v7  }
0x160: {  	s17 =	sor.u32 $0x830, s11;
	[tilespmem:s4+$0x0] =	vst.add.f32.msk $0xffff, v16  }
0x161: {  	s16 =	sor.u32 $0xC9D0, s22;
	[tilespmem:s17+$0xC800] =	vst.add.f32.msk $0xffff, v22  }
0x162: {  	s2 =	sor.u32 $0xCC60, s22;
	[tilespmem:s16+$0x0] =	vst.add.f32.msk $0xffff, v8  }
0x163: {  	s15 =	sor.u32 $0xC8F0, s22;
	[tilespmem:s2+$0x0] =	vst.add.f32.msk $0xffff, v17  }
0x164: {  	s18 =	sor.u32 $0x840, s11;
	[tilespmem:s15+$0x0] =	vst.add.f32.msk $0xffff, v10  }
0x165: {  	s13 =	sor.u32 $0xC9E0, s22;
	[tilespmem:s18+$0xC800] =	vst.add.f32.msk $0xffff, v23  }
0x166: {  	s24 =	sor.u32 $0xCC70, s22;
	[tilespmem:s13+$0x0] =	vst.add.f32.msk $0xffff, v9  }
0x167: {  	s1 =	sor.u32 $0xCCF0, s22;
	s31 =	sor.u32 $0x850, s11;
	[tilespmem:s24+$0x0] =	vst.add.f32.msk $0xffff, v18  }
0x168: {  	[dreg:$0x4] =	wrdreg s1;
	s1 =	sor.u32 $0xC9F0, s22;
	s25 =	sadd.s32 $0x80, s20;
	[tilespmem:s31+$0xC800] =	vst.add.f32.msk $0xffff, v24  }
0x169: {  	s5 =	sor.u32 $0x830, s25;
	s2 =	sor.u32 $0x800, s20;
	[tilespmem:s1+$0x0] =	vst.add.f32.msk $0xffff, v10  }
0x16a: {  	[dreg:$0x14] =	wrdreg s5;
	s5 =	sor.u32 $0x860, s11;
	[tilespmem:s2+$0xC800] =	vst.add.f32.msk $0xffff, v19  }
0x16b: {  	s31 =	sor.u32 $0xCC80, s22;
	[tilespmem:s5+$0xC800] =	vst.add.f32.msk $0xffff, v25  }
0x16c: {  	s6 =	sor.u32 $0xCD80, s22;
	[tilespmem:s31+$0x0] =	vst.add.f32.msk $0xffff, v11  }
0x16d: {  	s9 =	sor.u32 $0x810, s20;
	[tilespmem:s6+$0x0] =	vst.add.f32.msk $0xffff, v11  }
0x16e: {  	s14 =	sor.u32 $0x870, s11;
	[tilespmem:s9+$0xC800] =	vst.add.f32.msk $0xffff, v20  }
0x16f: {  	s31 =	sor.u32 $0x820, s20;
	[tilespmem:s14+$0xC800] =	vst.add.f32.msk $0xffff, v26  }
0x170: {  	s8 =	sor.u32 $0xC00, s11;
	[tilespmem:s31+$0xC800] =	vst.add.f32.msk $0xffff, v21  }
0x171: {  	s15 =	sor.u32 $0xC10, s11;
	[tilespmem:s8+$0xC800] =	vst.add.f32.msk $0xffff, v27  }
0x172: {  	s8 =	sor.u32 $0x830, s20;
	[tilespmem:s15+$0xC800] =	vst.add.f32.msk $0xffff, v28  }
0x173: {  	s15 =	sor.u32 $0xC20, s11;
	[tilespmem:s8+$0xC800] =	vst.add.f32.msk $0xffff, v22  }
0x174: {  	s21 =	sadd.s32 $0x180, s20;
	s5 =	sor.u32 $0x840, s20;
	[tilespmem:s15+$0xC800] =	vst.add.f32.msk $0xffff, v29  }
0x175: {  	s26 =	sor.u32 $0x800, s25;
	s29 =	sor.u32 $0x810, s25;
	s15 =	sor.u32 $0xC30, s11;
	[tilespmem:s5+$0xC800] =	vst.add.f32.msk $0xffff, v23  }
0x176: {  	s30 =	sor.u32 $0x820, s25;
	s23 =	sor.u32 $0xC00, s25;
	[tilespmem:s15+$0xC800] =	vst.add.f32.msk $0xffff, v30;
	s15 =	sor.u32 $0xCD90, s22  }
0x177: {  	s10 =	sor.u32 $0xC20, s25;
	[dreg:$0x8] =	wrdreg s26;
	s6 =	sor.u32 $0xCDA0, s22;
	[tilespmem:s15+$0x0] =	vst.add.f32.msk $0xffff, v12  }
0x178: {  	s3 =	sor.u32 $0xC40, s25;
	[dreg:$0xc] =	wrdreg s29;
	s15 =	sor.u32 $0xCDB0, s22;
	[tilespmem:s6+$0x0] =	vst.add.f32.msk $0xffff, v13  }
0x179: {  	[dreg:$0x10] =	wrdreg s30;
	s30 =	sor.u32 $0x860, s25;
	[tilespmem:s15+$0x0] =	vst.add.f32.msk $0xffff, v14;
	s15 =	sor.u32 $0xCDC0, s22  }
0x17a: {  	s29 =	sor.u32 $0x870, s25;
	s26 =	sor.u32 $0xC10, s25;
	[tilespmem:s15+$0x0] =	vst.add.f32.msk $0xffff, v15;
	s15 =	sor.u32 $0xCDD0, s22  }
0x17b: {  	s28 =	sor.u32 $0xC30, s25;
	s7 =	sor.u32 $0xC50, s25;
	[tilespmem:s15+$0x0] =	vst.add.f32.msk $0xffff, v16;
	s15 =	sor.u32 $0xCDE0, s22  }
0x17c: {  	s4 =	sor.u32 $0xC60, s25;
	s17 =	sor.u32 $0x840, s25;
	[tilespmem:s15+$0x0] =	vst.add.f32.msk $0xffff, v17;
	s15 =	sor.u32 $0xCDF0, s22  }
0x17d: {  	s16 =	sor.u32 $0xC70, s25;
	s18 =	sor.u32 $0x850, s25;
	s25 =	sor.u32 $0x800, s21;
	[tilespmem:s15+$0x0] =	vst.add.f32.msk $0xffff, v18  }
0x17e: {  	s13 =	sor.u32 $0x810, s21;
	[tilespmem:s25+$0xC800] =	vst.add.f32.msk $0xffff, v19  }
0x17f: {  	s14 =	sor.u32 $0x820, s21;
	[tilespmem:s13+$0xC800] =	vst.add.f32.msk $0xffff, v20  }
0x180: {  	s6 =	sor.u32 $0x830, s21;
	[tilespmem:s14+$0xC800] =	vst.add.f32.msk $0xffff, v21  }
0x181: {  	[tilespmem:s6+$0xC800] =	vst.add.f32.msk $0xffff, v22;
	s6 =	sor.u32 $0x840, s21  }
0x182: {  	s13 =	sor.u32 $0x850, s21;
	[tilespmem:s6+$0xC800] =	vst.add.f32.msk $0xffff, v23  }
0x183: {  	s14 =	sor.u32 $0x860, s21;
	[tilespmem:s13+$0xC800] =	vst.add.f32.msk $0xffff, v24  }
0x184: {  	s15 =	sor.u32 $0x870, s21;
	[tilespmem:s14+$0xC800] =	vst.add.f32.msk $0xffff, v25  }
0x185: {  	s25 =	sor.u32 $0xC00, s21;
	[tilespmem:s15+$0xC800] =	vst.add.f32.msk $0xffff, v26  }
0x186: {  	s6 =	sor.u32 $0xC10, s21;
	[tilespmem:s25+$0xC800] =	vst.add.f32.msk $0xffff, v27  }
0x187: {  	s13 =	sor.u32 $0xC20, s21;
	[tilespmem:s6+$0xC800] =	vst.add.f32.msk $0xffff, v28  }
0x188: {  	s14 =	sor.u32 $0xC30, s21;
	[tilespmem:s13+$0xC800] =	vst.add.f32.msk $0xffff, v29  }
0x189: {  	s13 =	sor.u32 $0xC40, s11;
	[tilespmem:s14+$0xC800] =	vst.add.f32.msk $0xffff, v30  }
0x18a: {  	s15 =	sor.u32 $0xC40, s21;
	[tilespmem:s13+$0xC800] =	vst.add.f32.msk $0xffff, v31  }
0x18b: {  	s14 =	sor.u32 $0xC50, s11;
	[tilespmem:s15+$0xC800] =	vst.add.f32.msk $0xffff, v31  }
0x18c: {  	s25 =	sor.u32 $0xC50, s21;
	[tilespmem:s14+$0xC800] =	vst.add.f32.msk $0xffff, v32  }
0x18d: {  	s15 =	sor.u32 $0xC60, s11;
	[tilespmem:s25+$0xC800] =	vst.add.f32.msk $0xffff, v32  }
0x18e: {  	s6 =	sor.u32 $0xC60, s21;
	[tilespmem:s15+$0xC800] =	vst.add.f32.msk $0xffff, v34  }
0x18f: {  	s25 =	sor.u32 $0xCC90, s22;
	[tilespmem:s6+$0xC800] =	vst.add.f32.msk $0xffff, v34  }
0x190: {  	s11 =	sor.u32 $0xC70, s11;
	[tilespmem:s25+$0x0] =	vst.add.f32.msk $0xffff, v12  }
0x191: {  	s13 =	sor.u32 $0xCCA0, s22;
	[tilespmem:s11+$0xC800] =	vst.add.f32.msk $0xffff, v33  }
0x192: {  	s14 =	sor.u32 $0xCCB0, s22;
	[tilespmem:s13+$0x0] =	vst.add.f32.msk $0xffff, v13  }
0x193: {  	s15 =	sor.u32 $0xCCC0, s22;
	[tilespmem:s14+$0x0] =	vst.add.f32.msk $0xffff, v14  }
0x194: {  	s24 =	sor.u32 $0xCCD0, s22;
	[tilespmem:s15+$0x0] =	vst.add.f32.msk $0xffff, v15  }
0x195: {  	s25 =	sor.u32 $0xCCE0, s22;
	[tilespmem:s24+$0x0] =	vst.add.f32.msk $0xffff, v16  }
0x196: {  	s6 =	rddreg [dreg:$0x4];
	[tilespmem:s25+$0x0] =	vst.add.f32.msk $0xffff, v17  }
0x197: {  	s11 =	rddreg [dreg:$0x8];
	[tilespmem:s6+$0x0] =	vst.add.f32.msk $0xffff, v18  }
0x198: {  	s13 =	rddreg [dreg:$0xc];
	[tilespmem:s11+$0xC800] =	vst.add.f32.msk $0xffff, v19  }
0x199: {  	s14 =	rddreg [dreg:$0x10];
	[tilespmem:s13+$0xC800] =	vst.add.f32.msk $0xffff, v20  }
0x19a: {  	s15 =	rddreg [dreg:$0x14];
	[tilespmem:s14+$0xC800] =	vst.add.f32.msk $0xffff, v21  }
0x19b: {  	[tilespmem:s15+$0xC800] =	vst.add.f32.msk $0xffff, v22  }
0x19c: {  	[tilespmem:s17+$0xC800] =	vst.add.f32.msk $0xffff, v23  }
0x19d: {  	[tilespmem:s18+$0xC800] =	vst.add.f32.msk $0xffff, v24  }
0x19e: {  	s18 =	sor.u32 $0x850, s20;
	[tilespmem:s30+$0xC800] =	vst.add.f32.msk $0xffff, v25  }
0x19f: {  	[tilespmem:s18+$0xC800] =	vst.add.f32.msk $0xffff, v24  }
0x1a0: {  	s22 =	sor.u32 $0x860, s20;
	[tilespmem:s29+$0xC800] =	vst.add.f32.msk $0xffff, v26  }
0x1a1: {  	[tilespmem:s22+$0xC800] =	vst.add.f32.msk $0xffff, v25  }
0x1a2: {  	[tilespmem:s23+$0xC800] =	vst.add.f32.msk $0xffff, v27  }
0x1a3: {  	s23 =	sor.u32 $0x870, s20;
	[tilespmem:s26+$0xC800] =	vst.add.f32.msk $0xffff, v28  }
0x1a4: {  	[tilespmem:s23+$0xC800] =	vst.add.f32.msk $0xffff, v26  }
0x1a5: {  	s24 =	sor.u32 $0xC00, s20;
	[tilespmem:s10+$0xC800] =	vst.add.f32.msk $0xffff, v29  }
0x1a6: {  	[tilespmem:s24+$0xC800] =	vst.add.f32.msk $0xffff, v27  }
0x1a7: {  	s25 =	sor.u32 $0xC10, s20;
	[tilespmem:s28+$0xC800] =	vst.add.f32.msk $0xffff, v30  }
0x1a8: {  	[tilespmem:s25+$0xC800] =	vst.add.f32.msk $0xffff, v28  }
0x1a9: {  	s26 =	sor.u32 $0xC20, s20;
	[tilespmem:s3+$0xC800] =	vst.add.f32.msk $0xffff, v31  }
0x1aa: {  	s12 =	sadd.s32 $0x4, s12;
	[tilespmem:s26+$0xC800] =	vst.add.f32.msk $0xffff, v29  }
0x1ab: {  	p2 =	slt.u32 s12, $0x1C;
	s28 =	sor.u32 $0xC30, s20;
	[tilespmem:s7+$0xC800] =	vst.add.f32.msk $0xffff, v32  }
.Ltmp4:
0x1ac: {  	[tilespmem:s28+$0xC800] =	vst.add.f32.msk $0xffff, v30;
	(pc) =	sbr.rel @p2 .LBB2_3-.Ltmp4, $4  }
0x1ad: {  	s29 =	sor.u32 $0xC40, s20;
	[tilespmem:s4+$0xC800] =	vst.add.f32.msk $0xffff, v34  }
0x1ae: {  	s30 =	sor.u32 $0xC50, s20;
	[tilespmem:s29+$0xC800] =	vst.add.f32.msk $0xffff, v31  }
0x1af: {  	s19 =	sadd.s32 $0x200, s19;
	p1 =	por !p1, !p1;
	s31 =	sor.u32 $0xC60, s20;
	[tilespmem:s30+$0xC800] =	vst.add.f32.msk $0xffff, v32  }
0x1b0: {  	s0 =	sadd.s32 $0x800, s0;
	s2 =	sor.u32 $0xC70, s21;
	s3 =	sor.u32 $0xC70, s20;
	[tilespmem:s31+$0xC800] =	vst.add.f32.msk $0xffff, v34  }
0x1b1: {  	[tilespmem:s3+$0xC800] =	vst.add.f32.msk $0xffff, v33  }
0x1b2: {  	[tilespmem:s2+$0xC800] =	vst.add.f32.msk $0xffff, v33  }
0x1b3: {  	s5 =	rddreg [dreg:$0x1e];
	[tilespmem:s16+$0xC800] =	vst.add.f32.msk $0xffff, v33  }
0x1b4: {  	s31 =	sld [smem:$0x7FB];
	_ =	sdelay $0x2  }
0x1b5: {  	s6 =	sor.u32 $0x1, s31  }
0x1b6: {  	p1 =	sgt.u32 s6, $0x4C  }
.Ltmp5:
0x1b7: {  	_ = 	snop;
	(pc) =	sbr.rel @p1 .LBB2_8-.Ltmp5, $4  }
0x1b8: {  	_ = 	snop  }
0x1b9: {  	s0 =	sshll.u32 s5, $0x12;
	s1 =	rddreg [dreg:$0x1b]  }
0x1ba: {  	s29 =	simm.s32 $0x0;
	s30 =	simm.s32 $0xC800;
	s0 =	sadd.s32 s0, s1  }
0x1bb: {  	[hbm4b:s0+s29] =	stream.linear.scatter [tilespmem:s30], [sflag:$0x5], $0x4000, $0x38;
	[tilespmem:$0x1C800] =	vst v63  }
0x1bc: {  	s0 =	simm.s32 $0x2  }
0x1bd: {  	_ =	swait.ge [sflag:s0], $0x4000  }
0x1be: {  	p1 =	seq.s32 s5, $0x0;
	[sflag:s0] =	ssyncset.done $0x0  }
0x1bf: {  	[sflag:s0] =	ssyncadd.s32 $0xFFFFC000;
	s0 =	simm.s32 @!p1 $0x8  }
0x1c0: {  	_ =	swait.ge @!p1 [sflag:s0], $0x4000  }
0x1c1: {  	[sflag:s0] =	ssyncset.done @!p1 $0x0;
	s14 =	rddreg [dreg:$0x1f]  }
0x1c2: {  	[sflag:s0] =	ssyncadd.s32 @!p1 $0xFFFFC000;
	s1 =	sshrl.u32 s14, $0x2  }
0x1c3: {  	v3 =	vld [tilespmem:s1+$0x180];
	_ =	sdelay $0x4  }
0x1c4: {  	v4 =	vshll.u32 v3, $0x2  }
0x1c5: {  	v3 =	vand.u32 $0x7, v3;
	v4 =	vand.u32 $0xFFFFFFE0, v4  }
0x1c6: {  	v3 =	vor.u32 v3, v4  }
0x1c7: {  	v4 =	vperm.xlane v3, v0;
	_ =	sdelay $0x1  }
0x1c8: {  	v4 =	vadd.s32 v1, v4;
	_ =	sdelay $0x1  }
0x1c9: {  	v3 =	vperm.xlane v3, v2;
	_ =	sdelay $0x1  }
0x1ca: {  	s15 =	simm.s32 $0x0;
	s3 =	simm.s32 $0x18800;
	s2 =	rddreg [dreg:$0x1];
	v3 =	vadd.s32 v1, v3  }
0x1cb: {  	[tilespmem:s3], [sflag:$0x4] =	stream.indirect_vreg.gather [hbm4b:s2+s15], $0x80, v4, vm0, $0xb8;
	[tilespmem:$0x1C800] =	vst v63  }
0x1cc: {  	s4 =	simm.s32 $0x19000;
	s16 =	rddreg [dreg:$0x1a]  }
0x1cd: {  	[tilespmem:s4], [sflag:$0x4] =	stream.indirect_vreg.gather [hbm4b:s16+s15], $0x80, v4, vm0, $0xb8;
	[tilespmem:$0x1C800] =	vst v63  }
0x1ce: {  	s17 =	simm.s32 $0x19800  }
0x1cf: {  	[tilespmem:s17], [sflag:$0x4] =	stream.indirect_vreg.gather [hbm4b:s2+s15], $0x80, v3, vm0, $0xb8;
	[tilespmem:$0x1C800] =	vst v63  }
0x1d0: {  	s18 =	simm.s32 $0x1A000  }
0x1d1: {  	[tilespmem:s18], [sflag:$0x4] =	stream.indirect_vreg.gather [hbm4b:s16+s15], $0x80, v3, vm0, $0xb8;
	[tilespmem:$0x1C800] =	vst v63  }
0x1d2: {  	v3 =	vld [tilespmem:s1+$0x190];
	_ =	sdelay $0x4  }
0x1d3: {  	v4 =	vshll.u32 v3, $0x2  }
0x1d4: {  	v3 =	vand.u32 $0x7, v3;
	v4 =	vand.u32 $0xFFFFFFE0, v4  }
0x1d5: {  	v3 =	vor.u32 v3, v4  }
0x1d6: {  	v4 =	vperm.xlane v3, v0;
	_ =	sdelay $0x1  }
0x1d7: {  	v4 =	vadd.s32 v1, v4;
	_ =	sdelay $0x1  }
0x1d8: {  	v3 =	vperm.xlane v3, v2;
	_ =	sdelay $0x1  }
0x1d9: {  	s19 =	simm.s32 $0x1A800;
	v3 =	vadd.s32 v1, v3  }
0x1da: {  	[tilespmem:s19], [sflag:$0x4] =	stream.indirect_vreg.gather [hbm4b:s2+s15], $0x80, v4, vm0, $0xb8;
	[tilespmem:$0x1C800] =	vst v63  }
0x1db: {  	s20 =	simm.s32 $0x1B000;
	s23 =	sshll.u32 s6, $0x7;
	s24 =	sld [smem:$0x7FD]  }
0x1dc: {  	[tilespmem:s20], [sflag:$0x4] =	stream.indirect_vreg.gather [hbm4b:s16+s15], $0x80, v4, vm0, $0xb8;
	[tilespmem:$0x1C800] =	vst v63  }
0x1dd: {  	s21 =	simm.s32 $0x1B800;
	s1 =	sand.u32 $0x280, s23  }
0x1de: {  	[tilespmem:s21], [sflag:$0x4] =	stream.indirect_vreg.gather [hbm4b:s2+s15], $0x80, v3, vm0, $0xb8;
	[tilespmem:$0x1C800] =	vst v63  }
0x1df: {  	s22 =	simm.s32 $0x1C000;
	s2 =	sadd.s32 s1, s24  }
0x1e0: {  	[tilespmem:s22], [sflag:$0x4] =	stream.indirect_vreg.gather [hbm4b:s16+s15], $0x80, v3, vm0, $0xb8;
	[tilespmem:$0x1C800] =	vst v63  }
0x1e1: {  	v3 =	vld [tilespmem:s2+$0x0]  }
0x1e2: {  	v4 =	vld [tilespmem:s2+$0x10]  }
0x1e3: {  	v5 =	vld [tilespmem:s2+$0x20]  }
0x1e4: {  	v6 =	vld [tilespmem:s2+$0x30]  }
0x1e5: {  	v7 =	vld [tilespmem:s2+$0x40]  }
0x1e6: {  	v8 =	vld [tilespmem:s2+$0x50]  }
0x1e7: {  	v9 =	vld [tilespmem:s2+$0x60]  }
0x1e8: {  	v10 =	vld [tilespmem:s2+$0x70]  }
0x1e9: {  	v11 =	vld [tilespmem:s2+$0x400]  }
0x1ea: {  	v12 =	vld [tilespmem:s2+$0x410]  }
0x1eb: {  	v13 =	vld [tilespmem:s2+$0x420]  }
0x1ec: {  	v14 =	vld [tilespmem:s2+$0x430]  }
0x1ed: {  	v15 =	vld [tilespmem:s2+$0x440]  }
0x1ee: {  	v16 =	vld [tilespmem:s2+$0x450]  }
0x1ef: {  	s1 =	sor.u32 s14, s1;
	v17 =	vld [tilespmem:s2+$0x460]  }
0x1f0: {  	s25 =	sor.u32 $0x800, s1;
	v18 =	vld [tilespmem:s2+$0x470]  }
0x1f1: {  	s26 =	sor.u32 $0x810, s1;
	v19 =	vld [tilespmem:s25+$0x2800]  }
0x1f2: {  	s28 =	sor.u32 $0x820, s1;
	v20 =	vld [tilespmem:s26+$0x2800]  }
0x1f3: {  	s29 =	sor.u32 $0x830, s1;
	v21 =	vld [tilespmem:s28+$0x2800]  }
0x1f4: {  	s30 =	sor.u32 $0x840, s1;
	v22 =	vld [tilespmem:s29+$0x2800]  }
0x1f5: {  	s31 =	sor.u32 $0x850, s1;
	v23 =	vld [tilespmem:s30+$0x2800]  }
0x1f6: {  	s3 =	sor.u32 $0x860, s1;
	v24 =	vld [tilespmem:s31+$0x2800]  }
0x1f7: {  	s4 =	sor.u32 $0x870, s1;
	v25 =	vld [tilespmem:s3+$0x2800]  }
0x1f8: {  	s5 =	sor.u32 $0xC00, s1;
	v26 =	vld [tilespmem:s4+$0x2800]  }
0x1f9: {  	[smem:$0x7FA] =	sst s6;
	s6 =	sor.u32 $0xC10, s1;
	v27 =	vld [tilespmem:s5+$0x2800]  }
0x1fa: {  	s7 =	sor.u32 $0xC20, s1;
	v28 =	vld [tilespmem:s6+$0x2800]  }
0x1fb: {  	s8 =	sor.u32 $0xC30, s1;
	v29 =	vld [tilespmem:s7+$0x2800]  }
0x1fc: {  	s9 =	sor.u32 $0xC40, s1;
	v30 =	vld [tilespmem:s8+$0x2800]  }
0x1fd: {  	s10 =	sor.u32 $0xC50, s1;
	v31 =	vld [tilespmem:s9+$0x2800]  }
0x1fe: {  	s12 =	sand.u32 $0x3000, s15;
	s0 =	sand.u32 $0x200, s15;
	s11 =	sor.u32 $0xC60, s1;
	v32 =	vld [tilespmem:s10+$0x2800]  }
0x1ff: {  	s0 =	sor.u32 s0, s12;
	s1 =	sor.u32 $0xC70, s1;
	v34 =	vld [tilespmem:s11+$0x2800]  }
0x200: {  	s13 =	sor.u32 $0x10800, s0;
	v33 =	vld [tilespmem:s1+$0x2800]  }
0x201: {  	s14 =	sor.u32 $0x10900, s0;
	[tilespmem:s13+$0x0] =	vst.add.f32.msk $0xffff, v3  }
0x202: {  	s15 =	sor.u32 $0x10880, s0;
	[tilespmem:s14+$0x0] =	vst.add.f32.msk $0xffff, v3  }
0x203: {  	s16 =	sor.u32 $0x10910, s0;
	[tilespmem:s15+$0x0] =	vst.add.f32.msk $0xffff, v3  }
0x204: {  	s22 =	sor.u32 $0x10890, s0;
	[tilespmem:s16+$0x0] =	vst.add.f32.msk $0xffff, v4  }
0x205: {  	s3 =	sor.u32 $0x10810, s0;
	[tilespmem:s22+$0x0] =	vst.add.f32.msk $0xffff, v4  }
0x206: {  	s17 =	sor.u32 $0x10920, s0;
	[tilespmem:s3+$0x0] =	vst.add.f32.msk $0xffff, v4  }
0x207: {  	s4 =	sor.u32 $0x108A0, s0;
	[tilespmem:s17+$0x0] =	vst.add.f32.msk $0xffff, v5  }
0x208: {  	s6 =	sor.u32 $0x10820, s0;
	[tilespmem:s4+$0x0] =	vst.add.f32.msk $0xffff, v5  }
0x209: {  	s18 =	sor.u32 $0x10930, s0;
	[tilespmem:s6+$0x0] =	vst.add.f32.msk $0xffff, v5  }
0x20a: {  	s3 =	sor.u32 $0x108B0, s0;
	[tilespmem:s18+$0x0] =	vst.add.f32.msk $0xffff, v6  }
0x20b: {  	s9 =	sor.u32 $0x10830, s0;
	[tilespmem:s3+$0x0] =	vst.add.f32.msk $0xffff, v6  }
0x20c: {  	s19 =	sor.u32 $0x10940, s0;
	[tilespmem:s9+$0x0] =	vst.add.f32.msk $0xffff, v6  }
0x20d: {  	s7 =	sor.u32 $0x108C0, s0;
	[tilespmem:s19+$0x0] =	vst.add.f32.msk $0xffff, v7  }
0x20e: {  	s16 =	sor.u32 $0x10840, s0;
	[tilespmem:s7+$0x0] =	vst.add.f32.msk $0xffff, v7  }
0x20f: {  	s20 =	sor.u32 $0x10950, s0;
	[tilespmem:s16+$0x0] =	vst.add.f32.msk $0xffff, v7  }
0x210: {  	s8 =	sor.u32 $0x108D0, s0;
	[tilespmem:s20+$0x0] =	vst.add.f32.msk $0xffff, v8  }
0x211: {  	s17 =	sor.u32 $0x10850, s0;
	[tilespmem:s8+$0x0] =	vst.add.f32.msk $0xffff, v8  }
0x212: {  	s21 =	sor.u32 $0x10960, s0;
	[tilespmem:s17+$0x0] =	vst.add.f32.msk $0xffff, v8  }
0x213: {  	s18 =	sor.u32 $0x10860, s0;
	[tilespmem:s21+$0x0] =	vst.add.f32.msk $0xffff, v9  }
0x214: {  	s22 =	sor.u32 $0x108E0, s0;
	[tilespmem:s18+$0x0] =	vst.add.f32.msk $0xffff, v9  }
0x215: {  	s23 =	sor.u32 $0x10970, s0;
	[tilespmem:s22+$0x0] =	vst.add.f32.msk $0xffff, v9  }
0x216: {  	s19 =	sor.u32 $0x10870, s0;
	[tilespmem:s23+$0x0] =	vst.add.f32.msk $0xffff, v10  }
0x217: {  	s24 =	sor.u32 $0x10D00, s0;
	[tilespmem:s19+$0x0] =	vst.add.f32.msk $0xffff, v10  }
0x218: {  	s20 =	sor.u32 $0x10C00, s0;
	[tilespmem:s24+$0x0] =	vst.add.f32.msk $0xffff, v11  }
0x219: {  	s25 =	sor.u32 $0x10D10, s0;
	[tilespmem:s20+$0x0] =	vst.add.f32.msk $0xffff, v11  }
0x21a: {  	s21 =	sor.u32 $0x10C10, s0;
	[tilespmem:s25+$0x0] =	vst.add.f32.msk $0xffff, v12  }
0x21b: {  	s26 =	sor.u32 $0x10D20, s0;
	[tilespmem:s21+$0x0] =	vst.add.f32.msk $0xffff, v12  }
0x21c: {  	s23 =	sor.u32 $0x10C20, s0;
	[tilespmem:s26+$0x0] =	vst.add.f32.msk $0xffff, v13  }
0x21d: {  	s25 =	sor.u32 $0x10980, s0;
	[tilespmem:s23+$0x0] =	vst.add.f32.msk $0xffff, v13  }
0x21e: {  	s28 =	sor.u32 $0x10D30, s0;
	[tilespmem:s25+$0x0] =	vst.add.f32.msk $0xffff, v3  }
0x21f: {  	s24 =	sor.u32 $0x10C30, s0;
	[tilespmem:s28+$0x0] =	vst.add.f32.msk $0xffff, v14  }
0x220: {  	s26 =	sor.u32 $0x10990, s0;
	[tilespmem:s24+$0x0] =	vst.add.f32.msk $0xffff, v14  }
0x221: {  	s29 =	sor.u32 $0x10D40, s0;
	[tilespmem:s26+$0x0] =	vst.add.f32.msk $0xffff, v4  }
0x222: {  	s28 =	sor.u32 $0x109A0, s0;
	[tilespmem:s29+$0x0] =	vst.add.f32.msk $0xffff, v15  }
0x223: {  	s30 =	sor.u32 $0x10D50, s0;
	[tilespmem:s28+$0x0] =	vst.add.f32.msk $0xffff, v5  }
0x224: {  	p1 =	por $0x0, $0x0;
	s1 =	simm.s32 $0x1;
	s29 =	sor.u32 $0x109B0, s0;
	[tilespmem:s30+$0x0] =	vst.add.f32.msk $0xffff, v16  }
0x225: {  	s31 =	sor.u32 $0x10D60, s0;
	s1 =	simm.s32 @!p1 $0x0;
	[tilespmem:s29+$0x0] =	vst.add.f32.msk $0xffff, v6  }
0x226: {  	s1 =	sshll.u32 s1, $0x9;
	s30 =	sor.u32 $0x109C0, s0;
	[tilespmem:s31+$0x0] =	vst.add.f32.msk $0xffff, v17  }
0x227: {  	s5 =	sor.u32 $0x10D70, s0;
	s12 =	sadd.s32 $0x0, s1;
	[tilespmem:s30+$0x0] =	vst.add.f32.msk $0xffff, v7  }
0x228: {  	s1 =	sadd.s32 $0x100, s12;
	s31 =	sor.u32 $0x109D0, s0;
	[tilespmem:s5+$0x0] =	vst.add.f32.msk $0xffff, v18  }
0x229: {  	s10 =	sor.u32 $0x800, s1;
	[tilespmem:s31+$0x0] =	vst.add.f32.msk $0xffff, v8  }
0x22a: {  	s5 =	sor.u32 $0x10C40, s0;
	[tilespmem:s10+$0x10800] =	vst.add.f32.msk $0xffff, v19  }
0x22b: {  	s11 =	sor.u32 $0x810, s1;
	[tilespmem:s5+$0x0] =	vst.add.f32.msk $0xffff, v15  }
0x22c: {  	s6 =	sor.u32 $0x10C50, s0;
	[tilespmem:s11+$0x10800] =	vst.add.f32.msk $0xffff, v20  }
0x22d: {  	s10 =	sor.u32 $0x109E0, s0;
	[tilespmem:s6+$0x0] =	vst.add.f32.msk $0xffff, v16  }
0x22e: {  	s13 =	sor.u32 $0x820, s1;
	[tilespmem:s10+$0x0] =	vst.add.f32.msk $0xffff, v9  }
0x22f: {  	s7 =	sor.u32 $0x10C60, s0;
	[tilespmem:s13+$0x10800] =	vst.add.f32.msk $0xffff, v21  }
0x230: {  	s11 =	sor.u32 $0x108F0, s0;
	[tilespmem:s7+$0x0] =	vst.add.f32.msk $0xffff, v17  }
0x231: {  	s18 =	sor.u32 $0x109F0, s0;
	[tilespmem:s11+$0x0] =	vst.add.f32.msk $0xffff, v10  }
0x232: {  	s14 =	sor.u32 $0x830, s1;
	[tilespmem:s18+$0x0] =	vst.add.f32.msk $0xffff, v10  }
0x233: {  	s13 =	sor.u32 $0x10C80, s0;
	[tilespmem:s14+$0x10800] =	vst.add.f32.msk $0xffff, v22  }
0x234: {  	s19 =	sor.u32 $0x10D80, s0;
	[tilespmem:s13+$0x0] =	vst.add.f32.msk $0xffff, v11  }
0x235: {  	s15 =	sor.u32 $0x840, s1;
	[tilespmem:s19+$0x0] =	vst.add.f32.msk $0xffff, v11  }
0x236: {  	s20 =	sor.u32 $0x10D90, s0;
	[tilespmem:s15+$0x10800] =	vst.add.f32.msk $0xffff, v23  }
0x237: {  	s4 =	sor.u32 $0x850, s1;
	[tilespmem:s20+$0x0] =	vst.add.f32.msk $0xffff, v12  }
0x238: {  	s21 =	sor.u32 $0x10DA0, s0;
	[tilespmem:s4+$0x10800] =	vst.add.f32.msk $0xffff, v24  }
0x239: {  	s20 =	sor.u32 $0x10C90, s0;
	[tilespmem:s21+$0x0] =	vst.add.f32.msk $0xffff, v13  }
0x23a: {  	s8 =	sor.u32 $0x860, s1;
	[tilespmem:s20+$0x0] =	vst.add.f32.msk $0xffff, v12  }
0x23b: {  	s22 =	sor.u32 $0x10DB0, s0;
	[tilespmem:s8+$0x10800] =	vst.add.f32.msk $0xffff, v25  }
0x23c: {  	s21 =	sor.u32 $0x10C70, s0;
	[tilespmem:s22+$0x0] =	vst.add.f32.msk $0xffff, v14  }
0x23d: {  	s9 =	sor.u32 $0x870, s1;
	[tilespmem:s21+$0x0] =	vst.add.f32.msk $0xffff, v18  }
0x23e: {  	s23 =	sor.u32 $0x10DC0, s0;
	[tilespmem:s9+$0x10800] =	vst.add.f32.msk $0xffff, v26  }
0x23f: {  	s22 =	sor.u32 $0x10CA0, s0;
	[tilespmem:s23+$0x0] =	vst.add.f32.msk $0xffff, v15  }
0x240: {  	s14 =	sor.u32 $0xC00, s1;
	[tilespmem:s22+$0x0] =	vst.add.f32.msk $0xffff, v13  }
0x241: {  	s24 =	sor.u32 $0x10DD0, s0;
	[tilespmem:s14+$0x10800] =	vst.add.f32.msk $0xffff, v27  }
0x242: {  	s23 =	sor.u32 $0x10CB0, s0;
	[tilespmem:s24+$0x0] =	vst.add.f32.msk $0xffff, v16  }
0x243: {  	s15 =	sor.u32 $0xC10, s1;
	[tilespmem:s23+$0x0] =	vst.add.f32.msk $0xffff, v14  }
0x244: {  	s25 =	sor.u32 $0x10DE0, s0;
	[tilespmem:s15+$0x10800] =	vst.add.f32.msk $0xffff, v28  }
0x245: {  	s24 =	sor.u32 $0x10CC0, s0;
	[tilespmem:s25+$0x0] =	vst.add.f32.msk $0xffff, v17  }
0x246: {  	s16 =	sor.u32 $0xC20, s1;
	[tilespmem:s24+$0x0] =	vst.add.f32.msk $0xffff, v15  }
0x247: {  	s26 =	sor.u32 $0x10DF0, s0;
	[tilespmem:s16+$0x10800] =	vst.add.f32.msk $0xffff, v29  }
0x248: {  	s25 =	sor.u32 $0x10CD0, s0;
	[tilespmem:s26+$0x0] =	vst.add.f32.msk $0xffff, v18  }
0x249: {  	s2 =	sadd.s32 $0x180, s12;
	s17 =	sor.u32 $0xC30, s1;
	[tilespmem:s25+$0x0] =	vst.add.f32.msk $0xffff, v16  }
0x24a: {  	s28 =	sor.u32 $0x800, s2;
	[tilespmem:s17+$0x10800] =	vst.add.f32.msk $0xffff, v30  }
0x24b: {  	s26 =	sor.u32 $0x10CE0, s0;
	[tilespmem:s28+$0x10800] =	vst.add.f32.msk $0xffff, v19  }
0x24c: {  	s29 =	sor.u32 $0x810, s2;
	[tilespmem:s26+$0x0] =	vst.add.f32.msk $0xffff, v17  }
0x24d: {  	s17 =	sor.u32 $0xC40, s1;
	[tilespmem:s29+$0x10800] =	vst.add.f32.msk $0xffff, v20  }
0x24e: {  	s0 =	sor.u32 $0x10CF0, s0;
	[tilespmem:s17+$0x10800] =	vst.add.f32.msk $0xffff, v31  }
0x24f: {  	s30 =	sor.u32 $0x820, s2;
	[tilespmem:s0+$0x0] =	vst.add.f32.msk $0xffff, v18  }
0x250: {  	s3 =	sadd.s32 $0x80, s12;
	s18 =	sor.u32 $0xC50, s1;
	[tilespmem:s30+$0x10800] =	vst.add.f32.msk $0xffff, v21  }
0x251: {  	s28 =	sor.u32 $0x800, s3;
	[tilespmem:s18+$0x10800] =	vst.add.f32.msk $0xffff, v32  }
0x252: {  	s31 =	sor.u32 $0x830, s2;
	[tilespmem:s28+$0x10800] =	vst.add.f32.msk $0xffff, v19  }
0x253: {  	s19 =	sor.u32 $0xC60, s1;
	[tilespmem:s31+$0x10800] =	vst.add.f32.msk $0xffff, v22  }
0x254: {  	s29 =	sor.u32 $0x810, s3;
	[tilespmem:s19+$0x10800] =	vst.add.f32.msk $0xffff, v34  }
0x255: {  	s5 =	sor.u32 $0x840, s2;
	[tilespmem:s29+$0x10800] =	vst.add.f32.msk $0xffff, v20  }
0x256: {  	s1 =	sor.u32 $0xC70, s1;
	[tilespmem:s5+$0x10800] =	vst.add.f32.msk $0xffff, v23  }
0x257: {  	s30 =	sor.u32 $0x820, s3;
	[tilespmem:s1+$0x10800] =	vst.add.f32.msk $0xffff, v33  }
0x258: {  	s6 =	sor.u32 $0x850, s2;
	[tilespmem:s30+$0x10800] =	vst.add.f32.msk $0xffff, v21  }
0x259: {  	s31 =	sor.u32 $0x830, s3;
	[tilespmem:s6+$0x10800] =	vst.add.f32.msk $0xffff, v24  }
0x25a: {  	s7 =	sor.u32 $0x860, s2;
	[tilespmem:s31+$0x10800] =	vst.add.f32.msk $0xffff, v22  }
0x25b: {  	s4 =	sor.u32 $0x840, s3;
	[tilespmem:s7+$0x10800] =	vst.add.f32.msk $0xffff, v25  }
0x25c: {  	s8 =	sor.u32 $0x870, s2;
	[tilespmem:s4+$0x10800] =	vst.add.f32.msk $0xffff, v23  }
0x25d: {  	s5 =	sor.u32 $0x850, s3;
	[tilespmem:s8+$0x10800] =	vst.add.f32.msk $0xffff, v26  }
0x25e: {  	s9 =	sor.u32 $0xC00, s2;
	[tilespmem:s5+$0x10800] =	vst.add.f32.msk $0xffff, v24  }
0x25f: {  	s6 =	sor.u32 $0x860, s3;
	[tilespmem:s9+$0x10800] =	vst.add.f32.msk $0xffff, v27  }
0x260: {  	s10 =	sor.u32 $0xC10, s2;
	[tilespmem:s6+$0x10800] =	vst.add.f32.msk $0xffff, v25  }
0x261: {  	s7 =	sor.u32 $0x870, s3;
	[tilespmem:s10+$0x10800] =	vst.add.f32.msk $0xffff, v28  }
0x262: {  	s11 =	sor.u32 $0xC20, s2;
	[tilespmem:s7+$0x10800] =	vst.add.f32.msk $0xffff, v26  }
0x263: {  	s8 =	sor.u32 $0xC00, s3;
	[tilespmem:s11+$0x10800] =	vst.add.f32.msk $0xffff, v29  }
0x264: {  	s13 =	sor.u32 $0xC30, s2;
	[tilespmem:s8+$0x10800] =	vst.add.f32.msk $0xffff, v27  }
0x265: {  	s9 =	sor.u32 $0xC10, s3;
	[tilespmem:s13+$0x10800] =	vst.add.f32.msk $0xffff, v30  }
0x266: {  	s14 =	sor.u32 $0xC40, s2;
	[tilespmem:s9+$0x10800] =	vst.add.f32.msk $0xffff, v28  }
0x267: {  	s10 =	sor.u32 $0xC20, s3;
	[tilespmem:s14+$0x10800] =	vst.add.f32.msk $0xffff, v31  }
0x268: {  	s15 =	sor.u32 $0xC50, s2;
	[tilespmem:s10+$0x10800] =	vst.add.f32.msk $0xffff, v29  }
0x269: {  	s11 =	sor.u32 $0xC30, s3;
	[tilespmem:s15+$0x10800] =	vst.add.f32.msk $0xffff, v32  }
0x26a: {  	s16 =	sor.u32 $0xC60, s2;
	[tilespmem:s11+$0x10800] =	vst.add.f32.msk $0xffff, v30  }
0x26b: {  	s13 =	sor.u32 $0xC40, s3;
	[tilespmem:s16+$0x10800] =	vst.add.f32.msk $0xffff, v34  }
0x26c: {  	s14 =	sor.u32 $0xC50, s3;
	[tilespmem:s13+$0x10800] =	vst.add.f32.msk $0xffff, v31  }
0x26d: {  	s16 =	sor.u32 $0x800, s12;
	[tilespmem:s14+$0x10800] =	vst.add.f32.msk $0xffff, v32  }
0x26e: {  	s15 =	sor.u32 $0xC60, s3;
	[tilespmem:s16+$0x10800] =	vst.add.f32.msk $0xffff, v19  }
0x26f: {  	s17 =	sor.u32 $0x810, s12;
	[tilespmem:s15+$0x10800] =	vst.add.f32.msk $0xffff, v34  }
0x270: {  	s18 =	sor.u32 $0x820, s12;
	[tilespmem:s17+$0x10800] =	vst.add.f32.msk $0xffff, v20  }
0x271: {  	s19 =	sor.u32 $0x830, s12;
	[tilespmem:s18+$0x10800] =	vst.add.f32.msk $0xffff, v21  }
0x272: {  	s20 =	sor.u32 $0x840, s12;
	[tilespmem:s19+$0x10800] =	vst.add.f32.msk $0xffff, v22  }
0x273: {  	s21 =	sor.u32 $0x850, s12;
	[tilespmem:s20+$0x10800] =	vst.add.f32.msk $0xffff, v23  }
0x274: {  	s22 =	sor.u32 $0x860, s12;
	[tilespmem:s21+$0x10800] =	vst.add.f32.msk $0xffff, v24  }
0x275: {  	s23 =	sor.u32 $0x870, s12;
	[tilespmem:s22+$0x10800] =	vst.add.f32.msk $0xffff, v25  }
0x276: {  	s24 =	sor.u32 $0xC00, s12;
	[tilespmem:s23+$0x10800] =	vst.add.f32.msk $0xffff, v26  }
0x277: {  	s25 =	sor.u32 $0xC10, s12;
	[tilespmem:s24+$0x10800] =	vst.add.f32.msk $0xffff, v27  }
0x278: {  	s26 =	sor.u32 $0xC20, s12;
	[tilespmem:s25+$0x10800] =	vst.add.f32.msk $0xffff, v28  }
0x279: {  	s28 =	sor.u32 $0xC30, s12;
	[tilespmem:s26+$0x10800] =	vst.add.f32.msk $0xffff, v29  }
0x27a: {  	s29 =	sor.u32 $0xC40, s12;
	[tilespmem:s28+$0x10800] =	vst.add.f32.msk $0xffff, v30  }
0x27b: {  	p1 =	por !p1, !p1;
	s30 =	sor.u32 $0xC50, s12;
	s1 =	sor.u32 $0xC70, s2;
	[tilespmem:s29+$0x10800] =	vst.add.f32.msk $0xffff, v31  }
0x27c: {  	s31 =	sor.u32 $0xC60, s12;
	s14 =	simm.s32 $0x0;
	s17 =	sor.u32 $0xC70, s3;
	[tilespmem:s30+$0x10800] =	vst.add.f32.msk $0xffff, v32  }
0x27d: {  	s3 =	sor.u32 $0xC70, s12;
	s19 =	simm.s32 $0x800;
	s20 =	simm.s32 $0x200;
	[tilespmem:s31+$0x10800] =	vst.add.f32.msk $0xffff, v34  }
.LBB2_6:
0x27e: {  	s2 =	sand.u32 $0x3000, s19;
	s4 =	sand.u32 $0x200, s20;
	[tilespmem:s3+$0x10800] =	vst.add.f32.msk $0xffff, v33  }
0x27f: {  	[tilespmem:s1+$0x10800] =	vst.add.f32.msk $0xffff, v33;
	s25 =	sor.u32 s4, s2  }
0x280: {  	[tilespmem:s17+$0x10800] =	vst.add.f32.msk $0xffff, v33;
	s9 =	sor.u32 $0x10800, s25  }
0x281: {  	s2 =	sor.u32 $0x10900, s25;
	[tilespmem:s9+$0x0] =	vst.add.f32.msk $0xffff, v3  }
0x282: {  	s10 =	sor.u32 $0x10880, s25;
	[tilespmem:s2+$0x0] =	vst.add.f32.msk $0xffff, v3  }
0x283: {  	s11 =	sor.u32 $0x10910, s25;
	[tilespmem:s10+$0x0] =	vst.add.f32.msk $0xffff, v3  }
0x284: {  	s12 =	sor.u32 $0x10890, s25;
	[tilespmem:s11+$0x0] =	vst.add.f32.msk $0xffff, v4  }
0x285: {  	s0 =	sor.u32 $0x10810, s25;
	[tilespmem:s12+$0x0] =	vst.add.f32.msk $0xffff, v4  }
0x286: {  	s13 =	sor.u32 $0x10920, s25;
	[tilespmem:s0+$0x0] =	vst.add.f32.msk $0xffff, v4  }
0x287: {  	s6 =	sor.u32 $0x108A0, s25;
	[tilespmem:s13+$0x0] =	vst.add.f32.msk $0xffff, v5  }
0x288: {  	s9 =	sor.u32 $0x10820, s25;
	[tilespmem:s6+$0x0] =	vst.add.f32.msk $0xffff, v5  }
0x289: {  	s15 =	sor.u32 $0x10930, s25;
	[tilespmem:s9+$0x0] =	vst.add.f32.msk $0xffff, v5  }
0x28a: {  	s8 =	sor.u32 $0x108B0, s25;
	[tilespmem:s15+$0x0] =	vst.add.f32.msk $0xffff, v6  }
0x28b: {  	s11 =	sor.u32 $0x10830, s25;
	[tilespmem:s8+$0x0] =	vst.add.f32.msk $0xffff, v6  }
0x28c: {  	s16 =	sor.u32 $0x10940, s25;
	[tilespmem:s11+$0x0] =	vst.add.f32.msk $0xffff, v6  }
0x28d: {  	s6 =	sor.u32 $0x108C0, s25;
	[tilespmem:s16+$0x0] =	vst.add.f32.msk $0xffff, v7  }
0x28e: {  	s13 =	sor.u32 $0x10840, s25;
	[tilespmem:s6+$0x0] =	vst.add.f32.msk $0xffff, v7  }
0x28f: {  	s17 =	sor.u32 $0x10950, s25;
	[tilespmem:s13+$0x0] =	vst.add.f32.msk $0xffff, v7  }
0x290: {  	s10 =	sor.u32 $0x108D0, s25;
	[tilespmem:s17+$0x0] =	vst.add.f32.msk $0xffff, v8  }
0x291: {  	s15 =	sor.u32 $0x10850, s25;
	[tilespmem:s10+$0x0] =	vst.add.f32.msk $0xffff, v8  }
0x292: {  	s18 =	sor.u32 $0x10960, s25;
	[tilespmem:s15+$0x0] =	vst.add.f32.msk $0xffff, v8  }
0x293: {  	s16 =	sor.u32 $0x10860, s25;
	[tilespmem:s18+$0x0] =	vst.add.f32.msk $0xffff, v9  }
0x294: {  	s21 =	sor.u32 $0x10970, s25;
	[tilespmem:s16+$0x0] =	vst.add.f32.msk $0xffff, v9  }
0x295: {  	s17 =	sor.u32 $0x10870, s25;
	[tilespmem:s21+$0x0] =	vst.add.f32.msk $0xffff, v10  }
0x296: {  	s22 =	sor.u32 $0x10D00, s25;
	[tilespmem:s17+$0x0] =	vst.add.f32.msk $0xffff, v10  }
0x297: {  	s18 =	sor.u32 $0x10C00, s25;
	[tilespmem:s22+$0x0] =	vst.add.f32.msk $0xffff, v11  }
0x298: {  	s23 =	sor.u32 $0x10D10, s25;
	[tilespmem:s18+$0x0] =	vst.add.f32.msk $0xffff, v11  }
0x299: {  	s24 =	sor.u32 $0x10D20, s25;
	[tilespmem:s23+$0x0] =	vst.add.f32.msk $0xffff, v12  }
0x29a: {  	s26 =	sor.u32 $0x10D30, s25;
	[tilespmem:s24+$0x0] =	vst.add.f32.msk $0xffff, v13  }
0x29b: {  	s3 =	simm.s32 $0x1;
	s28 =	sor.u32 $0x10D40, s25;
	[tilespmem:s26+$0x0] =	vst.add.f32.msk $0xffff, v14  }
0x29c: {  	s3 =	simm.s32 @!p1 $0x0;
	s29 =	sor.u32 $0x10D50, s25;
	[tilespmem:s28+$0x0] =	vst.add.f32.msk $0xffff, v15  }
0x29d: {  	s3 =	sshll.u32 s3, $0x9;
	s30 =	sor.u32 $0x10D60, s25;
	[tilespmem:s29+$0x0] =	vst.add.f32.msk $0xffff, v16  }
0x29e: {  	s31 =	sor.u32 $0x10D70, s25;
	s21 =	sadd.s32 s3, s19;
	[tilespmem:s30+$0x0] =	vst.add.f32.msk $0xffff, v17  }
0x29f: {  	s12 =	sadd.s32 $0x100, s21;
	s30 =	sor.u32 $0x108E0, s25;
	[tilespmem:s31+$0x0] =	vst.add.f32.msk $0xffff, v18  }
0x2a0: {  	s4 =	sor.u32 $0x800, s12;
	[tilespmem:s30+$0x0] =	vst.add.f32.msk $0xffff, v9  }
0x2a1: {  	s7 =	sor.u32 $0x810, s12;
	[tilespmem:s4+$0x10800] =	vst.add.f32.msk $0xffff, v19  }
0x2a2: {  	s5 =	sor.u32 $0x820, s12;
	[tilespmem:s7+$0x10800] =	vst.add.f32.msk $0xffff, v20  }
0x2a3: {  	s7 =	sor.u32 $0x10C10, s25;
	[tilespmem:s5+$0x10800] =	vst.add.f32.msk $0xffff, v21  }
0x2a4: {  	s23 =	sor.u32 $0x830, s12;
	[tilespmem:s7+$0x0] =	vst.add.f32.msk $0xffff, v12  }
0x2a5: {  	s8 =	sor.u32 $0x10C20, s25;
	[tilespmem:s23+$0x10800] =	vst.add.f32.msk $0xffff, v22  }
0x2a6: {  	s7 =	sor.u32 $0x10980, s25;
	[tilespmem:s8+$0x0] =	vst.add.f32.msk $0xffff, v13  }
0x2a7: {  	s24 =	sor.u32 $0x840, s12;
	[tilespmem:s7+$0x0] =	vst.add.f32.msk $0xffff, v3  }
0x2a8: {  	s26 =	sor.u32 $0x10C30, s25;
	[tilespmem:s24+$0x10800] =	vst.add.f32.msk $0xffff, v23  }
0x2a9: {  	s11 =	sor.u32 $0x10990, s25;
	[tilespmem:s26+$0x0] =	vst.add.f32.msk $0xffff, v14  }
0x2aa: {  	s13 =	sor.u32 $0x109A0, s25;
	[tilespmem:s11+$0x0] =	vst.add.f32.msk $0xffff, v4  }
0x2ab: {  	s11 =	sor.u32 $0x850, s12;
	[tilespmem:s13+$0x0] =	vst.add.f32.msk $0xffff, v5  }
0x2ac: {  	s2 =	sor.u32 $0x10C40, s25;
	[tilespmem:s11+$0x10800] =	vst.add.f32.msk $0xffff, v24  }
0x2ad: {  	s15 =	sor.u32 $0x109B0, s25;
	[tilespmem:s2+$0x0] =	vst.add.f32.msk $0xffff, v15  }
0x2ae: {  	s6 =	sor.u32 $0x10C50, s25;
	[tilespmem:s15+$0x0] =	vst.add.f32.msk $0xffff, v6  }
0x2af: {  	s24 =	sor.u32 $0x860, s12;
	[tilespmem:s6+$0x0] =	vst.add.f32.msk $0xffff, v16  }
0x2b0: {  	s16 =	sor.u32 $0x109C0, s25;
	s9 =	sadd.s32 $0x80, s21;
	[tilespmem:s24+$0x10800] =	vst.add.f32.msk $0xffff, v25  }
0x2b1: {  	s1 =	sor.u32 $0x10C60, s25;
	s17 =	sor.u32 $0x109D0, s25;
	s10 =	sor.u32 $0x830, s9;
	[tilespmem:s16+$0x0] =	vst.add.f32.msk $0xffff, v7  }
0x2b2: {  	s18 =	sor.u32 $0x840, s9;
	s3 =	sor.u32 $0xC30, s9;
	s11 =	sor.u32 $0x870, s12;
	[tilespmem:s1+$0x0] =	vst.add.f32.msk $0xffff, v17  }
0x2b3: {  	[dreg:$0x15] =	wrdreg s10;
	s29 =	sor.u32 $0x800, s9;
	s15 =	sor.u32 $0x108F0, s25;
	[tilespmem:s11+$0x10800] =	vst.add.f32.msk $0xffff, v26  }
0x2b4: {  	s10 =	sor.u32 $0xC10, s9;
	s28 =	sor.u32 $0x10C70, s25;
	[dreg:$0x9] =	wrdreg s29;
	[tilespmem:s15+$0x0] =	vst.add.f32.msk $0xffff, v10  }
0x2b5: {  	s29 =	sor.u32 $0x860, s9;
	s31 =	sor.u32 $0x810, s9;
	s16 =	sor.u32 $0x10C80, s25;
	[tilespmem:s17+$0x0] =	vst.add.f32.msk $0xffff, v8  }
0x2b6: {  	[dreg:$0xd] =	wrdreg s31;
	s4 =	sor.u32 $0x820, s9;
	s6 =	sor.u32 $0xC00, s12;
	[tilespmem:s16+$0x0] =	vst.add.f32.msk $0xffff, v11  }
0x2b7: {  	s30 =	sor.u32 $0x850, s9;
	s31 =	sor.u32 $0x109E0, s25;
	[dreg:$0x11] =	wrdreg s4;
	[tilespmem:s6+$0x10800] =	vst.add.f32.msk $0xffff, v27  }
0x2b8: {  	s4 =	sor.u32 $0xC50, s9;
	s5 =	sor.u32 $0xC20, s9;
	s23 =	sor.u32 $0x870, s9;
	[tilespmem:s28+$0x0] =	vst.add.f32.msk $0xffff, v18  }
0x2b9: {  	s7 =	sor.u32 $0xC40, s9;
	s26 =	sor.u32 $0xC00, s9;
	s16 =	sor.u32 $0xC10, s12;
	[tilespmem:s31+$0x0] =	vst.add.f32.msk $0xffff, v9  }
0x2ba: {  	s2 =	sor.u32 $0xC60, s9;
	s17 =	sor.u32 $0xC70, s9;
	s9 =	sor.u32 $0x800, s21;
	[tilespmem:s16+$0x10800] =	vst.add.f32.msk $0xffff, v28  }
0x2bb: {  	s0 =	sor.u32 $0x10CF0, s25;
	s16 =	sor.u32 $0xC20, s12;
	[tilespmem:s9+$0x10800] =	vst.add.f32.msk $0xffff, v19  }
0x2bc: {  	[dreg:$0x5] =	wrdreg s0;
	s0 =	sor.u32 $0x109F0, s25;
	[tilespmem:s16+$0x10800] =	vst.add.f32.msk $0xffff, v29  }
0x2bd: {  	s31 =	sor.u32 $0x810, s21;
	[tilespmem:s0+$0x0] =	vst.add.f32.msk $0xffff, v10  }
0x2be: {  	s16 =	sor.u32 $0xC30, s12;
	[tilespmem:s31+$0x10800] =	vst.add.f32.msk $0xffff, v20  }
0x2bf: {  	s13 =	sor.u32 $0x10D80, s25;
	[tilespmem:s16+$0x10800] =	vst.add.f32.msk $0xffff, v30  }
0x2c0: {  	s8 =	sor.u32 $0x820, s21;
	[tilespmem:s13+$0x0] =	vst.add.f32.msk $0xffff, v11  }
0x2c1: {  	s16 =	sor.u32 $0x10D90, s25;
	[tilespmem:s8+$0x10800] =	vst.add.f32.msk $0xffff, v21  }
0x2c2: {  	s6 =	sor.u32 $0x830, s21;
	[tilespmem:s16+$0x0] =	vst.add.f32.msk $0xffff, v12  }
0x2c3: {  	s13 =	sor.u32 $0x10DA0, s25;
	[tilespmem:s6+$0x10800] =	vst.add.f32.msk $0xffff, v22  }
0x2c4: {  	s1 =	sor.u32 $0x840, s21;
	[tilespmem:s13+$0x0] =	vst.add.f32.msk $0xffff, v13  }
0x2c5: {  	s16 =	sor.u32 $0x10DB0, s25;
	[tilespmem:s1+$0x10800] =	vst.add.f32.msk $0xffff, v23  }
0x2c6: {  	[tilespmem:s16+$0x0] =	vst.add.f32.msk $0xffff, v14;
	s16 =	sor.u32 $0x10DC0, s25  }
0x2c7: {  	[tilespmem:s16+$0x0] =	vst.add.f32.msk $0xffff, v15;
	s16 =	sor.u32 $0x10DD0, s25  }
0x2c8: {  	[tilespmem:s16+$0x0] =	vst.add.f32.msk $0xffff, v16;
	s16 =	sor.u32 $0x10DE0, s25  }
0x2c9: {  	s22 =	sadd.s32 $0x180, s21;
	[tilespmem:s16+$0x0] =	vst.add.f32.msk $0xffff, v17;
	s16 =	sor.u32 $0x10DF0, s25  }
0x2ca: {  	s24 =	sor.u32 $0x800, s22;
	[tilespmem:s16+$0x0] =	vst.add.f32.msk $0xffff, v18  }
0x2cb: {  	s11 =	sor.u32 $0x810, s22;
	[tilespmem:s24+$0x10800] =	vst.add.f32.msk $0xffff, v19  }
0x2cc: {  	s15 =	sor.u32 $0x820, s22;
	[tilespmem:s11+$0x10800] =	vst.add.f32.msk $0xffff, v20  }
0x2cd: {  	s13 =	sor.u32 $0x830, s22;
	[tilespmem:s15+$0x10800] =	vst.add.f32.msk $0xffff, v21  }
0x2ce: {  	s11 =	sor.u32 $0x840, s22;
	[tilespmem:s13+$0x10800] =	vst.add.f32.msk $0xffff, v22  }
0x2cf: {  	s13 =	sor.u32 $0x850, s22;
	[tilespmem:s11+$0x10800] =	vst.add.f32.msk $0xffff, v23  }
0x2d0: {  	s15 =	sor.u32 $0x860, s22;
	[tilespmem:s13+$0x10800] =	vst.add.f32.msk $0xffff, v24  }
0x2d1: {  	s16 =	sor.u32 $0x870, s22;
	[tilespmem:s15+$0x10800] =	vst.add.f32.msk $0xffff, v25  }
0x2d2: {  	s24 =	sor.u32 $0xC00, s22;
	[tilespmem:s16+$0x10800] =	vst.add.f32.msk $0xffff, v26  }
0x2d3: {  	s11 =	sor.u32 $0xC10, s22;
	[tilespmem:s24+$0x10800] =	vst.add.f32.msk $0xffff, v27  }
0x2d4: {  	s13 =	sor.u32 $0xC20, s22;
	[tilespmem:s11+$0x10800] =	vst.add.f32.msk $0xffff, v28  }
0x2d5: {  	s15 =	sor.u32 $0xC30, s22;
	[tilespmem:s13+$0x10800] =	vst.add.f32.msk $0xffff, v29  }
0x2d6: {  	s13 =	sor.u32 $0xC40, s12;
	[tilespmem:s15+$0x10800] =	vst.add.f32.msk $0xffff, v30  }
0x2d7: {  	s16 =	sor.u32 $0xC40, s22;
	[tilespmem:s13+$0x10800] =	vst.add.f32.msk $0xffff, v31  }
0x2d8: {  	s15 =	sor.u32 $0xC50, s12;
	[tilespmem:s16+$0x10800] =	vst.add.f32.msk $0xffff, v31  }
0x2d9: {  	s24 =	sor.u32 $0xC50, s22;
	[tilespmem:s15+$0x10800] =	vst.add.f32.msk $0xffff, v32  }
0x2da: {  	s16 =	sor.u32 $0xC60, s12;
	[tilespmem:s24+$0x10800] =	vst.add.f32.msk $0xffff, v32  }
0x2db: {  	s11 =	sor.u32 $0xC60, s22;
	[tilespmem:s16+$0x10800] =	vst.add.f32.msk $0xffff, v34  }
0x2dc: {  	s24 =	sor.u32 $0x10C90, s25;
	[tilespmem:s11+$0x10800] =	vst.add.f32.msk $0xffff, v34  }
0x2dd: {  	s12 =	sor.u32 $0xC70, s12;
	[tilespmem:s24+$0x0] =	vst.add.f32.msk $0xffff, v12  }
0x2de: {  	s13 =	sor.u32 $0x10CA0, s25;
	[tilespmem:s12+$0x10800] =	vst.add.f32.msk $0xffff, v33  }
0x2df: {  	s15 =	sor.u32 $0x10CB0, s25;
	[tilespmem:s13+$0x0] =	vst.add.f32.msk $0xffff, v13  }
0x2e0: {  	s16 =	sor.u32 $0x10CC0, s25;
	[tilespmem:s15+$0x0] =	vst.add.f32.msk $0xffff, v14  }
0x2e1: {  	s24 =	sor.u32 $0x10CD0, s25;
	[tilespmem:s16+$0x0] =	vst.add.f32.msk $0xffff, v15  }
0x2e2: {  	s16 =	sor.u32 $0x850, s21;
	[tilespmem:s24+$0x0] =	vst.add.f32.msk $0xffff, v16  }
0x2e3: {  	s25 =	sor.u32 $0x10CE0, s25;
	[tilespmem:s16+$0x10800] =	vst.add.f32.msk $0xffff, v24  }
0x2e4: {  	s28 =	rddreg [dreg:$0x5];
	[tilespmem:s25+$0x0] =	vst.add.f32.msk $0xffff, v17  }
0x2e5: {  	s11 =	rddreg [dreg:$0x9];
	[tilespmem:s28+$0x0] =	vst.add.f32.msk $0xffff, v18  }
0x2e6: {  	s12 =	rddreg [dreg:$0xd];
	[tilespmem:s11+$0x10800] =	vst.add.f32.msk $0xffff, v19  }
0x2e7: {  	s13 =	rddreg [dreg:$0x11];
	[tilespmem:s12+$0x10800] =	vst.add.f32.msk $0xffff, v20  }
0x2e8: {  	s15 =	rddreg [dreg:$0x15];
	[tilespmem:s13+$0x10800] =	vst.add.f32.msk $0xffff, v21  }
0x2e9: {  	[tilespmem:s15+$0x10800] =	vst.add.f32.msk $0xffff, v22  }
0x2ea: {  	[tilespmem:s18+$0x10800] =	vst.add.f32.msk $0xffff, v23  }
0x2eb: {  	s18 =	sor.u32 $0x860, s21;
	[tilespmem:s30+$0x10800] =	vst.add.f32.msk $0xffff, v24  }
0x2ec: {  	[tilespmem:s18+$0x10800] =	vst.add.f32.msk $0xffff, v25  }
0x2ed: {  	[tilespmem:s29+$0x10800] =	vst.add.f32.msk $0xffff, v25  }
0x2ee: {  	[tilespmem:s23+$0x10800] =	vst.add.f32.msk $0xffff, v26  }
0x2ef: {  	s23 =	sor.u32 $0x870, s21;
	[tilespmem:s26+$0x10800] =	vst.add.f32.msk $0xffff, v27  }
0x2f0: {  	[tilespmem:s23+$0x10800] =	vst.add.f32.msk $0xffff, v26  }
0x2f1: {  	s24 =	sor.u32 $0xC00, s21;
	[tilespmem:s10+$0x10800] =	vst.add.f32.msk $0xffff, v28  }
0x2f2: {  	[tilespmem:s24+$0x10800] =	vst.add.f32.msk $0xffff, v27  }
0x2f3: {  	s25 =	sor.u32 $0xC10, s21;
	[tilespmem:s5+$0x10800] =	vst.add.f32.msk $0xffff, v29  }
0x2f4: {  	[tilespmem:s25+$0x10800] =	vst.add.f32.msk $0xffff, v28  }
0x2f5: {  	s26 =	sor.u32 $0xC20, s21;
	[tilespmem:s3+$0x10800] =	vst.add.f32.msk $0xffff, v30  }
0x2f6: {  	[tilespmem:s26+$0x10800] =	vst.add.f32.msk $0xffff, v29  }
0x2f7: {  	s14 =	sadd.s32 $0x4, s14;
	s28 =	sor.u32 $0xC30, s21;
	[tilespmem:s7+$0x10800] =	vst.add.f32.msk $0xffff, v31  }
0x2f8: {  	p2 =	slt.u32 s14, $0x1C;
	[tilespmem:s28+$0x10800] =	vst.add.f32.msk $0xffff, v30  }
.Ltmp6:
0x2f9: {  	s29 =	sor.u32 $0xC40, s21;
	[tilespmem:s4+$0x10800] =	vst.add.f32.msk $0xffff, v32;
	(pc) =	sbr.rel @p2 .LBB2_6-.Ltmp6, $4  }
0x2fa: {  	[tilespmem:s29+$0x10800] =	vst.add.f32.msk $0xffff, v31  }
0x2fb: {  	s30 =	sor.u32 $0xC50, s21;
	[tilespmem:s2+$0x10800] =	vst.add.f32.msk $0xffff, v34  }
0x2fc: {  	s20 =	sadd.s32 $0x200, s20;
	p1 =	por !p1, !p1;
	s31 =	sor.u32 $0xC60, s21;
	[tilespmem:s30+$0x10800] =	vst.add.f32.msk $0xffff, v32  }
0x2fd: {  	s19 =	sadd.s32 $0x800, s19;
	s1 =	sor.u32 $0xC70, s22;
	s3 =	sor.u32 $0xC70, s21;
	[tilespmem:s31+$0x10800] =	vst.add.f32.msk $0xffff, v34  }
0x2fe: {  	[tilespmem:s3+$0x10800] =	vst.add.f32.msk $0xffff, v33  }
0x2ff: {  	[tilespmem:s1+$0x10800] =	vst.add.f32.msk $0xffff, v33  }
0x300: {  	s0 =	sld [smem:$0x7FA];
	_ =	sdelay $0x1  }
0x301: {  	[tilespmem:s17+$0x10800] =	vst.add.f32.msk $0xffff, v33  }
0x302: {  	s31 =	simm.s32 $0x0;
	s1 =	rddreg [dreg:$0x1b];
	s0 =	sshll.u32 s0, $0x10  }
0x303: {  	s2 =	simm.s32 $0x10800;
	s5 =	rddreg [dreg:$0x1e];
	s0 =	sadd.s32 s0, s1  }
0x304: {  	[hbm4b:s0+s31] =	stream.linear.scatter [tilespmem:s2], [sflag:$0x6], $0x4000, $0x38;
	[tilespmem:$0x1C800] =	vst v63  }
.LBB2_8:
.Ltmp7:
0x305: {  	(pc) =	sbr.rel @p0 .LBB2_12-.Ltmp7, $1  }
0x306: {  	_ =	sdelay $0x3  }
0x307: {  	s0 =	simm.s32 $0x3  }
0x308: {  	_ =	swait.ge [sflag:s0], $0x4000  }
0x309: {  	[sflag:s0] =	ssyncset.done $0x0  }
0x30a: {  	s14 =	simm.s32 $0x5;
	[sflag:s0] =	ssyncadd.s32 $0xFFFFC000  }
0x30b: {  	_ =	swait.ge [sflag:s14], $0x4000  }
0x30c: {  	[sflag:s14] =	ssyncset.done $0x0;
	s5 =	rddreg [dreg:$0x1f]  }
0x30d: {  	[sflag:s14] =	ssyncadd.s32 $0xFFFFC000;
	s1 =	sshrl.u32 s5, $0x2  }
0x30e: {  	v3 =	vld [tilespmem:s1+$0x200];
	_ =	sdelay $0x4  }
0x30f: {  	v4 =	vshll.u32 v3, $0x2  }
0x310: {  	v3 =	vand.u32 $0x7, v3;
	v4 =	vand.u32 $0xFFFFFFE0, v4  }
0x311: {  	v3 =	vor.u32 v3, v4  }
0x312: {  	v4 =	vperm.xlane v3, v0;
	_ =	sdelay $0x1  }
0x313: {  	v4 =	vadd.s32 v1, v4;
	_ =	sdelay $0x1  }
0x314: {  	v3 =	vperm.xlane v3, v2;
	_ =	sdelay $0x1  }
0x315: {  	s15 =	simm.s32 $0x0;
	s3 =	simm.s32 $0xC800;
	s2 =	rddreg [dreg:$0x1];
	v3 =	vadd.s32 v1, v3  }
0x316: {  	[tilespmem:s3], [sflag:$0x1] =	stream.indirect_vreg.gather [hbm4b:s2+s15], $0x80, v4, vm0, $0xb8;
	[tilespmem:$0x1C800] =	vst v63  }
0x317: {  	s4 =	simm.s32 $0xD000;
	s16 =	rddreg [dreg:$0x1a]  }
0x318: {  	[tilespmem:s4], [sflag:$0x1] =	stream.indirect_vreg.gather [hbm4b:s16+s15], $0x80, v4, vm0, $0xb8;
	[tilespmem:$0x1C800] =	vst v63  }
0x319: {  	s17 =	simm.s32 $0xD800  }
0x31a: {  	[tilespmem:s17], [sflag:$0x1] =	stream.indirect_vreg.gather [hbm4b:s2+s15], $0x80, v3, vm0, $0xb8;
	[tilespmem:$0x1C800] =	vst v63  }
0x31b: {  	s18 =	simm.s32 $0xE000  }
0x31c: {  	[tilespmem:s18], [sflag:$0x1] =	stream.indirect_vreg.gather [hbm4b:s16+s15], $0x80, v3, vm0, $0xb8;
	[tilespmem:$0x1C800] =	vst v63  }
0x31d: {  	v3 =	vld [tilespmem:s1+$0x210];
	_ =	sdelay $0x4  }
0x31e: {  	v4 =	vshll.u32 v3, $0x2  }
0x31f: {  	v3 =	vand.u32 $0x7, v3;
	v4 =	vand.u32 $0xFFFFFFE0, v4  }
0x320: {  	v3 =	vor.u32 v3, v4  }
0x321: {  	v4 =	vperm.xlane v3, v0;
	_ =	sdelay $0x1  }
0x322: {  	v4 =	vadd.s32 v1, v4;
	_ =	sdelay $0x1  }
0x323: {  	v3 =	vperm.xlane v3, v2  }
0x324: {  	s23 =	sld [smem:$0x7FC]  }
0x325: {  	s19 =	simm.s32 $0xE800;
	v3 =	vadd.s32 v1, v3  }
0x326: {  	[tilespmem:s19], [sflag:$0x1] =	stream.indirect_vreg.gather [hbm4b:s2+s15], $0x80, v4, vm0, $0xb8;
	[tilespmem:$0x1C800] =	vst v63  }
0x327: {  	s20 =	simm.s32 $0xF000;
	s24 =	sld [smem:$0x7FD];
	s1 =	sshll.u32 s23, $0x7  }
0x328: {  	[tilespmem:s20], [sflag:$0x1] =	stream.indirect_vreg.gather [hbm4b:s16+s15], $0x80, v4, vm0, $0xb8;
	[tilespmem:$0x1C800] =	vst v63  }
0x329: {  	s21 =	simm.s32 $0xF800;
	s1 =	sand.u32 $0x300, s1  }
0x32a: {  	[tilespmem:s21], [sflag:$0x1] =	stream.indirect_vreg.gather [hbm4b:s2+s15], $0x80, v3, vm0, $0xb8;
	[tilespmem:$0x1C800] =	vst v63  }
0x32b: {  	s22 =	simm.s32 $0x10000;
	s2 =	sadd.s32 s1, s24  }
0x32c: {  	[tilespmem:s22], [sflag:$0x1] =	stream.indirect_vreg.gather [hbm4b:s16+s15], $0x80, v3, vm0, $0xb8;
	[tilespmem:$0x1C800] =	vst v63  }
0x32d: {  	v3 =	vld [tilespmem:s2+$0x0]  }
0x32e: {  	v4 =	vld [tilespmem:s2+$0x10]  }
0x32f: {  	v5 =	vld [tilespmem:s2+$0x20]  }
0x330: {  	v6 =	vld [tilespmem:s2+$0x30]  }
0x331: {  	v7 =	vld [tilespmem:s2+$0x40]  }
0x332: {  	v8 =	vld [tilespmem:s2+$0x50]  }
0x333: {  	v9 =	vld [tilespmem:s2+$0x60]  }
0x334: {  	v10 =	vld [tilespmem:s2+$0x70]  }
0x335: {  	v11 =	vld [tilespmem:s2+$0x400]  }
0x336: {  	v12 =	vld [tilespmem:s2+$0x410]  }
0x337: {  	v13 =	vld [tilespmem:s2+$0x420]  }
0x338: {  	v14 =	vld [tilespmem:s2+$0x430]  }
0x339: {  	v15 =	vld [tilespmem:s2+$0x440]  }
0x33a: {  	v16 =	vld [tilespmem:s2+$0x450]  }
0x33b: {  	s1 =	sor.u32 s5, s1;
	v17 =	vld [tilespmem:s2+$0x460]  }
0x33c: {  	s25 =	sor.u32 $0x800, s1;
	v18 =	vld [tilespmem:s2+$0x470]  }
0x33d: {  	s26 =	sor.u32 $0x810, s1;
	v19 =	vld [tilespmem:s25+$0x2800]  }
0x33e: {  	s28 =	sor.u32 $0x820, s1;
	v20 =	vld [tilespmem:s26+$0x2800]  }
0x33f: {  	s29 =	sor.u32 $0x830, s1;
	v21 =	vld [tilespmem:s28+$0x2800]  }
0x340: {  	s30 =	sor.u32 $0x840, s1;
	v22 =	vld [tilespmem:s29+$0x2800]  }
0x341: {  	s31 =	sor.u32 $0x850, s1;
	v23 =	vld [tilespmem:s30+$0x2800]  }
0x342: {  	s3 =	sor.u32 $0x860, s1;
	v24 =	vld [tilespmem:s31+$0x2800]  }
0x343: {  	s4 =	sor.u32 $0x870, s1;
	v25 =	vld [tilespmem:s3+$0x2800]  }
0x344: {  	s5 =	sor.u32 $0xC00, s1;
	v26 =	vld [tilespmem:s4+$0x2800]  }
0x345: {  	s6 =	sor.u32 $0xC10, s1;
	v27 =	vld [tilespmem:s5+$0x2800]  }
0x346: {  	s7 =	sor.u32 $0xC20, s1;
	v28 =	vld [tilespmem:s6+$0x2800]  }
0x347: {  	s8 =	sor.u32 $0xC30, s1;
	v29 =	vld [tilespmem:s7+$0x2800]  }
0x348: {  	s9 =	sor.u32 $0xC40, s1;
	v30 =	vld [tilespmem:s8+$0x2800]  }
0x349: {  	s10 =	sor.u32 $0xC50, s1;
	v31 =	vld [tilespmem:s9+$0x2800]  }
0x34a: {  	s12 =	sand.u32 $0x3000, s15;
	s0 =	sand.u32 $0x200, s15;
	s11 =	sor.u32 $0xC60, s1;
	v32 =	vld [tilespmem:s10+$0x2800]  }
0x34b: {  	s0 =	sor.u32 s0, s12;
	s1 =	sor.u32 $0xC70, s1;
	v34 =	vld [tilespmem:s11+$0x2800]  }
0x34c: {  	s13 =	sor.u32 $0x14800, s0;
	v33 =	vld [tilespmem:s1+$0x2800]  }
0x34d: {  	s14 =	sor.u32 $0x14900, s0;
	[tilespmem:s13+$0x0] =	vst.add.f32.msk $0xffff, v3  }
0x34e: {  	s15 =	sor.u32 $0x14880, s0;
	[tilespmem:s14+$0x0] =	vst.add.f32.msk $0xffff, v3  }
0x34f: {  	s16 =	sor.u32 $0x14910, s0;
	[tilespmem:s15+$0x0] =	vst.add.f32.msk $0xffff, v3  }
0x350: {  	s22 =	sor.u32 $0x14890, s0;
	[tilespmem:s16+$0x0] =	vst.add.f32.msk $0xffff, v4  }
0x351: {  	s3 =	sor.u32 $0x14810, s0;
	[tilespmem:s22+$0x0] =	vst.add.f32.msk $0xffff, v4  }
0x352: {  	s17 =	sor.u32 $0x14920, s0;
	[tilespmem:s3+$0x0] =	vst.add.f32.msk $0xffff, v4  }
0x353: {  	s4 =	sor.u32 $0x148A0, s0;
	[tilespmem:s17+$0x0] =	vst.add.f32.msk $0xffff, v5  }
0x354: {  	s6 =	sor.u32 $0x14820, s0;
	[tilespmem:s4+$0x0] =	vst.add.f32.msk $0xffff, v5  }
0x355: {  	s18 =	sor.u32 $0x14930, s0;
	[tilespmem:s6+$0x0] =	vst.add.f32.msk $0xffff, v5  }
0x356: {  	s3 =	sor.u32 $0x148B0, s0;
	[tilespmem:s18+$0x0] =	vst.add.f32.msk $0xffff, v6  }
0x357: {  	s9 =	sor.u32 $0x14830, s0;
	[tilespmem:s3+$0x0] =	vst.add.f32.msk $0xffff, v6  }
0x358: {  	s19 =	sor.u32 $0x14940, s0;
	[tilespmem:s9+$0x0] =	vst.add.f32.msk $0xffff, v6  }
0x359: {  	s7 =	sor.u32 $0x148C0, s0;
	[tilespmem:s19+$0x0] =	vst.add.f32.msk $0xffff, v7  }
0x35a: {  	s16 =	sor.u32 $0x14840, s0;
	[tilespmem:s7+$0x0] =	vst.add.f32.msk $0xffff, v7  }
0x35b: {  	s20 =	sor.u32 $0x14950, s0;
	[tilespmem:s16+$0x0] =	vst.add.f32.msk $0xffff, v7  }
0x35c: {  	s8 =	sor.u32 $0x148D0, s0;
	[tilespmem:s20+$0x0] =	vst.add.f32.msk $0xffff, v8  }
0x35d: {  	s17 =	sor.u32 $0x14850, s0;
	[tilespmem:s8+$0x0] =	vst.add.f32.msk $0xffff, v8  }
0x35e: {  	s21 =	sor.u32 $0x14960, s0;
	[tilespmem:s17+$0x0] =	vst.add.f32.msk $0xffff, v8  }
0x35f: {  	s18 =	sor.u32 $0x14860, s0;
	[tilespmem:s21+$0x0] =	vst.add.f32.msk $0xffff, v9  }
0x360: {  	s22 =	sor.u32 $0x148E0, s0;
	[tilespmem:s18+$0x0] =	vst.add.f32.msk $0xffff, v9  }
0x361: {  	s23 =	sor.u32 $0x14970, s0;
	[tilespmem:s22+$0x0] =	vst.add.f32.msk $0xffff, v9  }
0x362: {  	s19 =	sor.u32 $0x14870, s0;
	[tilespmem:s23+$0x0] =	vst.add.f32.msk $0xffff, v10  }
0x363: {  	s24 =	sor.u32 $0x14D00, s0;
	[tilespmem:s19+$0x0] =	vst.add.f32.msk $0xffff, v10  }
0x364: {  	s20 =	sor.u32 $0x14C00, s0;
	[tilespmem:s24+$0x0] =	vst.add.f32.msk $0xffff, v11  }
0x365: {  	s25 =	sor.u32 $0x14D10, s0;
	[tilespmem:s20+$0x0] =	vst.add.f32.msk $0xffff, v11  }
0x366: {  	s21 =	sor.u32 $0x14C10, s0;
	[tilespmem:s25+$0x0] =	vst.add.f32.msk $0xffff, v12  }
0x367: {  	s26 =	sor.u32 $0x14D20, s0;
	[tilespmem:s21+$0x0] =	vst.add.f32.msk $0xffff, v12  }
0x368: {  	s23 =	sor.u32 $0x14C20, s0;
	[tilespmem:s26+$0x0] =	vst.add.f32.msk $0xffff, v13  }
0x369: {  	s25 =	sor.u32 $0x14980, s0;
	[tilespmem:s23+$0x0] =	vst.add.f32.msk $0xffff, v13  }
0x36a: {  	s28 =	sor.u32 $0x14D30, s0;
	[tilespmem:s25+$0x0] =	vst.add.f32.msk $0xffff, v3  }
0x36b: {  	s24 =	sor.u32 $0x14C30, s0;
	[tilespmem:s28+$0x0] =	vst.add.f32.msk $0xffff, v14  }
0x36c: {  	s26 =	sor.u32 $0x14990, s0;
	[tilespmem:s24+$0x0] =	vst.add.f32.msk $0xffff, v14  }
0x36d: {  	s29 =	sor.u32 $0x14D40, s0;
	[tilespmem:s26+$0x0] =	vst.add.f32.msk $0xffff, v4  }
0x36e: {  	s28 =	sor.u32 $0x149A0, s0;
	[tilespmem:s29+$0x0] =	vst.add.f32.msk $0xffff, v15  }
0x36f: {  	s30 =	sor.u32 $0x14D50, s0;
	[tilespmem:s28+$0x0] =	vst.add.f32.msk $0xffff, v5  }
0x370: {  	p0 =	por $0x0, $0x0;
	s1 =	simm.s32 $0x1;
	s29 =	sor.u32 $0x149B0, s0;
	[tilespmem:s30+$0x0] =	vst.add.f32.msk $0xffff, v16  }
0x371: {  	s31 =	sor.u32 $0x14D60, s0;
	s1 =	simm.s32 @!p0 $0x0;
	[tilespmem:s29+$0x0] =	vst.add.f32.msk $0xffff, v6  }
0x372: {  	s1 =	sshll.u32 s1, $0x9;
	s30 =	sor.u32 $0x149C0, s0;
	[tilespmem:s31+$0x0] =	vst.add.f32.msk $0xffff, v17  }
0x373: {  	s5 =	sor.u32 $0x14D70, s0;
	s12 =	sadd.s32 $0x0, s1;
	[tilespmem:s30+$0x0] =	vst.add.f32.msk $0xffff, v7  }
0x374: {  	s1 =	sadd.s32 $0x100, s12;
	s31 =	sor.u32 $0x149D0, s0;
	[tilespmem:s5+$0x0] =	vst.add.f32.msk $0xffff, v18  }
0x375: {  	s10 =	sor.u32 $0x800, s1;
	[tilespmem:s31+$0x0] =	vst.add.f32.msk $0xffff, v8  }
0x376: {  	s5 =	sor.u32 $0x14C40, s0;
	[tilespmem:s10+$0x14800] =	vst.add.f32.msk $0xffff, v19  }
0x377: {  	s11 =	sor.u32 $0x810, s1;
	[tilespmem:s5+$0x0] =	vst.add.f32.msk $0xffff, v15  }
0x378: {  	s6 =	sor.u32 $0x14C50, s0;
	[tilespmem:s11+$0x14800] =	vst.add.f32.msk $0xffff, v20  }
0x379: {  	s10 =	sor.u32 $0x149E0, s0;
	[tilespmem:s6+$0x0] =	vst.add.f32.msk $0xffff, v16  }
0x37a: {  	s13 =	sor.u32 $0x820, s1;
	[tilespmem:s10+$0x0] =	vst.add.f32.msk $0xffff, v9  }
0x37b: {  	s7 =	sor.u32 $0x14C60, s0;
	[tilespmem:s13+$0x14800] =	vst.add.f32.msk $0xffff, v21  }
0x37c: {  	s11 =	sor.u32 $0x148F0, s0;
	[tilespmem:s7+$0x0] =	vst.add.f32.msk $0xffff, v17  }
0x37d: {  	s18 =	sor.u32 $0x149F0, s0;
	[tilespmem:s11+$0x0] =	vst.add.f32.msk $0xffff, v10  }
0x37e: {  	s14 =	sor.u32 $0x830, s1;
	[tilespmem:s18+$0x0] =	vst.add.f32.msk $0xffff, v10  }
0x37f: {  	s13 =	sor.u32 $0x14C80, s0;
	[tilespmem:s14+$0x14800] =	vst.add.f32.msk $0xffff, v22  }
0x380: {  	s19 =	sor.u32 $0x14D80, s0;
	[tilespmem:s13+$0x0] =	vst.add.f32.msk $0xffff, v11  }
0x381: {  	s15 =	sor.u32 $0x840, s1;
	[tilespmem:s19+$0x0] =	vst.add.f32.msk $0xffff, v11  }
0x382: {  	s20 =	sor.u32 $0x14D90, s0;
	[tilespmem:s15+$0x14800] =	vst.add.f32.msk $0xffff, v23  }
0x383: {  	s4 =	sor.u32 $0x850, s1;
	[tilespmem:s20+$0x0] =	vst.add.f32.msk $0xffff, v12  }
0x384: {  	s21 =	sor.u32 $0x14DA0, s0;
	[tilespmem:s4+$0x14800] =	vst.add.f32.msk $0xffff, v24  }
0x385: {  	s20 =	sor.u32 $0x14C90, s0;
	[tilespmem:s21+$0x0] =	vst.add.f32.msk $0xffff, v13  }
0x386: {  	s8 =	sor.u32 $0x860, s1;
	[tilespmem:s20+$0x0] =	vst.add.f32.msk $0xffff, v12  }
0x387: {  	s22 =	sor.u32 $0x14DB0, s0;
	[tilespmem:s8+$0x14800] =	vst.add.f32.msk $0xffff, v25  }
0x388: {  	s21 =	sor.u32 $0x14C70, s0;
	[tilespmem:s22+$0x0] =	vst.add.f32.msk $0xffff, v14  }
0x389: {  	s9 =	sor.u32 $0x870, s1;
	[tilespmem:s21+$0x0] =	vst.add.f32.msk $0xffff, v18  }
0x38a: {  	s23 =	sor.u32 $0x14DC0, s0;
	[tilespmem:s9+$0x14800] =	vst.add.f32.msk $0xffff, v26  }
0x38b: {  	s22 =	sor.u32 $0x14CA0, s0;
	[tilespmem:s23+$0x0] =	vst.add.f32.msk $0xffff, v15  }
0x38c: {  	s14 =	sor.u32 $0xC00, s1;
	[tilespmem:s22+$0x0] =	vst.add.f32.msk $0xffff, v13  }
0x38d: {  	s24 =	sor.u32 $0x14DD0, s0;
	[tilespmem:s14+$0x14800] =	vst.add.f32.msk $0xffff, v27  }
0x38e: {  	s23 =	sor.u32 $0x14CB0, s0;
	[tilespmem:s24+$0x0] =	vst.add.f32.msk $0xffff, v16  }
0x38f: {  	s15 =	sor.u32 $0xC10, s1;
	[tilespmem:s23+$0x0] =	vst.add.f32.msk $0xffff, v14  }
0x390: {  	s25 =	sor.u32 $0x14DE0, s0;
	[tilespmem:s15+$0x14800] =	vst.add.f32.msk $0xffff, v28  }
0x391: {  	s24 =	sor.u32 $0x14CC0, s0;
	[tilespmem:s25+$0x0] =	vst.add.f32.msk $0xffff, v17  }
0x392: {  	s16 =	sor.u32 $0xC20, s1;
	[tilespmem:s24+$0x0] =	vst.add.f32.msk $0xffff, v15  }
0x393: {  	s26 =	sor.u32 $0x14DF0, s0;
	[tilespmem:s16+$0x14800] =	vst.add.f32.msk $0xffff, v29  }
0x394: {  	s25 =	sor.u32 $0x14CD0, s0;
	[tilespmem:s26+$0x0] =	vst.add.f32.msk $0xffff, v18  }
0x395: {  	s2 =	sadd.s32 $0x180, s12;
	s17 =	sor.u32 $0xC30, s1;
	[tilespmem:s25+$0x0] =	vst.add.f32.msk $0xffff, v16  }
0x396: {  	s28 =	sor.u32 $0x800, s2;
	[tilespmem:s17+$0x14800] =	vst.add.f32.msk $0xffff, v30  }
0x397: {  	s26 =	sor.u32 $0x14CE0, s0;
	[tilespmem:s28+$0x14800] =	vst.add.f32.msk $0xffff, v19  }
0x398: {  	s29 =	sor.u32 $0x810, s2;
	[tilespmem:s26+$0x0] =	vst.add.f32.msk $0xffff, v17  }
0x399: {  	s17 =	sor.u32 $0xC40, s1;
	[tilespmem:s29+$0x14800] =	vst.add.f32.msk $0xffff, v20  }
0x39a: {  	s0 =	sor.u32 $0x14CF0, s0;
	[tilespmem:s17+$0x14800] =	vst.add.f32.msk $0xffff, v31  }
0x39b: {  	s30 =	sor.u32 $0x820, s2;
	[tilespmem:s0+$0x0] =	vst.add.f32.msk $0xffff, v18  }
0x39c: {  	s3 =	sadd.s32 $0x80, s12;
	s18 =	sor.u32 $0xC50, s1;
	[tilespmem:s30+$0x14800] =	vst.add.f32.msk $0xffff, v21  }
0x39d: {  	s28 =	sor.u32 $0x800, s3;
	[tilespmem:s18+$0x14800] =	vst.add.f32.msk $0xffff, v32  }
0x39e: {  	s31 =	sor.u32 $0x830, s2;
	[tilespmem:s28+$0x14800] =	vst.add.f32.msk $0xffff, v19  }
0x39f: {  	s19 =	sor.u32 $0xC60, s1;
	[tilespmem:s31+$0x14800] =	vst.add.f32.msk $0xffff, v22  }
0x3a0: {  	s29 =	sor.u32 $0x810, s3;
	[tilespmem:s19+$0x14800] =	vst.add.f32.msk $0xffff, v34  }
0x3a1: {  	s5 =	sor.u32 $0x840, s2;
	[tilespmem:s29+$0x14800] =	vst.add.f32.msk $0xffff, v20  }
0x3a2: {  	s1 =	sor.u32 $0xC70, s1;
	[tilespmem:s5+$0x14800] =	vst.add.f32.msk $0xffff, v23  }
0x3a3: {  	s30 =	sor.u32 $0x820, s3;
	[tilespmem:s1+$0x14800] =	vst.add.f32.msk $0xffff, v33  }
0x3a4: {  	s6 =	sor.u32 $0x850, s2;
	[tilespmem:s30+$0x14800] =	vst.add.f32.msk $0xffff, v21  }
0x3a5: {  	s31 =	sor.u32 $0x830, s3;
	[tilespmem:s6+$0x14800] =	vst.add.f32.msk $0xffff, v24  }
0x3a6: {  	s7 =	sor.u32 $0x860, s2;
	[tilespmem:s31+$0x14800] =	vst.add.f32.msk $0xffff, v22  }
0x3a7: {  	s4 =	sor.u32 $0x840, s3;
	[tilespmem:s7+$0x14800] =	vst.add.f32.msk $0xffff, v25  }
0x3a8: {  	s8 =	sor.u32 $0x870, s2;
	[tilespmem:s4+$0x14800] =	vst.add.f32.msk $0xffff, v23  }
0x3a9: {  	s5 =	sor.u32 $0x850, s3;
	[tilespmem:s8+$0x14800] =	vst.add.f32.msk $0xffff, v26  }
0x3aa: {  	s9 =	sor.u32 $0xC00, s2;
	[tilespmem:s5+$0x14800] =	vst.add.f32.msk $0xffff, v24  }
0x3ab: {  	s6 =	sor.u32 $0x860, s3;
	[tilespmem:s9+$0x14800] =	vst.add.f32.msk $0xffff, v27  }
0x3ac: {  	s10 =	sor.u32 $0xC10, s2;
	[tilespmem:s6+$0x14800] =	vst.add.f32.msk $0xffff, v25  }
0x3ad: {  	s7 =	sor.u32 $0x870, s3;
	[tilespmem:s10+$0x14800] =	vst.add.f32.msk $0xffff, v28  }
0x3ae: {  	s11 =	sor.u32 $0xC20, s2;
	[tilespmem:s7+$0x14800] =	vst.add.f32.msk $0xffff, v26  }
0x3af: {  	s8 =	sor.u32 $0xC00, s3;
	[tilespmem:s11+$0x14800] =	vst.add.f32.msk $0xffff, v29  }
0x3b0: {  	s13 =	sor.u32 $0xC30, s2;
	[tilespmem:s8+$0x14800] =	vst.add.f32.msk $0xffff, v27  }
0x3b1: {  	s9 =	sor.u32 $0xC10, s3;
	[tilespmem:s13+$0x14800] =	vst.add.f32.msk $0xffff, v30  }
0x3b2: {  	s14 =	sor.u32 $0xC40, s2;
	[tilespmem:s9+$0x14800] =	vst.add.f32.msk $0xffff, v28  }
0x3b3: {  	s10 =	sor.u32 $0xC20, s3;
	[tilespmem:s14+$0x14800] =	vst.add.f32.msk $0xffff, v31  }
0x3b4: {  	s15 =	sor.u32 $0xC50, s2;
	[tilespmem:s10+$0x14800] =	vst.add.f32.msk $0xffff, v29  }
0x3b5: {  	s11 =	sor.u32 $0xC30, s3;
	[tilespmem:s15+$0x14800] =	vst.add.f32.msk $0xffff, v32  }
0x3b6: {  	s16 =	sor.u32 $0xC60, s2;
	[tilespmem:s11+$0x14800] =	vst.add.f32.msk $0xffff, v30  }
0x3b7: {  	s13 =	sor.u32 $0xC40, s3;
	[tilespmem:s16+$0x14800] =	vst.add.f32.msk $0xffff, v34  }
0x3b8: {  	s14 =	sor.u32 $0xC50, s3;
	[tilespmem:s13+$0x14800] =	vst.add.f32.msk $0xffff, v31  }
0x3b9: {  	s16 =	sor.u32 $0x800, s12;
	[tilespmem:s14+$0x14800] =	vst.add.f32.msk $0xffff, v32  }
0x3ba: {  	s15 =	sor.u32 $0xC60, s3;
	[tilespmem:s16+$0x14800] =	vst.add.f32.msk $0xffff, v19  }
0x3bb: {  	s17 =	sor.u32 $0x810, s12;
	[tilespmem:s15+$0x14800] =	vst.add.f32.msk $0xffff, v34  }
0x3bc: {  	s18 =	sor.u32 $0x820, s12;
	[tilespmem:s17+$0x14800] =	vst.add.f32.msk $0xffff, v20  }
0x3bd: {  	s19 =	sor.u32 $0x830, s12;
	[tilespmem:s18+$0x14800] =	vst.add.f32.msk $0xffff, v21  }
0x3be: {  	s20 =	sor.u32 $0x840, s12;
	[tilespmem:s19+$0x14800] =	vst.add.f32.msk $0xffff, v22  }
0x3bf: {  	s21 =	sor.u32 $0x850, s12;
	[tilespmem:s20+$0x14800] =	vst.add.f32.msk $0xffff, v23  }
0x3c0: {  	s22 =	sor.u32 $0x860, s12;
	[tilespmem:s21+$0x14800] =	vst.add.f32.msk $0xffff, v24  }
0x3c1: {  	s23 =	sor.u32 $0x870, s12;
	[tilespmem:s22+$0x14800] =	vst.add.f32.msk $0xffff, v25  }
0x3c2: {  	s24 =	sor.u32 $0xC00, s12;
	[tilespmem:s23+$0x14800] =	vst.add.f32.msk $0xffff, v26  }
0x3c3: {  	s25 =	sor.u32 $0xC10, s12;
	[tilespmem:s24+$0x14800] =	vst.add.f32.msk $0xffff, v27  }
0x3c4: {  	s26 =	sor.u32 $0xC20, s12;
	[tilespmem:s25+$0x14800] =	vst.add.f32.msk $0xffff, v28  }
0x3c5: {  	s28 =	sor.u32 $0xC30, s12;
	[tilespmem:s26+$0x14800] =	vst.add.f32.msk $0xffff, v29  }
0x3c6: {  	s29 =	sor.u32 $0xC40, s12;
	[tilespmem:s28+$0x14800] =	vst.add.f32.msk $0xffff, v30  }
0x3c7: {  	p0 =	por !p0, !p0;
	s2 =	sor.u32 $0xC70, s2;
	s30 =	sor.u32 $0xC50, s12;
	[tilespmem:s29+$0x14800] =	vst.add.f32.msk $0xffff, v31  }
0x3c8: {  	s1 =	simm.s32 $0x800;
	s31 =	sor.u32 $0xC60, s12;
	s14 =	simm.s32 $0x0;
	[tilespmem:s30+$0x14800] =	vst.add.f32.msk $0xffff, v32  }
0x3c9: {  	s17 =	sor.u32 $0xC70, s3;
	s3 =	sor.u32 $0xC70, s12;
	s19 =	simm.s32 $0x200;
	[tilespmem:s31+$0x14800] =	vst.add.f32.msk $0xffff, v34  }
.LBB2_10:
0x3ca: {  	s4 =	sand.u32 $0x3000, s1;
	s5 =	sand.u32 $0x200, s19;
	[tilespmem:s3+$0x14800] =	vst.add.f32.msk $0xffff, v33  }
0x3cb: {  	[tilespmem:s2+$0x14800] =	vst.add.f32.msk $0xffff, v33;
	s22 =	sor.u32 s5, s4  }
0x3cc: {  	[tilespmem:s17+$0x14800] =	vst.add.f32.msk $0xffff, v33;
	s25 =	sor.u32 $0x14800, s22  }
0x3cd: {  	s26 =	sor.u32 $0x14900, s22;
	[tilespmem:s25+$0x0] =	vst.add.f32.msk $0xffff, v3  }
0x3ce: {  	s28 =	sor.u32 $0x14880, s22;
	[tilespmem:s26+$0x0] =	vst.add.f32.msk $0xffff, v3  }
0x3cf: {  	s29 =	sor.u32 $0x14910, s22;
	[tilespmem:s28+$0x0] =	vst.add.f32.msk $0xffff, v3  }
0x3d0: {  	s30 =	sor.u32 $0x14890, s22;
	[tilespmem:s29+$0x0] =	vst.add.f32.msk $0xffff, v4  }
0x3d1: {  	s17 =	sor.u32 $0x14810, s22;
	[tilespmem:s30+$0x0] =	vst.add.f32.msk $0xffff, v4  }
0x3d2: {  	s31 =	sor.u32 $0x14920, s22;
	[tilespmem:s17+$0x0] =	vst.add.f32.msk $0xffff, v4  }
0x3d3: {  	s23 =	sor.u32 $0x148A0, s22;
	[tilespmem:s31+$0x0] =	vst.add.f32.msk $0xffff, v5  }
0x3d4: {  	s26 =	sor.u32 $0x14820, s22;
	[tilespmem:s23+$0x0] =	vst.add.f32.msk $0xffff, v5  }
0x3d5: {  	s0 =	sor.u32 $0x14930, s22;
	[tilespmem:s26+$0x0] =	vst.add.f32.msk $0xffff, v5  }
0x3d6: {  	s25 =	sor.u32 $0x148B0, s22;
	[tilespmem:s0+$0x0] =	vst.add.f32.msk $0xffff, v6  }
0x3d7: {  	s29 =	sor.u32 $0x14830, s22;
	[tilespmem:s25+$0x0] =	vst.add.f32.msk $0xffff, v6  }
0x3d8: {  	s26 =	sor.u32 $0x14980, s22;
	[tilespmem:s29+$0x0] =	vst.add.f32.msk $0xffff, v6  }
0x3d9: {  	s4 =	sor.u32 $0x14940, s22;
	[tilespmem:s26+$0x0] =	vst.add.f32.msk $0xffff, v3  }
0x3da: {  	s30 =	sor.u32 $0x14840, s22;
	[tilespmem:s4+$0x0] =	vst.add.f32.msk $0xffff, v7  }
0x3db: {  	s5 =	sor.u32 $0x14950, s22;
	[tilespmem:s30+$0x0] =	vst.add.f32.msk $0xffff, v7  }
0x3dc: {  	s31 =	sor.u32 $0x14850, s22;
	[tilespmem:s5+$0x0] =	vst.add.f32.msk $0xffff, v8  }
0x3dd: {  	s6 =	sor.u32 $0x14960, s22;
	[tilespmem:s31+$0x0] =	vst.add.f32.msk $0xffff, v8  }
0x3de: {  	s0 =	sor.u32 $0x14860, s22;
	[tilespmem:s6+$0x0] =	vst.add.f32.msk $0xffff, v9  }
0x3df: {  	s5 =	sor.u32 $0x14990, s22;
	[tilespmem:s0+$0x0] =	vst.add.f32.msk $0xffff, v9  }
0x3e0: {  	s7 =	sor.u32 $0x14970, s22;
	[tilespmem:s5+$0x0] =	vst.add.f32.msk $0xffff, v4  }
0x3e1: {  	s8 =	sor.u32 $0x14D00, s22;
	[tilespmem:s7+$0x0] =	vst.add.f32.msk $0xffff, v10  }
0x3e2: {  	s7 =	sor.u32 $0x148C0, s22;
	[tilespmem:s8+$0x0] =	vst.add.f32.msk $0xffff, v11  }
0x3e3: {  	s9 =	sor.u32 $0x14D10, s22;
	[tilespmem:s7+$0x0] =	vst.add.f32.msk $0xffff, v7  }
0x3e4: {  	s28 =	sor.u32 $0x148D0, s22;
	[tilespmem:s9+$0x0] =	vst.add.f32.msk $0xffff, v12  }
0x3e5: {  	s7 =	sor.u32 $0x149A0, s22;
	[tilespmem:s28+$0x0] =	vst.add.f32.msk $0xffff, v8  }
0x3e6: {  	s10 =	sor.u32 $0x14D20, s22;
	[tilespmem:s7+$0x0] =	vst.add.f32.msk $0xffff, v5  }
0x3e7: {  	s23 =	sor.u32 $0x148E0, s22;
	[tilespmem:s10+$0x0] =	vst.add.f32.msk $0xffff, v13  }
0x3e8: {  	s11 =	sor.u32 $0x14D30, s22;
	[tilespmem:s23+$0x0] =	vst.add.f32.msk $0xffff, v9  }
0x3e9: {  	s10 =	sor.u32 $0x14870, s22;
	[tilespmem:s11+$0x0] =	vst.add.f32.msk $0xffff, v14  }
0x3ea: {  	s12 =	sor.u32 $0x14D40, s22;
	[tilespmem:s10+$0x0] =	vst.add.f32.msk $0xffff, v10  }
0x3eb: {  	s13 =	sor.u32 $0x14D50, s22;
	s4 =	simm.s32 $0x1;
	[tilespmem:s12+$0x0] =	vst.add.f32.msk $0xffff, v15  }
0x3ec: {  	s15 =	sor.u32 $0x14D60, s22;
	s4 =	simm.s32 @!p0 $0x0;
	[tilespmem:s13+$0x0] =	vst.add.f32.msk $0xffff, v16  }
0x3ed: {  	s4 =	sshll.u32 s4, $0x9;
	s13 =	sor.u32 $0x14C00, s22;
	[tilespmem:s15+$0x0] =	vst.add.f32.msk $0xffff, v17  }
0x3ee: {  	s16 =	sor.u32 $0x14D70, s22;
	s20 =	sadd.s32 s4, s1;
	[tilespmem:s13+$0x0] =	vst.add.f32.msk $0xffff, v11  }
0x3ef: {  	s8 =	sor.u32 $0x14C10, s22;
	s12 =	sadd.s32 $0x100, s20;
	[tilespmem:s16+$0x0] =	vst.add.f32.msk $0xffff, v18  }
0x3f0: {  	s18 =	sor.u32 $0x800, s12;
	[tilespmem:s8+$0x0] =	vst.add.f32.msk $0xffff, v12  }
0x3f1: {  	s9 =	sor.u32 $0x14C20, s22;
	[tilespmem:s18+$0x14800] =	vst.add.f32.msk $0xffff, v19  }
0x3f2: {  	s8 =	sor.u32 $0x149B0, s22;
	[tilespmem:s9+$0x0] =	vst.add.f32.msk $0xffff, v13  }
0x3f3: {  	s24 =	sor.u32 $0x810, s12;
	[tilespmem:s8+$0x0] =	vst.add.f32.msk $0xffff, v6  }
0x3f4: {  	s17 =	sor.u32 $0x14C30, s22;
	[tilespmem:s24+$0x14800] =	vst.add.f32.msk $0xffff, v20  }
0x3f5: {  	s13 =	sor.u32 $0x149C0, s22;
	[tilespmem:s17+$0x0] =	vst.add.f32.msk $0xffff, v14  }
0x3f6: {  	s6 =	sor.u32 $0x820, s12;
	[tilespmem:s13+$0x0] =	vst.add.f32.msk $0xffff, v7  }
0x3f7: {  	s17 =	sor.u32 $0x149D0, s22;
	[tilespmem:s6+$0x14800] =	vst.add.f32.msk $0xffff, v21  }
0x3f8: {  	s11 =	sor.u32 $0x14C40, s22;
	[tilespmem:s17+$0x0] =	vst.add.f32.msk $0xffff, v8  }
0x3f9: {  	s15 =	sor.u32 $0x830, s12;
	[tilespmem:s11+$0x0] =	vst.add.f32.msk $0xffff, v15  }
0x3fa: {  	s30 =	sor.u32 $0x14C50, s22;
	[tilespmem:s15+$0x14800] =	vst.add.f32.msk $0xffff, v22  }
0x3fb: {  	s9 =	sor.u32 $0x149E0, s22;
	[tilespmem:s30+$0x0] =	vst.add.f32.msk $0xffff, v16  }
0x3fc: {  	s11 =	sor.u32 $0x148F0, s22;
	[tilespmem:s9+$0x0] =	vst.add.f32.msk $0xffff, v9  }
0x3fd: {  	s16 =	sor.u32 $0x840, s12;
	[tilespmem:s11+$0x0] =	vst.add.f32.msk $0xffff, v10  }
0x3fe: {  	s15 =	sor.u32 $0x14C60, s22;
	[tilespmem:s16+$0x14800] =	vst.add.f32.msk $0xffff, v23  }
0x3ff: {  	s0 =	sor.u32 $0x14CF0, s22;
	s6 =	sor.u32 $0x149F0, s22;
	[tilespmem:s15+$0x0] =	vst.add.f32.msk $0xffff, v17  }
0x400: {  	[dreg:$0x6] =	wrdreg s0;
	s31 =	sadd.s32 $0x80, s20;
	s0 =	sor.u32 $0x850, s12;
	[tilespmem:s6+$0x0] =	vst.add.f32.msk $0xffff, v10  }
0x401: {  	s28 =	sor.u32 $0x14C70, s22;
	s25 =	sor.u32 $0x820, s31;
	s13 =	sor.u32 $0x14D80, s22;
	[tilespmem:s0+$0x14800] =	vst.add.f32.msk $0xffff, v24  }
0x402: {  	s4 =	sor.u32 $0x830, s31;
	s29 =	sor.u32 $0x860, s31;
	s26 =	sor.u32 $0xC00, s31;
	[tilespmem:s13+$0x0] =	vst.add.f32.msk $0xffff, v11  }
0x403: {  	s5 =	sor.u32 $0xC30, s31;
	s7 =	sor.u32 $0xC40, s31;
	s16 =	sor.u32 $0x860, s12;
	[tilespmem:s28+$0x0] =	vst.add.f32.msk $0xffff, v18  }
0x404: {  	s3 =	sor.u32 $0xC60, s31;
	[dreg:$0x12] =	wrdreg s25;
	s13 =	sor.u32 $0x14D90, s22;
	[tilespmem:s16+$0x14800] =	vst.add.f32.msk $0xffff, v25  }
0x405: {  	[dreg:$0x16] =	wrdreg s4;
	s25 =	sor.u32 $0x850, s31;
	s9 =	sor.u32 $0x800, s20;
	[tilespmem:s13+$0x0] =	vst.add.f32.msk $0xffff, v12  }
0x406: {  	s23 =	sor.u32 $0x870, s31;
	s4 =	sor.u32 $0xC50, s31;
	s8 =	sor.u32 $0x870, s12;
	[tilespmem:s9+$0x14800] =	vst.add.f32.msk $0xffff, v19  }
0x407: {  	s10 =	sor.u32 $0xC10, s31;
	s18 =	sor.u32 $0x800, s31;
	s16 =	sor.u32 $0x14C80, s22;
	[tilespmem:s8+$0x14800] =	vst.add.f32.msk $0xffff, v26  }
0x408: {  	[dreg:$0xa] =	wrdreg s18;
	s24 =	sor.u32 $0x810, s31;
	s6 =	sor.u32 $0x14DA0, s22;
	[tilespmem:s16+$0x0] =	vst.add.f32.msk $0xffff, v11  }
0x409: {  	s18 =	sor.u32 $0x840, s31;
	[dreg:$0xe] =	wrdreg s24;
	s30 =	sor.u32 $0x810, s20;
	[tilespmem:s6+$0x0] =	vst.add.f32.msk $0xffff, v13  }
0x40a: {  	s24 =	sor.u32 $0xC20, s31;
	s17 =	sor.u32 $0xC70, s31;
	s31 =	sor.u32 $0xC00, s12;
	[tilespmem:s30+$0x14800] =	vst.add.f32.msk $0xffff, v20  }
0x40b: {  	s13 =	sor.u32 $0x14DB0, s22;
	[tilespmem:s31+$0x14800] =	vst.add.f32.msk $0xffff, v27  }
0x40c: {  	s8 =	sor.u32 $0x820, s20;
	[tilespmem:s13+$0x0] =	vst.add.f32.msk $0xffff, v14  }
0x40d: {  	s0 =	sor.u32 $0xC10, s12;
	[tilespmem:s8+$0x14800] =	vst.add.f32.msk $0xffff, v21  }
0x40e: {  	s13 =	sor.u32 $0x14DC0, s22;
	[tilespmem:s0+$0x14800] =	vst.add.f32.msk $0xffff, v28  }
0x40f: {  	s2 =	sor.u32 $0x830, s20;
	[tilespmem:s13+$0x0] =	vst.add.f32.msk $0xffff, v15  }
0x410: {  	s0 =	sor.u32 $0xC20, s12;
	[tilespmem:s2+$0x14800] =	vst.add.f32.msk $0xffff, v22  }
0x411: {  	s13 =	sor.u32 $0x14DD0, s22;
	[tilespmem:s0+$0x14800] =	vst.add.f32.msk $0xffff, v29  }
0x412: {  	s31 =	sor.u32 $0x840, s20;
	[tilespmem:s13+$0x0] =	vst.add.f32.msk $0xffff, v16  }
0x413: {  	s0 =	sor.u32 $0xC30, s12;
	[tilespmem:s31+$0x14800] =	vst.add.f32.msk $0xffff, v23  }
0x414: {  	s13 =	sor.u32 $0x14DE0, s22;
	[tilespmem:s0+$0x14800] =	vst.add.f32.msk $0xffff, v30  }
0x415: {  	s21 =	sadd.s32 $0x180, s20;
	[tilespmem:s13+$0x0] =	vst.add.f32.msk $0xffff, v17;
	s13 =	sor.u32 $0x14DF0, s22  }
0x416: {  	s15 =	sor.u32 $0x800, s21;
	[tilespmem:s13+$0x0] =	vst.add.f32.msk $0xffff, v18  }
0x417: {  	s11 =	sor.u32 $0x810, s21;
	[tilespmem:s15+$0x14800] =	vst.add.f32.msk $0xffff, v19  }
0x418: {  	s16 =	sor.u32 $0x820, s21;
	[tilespmem:s11+$0x14800] =	vst.add.f32.msk $0xffff, v20  }
0x419: {  	s6 =	sor.u32 $0x830, s21;
	[tilespmem:s16+$0x14800] =	vst.add.f32.msk $0xffff, v21  }
0x41a: {  	s13 =	sor.u32 $0x840, s21;
	[tilespmem:s6+$0x14800] =	vst.add.f32.msk $0xffff, v22  }
0x41b: {  	s15 =	sor.u32 $0x850, s21;
	[tilespmem:s13+$0x14800] =	vst.add.f32.msk $0xffff, v23  }
0x41c: {  	s16 =	sor.u32 $0x860, s21;
	[tilespmem:s15+$0x14800] =	vst.add.f32.msk $0xffff, v24  }
0x41d: {  	s6 =	sor.u32 $0x870, s21;
	[tilespmem:s16+$0x14800] =	vst.add.f32.msk $0xffff, v25  }
0x41e: {  	s11 =	sor.u32 $0xC00, s21;
	[tilespmem:s6+$0x14800] =	vst.add.f32.msk $0xffff, v26  }
0x41f: {  	s13 =	sor.u32 $0xC10, s21;
	[tilespmem:s11+$0x14800] =	vst.add.f32.msk $0xffff, v27  }
0x420: {  	s15 =	sor.u32 $0xC20, s21;
	[tilespmem:s13+$0x14800] =	vst.add.f32.msk $0xffff, v28  }
0x421: {  	s16 =	sor.u32 $0xC30, s21;
	[tilespmem:s15+$0x14800] =	vst.add.f32.msk $0xffff, v29  }
0x422: {  	s15 =	sor.u32 $0xC40, s12;
	[tilespmem:s16+$0x14800] =	vst.add.f32.msk $0xffff, v30  }
0x423: {  	s6 =	sor.u32 $0xC40, s21;
	[tilespmem:s15+$0x14800] =	vst.add.f32.msk $0xffff, v31  }
0x424: {  	s16 =	sor.u32 $0xC50, s12;
	[tilespmem:s6+$0x14800] =	vst.add.f32.msk $0xffff, v31  }
0x425: {  	s11 =	sor.u32 $0xC50, s21;
	[tilespmem:s16+$0x14800] =	vst.add.f32.msk $0xffff, v32  }
0x426: {  	s6 =	sor.u32 $0xC60, s12;
	[tilespmem:s11+$0x14800] =	vst.add.f32.msk $0xffff, v32  }
0x427: {  	s13 =	sor.u32 $0xC60, s21;
	[tilespmem:s6+$0x14800] =	vst.add.f32.msk $0xffff, v34  }
0x428: {  	s11 =	sor.u32 $0x14C90, s22;
	[tilespmem:s13+$0x14800] =	vst.add.f32.msk $0xffff, v34  }
0x429: {  	s12 =	sor.u32 $0xC70, s12;
	[tilespmem:s11+$0x0] =	vst.add.f32.msk $0xffff, v12  }
0x42a: {  	[tilespmem:s12+$0x14800] =	vst.add.f32.msk $0xffff, v33;
	s13 =	sor.u32 $0x14CA0, s22  }
0x42b: {  	s15 =	sor.u32 $0x14CB0, s22;
	[tilespmem:s13+$0x0] =	vst.add.f32.msk $0xffff, v13  }
0x42c: {  	s16 =	sor.u32 $0x14CC0, s22;
	[tilespmem:s15+$0x0] =	vst.add.f32.msk $0xffff, v14  }
0x42d: {  	s28 =	sor.u32 $0x14CD0, s22;
	[tilespmem:s16+$0x0] =	vst.add.f32.msk $0xffff, v15  }
0x42e: {  	s6 =	sor.u32 $0x14CE0, s22;
	[tilespmem:s28+$0x0] =	vst.add.f32.msk $0xffff, v16  }
0x42f: {  	s11 =	rddreg [dreg:$0x6];
	[tilespmem:s6+$0x0] =	vst.add.f32.msk $0xffff, v17  }
0x430: {  	s12 =	rddreg [dreg:$0xa];
	[tilespmem:s11+$0x0] =	vst.add.f32.msk $0xffff, v18  }
0x431: {  	s13 =	rddreg [dreg:$0xe];
	[tilespmem:s12+$0x14800] =	vst.add.f32.msk $0xffff, v19  }
0x432: {  	s15 =	rddreg [dreg:$0x12];
	[tilespmem:s13+$0x14800] =	vst.add.f32.msk $0xffff, v20  }
0x433: {  	s16 =	rddreg [dreg:$0x16];
	[tilespmem:s15+$0x14800] =	vst.add.f32.msk $0xffff, v21  }
0x434: {  	[tilespmem:s16+$0x14800] =	vst.add.f32.msk $0xffff, v22  }
0x435: {  	[tilespmem:s18+$0x14800] =	vst.add.f32.msk $0xffff, v23  }
0x436: {  	s18 =	sor.u32 $0x850, s20;
	[tilespmem:s25+$0x14800] =	vst.add.f32.msk $0xffff, v24  }
0x437: {  	[tilespmem:s18+$0x14800] =	vst.add.f32.msk $0xffff, v24  }
0x438: {  	s22 =	sor.u32 $0x860, s20;
	[tilespmem:s29+$0x14800] =	vst.add.f32.msk $0xffff, v25  }
0x439: {  	[tilespmem:s22+$0x14800] =	vst.add.f32.msk $0xffff, v25  }
0x43a: {  	[tilespmem:s23+$0x14800] =	vst.add.f32.msk $0xffff, v26  }
0x43b: {  	s23 =	sor.u32 $0x870, s20;
	[tilespmem:s26+$0x14800] =	vst.add.f32.msk $0xffff, v27  }
0x43c: {  	[tilespmem:s23+$0x14800] =	vst.add.f32.msk $0xffff, v26  }
0x43d: {  	[tilespmem:s10+$0x14800] =	vst.add.f32.msk $0xffff, v28  }
0x43e: {  	[tilespmem:s24+$0x14800] =	vst.add.f32.msk $0xffff, v29  }
0x43f: {  	s24 =	sor.u32 $0xC00, s20;
	[tilespmem:s5+$0x14800] =	vst.add.f32.msk $0xffff, v30  }
0x440: {  	[tilespmem:s24+$0x14800] =	vst.add.f32.msk $0xffff, v27  }
0x441: {  	s25 =	sor.u32 $0xC10, s20;
	[tilespmem:s7+$0x14800] =	vst.add.f32.msk $0xffff, v31  }
0x442: {  	[tilespmem:s25+$0x14800] =	vst.add.f32.msk $0xffff, v28  }
0x443: {  	s14 =	sadd.s32 $0x4, s14;
	s26 =	sor.u32 $0xC20, s20;
	[tilespmem:s4+$0x14800] =	vst.add.f32.msk $0xffff, v32  }
0x444: {  	p1 =	slt.u32 s14, $0x1C;
	[tilespmem:s26+$0x14800] =	vst.add.f32.msk $0xffff, v29  }
.Ltmp8:
0x445: {  	s28 =	sor.u32 $0xC30, s20;
	[tilespmem:s3+$0x14800] =	vst.add.f32.msk $0xffff, v34;
	(pc) =	sbr.rel @p1 .LBB2_10-.Ltmp8, $4  }
0x446: {  	s29 =	sor.u32 $0xC40, s20;
	[tilespmem:s28+$0x14800] =	vst.add.f32.msk $0xffff, v30  }
0x447: {  	s30 =	sor.u32 $0xC50, s20;
	[tilespmem:s29+$0x14800] =	vst.add.f32.msk $0xffff, v31  }
0x448: {  	s19 =	sadd.s32 $0x200, s19;
	p0 =	por !p0, !p0;
	s31 =	sor.u32 $0xC60, s20;
	[tilespmem:s30+$0x14800] =	vst.add.f32.msk $0xffff, v32  }
0x449: {  	s1 =	sadd.s32 $0x800, s1;
	s2 =	sor.u32 $0xC70, s21;
	s3 =	sor.u32 $0xC70, s20;
	[tilespmem:s31+$0x14800] =	vst.add.f32.msk $0xffff, v34  }
0x44a: {  	[tilespmem:s3+$0x14800] =	vst.add.f32.msk $0xffff, v33  }
0x44b: {  	[tilespmem:s2+$0x14800] =	vst.add.f32.msk $0xffff, v33  }
0x44c: {  	s0 =	sld [smem:$0x7FC];
	_ =	sdelay $0x1  }
0x44d: {  	[tilespmem:s17+$0x14800] =	vst.add.f32.msk $0xffff, v33  }
0x44e: {  	s30 =	simm.s32 $0x0;
	s1 =	rddreg [dreg:$0x1b];
	s0 =	sshll.u32 s0, $0x10  }
0x44f: {  	s31 =	simm.s32 $0x14800;
	s5 =	rddreg [dreg:$0x1e];
	s0 =	sadd.s32 s0, s1  }
0x450: {  	[hbm4b:s0+s30] =	stream.linear.scatter [tilespmem:s31], [sflag:$0x7], $0x4000, $0x38;
	[tilespmem:$0x1C800] =	vst v63  }
.LBB2_12:
0x451: {  	s0 =	sld [smem:$0x7FB];
	_ =	sdelay $0x2  }
0x452: {  	s6 =	sor.u32 $0x3, s0  }
0x453: {  	p0 =	sgt.u32 s6, $0x4C  }
.Ltmp9:
0x454: {  	_ = 	snop;
	(pc) =	sbr.rel @p0 .LBB2_16-.Ltmp9, $1  }
0x455: {  	_ =	sdelay $0x3  }
0x456: {  	s0 =	simm.s32 $0x4  }
0x457: {  	_ =	swait.ge [sflag:s0], $0x4000  }
0x458: {  	p0 =	sgt.u32 s5, $0x11;
	[sflag:s0] =	ssyncset.done $0x0  }
0x459: {  	[sflag:s0] =	ssyncadd.s32 $0xFFFFC000;
	s0 =	simm.s32 @!p0 $0x6  }
0x45a: {  	_ =	swait.ge @!p0 [sflag:s0], $0x4000  }
0x45b: {  	[sflag:s0] =	ssyncset.done @!p0 $0x0;
	s5 =	rddreg [dreg:$0x1f]  }
0x45c: {  	[sflag:s0] =	ssyncadd.s32 @!p0 $0xFFFFC000;
	s0 =	sshrl.u32 @!p0 s5, $0x2  }
0x45d: {  	v3 =	vld @!p0 [tilespmem:s0+$0x280];
	_ =	sdelay $0x4  }
0x45e: {  	v4 =	vshll.u32 @!p0 v3, $0x2  }
0x45f: {  	v5 =	vlaneseq.u32 @!p0;
	v3 =	vand.u32 @!p0 $0x7, v3;
	v4 =	vand.u32 @!p0 $0xFFFFFFE0, v4  }
0x460: {  	v6 =	vshrl.u32 @!p0 v5, $0x3;
	v3 =	vor.u32 @!p0 v3, v4;
	v4 =	vand.u32 @!p0 $0x7, v5  }
0x461: {  	v6 =	vmul.u32 @!p0 $0x8, v6;
	v7 =	vperm.xlane @!p0 v3, v4;
	_ =	sdelay $0x1  }
0x462: {  	v7 =	vadd.s32 @!p0 v6, v7  }
0x463: {  	v5 =	vor.u32 @!p0 $0x8, v5  }
0x464: {  	v3 =	vperm.xlane @!p0 v3, v5;
	_ =	sdelay $0x1  }
0x465: {  	vm1 =	vmmov @!p0 $0xffff;
	s1 =	simm.s32 @!p0 $0x0;
	s2 =	simm.s32 @!p0 $0x10800;
	s3 =	rddreg [dreg:$0x1];
	v3 =	vadd.s32 @!p0 v6, v3  }
0x466: {  	[tilespmem:s2], [sflag:$0x2] =	stream.indirect_vreg.gather @!p0 [hbm4b:s3+s1], $0x80, v7, vm1, $0xb8;
	[tilespmem:$0x1C800] =	vst v63  }
0x467: {  	s4 =	rddreg [dreg:$0x1a];
	s2 =	simm.s32 @!p0 $0x11000  }
0x468: {  	[tilespmem:s2], [sflag:$0x2] =	stream.indirect_vreg.gather @!p0 [hbm4b:s4+s1], $0x80, v7, vm1, $0xb8;
	[tilespmem:$0x1C800] =	vst v63  }
0x469: {  	s2 =	simm.s32 @!p0 $0x11800  }
0x46a: {  	[tilespmem:s2], [sflag:$0x2] =	stream.indirect_vreg.gather @!p0 [hbm4b:s3+s1], $0x80, v3, vm1, $0xb8;
	[tilespmem:$0x1C800] =	vst v63  }
0x46b: {  	s2 =	simm.s32 @!p0 $0x12000  }
0x46c: {  	[tilespmem:s2], [sflag:$0x2] =	stream.indirect_vreg.gather @!p0 [hbm4b:s4+s1], $0x80, v3, vm1, $0xb8;
	[tilespmem:$0x1C800] =	vst v63  }
0x46d: {  	v3 =	vld @!p0 [tilespmem:s0+$0x290];
	_ =	sdelay $0x4  }
0x46e: {  	v7 =	vshll.u32 @!p0 v3, $0x2  }
0x46f: {  	v3 =	vand.u32 @!p0 $0x7, v3;
	v7 =	vand.u32 @!p0 $0xFFFFFFE0, v7  }
0x470: {  	v3 =	vor.u32 @!p0 v3, v7  }
0x471: {  	v4 =	vperm.xlane @!p0 v3, v4;
	_ =	sdelay $0x1  }
0x472: {  	v4 =	vadd.s32 @!p0 v6, v4;
	_ =	sdelay $0x1  }
0x473: {  	v3 =	vperm.xlane @!p0 v3, v5;
	_ =	sdelay $0x1  }
0x474: {  	s0 =	simm.s32 @!p0 $0x12800;
	v3 =	vadd.s32 @!p0 v6, v3  }
0x475: {  	[tilespmem:s0], [sflag:$0x2] =	stream.indirect_vreg.gather @!p0 [hbm4b:s3+s1], $0x80, v4, vm1, $0xb8;
	[tilespmem:$0x1C800] =	vst v63  }
0x476: {  	s0 =	simm.s32 @!p0 $0x13000  }
0x477: {  	[tilespmem:s0], [sflag:$0x2] =	stream.indirect_vreg.gather @!p0 [hbm4b:s4+s1], $0x80, v4, vm1, $0xb8;
	[tilespmem:$0x1C800] =	vst v63  }
0x478: {  	s0 =	simm.s32 @!p0 $0x13800  }
0x479: {  	[tilespmem:s0], [sflag:$0x2] =	stream.indirect_vreg.gather @!p0 [hbm4b:s3+s1], $0x80, v3, vm1, $0xb8;
	[tilespmem:$0x1C800] =	vst v63  }
0x47a: {  	s24 =	sshll.u32 s6, $0x7;
	s25 =	sld [smem:$0x7FD];
	s0 =	simm.s32 @!p0 $0x14000  }
0x47b: {  	[tilespmem:s0], [sflag:$0x2] =	stream.indirect_vreg.gather @!p0 [hbm4b:s4+s1], $0x80, v3, vm1, $0xb8;
	[tilespmem:$0x1C800] =	vst v63  }
0x47c: {  	s0 =	sand.u32 $0x380, s24  }
0x47d: {  	s1 =	sadd.s32 s0, s25  }
0x47e: {  	v3 =	vld [tilespmem:s1+$0x0]  }
0x47f: {  	v4 =	vld [tilespmem:s1+$0x10]  }
0x480: {  	v5 =	vld [tilespmem:s1+$0x20]  }
0x481: {  	v6 =	vld [tilespmem:s1+$0x30]  }
0x482: {  	v7 =	vld [tilespmem:s1+$0x40]  }
0x483: {  	v8 =	vld [tilespmem:s1+$0x50]  }
0x484: {  	v9 =	vld [tilespmem:s1+$0x60]  }
0x485: {  	v10 =	vld [tilespmem:s1+$0x70]  }
0x486: {  	v11 =	vld [tilespmem:s1+$0x400]  }
0x487: {  	v12 =	vld [tilespmem:s1+$0x410]  }
0x488: {  	v13 =	vld [tilespmem:s1+$0x420]  }
0x489: {  	v14 =	vld [tilespmem:s1+$0x430]  }
0x48a: {  	v15 =	vld [tilespmem:s1+$0x440]  }
0x48b: {  	v16 =	vld [tilespmem:s1+$0x450]  }
0x48c: {  	s0 =	sor.u32 s5, s0;
	v17 =	vld [tilespmem:s1+$0x460]  }
0x48d: {  	v18 =	vld [tilespmem:s1+$0x470];
	s26 =	sor.u32 $0x800, s0  }
0x48e: {  	s28 =	sor.u32 $0x810, s0;
	v19 =	vld [tilespmem:s26+$0x2800]  }
0x48f: {  	s29 =	sor.u32 $0x820, s0;
	v20 =	vld [tilespmem:s28+$0x2800]  }
0x490: {  	s30 =	sor.u32 $0x830, s0;
	v21 =	vld [tilespmem:s29+$0x2800]  }
0x491: {  	s31 =	sor.u32 $0x840, s0;
	v22 =	vld [tilespmem:s30+$0x2800]  }
0x492: {  	s2 =	sor.u32 $0x850, s0;
	v23 =	vld [tilespmem:s31+$0x2800]  }
0x493: {  	s3 =	sor.u32 $0x860, s0;
	v24 =	vld [tilespmem:s2+$0x2800]  }
0x494: {  	s4 =	sor.u32 $0x870, s0;
	v25 =	vld [tilespmem:s3+$0x2800]  }
0x495: {  	s5 =	sor.u32 $0xC00, s0;
	v26 =	vld [tilespmem:s4+$0x2800]  }
0x496: {  	[smem:$0x7F9] =	sst s6;
	s6 =	sor.u32 $0xC10, s0;
	v27 =	vld [tilespmem:s5+$0x2800]  }
0x497: {  	s7 =	sor.u32 $0xC20, s0;
	v28 =	vld [tilespmem:s6+$0x2800]  }
0x498: {  	s8 =	sor.u32 $0xC30, s0;
	v29 =	vld [tilespmem:s7+$0x2800]  }
0x499: {  	s9 =	sor.u32 $0xC40, s0;
	v30 =	vld [tilespmem:s8+$0x2800]  }
0x49a: {  	s11 =	simm.s32 $0x0;
	s10 =	sor.u32 $0xC50, s0;
	v31 =	vld [tilespmem:s9+$0x2800]  }
0x49b: {  	s13 =	sand.u32 $0x3000, s11;
	s12 =	sor.u32 $0xC60, s0;
	v32 =	vld [tilespmem:s10+$0x2800];
	s2 =	sand.u32 $0x200, s11  }
0x49c: {  	s14 =	sor.u32 $0xC70, s0;
	v34 =	vld [tilespmem:s12+$0x2800];
	s0 =	sor.u32 s2, s13  }
0x49d: {  	v33 =	vld [tilespmem:s14+$0x2800];
	s15 =	sor.u32 $0x18800, s0  }
0x49e: {  	s2 =	sor.u32 $0x18900, s0;
	[tilespmem:s15+$0x0] =	vst.add.f32.msk $0xffff, v3  }
0x49f: {  	s16 =	sor.u32 $0x18880, s0;
	[tilespmem:s2+$0x0] =	vst.add.f32.msk $0xffff, v3  }
0x4a0: {  	s17 =	sor.u32 $0x18910, s0;
	[tilespmem:s16+$0x0] =	vst.add.f32.msk $0xffff, v3  }
0x4a1: {  	s23 =	sor.u32 $0x18890, s0;
	[tilespmem:s17+$0x0] =	vst.add.f32.msk $0xffff, v4  }
0x4a2: {  	s4 =	sor.u32 $0x18810, s0;
	[tilespmem:s23+$0x0] =	vst.add.f32.msk $0xffff, v4  }
0x4a3: {  	s18 =	sor.u32 $0x18920, s0;
	[tilespmem:s4+$0x0] =	vst.add.f32.msk $0xffff, v4  }
0x4a4: {  	s5 =	sor.u32 $0x188A0, s0;
	[tilespmem:s18+$0x0] =	vst.add.f32.msk $0xffff, v5  }
0x4a5: {  	s7 =	sor.u32 $0x18820, s0;
	[tilespmem:s5+$0x0] =	vst.add.f32.msk $0xffff, v5  }
0x4a6: {  	s19 =	sor.u32 $0x18930, s0;
	[tilespmem:s7+$0x0] =	vst.add.f32.msk $0xffff, v5  }
0x4a7: {  	s10 =	sor.u32 $0x18830, s0;
	[tilespmem:s19+$0x0] =	vst.add.f32.msk $0xffff, v6  }
0x4a8: {  	s20 =	sor.u32 $0x18940, s0;
	[tilespmem:s10+$0x0] =	vst.add.f32.msk $0xffff, v6  }
0x4a9: {  	s16 =	sor.u32 $0x18840, s0;
	[tilespmem:s20+$0x0] =	vst.add.f32.msk $0xffff, v7  }
0x4aa: {  	s21 =	sor.u32 $0x18950, s0;
	[tilespmem:s16+$0x0] =	vst.add.f32.msk $0xffff, v7  }
0x4ab: {  	s17 =	sor.u32 $0x18850, s0;
	[tilespmem:s21+$0x0] =	vst.add.f32.msk $0xffff, v8  }
0x4ac: {  	s22 =	sor.u32 $0x18960, s0;
	[tilespmem:s17+$0x0] =	vst.add.f32.msk $0xffff, v8  }
0x4ad: {  	s18 =	sor.u32 $0x18860, s0;
	[tilespmem:s22+$0x0] =	vst.add.f32.msk $0xffff, v9  }
0x4ae: {  	s24 =	sor.u32 $0x18970, s0;
	[tilespmem:s18+$0x0] =	vst.add.f32.msk $0xffff, v9  }
0x4af: {  	s19 =	sor.u32 $0x18870, s0;
	[tilespmem:s24+$0x0] =	vst.add.f32.msk $0xffff, v10  }
0x4b0: {  	s25 =	sor.u32 $0x18D00, s0;
	[tilespmem:s19+$0x0] =	vst.add.f32.msk $0xffff, v10  }
0x4b1: {  	s20 =	sor.u32 $0x18C00, s0;
	[tilespmem:s25+$0x0] =	vst.add.f32.msk $0xffff, v11  }
0x4b2: {  	s26 =	sor.u32 $0x18D10, s0;
	[tilespmem:s20+$0x0] =	vst.add.f32.msk $0xffff, v11  }
0x4b3: {  	s21 =	sor.u32 $0x18C10, s0;
	[tilespmem:s26+$0x0] =	vst.add.f32.msk $0xffff, v12  }
0x4b4: {  	s25 =	sor.u32 $0x18980, s0;
	[tilespmem:s21+$0x0] =	vst.add.f32.msk $0xffff, v12  }
0x4b5: {  	s28 =	sor.u32 $0x18D20, s0;
	[tilespmem:s25+$0x0] =	vst.add.f32.msk $0xffff, v3  }
0x4b6: {  	s23 =	sor.u32 $0x18C20, s0;
	[tilespmem:s28+$0x0] =	vst.add.f32.msk $0xffff, v13  }
0x4b7: {  	s26 =	sor.u32 $0x18990, s0;
	[tilespmem:s23+$0x0] =	vst.add.f32.msk $0xffff, v13  }
0x4b8: {  	s29 =	sor.u32 $0x18D30, s0;
	[tilespmem:s26+$0x0] =	vst.add.f32.msk $0xffff, v4  }
0x4b9: {  	s24 =	sor.u32 $0x18C30, s0;
	[tilespmem:s29+$0x0] =	vst.add.f32.msk $0xffff, v14  }
0x4ba: {  	s28 =	sor.u32 $0x189A0, s0;
	[tilespmem:s24+$0x0] =	vst.add.f32.msk $0xffff, v14  }
0x4bb: {  	s30 =	sor.u32 $0x18D40, s0;
	[tilespmem:s28+$0x0] =	vst.add.f32.msk $0xffff, v5  }
0x4bc: {  	s29 =	sor.u32 $0x189B0, s0;
	[tilespmem:s30+$0x0] =	vst.add.f32.msk $0xffff, v15  }
0x4bd: {  	s31 =	sor.u32 $0x18D50, s0;
	[tilespmem:s29+$0x0] =	vst.add.f32.msk $0xffff, v6  }
0x4be: {  	s30 =	sor.u32 $0x189C0, s0;
	[tilespmem:s31+$0x0] =	vst.add.f32.msk $0xffff, v16  }
0x4bf: {  	p0 =	por $0x0, $0x0;
	s1 =	simm.s32 $0x1;
	s3 =	sor.u32 $0x18D60, s0;
	[tilespmem:s30+$0x0] =	vst.add.f32.msk $0xffff, v7  }
0x4c0: {  	s1 =	simm.s32 @!p0 $0x0;
	s31 =	sor.u32 $0x189D0, s0;
	[tilespmem:s3+$0x0] =	vst.add.f32.msk $0xffff, v17  }
0x4c1: {  	s1 =	sshll.u32 s1, $0x9;
	s6 =	sor.u32 $0x18D70, s0;
	[tilespmem:s31+$0x0] =	vst.add.f32.msk $0xffff, v8  }
0x4c2: {  	s4 =	sadd.s32 $0x0, s1;
	s3 =	sor.u32 $0x188B0, s0;
	[tilespmem:s6+$0x0] =	vst.add.f32.msk $0xffff, v18  }
0x4c3: {  	s8 =	sor.u32 $0x188C0, s0;
	s1 =	sadd.s32 $0x100, s4;
	[tilespmem:s3+$0x0] =	vst.add.f32.msk $0xffff, v6  }
0x4c4: {  	s11 =	sor.u32 $0x800, s1;
	[tilespmem:s8+$0x0] =	vst.add.f32.msk $0xffff, v7  }
0x4c5: {  	s6 =	sor.u32 $0x18C40, s0;
	[tilespmem:s11+$0x18800] =	vst.add.f32.msk $0xffff, v19  }
0x4c6: {  	s9 =	sor.u32 $0x188D0, s0;
	[tilespmem:s6+$0x0] =	vst.add.f32.msk $0xffff, v15  }
0x4c7: {  	s12 =	sor.u32 $0x810, s1;
	[tilespmem:s9+$0x0] =	vst.add.f32.msk $0xffff, v8  }
0x4c8: {  	s7 =	sor.u32 $0x18C50, s0;
	[tilespmem:s12+$0x18800] =	vst.add.f32.msk $0xffff, v20  }
0x4c9: {  	s11 =	sor.u32 $0x189E0, s0;
	[tilespmem:s7+$0x0] =	vst.add.f32.msk $0xffff, v16  }
0x4ca: {  	s13 =	sor.u32 $0x820, s1;
	[tilespmem:s11+$0x0] =	vst.add.f32.msk $0xffff, v9  }
0x4cb: {  	s22 =	sor.u32 $0x188E0, s0;
	[tilespmem:s13+$0x18800] =	vst.add.f32.msk $0xffff, v21  }
0x4cc: {  	s8 =	sor.u32 $0x18C60, s0;
	[tilespmem:s22+$0x0] =	vst.add.f32.msk $0xffff, v9  }
0x4cd: {  	s18 =	sor.u32 $0x189F0, s0;
	[tilespmem:s8+$0x0] =	vst.add.f32.msk $0xffff, v17  }
0x4ce: {  	s14 =	sor.u32 $0x830, s1;
	[tilespmem:s18+$0x0] =	vst.add.f32.msk $0xffff, v10  }
0x4cf: {  	s12 =	sor.u32 $0x188F0, s0;
	[tilespmem:s14+$0x18800] =	vst.add.f32.msk $0xffff, v22  }
0x4d0: {  	s19 =	sor.u32 $0x18D80, s0;
	[tilespmem:s12+$0x0] =	vst.add.f32.msk $0xffff, v10  }
0x4d1: {  	s15 =	sor.u32 $0x840, s1;
	[tilespmem:s19+$0x0] =	vst.add.f32.msk $0xffff, v11  }
0x4d2: {  	s13 =	sor.u32 $0x18C80, s0;
	[tilespmem:s15+$0x18800] =	vst.add.f32.msk $0xffff, v23  }
0x4d3: {  	s20 =	sor.u32 $0x18D90, s0;
	[tilespmem:s13+$0x0] =	vst.add.f32.msk $0xffff, v11  }
0x4d4: {  	s5 =	sor.u32 $0x850, s1;
	[tilespmem:s20+$0x0] =	vst.add.f32.msk $0xffff, v12  }
0x4d5: {  	s21 =	sor.u32 $0x18DA0, s0;
	[tilespmem:s5+$0x18800] =	vst.add.f32.msk $0xffff, v24  }
0x4d6: {  	s20 =	sor.u32 $0x18C90, s0;
	[tilespmem:s21+$0x0] =	vst.add.f32.msk $0xffff, v13  }
0x4d7: {  	s9 =	sor.u32 $0x860, s1;
	[tilespmem:s20+$0x0] =	vst.add.f32.msk $0xffff, v12  }
0x4d8: {  	s22 =	sor.u32 $0x18DB0, s0;
	[tilespmem:s9+$0x18800] =	vst.add.f32.msk $0xffff, v25  }
0x4d9: {  	s21 =	sor.u32 $0x18C70, s0;
	[tilespmem:s22+$0x0] =	vst.add.f32.msk $0xffff, v14  }
0x4da: {  	s10 =	sor.u32 $0x870, s1;
	[tilespmem:s21+$0x0] =	vst.add.f32.msk $0xffff, v18  }
0x4db: {  	s23 =	sor.u32 $0x18DC0, s0;
	[tilespmem:s10+$0x18800] =	vst.add.f32.msk $0xffff, v26  }
0x4dc: {  	s22 =	sor.u32 $0x18CA0, s0;
	[tilespmem:s23+$0x0] =	vst.add.f32.msk $0xffff, v15  }
0x4dd: {  	s14 =	sor.u32 $0xC00, s1;
	[tilespmem:s22+$0x0] =	vst.add.f32.msk $0xffff, v13  }
0x4de: {  	s24 =	sor.u32 $0x18DD0, s0;
	[tilespmem:s14+$0x18800] =	vst.add.f32.msk $0xffff, v27  }
0x4df: {  	s23 =	sor.u32 $0x18CB0, s0;
	[tilespmem:s24+$0x0] =	vst.add.f32.msk $0xffff, v16  }
0x4e0: {  	s15 =	sor.u32 $0xC10, s1;
	[tilespmem:s23+$0x0] =	vst.add.f32.msk $0xffff, v14  }
0x4e1: {  	s25 =	sor.u32 $0x18DE0, s0;
	[tilespmem:s15+$0x18800] =	vst.add.f32.msk $0xffff, v28  }
0x4e2: {  	s24 =	sor.u32 $0x18CC0, s0;
	[tilespmem:s25+$0x0] =	vst.add.f32.msk $0xffff, v17  }
0x4e3: {  	s16 =	sor.u32 $0xC20, s1;
	[tilespmem:s24+$0x0] =	vst.add.f32.msk $0xffff, v15  }
0x4e4: {  	s26 =	sor.u32 $0x18DF0, s0;
	[tilespmem:s16+$0x18800] =	vst.add.f32.msk $0xffff, v29  }
0x4e5: {  	s25 =	sor.u32 $0x18CD0, s0;
	[tilespmem:s26+$0x0] =	vst.add.f32.msk $0xffff, v18  }
0x4e6: {  	s2 =	sadd.s32 $0x180, s4;
	s17 =	sor.u32 $0xC30, s1;
	[tilespmem:s25+$0x0] =	vst.add.f32.msk $0xffff, v16  }
0x4e7: {  	s28 =	sor.u32 $0x800, s2;
	[tilespmem:s17+$0x18800] =	vst.add.f32.msk $0xffff, v30  }
0x4e8: {  	s26 =	sor.u32 $0x18CE0, s0;
	[tilespmem:s28+$0x18800] =	vst.add.f32.msk $0xffff, v19  }
0x4e9: {  	s29 =	sor.u32 $0x810, s2;
	[tilespmem:s26+$0x0] =	vst.add.f32.msk $0xffff, v17  }
0x4ea: {  	s17 =	sor.u32 $0xC40, s1;
	[tilespmem:s29+$0x18800] =	vst.add.f32.msk $0xffff, v20  }
0x4eb: {  	s0 =	sor.u32 $0x18CF0, s0;
	[tilespmem:s17+$0x18800] =	vst.add.f32.msk $0xffff, v31  }
0x4ec: {  	s30 =	sor.u32 $0x820, s2;
	[tilespmem:s0+$0x0] =	vst.add.f32.msk $0xffff, v18  }
0x4ed: {  	s3 =	sadd.s32 $0x80, s4;
	s18 =	sor.u32 $0xC50, s1;
	[tilespmem:s30+$0x18800] =	vst.add.f32.msk $0xffff, v21  }
0x4ee: {  	s28 =	sor.u32 $0x800, s3;
	[tilespmem:s18+$0x18800] =	vst.add.f32.msk $0xffff, v32  }
0x4ef: {  	s31 =	sor.u32 $0x830, s2;
	[tilespmem:s28+$0x18800] =	vst.add.f32.msk $0xffff, v19  }
0x4f0: {  	s19 =	sor.u32 $0xC60, s1;
	[tilespmem:s31+$0x18800] =	vst.add.f32.msk $0xffff, v22  }
0x4f1: {  	s29 =	sor.u32 $0x810, s3;
	[tilespmem:s19+$0x18800] =	vst.add.f32.msk $0xffff, v34  }
0x4f2: {  	s6 =	sor.u32 $0x840, s2;
	[tilespmem:s29+$0x18800] =	vst.add.f32.msk $0xffff, v20  }
0x4f3: {  	s1 =	sor.u32 $0xC70, s1;
	[tilespmem:s6+$0x18800] =	vst.add.f32.msk $0xffff, v23  }
0x4f4: {  	s30 =	sor.u32 $0x820, s3;
	[tilespmem:s1+$0x18800] =	vst.add.f32.msk $0xffff, v33  }
0x4f5: {  	s7 =	sor.u32 $0x850, s2;
	[tilespmem:s30+$0x18800] =	vst.add.f32.msk $0xffff, v21  }
0x4f6: {  	s31 =	sor.u32 $0x830, s3;
	[tilespmem:s7+$0x18800] =	vst.add.f32.msk $0xffff, v24  }
0x4f7: {  	s8 =	sor.u32 $0x860, s2;
	[tilespmem:s31+$0x18800] =	vst.add.f32.msk $0xffff, v22  }
0x4f8: {  	s5 =	sor.u32 $0x840, s3;
	[tilespmem:s8+$0x18800] =	vst.add.f32.msk $0xffff, v25  }
0x4f9: {  	s9 =	sor.u32 $0x870, s2;
	[tilespmem:s5+$0x18800] =	vst.add.f32.msk $0xffff, v23  }
0x4fa: {  	s6 =	sor.u32 $0x850, s3;
	[tilespmem:s9+$0x18800] =	vst.add.f32.msk $0xffff, v26  }
0x4fb: {  	s10 =	sor.u32 $0xC00, s2;
	[tilespmem:s6+$0x18800] =	vst.add.f32.msk $0xffff, v24  }
0x4fc: {  	s7 =	sor.u32 $0x860, s3;
	[tilespmem:s10+$0x18800] =	vst.add.f32.msk $0xffff, v27  }
0x4fd: {  	s11 =	sor.u32 $0xC10, s2;
	[tilespmem:s7+$0x18800] =	vst.add.f32.msk $0xffff, v25  }
0x4fe: {  	s8 =	sor.u32 $0x870, s3;
	[tilespmem:s11+$0x18800] =	vst.add.f32.msk $0xffff, v28  }
0x4ff: {  	s12 =	sor.u32 $0xC20, s2;
	[tilespmem:s8+$0x18800] =	vst.add.f32.msk $0xffff, v26  }
0x500: {  	s9 =	sor.u32 $0xC00, s3;
	[tilespmem:s12+$0x18800] =	vst.add.f32.msk $0xffff, v29  }
0x501: {  	s13 =	sor.u32 $0xC30, s2;
	[tilespmem:s9+$0x18800] =	vst.add.f32.msk $0xffff, v27  }
0x502: {  	s10 =	sor.u32 $0xC10, s3;
	[tilespmem:s13+$0x18800] =	vst.add.f32.msk $0xffff, v30  }
0x503: {  	s14 =	sor.u32 $0xC40, s2;
	[tilespmem:s10+$0x18800] =	vst.add.f32.msk $0xffff, v28  }
0x504: {  	s11 =	sor.u32 $0xC20, s3;
	[tilespmem:s14+$0x18800] =	vst.add.f32.msk $0xffff, v31  }
0x505: {  	s15 =	sor.u32 $0xC50, s2;
	[tilespmem:s11+$0x18800] =	vst.add.f32.msk $0xffff, v29  }
0x506: {  	s12 =	sor.u32 $0xC30, s3;
	[tilespmem:s15+$0x18800] =	vst.add.f32.msk $0xffff, v32  }
0x507: {  	s16 =	sor.u32 $0xC60, s2;
	[tilespmem:s12+$0x18800] =	vst.add.f32.msk $0xffff, v30  }
0x508: {  	s13 =	sor.u32 $0xC40, s3;
	[tilespmem:s16+$0x18800] =	vst.add.f32.msk $0xffff, v34  }
0x509: {  	s14 =	sor.u32 $0xC50, s3;
	[tilespmem:s13+$0x18800] =	vst.add.f32.msk $0xffff, v31  }
0x50a: {  	s16 =	sor.u32 $0x800, s4;
	[tilespmem:s14+$0x18800] =	vst.add.f32.msk $0xffff, v32  }
0x50b: {  	s15 =	sor.u32 $0xC60, s3;
	[tilespmem:s16+$0x18800] =	vst.add.f32.msk $0xffff, v19  }
0x50c: {  	s17 =	sor.u32 $0x810, s4;
	[tilespmem:s15+$0x18800] =	vst.add.f32.msk $0xffff, v34  }
0x50d: {  	s18 =	sor.u32 $0x820, s4;
	[tilespmem:s17+$0x18800] =	vst.add.f32.msk $0xffff, v20  }
0x50e: {  	s19 =	sor.u32 $0x830, s4;
	[tilespmem:s18+$0x18800] =	vst.add.f32.msk $0xffff, v21  }
0x50f: {  	s20 =	sor.u32 $0x840, s4;
	[tilespmem:s19+$0x18800] =	vst.add.f32.msk $0xffff, v22  }
0x510: {  	s21 =	sor.u32 $0x850, s4;
	[tilespmem:s20+$0x18800] =	vst.add.f32.msk $0xffff, v23  }
0x511: {  	s22 =	sor.u32 $0x860, s4;
	[tilespmem:s21+$0x18800] =	vst.add.f32.msk $0xffff, v24  }
0x512: {  	s23 =	sor.u32 $0x870, s4;
	[tilespmem:s22+$0x18800] =	vst.add.f32.msk $0xffff, v25  }
0x513: {  	s24 =	sor.u32 $0xC00, s4;
	[tilespmem:s23+$0x18800] =	vst.add.f32.msk $0xffff, v26  }
0x514: {  	s25 =	sor.u32 $0xC10, s4;
	[tilespmem:s24+$0x18800] =	vst.add.f32.msk $0xffff, v27  }
0x515: {  	s26 =	sor.u32 $0xC20, s4;
	[tilespmem:s25+$0x18800] =	vst.add.f32.msk $0xffff, v28  }
0x516: {  	s28 =	sor.u32 $0xC30, s4;
	[tilespmem:s26+$0x18800] =	vst.add.f32.msk $0xffff, v29  }
0x517: {  	s29 =	sor.u32 $0xC40, s4;
	[tilespmem:s28+$0x18800] =	vst.add.f32.msk $0xffff, v30  }
0x518: {  	p0 =	por !p0, !p0;
	s2 =	sor.u32 $0xC70, s2;
	s30 =	sor.u32 $0xC50, s4;
	[tilespmem:s29+$0x18800] =	vst.add.f32.msk $0xffff, v31  }
0x519: {  	s1 =	simm.s32 $0x800;
	s31 =	sor.u32 $0xC60, s4;
	s14 =	simm.s32 $0x0;
	[tilespmem:s30+$0x18800] =	vst.add.f32.msk $0xffff, v32  }
0x51a: {  	s17 =	sor.u32 $0xC70, s3;
	s3 =	sor.u32 $0xC70, s4;
	s4 =	simm.s32 $0x200;
	[tilespmem:s31+$0x18800] =	vst.add.f32.msk $0xffff, v34  }
.LBB2_14:
0x51b: {  	s5 =	sand.u32 $0x3000, s1;
	s6 =	sand.u32 $0x200, s4;
	[tilespmem:s3+$0x18800] =	vst.add.f32.msk $0xffff, v33  }
0x51c: {  	[tilespmem:s2+$0x18800] =	vst.add.f32.msk $0xffff, v33;
	s20 =	sor.u32 s6, s5  }
0x51d: {  	[tilespmem:s17+$0x18800] =	vst.add.f32.msk $0xffff, v33;
	s30 =	sor.u32 $0x18800, s20  }
0x51e: {  	s31 =	sor.u32 $0x18900, s20;
	[tilespmem:s30+$0x0] =	vst.add.f32.msk $0xffff, v3  }
0x51f: {  	s0 =	sor.u32 $0x18880, s20;
	[tilespmem:s31+$0x0] =	vst.add.f32.msk $0xffff, v3  }
0x520: {  	s5 =	sor.u32 $0x18910, s20;
	[tilespmem:s0+$0x0] =	vst.add.f32.msk $0xffff, v3  }
0x521: {  	s6 =	sor.u32 $0x18890, s20;
	[tilespmem:s5+$0x0] =	vst.add.f32.msk $0xffff, v4  }
0x522: {  	s23 =	sor.u32 $0x18810, s20;
	[tilespmem:s6+$0x0] =	vst.add.f32.msk $0xffff, v4  }
0x523: {  	s7 =	sor.u32 $0x18920, s20;
	[tilespmem:s23+$0x0] =	vst.add.f32.msk $0xffff, v4  }
0x524: {  	s25 =	sor.u32 $0x188A0, s20;
	[tilespmem:s7+$0x0] =	vst.add.f32.msk $0xffff, v5  }
0x525: {  	s29 =	sor.u32 $0x18820, s20;
	[tilespmem:s25+$0x0] =	vst.add.f32.msk $0xffff, v5  }
0x526: {  	s8 =	sor.u32 $0x18930, s20;
	[tilespmem:s29+$0x0] =	vst.add.f32.msk $0xffff, v5  }
0x527: {  	s28 =	sor.u32 $0x188B0, s20;
	[tilespmem:s8+$0x0] =	vst.add.f32.msk $0xffff, v6  }
0x528: {  	s31 =	sor.u32 $0x18830, s20;
	[tilespmem:s28+$0x0] =	vst.add.f32.msk $0xffff, v6  }
0x529: {  	s9 =	sor.u32 $0x18940, s20;
	[tilespmem:s31+$0x0] =	vst.add.f32.msk $0xffff, v6  }
0x52a: {  	s0 =	sor.u32 $0x18840, s20;
	[tilespmem:s9+$0x0] =	vst.add.f32.msk $0xffff, v7  }
0x52b: {  	s31 =	sor.u32 $0x18980, s20;
	[tilespmem:s0+$0x0] =	vst.add.f32.msk $0xffff, v7  }
0x52c: {  	s10 =	sor.u32 $0x18950, s20;
	[tilespmem:s31+$0x0] =	vst.add.f32.msk $0xffff, v3  }
0x52d: {  	s9 =	sor.u32 $0x188C0, s20;
	[tilespmem:s10+$0x0] =	vst.add.f32.msk $0xffff, v8  }
0x52e: {  	s11 =	sor.u32 $0x18960, s20;
	[tilespmem:s9+$0x0] =	vst.add.f32.msk $0xffff, v7  }
0x52f: {  	s30 =	sor.u32 $0x188D0, s20;
	[tilespmem:s11+$0x0] =	vst.add.f32.msk $0xffff, v9  }
0x530: {  	s12 =	sor.u32 $0x18970, s20;
	[tilespmem:s30+$0x0] =	vst.add.f32.msk $0xffff, v8  }
0x531: {  	s13 =	sor.u32 $0x18D00, s20;
	[tilespmem:s12+$0x0] =	vst.add.f32.msk $0xffff, v10  }
0x532: {  	s15 =	sor.u32 $0x18D10, s20;
	[tilespmem:s13+$0x0] =	vst.add.f32.msk $0xffff, v11  }
0x533: {  	s13 =	sor.u32 $0x18850, s20;
	[tilespmem:s15+$0x0] =	vst.add.f32.msk $0xffff, v12  }
0x534: {  	s16 =	sor.u32 $0x18D20, s20;
	[tilespmem:s13+$0x0] =	vst.add.f32.msk $0xffff, v8  }
0x535: {  	s15 =	sor.u32 $0x18860, s20;
	[tilespmem:s16+$0x0] =	vst.add.f32.msk $0xffff, v13  }
0x536: {  	s17 =	sor.u32 $0x18D30, s20;
	[tilespmem:s15+$0x0] =	vst.add.f32.msk $0xffff, v9  }
0x537: {  	s16 =	sor.u32 $0x18870, s20;
	[tilespmem:s17+$0x0] =	vst.add.f32.msk $0xffff, v14  }
0x538: {  	s18 =	sor.u32 $0x18D40, s20;
	[tilespmem:s16+$0x0] =	vst.add.f32.msk $0xffff, v10  }
0x539: {  	s17 =	sor.u32 $0x18C00, s20;
	[tilespmem:s18+$0x0] =	vst.add.f32.msk $0xffff, v15  }
0x53a: {  	s19 =	sor.u32 $0x18D50, s20;
	[tilespmem:s17+$0x0] =	vst.add.f32.msk $0xffff, v11  }
0x53b: {  	s10 =	sor.u32 $0x18C10, s20;
	[tilespmem:s19+$0x0] =	vst.add.f32.msk $0xffff, v16  }
0x53c: {  	s21 =	sor.u32 $0x18D60, s20;
	s5 =	simm.s32 $0x1;
	[tilespmem:s10+$0x0] =	vst.add.f32.msk $0xffff, v12  }
0x53d: {  	s5 =	simm.s32 @!p0 $0x0;
	s11 =	sor.u32 $0x18C20, s20;
	[tilespmem:s21+$0x0] =	vst.add.f32.msk $0xffff, v17  }
0x53e: {  	s5 =	sshll.u32 s5, $0x9;
	s10 =	sor.u32 $0x18990, s20;
	[tilespmem:s11+$0x0] =	vst.add.f32.msk $0xffff, v13  }
0x53f: {  	s22 =	sor.u32 $0x18D70, s20;
	s8 =	sadd.s32 s5, s1;
	[tilespmem:s10+$0x0] =	vst.add.f32.msk $0xffff, v4  }
0x540: {  	s12 =	sadd.s32 $0x100, s8;
	s13 =	sor.u32 $0x189A0, s20;
	[tilespmem:s22+$0x0] =	vst.add.f32.msk $0xffff, v18  }
0x541: {  	s24 =	sor.u32 $0x800, s12;
	[tilespmem:s13+$0x0] =	vst.add.f32.msk $0xffff, v5  }
0x542: {  	s22 =	sor.u32 $0x18C30, s20;
	[tilespmem:s24+$0x18800] =	vst.add.f32.msk $0xffff, v19  }
0x543: {  	s15 =	sor.u32 $0x189B0, s20;
	[tilespmem:s22+$0x0] =	vst.add.f32.msk $0xffff, v14  }
0x544: {  	s26 =	sor.u32 $0x810, s12;
	[tilespmem:s15+$0x0] =	vst.add.f32.msk $0xffff, v6  }
0x545: {  	s24 =	sor.u32 $0x188E0, s20;
	[tilespmem:s26+$0x18800] =	vst.add.f32.msk $0xffff, v20  }
0x546: {  	s16 =	sor.u32 $0x189C0, s20;
	[tilespmem:s24+$0x0] =	vst.add.f32.msk $0xffff, v9  }
0x547: {  	s9 =	sor.u32 $0x18C40, s20;
	[tilespmem:s16+$0x0] =	vst.add.f32.msk $0xffff, v7  }
0x548: {  	s7 =	sor.u32 $0x820, s12;
	[tilespmem:s9+$0x0] =	vst.add.f32.msk $0xffff, v15  }
0x549: {  	s17 =	sor.u32 $0x189D0, s20;
	[tilespmem:s7+$0x18800] =	vst.add.f32.msk $0xffff, v21  }
0x54a: {  	s5 =	sor.u32 $0x18C50, s20;
	s0 =	sor.u32 $0x18CF0, s20;
	[tilespmem:s17+$0x0] =	vst.add.f32.msk $0xffff, v8  }
0x54b: {  	[dreg:$0x7] =	wrdreg s0;
	s29 =	sadd.s32 $0x80, s8;
	s16 =	sor.u32 $0x188F0, s20;
	[tilespmem:s5+$0x0] =	vst.add.f32.msk $0xffff, v16  }
0x54c: {  	s0 =	sor.u32 $0x189F0, s20;
	s23 =	sor.u32 $0x800, s29;
	s18 =	sor.u32 $0x830, s12;
	[tilespmem:s16+$0x0] =	vst.add.f32.msk $0xffff, v10  }
0x54d: {  	s30 =	sor.u32 $0x18C60, s20;
	s6 =	sor.u32 $0x830, s29;
	[dreg:$0xb] =	wrdreg s23;
	[tilespmem:s18+$0x18800] =	vst.add.f32.msk $0xffff, v22  }
0x54e: {  	s25 =	sor.u32 $0x810, s29;
	[dreg:$0x17] =	wrdreg s6;
	s6 =	sor.u32 $0x189E0, s20;
	[tilespmem:s30+$0x0] =	vst.add.f32.msk $0xffff, v17  }
0x54f: {  	s28 =	sor.u32 $0x820, s29;
	[dreg:$0xf] =	wrdreg s25;
	s21 =	sor.u32 $0x840, s12;
	[tilespmem:s6+$0x0] =	vst.add.f32.msk $0xffff, v9  }
0x550: {  	s3 =	sor.u32 $0xC30, s29;
	s2 =	sor.u32 $0xC60, s29;
	[dreg:$0x13] =	wrdreg s28;
	[tilespmem:s21+$0x18800] =	vst.add.f32.msk $0xffff, v23  }
0x551: {  	s23 =	sor.u32 $0x870, s29;
	s25 =	sor.u32 $0xC00, s29;
	s26 =	sor.u32 $0x18C70, s20;
	[tilespmem:s0+$0x0] =	vst.add.f32.msk $0xffff, v10  }
0x552: {  	s28 =	sor.u32 $0x850, s12;
	s31 =	sor.u32 $0x860, s12;
	s10 =	sor.u32 $0xC10, s29;
	[tilespmem:s26+$0x0] =	vst.add.f32.msk $0xffff, v18  }
0x553: {  	s13 =	sor.u32 $0x18D80, s20;
	s22 =	sor.u32 $0x860, s29;
	s24 =	sor.u32 $0xC20, s29;
	[tilespmem:s28+$0x18800] =	vst.add.f32.msk $0xffff, v24  }
0x554: {  	s7 =	sor.u32 $0xC40, s29;
	s17 =	sor.u32 $0xC70, s29;
	s18 =	sor.u32 $0x840, s29;
	[tilespmem:s13+$0x0] =	vst.add.f32.msk $0xffff, v11  }
0x555: {  	s21 =	sor.u32 $0x850, s29;
	s28 =	sor.u32 $0xC50, s29;
	s29 =	sor.u32 $0x800, s8;
	[tilespmem:s31+$0x18800] =	vst.add.f32.msk $0xffff, v25  }
0x556: {  	s15 =	sor.u32 $0x870, s12;
	[tilespmem:s29+$0x18800] =	vst.add.f32.msk $0xffff, v19  }
0x557: {  	s31 =	sor.u32 $0x18C80, s20;
	[tilespmem:s15+$0x18800] =	vst.add.f32.msk $0xffff, v26  }
0x558: {  	s5 =	sor.u32 $0x810, s8;
	[tilespmem:s31+$0x0] =	vst.add.f32.msk $0xffff, v11  }
0x559: {  	s9 =	sor.u32 $0xC00, s12;
	[tilespmem:s5+$0x18800] =	vst.add.f32.msk $0xffff, v20  }
0x55a: {  	s31 =	sor.u32 $0x820, s8;
	[tilespmem:s9+$0x18800] =	vst.add.f32.msk $0xffff, v27  }
0x55b: {  	s16 =	sor.u32 $0xC10, s12;
	[tilespmem:s31+$0x18800] =	vst.add.f32.msk $0xffff, v21  }
0x55c: {  	s6 =	sor.u32 $0x830, s8;
	[tilespmem:s16+$0x18800] =	vst.add.f32.msk $0xffff, v28  }
0x55d: {  	s16 =	sor.u32 $0xC20, s12;
	[tilespmem:s6+$0x18800] =	vst.add.f32.msk $0xffff, v22  }
0x55e: {  	s9 =	sor.u32 $0x840, s8;
	[tilespmem:s16+$0x18800] =	vst.add.f32.msk $0xffff, v29  }
0x55f: {  	s16 =	sor.u32 $0xC30, s12;
	[tilespmem:s9+$0x18800] =	vst.add.f32.msk $0xffff, v23  }
0x560: {  	[tilespmem:s16+$0x18800] =	vst.add.f32.msk $0xffff, v30;
	s16 =	sor.u32 $0x18D90, s20  }
0x561: {  	s13 =	sor.u32 $0x18DA0, s20;
	[tilespmem:s16+$0x0] =	vst.add.f32.msk $0xffff, v12  }
0x562: {  	s16 =	sor.u32 $0x18DB0, s20;
	[tilespmem:s13+$0x0] =	vst.add.f32.msk $0xffff, v13  }
0x563: {  	[tilespmem:s16+$0x0] =	vst.add.f32.msk $0xffff, v14;
	s16 =	sor.u32 $0x18DC0, s20  }
0x564: {  	[tilespmem:s16+$0x0] =	vst.add.f32.msk $0xffff, v15;
	s16 =	sor.u32 $0x18DD0, s20  }
0x565: {  	[tilespmem:s16+$0x0] =	vst.add.f32.msk $0xffff, v16;
	s16 =	sor.u32 $0x18DE0, s20  }
0x566: {  	s19 =	sadd.s32 $0x180, s8;
	[tilespmem:s16+$0x0] =	vst.add.f32.msk $0xffff, v17;
	s16 =	sor.u32 $0x18DF0, s20  }
0x567: {  	s30 =	sor.u32 $0x800, s19;
	[tilespmem:s16+$0x0] =	vst.add.f32.msk $0xffff, v18  }
0x568: {  	s11 =	sor.u32 $0x810, s19;
	[tilespmem:s30+$0x18800] =	vst.add.f32.msk $0xffff, v19  }
0x569: {  	s15 =	sor.u32 $0x820, s19;
	[tilespmem:s11+$0x18800] =	vst.add.f32.msk $0xffff, v20  }
0x56a: {  	s13 =	sor.u32 $0x830, s19;
	[tilespmem:s15+$0x18800] =	vst.add.f32.msk $0xffff, v21  }
0x56b: {  	s11 =	sor.u32 $0x840, s19;
	[tilespmem:s13+$0x18800] =	vst.add.f32.msk $0xffff, v22  }
0x56c: {  	s13 =	sor.u32 $0x850, s19;
	[tilespmem:s11+$0x18800] =	vst.add.f32.msk $0xffff, v23  }
0x56d: {  	s15 =	sor.u32 $0x860, s19;
	[tilespmem:s13+$0x18800] =	vst.add.f32.msk $0xffff, v24  }
0x56e: {  	s16 =	sor.u32 $0x870, s19;
	[tilespmem:s15+$0x18800] =	vst.add.f32.msk $0xffff, v25  }
0x56f: {  	s30 =	sor.u32 $0xC00, s19;
	[tilespmem:s16+$0x18800] =	vst.add.f32.msk $0xffff, v26  }
0x570: {  	s11 =	sor.u32 $0xC10, s19;
	[tilespmem:s30+$0x18800] =	vst.add.f32.msk $0xffff, v27  }
0x571: {  	s13 =	sor.u32 $0xC20, s19;
	[tilespmem:s11+$0x18800] =	vst.add.f32.msk $0xffff, v28  }
0x572: {  	s15 =	sor.u32 $0xC30, s19;
	[tilespmem:s13+$0x18800] =	vst.add.f32.msk $0xffff, v29  }
0x573: {  	s13 =	sor.u32 $0xC40, s12;
	[tilespmem:s15+$0x18800] =	vst.add.f32.msk $0xffff, v30  }
0x574: {  	s16 =	sor.u32 $0xC40, s19;
	[tilespmem:s13+$0x18800] =	vst.add.f32.msk $0xffff, v31  }
0x575: {  	s15 =	sor.u32 $0xC50, s12;
	[tilespmem:s16+$0x18800] =	vst.add.f32.msk $0xffff, v31  }
0x576: {  	s30 =	sor.u32 $0xC50, s19;
	[tilespmem:s15+$0x18800] =	vst.add.f32.msk $0xffff, v32  }
0x577: {  	s16 =	sor.u32 $0xC60, s12;
	[tilespmem:s30+$0x18800] =	vst.add.f32.msk $0xffff, v32  }
0x578: {  	s11 =	sor.u32 $0xC60, s19;
	[tilespmem:s16+$0x18800] =	vst.add.f32.msk $0xffff, v34  }
0x579: {  	s30 =	sor.u32 $0x18C90, s20;
	[tilespmem:s11+$0x18800] =	vst.add.f32.msk $0xffff, v34  }
0x57a: {  	s13 =	sor.u32 $0xC70, s12;
	[tilespmem:s30+$0x0] =	vst.add.f32.msk $0xffff, v12  }
0x57b: {  	s15 =	sor.u32 $0x18CA0, s20;
	[tilespmem:s13+$0x18800] =	vst.add.f32.msk $0xffff, v33  }
0x57c: {  	s16 =	sor.u32 $0x18CB0, s20;
	[tilespmem:s15+$0x0] =	vst.add.f32.msk $0xffff, v13  }
0x57d: {  	s26 =	sor.u32 $0x18CC0, s20;
	[tilespmem:s16+$0x0] =	vst.add.f32.msk $0xffff, v14  }
0x57e: {  	s30 =	sor.u32 $0x18CD0, s20;
	[tilespmem:s26+$0x0] =	vst.add.f32.msk $0xffff, v15  }
0x57f: {  	s11 =	sor.u32 $0x18CE0, s20;
	[tilespmem:s30+$0x0] =	vst.add.f32.msk $0xffff, v16  }
0x580: {  	s12 =	rddreg [dreg:$0x7];
	[tilespmem:s11+$0x0] =	vst.add.f32.msk $0xffff, v17  }
0x581: {  	s13 =	rddreg [dreg:$0xb];
	[tilespmem:s12+$0x0] =	vst.add.f32.msk $0xffff, v18  }
0x582: {  	s15 =	rddreg [dreg:$0xf];
	[tilespmem:s13+$0x18800] =	vst.add.f32.msk $0xffff, v19  }
0x583: {  	s16 =	rddreg [dreg:$0x13];
	[tilespmem:s15+$0x18800] =	vst.add.f32.msk $0xffff, v20  }
0x584: {  	s20 =	rddreg [dreg:$0x17];
	[tilespmem:s16+$0x18800] =	vst.add.f32.msk $0xffff, v21  }
0x585: {  	[tilespmem:s20+$0x18800] =	vst.add.f32.msk $0xffff, v22  }
0x586: {  	[tilespmem:s18+$0x18800] =	vst.add.f32.msk $0xffff, v23  }
0x587: {  	[tilespmem:s21+$0x18800] =	vst.add.f32.msk $0xffff, v24  }
0x588: {  	s21 =	sor.u32 $0x850, s8;
	[tilespmem:s22+$0x18800] =	vst.add.f32.msk $0xffff, v25  }
0x589: {  	[tilespmem:s21+$0x18800] =	vst.add.f32.msk $0xffff, v24  }
0x58a: {  	s22 =	sor.u32 $0x860, s8;
	[tilespmem:s23+$0x18800] =	vst.add.f32.msk $0xffff, v26  }
0x58b: {  	[tilespmem:s22+$0x18800] =	vst.add.f32.msk $0xffff, v25  }
0x58c: {  	s23 =	sor.u32 $0x870, s8;
	[tilespmem:s25+$0x18800] =	vst.add.f32.msk $0xffff, v27  }
0x58d: {  	[tilespmem:s23+$0x18800] =	vst.add.f32.msk $0xffff, v26  }
0x58e: {  	[tilespmem:s10+$0x18800] =	vst.add.f32.msk $0xffff, v28  }
0x58f: {  	[tilespmem:s24+$0x18800] =	vst.add.f32.msk $0xffff, v29  }
0x590: {  	s24 =	sor.u32 $0xC00, s8;
	[tilespmem:s3+$0x18800] =	vst.add.f32.msk $0xffff, v30  }
0x591: {  	[tilespmem:s24+$0x18800] =	vst.add.f32.msk $0xffff, v27  }
0x592: {  	s25 =	sor.u32 $0xC10, s8;
	[tilespmem:s7+$0x18800] =	vst.add.f32.msk $0xffff, v31  }
0x593: {  	[tilespmem:s25+$0x18800] =	vst.add.f32.msk $0xffff, v28  }
0x594: {  	s14 =	sadd.s32 $0x4, s14;
	s26 =	sor.u32 $0xC20, s8;
	[tilespmem:s28+$0x18800] =	vst.add.f32.msk $0xffff, v32  }
0x595: {  	p1 =	slt.u32 s14, $0x1C;
	[tilespmem:s26+$0x18800] =	vst.add.f32.msk $0xffff, v29  }
.Ltmp10:
0x596: {  	s28 =	sor.u32 $0xC30, s8;
	[tilespmem:s2+$0x18800] =	vst.add.f32.msk $0xffff, v34;
	(pc) =	sbr.rel @p1 .LBB2_14-.Ltmp10, $4  }
0x597: {  	s29 =	sor.u32 $0xC40, s8;
	[tilespmem:s28+$0x18800] =	vst.add.f32.msk $0xffff, v30  }
0x598: {  	s30 =	sor.u32 $0xC50, s8;
	[tilespmem:s29+$0x18800] =	vst.add.f32.msk $0xffff, v31  }
0x599: {  	s4 =	sadd.s32 $0x200, s4;
	p0 =	por !p0, !p0;
	s31 =	sor.u32 $0xC60, s8;
	[tilespmem:s30+$0x18800] =	vst.add.f32.msk $0xffff, v32  }
0x59a: {  	s1 =	sadd.s32 $0x800, s1;
	s3 =	sor.u32 $0xC70, s8;
	s2 =	sor.u32 $0xC70, s19;
	[tilespmem:s31+$0x18800] =	vst.add.f32.msk $0xffff, v34  }
0x59b: {  	[tilespmem:s3+$0x18800] =	vst.add.f32.msk $0xffff, v33  }
0x59c: {  	[tilespmem:s2+$0x18800] =	vst.add.f32.msk $0xffff, v33  }
0x59d: {  	s0 =	sld [smem:$0x7F9]  }
.Ltmp11:
0x59e: {  	_ = 	snop;
	(pc) =	sbr.rel .LBB2_16-.Ltmp11, $4  }
0x59f: {  	[tilespmem:s17+$0x18800] =	vst.add.f32.msk $0xffff, v33  }
0x5a0: {  	s30 =	simm.s32 $0x0;
	s1 =	rddreg [dreg:$0x1b];
	s0 =	sshll.u32 s0, $0x10  }
0x5a1: {  	s31 =	simm.s32 $0x18800;
	s5 =	rddreg [dreg:$0x1e];
	s0 =	sadd.s32 s0, s1  }
0x5a2: {  	[hbm4b:s0+s30] =	stream.linear.scatter [tilespmem:s31], [sflag:$0x8], $0x4000, $0x38;
	[tilespmem:$0x1C800] =	vst v63  }
.LBB2_18:
0x5a3: {  	_ =	sfence.sel $0x180000  }
0x5a4: {  	[bflag:$0x0] =	sbarrier.arrive $0xFFFF  }
0x5a5: {  	_ =	strace $0x90000047  }
0x5a6: {  	s0 =	stileid.u32;
	[bflag:$0x2] =	sbarrier.arrive $0xFFFF  }
0x5a7: {  	p0 =	sne.s32 s0, $0x0;
	s0 =	rddreg [dreg:$0x3]  }
0x5a8: {  	s0 =	sadd.s32 @!p0 $0x100000, s0  }
0x5a9: {  	[sflag:s0] =	ssyncadd.tile.s32 @!p0 $0x1;
	_ =	shalt  }
.Lfunc_end2:
_tile_overlayer_lowered:
.L_overlay_start_2:
0x5aa: {  	(tag) =	ssettag $0x2  }
0x5ab: {  	s0 =	rddreg [dreg:$0x0];
	s2 =	stileid.u32  }
0x5ac: {  	s1 =	rddreg [dreg:$0x1];
	p0 =	sne.s32 s2, $0x0  }
0x5ad: {  	s3 =	rddreg [dreg:$0x2];
	[bflag:$0x3] =	sbarrier.arrive $0xFFFF;
	s2 =	simm.s32 @!p0 $0x1C09  }
0x5ae: {  	[timem:s3], [sflag:s2] =	dma.local @!p0 [hbm:s0], s1  }
0x5af: {  	s0 =	simm.s32 @!p0 $0x9  }
0x5b0: {  	_ =	swait.ge @!p0 [sflag:s0], s1  }
0x5b1: {  	s1 =	ssub.s32 @!p0 $0x0, s1;
	[sflag:s0] =	ssyncset.done @!p0 $0x0  }
0x5b2: {  	[sflag:s0] =	ssyncadd.s32 @!p0 s1  }
0x5b3: {  	[bflag:$0x3] =	sbarrier.arrive $0xFFFF  }
0x5b4: {  	_ =	shalt  }

</sc_bundles>
